<compile_context>
chip_gen: v7x
topology: tpu7x:2x2x1
jax: 0.10.2.dev20260603
libtpu: 0.0.44.dev20260713+nightly
codegen_flags: <defaults>
</compile_context>

<pallas_src>
import dataclasses

import jax
import jax.numpy as jnp
from jax import lax
from jax.experimental import pallas as pl
from jax.experimental.pallas import tpu as pltpu
from jax.experimental.pallas import tpu_sc as plsc

_N = 10000
_E = 320000
_D = 128
_NC = 2
_NS = 16
_NW = _NC * _NS
_CH = 208
_EP = 320320
_NB = _EP // _CH
_NPAD = 10240
_ZR = _NPAD // _NS
_TRASH = _NPAD - 2


def _sc_compiler_params():
    cp = pltpu.CompilerParams()
    if "needs_layout_passes" in pltpu.CompilerParams.__dataclass_fields__:
        cp = dataclasses.replace(cp, needs_layout_passes=False)
    return cp


def _sc_edge_pass(eil, asrc, adst, mvec, h, zrows, zden):
    mesh = plsc.VectorSubcoreMesh(core_axis_name="c", subcore_axis_name="s")

    @pl.kernel(
        out_type=[
            jax.ShapeDtypeStruct((_NC, _N, _D), jnp.float32),
            jax.ShapeDtypeStruct((_NC, _NPAD), jnp.float32),
        ],
        mesh=mesh,
        scratch_types=[
            pltpu.VMEM((_N,), jnp.float32),
            pltpu.VMEM((_N,), jnp.float32),
            pltpu.VMEM((16,), jnp.float32),
            pltpu.VMEM((2 * _CH,), jnp.int32),
            pltpu.VMEM((_CH,), jnp.int32),
            pltpu.VMEM((_CH,), jnp.float32),
            pltpu.VMEM((_CH, _D), jnp.float32),
            pltpu.VMEM_SHARED((_NPAD, _D), jnp.float32),
            pltpu.VMEM_SHARED((_NPAD,), jnp.float32),
            pltpu.SemaphoreType.DMA,
            pltpu.SemaphoreType.DMA,
        ],
        compiler_params=_sc_compiler_params(),
    )
    def edge_kernel(src_r, asrc_r, adst_r, m_r, h_r, zr_r, zd_r,
                    accp_r, denp_r,
                    asrc_t, adst_t, m_t, srcb, dstb, pb, rows_t,
                    acc_sp, den_sp, gsem, dsem):
        c = lax.axis_index("c")
        s = lax.axis_index("s")
        w = c * _NS + s

        pltpu.sync_copy(asrc_r, asrc_t)
        pltpu.sync_copy(adst_r, adst_t)
        pltpu.sync_copy(m_r, m_t)

        pltpu.sync_copy(zr_r, acc_sp.at[pl.ds(s * _ZR, _ZR)])
        pltpu.sync_copy(zd_r, den_sp.at[pl.ds(s * _ZR, _ZR)])
        plsc.subcore_barrier()

        mv = m_t[...]

        @pl.loop(w, _NB, step=_NW)
        def _chunk(blk):
            pltpu.sync_copy(src_r.at[pl.ds(blk * 2 * _CH, 2 * _CH)], srcb)

            @pl.loop(0, _CH, step=16)
            def _dmove(j):
                dstb[pl.ds(j, 16)] = srcb[pl.ds(_CH + j, 16)]

            gcp = pltpu.async_copy(h_r.at[srcb.at[pl.ds(0, _CH)]], rows_t,
                                   gsem)

            @pl.loop(0, _CH, step=16)
            def _group(j):
                si = srcb[pl.ds(j, 16)]
                di = dstb[pl.ds(j, 16)]
                a = plsc.load_gather(asrc_t, [si])
                b = plsc.load_gather(adst_t, [di])
                e = a + b
                e = jnp.where(e >= 0.0, e, e * 0.2)
                pb[pl.ds(j, 16)] = jnp.exp(e - mv)

            dcp = pltpu.async_copy(pb, den_sp.at[dstb], dsem, add=True)

            gcp.wait()

            @pl.loop(0, _CH, step=8)
            def _scale(r):
                for u in range(8):
                    pv = plsc.load_gather(pb, [jnp.broadcast_to(r + u, (16,))])
                    for k in range(0, _D, 16):
                        rows_t[r + u, pl.ds(k, 16)] = \
                            rows_t[r + u, pl.ds(k, 16)] * pv

            pltpu.sync_copy(rows_t, acc_sp.at[dstb], add=True)
            dcp.wait()

        plsc.subcore_barrier()

        @pl.when(s == 0)
        def _writeback():
            pltpu.sync_copy(acc_sp.at[pl.ds(0, _N)], accp_r.at[c])
            pltpu.sync_copy(den_sp, denp_r.at[c])

    return edge_kernel(eil, asrc, adst, mvec, h, zrows, zden)


def _attn_tail(h, a_s, a_d, as_o, ad_o, m_o):
    asr = jnp.sum(h * a_s[None, :], axis=1)
    adr = jnp.sum(h * a_d[None, :], axis=1)
    as_o[...] = asr
    ad_o[...] = adr
    m = jnp.max(asr) + jnp.max(adr)
    m = jnp.where(m >= 0.0, m, m * 0.2)
    m_o[...] = jnp.broadcast_to(m, (16,))


_TC_OUT_TYPES = [
    jax.ShapeDtypeStruct((_N, _D), jnp.float32),
    jax.ShapeDtypeStruct((_N,), jnp.float32),
    jax.ShapeDtypeStruct((_N,), jnp.float32),
    jax.ShapeDtypeStruct((16,), jnp.float32),
]


def _tc_in(x, W1, a_s, a_d):
    def body(x_r, w_r, as_r, ad_r, h_o, as_o, ad_o, m_o):
        h = lax.dot_general(x_r[...], w_r[...], (((1,), (1,)), ((), ())),
                            preferred_element_type=jnp.float32)
        h_o[...] = h
        _attn_tail(h, as_r[...], ad_r[...], as_o, ad_o, m_o)

    return pl.pallas_call(body, out_shape=_TC_OUT_TYPES)(x, W1, a_s, a_d)


def _norm_relu(acc_r, den_r, b):
    den = den_r[0, : _N] + den_r[1, : _N] + 1e-16
    hs = acc_r[0] + acc_r[1]
    h = hs / den[:, None] + b[None, :]
    return jnp.maximum(h, 0.0)


def _tc_mid(accp, denp, b, W, a_s, a_d):
    def body(acc_r, den_r, b_r, w_r, as_r, ad_r, h_o, as_o, ad_o, m_o):
        h1 = _norm_relu(acc_r, den_r, b_r[...])
        h = lax.dot_general(h1, w_r[...], (((1,), (1,)), ((), ())),
                            preferred_element_type=jnp.float32)
        h_o[...] = h
        _attn_tail(h, as_r[...], ad_r[...], as_o, ad_o, m_o)

    return pl.pallas_call(body, out_shape=_TC_OUT_TYPES)(
        accp, denp, b, W, a_s, a_d)


def _tc_out(accp, denp, b, fsW, fsb):
    def body(acc_r, den_r, b_r, w_r, wb_r, o_r):
        h = _norm_relu(acc_r, den_r, b_r[...])
        o_r[...] = lax.dot_general(h, w_r[...], (((1,), (1,)), ((), ())),
                                   preferred_element_type=jnp.float32) \
            + wb_r[...][None, :]

    return pl.pallas_call(
        body,
        out_shape=[jax.ShapeDtypeStruct((_N, 16), jnp.float32)],
    )(accp, denp, b, fsW, fsb)[0]


def kernel(x, edge_index, W1, att_src1, att_dst1, b1,
           W2, att_src2, att_dst2, b2, fW, fb, sW, sb):
    src = jnp.concatenate([edge_index[0].astype(jnp.int32),
                           jnp.zeros((_EP - _E,), jnp.int32)])
    dst = jnp.concatenate([edge_index[1].astype(jnp.int32),
                           jnp.full((_EP - _E,), _TRASH, jnp.int32)])
    eil = jnp.stack([src.reshape(_NB, _CH), dst.reshape(_NB, _CH)],
                    axis=1).reshape(-1)
    zrows = jnp.zeros((_ZR, _D), jnp.float32)
    zden = jnp.zeros((_ZR,), jnp.float32)

    h1, as1, ad1, m1 = _tc_in(x, W1, att_src1, att_dst1)
    acc1, den1 = _sc_edge_pass(eil, as1, ad1, m1, h1, zrows, zden)
    h2, as2, ad2, m2 = _tc_mid(acc1, den1, b1, W2, att_src2, att_dst2)
    acc2, den2 = _sc_edge_pass(eil, as2, ad2, m2, h2, zrows, zden)

    fsW = jnp.concatenate([fW, sW, jnp.zeros((6, _D), jnp.float32)], axis=0)
    fsb = jnp.concatenate([fb, sb, jnp.zeros((6,), jnp.float32)], axis=0)
    out = _tc_out(acc2, den2, b2, fsW, fsb)
    return out[:, :3], out[:, 3:10]

# --- scband reference (transcript-rebuilt; emitter-appended) ---
"""Pipeline reference for scband-enhanced-therapeutic-gnn-65189013618817 (READ-ONLY COPY).

The authoritative reference and input builder live on the scoring server;
editing this copy changes nothing except your own understanding.
"""

import jax, jax.numpy as jnp
import numpy as np

N = 10000
E = 320000
D_IN = 128
D_HID = 128
N_FACTORS = 3
N_SKILLS = 7


def setup_inputs(seed: int = 0) -> dict:
    key = jax.random.key(seed)
    ks = jax.random.split(key, 16)
    x = jax.random.normal(ks[0], (N, D_IN), dtype=jnp.float32)
    edge_index = jax.random.randint(ks[1], (2, E), 0, N)
    # GATConv layer 1 params (heads=1)
    W1 = jax.random.normal(ks[2], (D_HID, D_IN), dtype=jnp.float32) * 0.05
    att_src1 = jax.random.normal(ks[3], (D_HID,), dtype=jnp.float32) * 0.05
    att_dst1 = jax.random.normal(ks[4], (D_HID,), dtype=jnp.float32) * 0.05
    b1 = jnp.zeros((D_HID,), dtype=jnp.float32)
    # GATConv layer 2 params
    W2 = jax.random.normal(ks[5], (D_HID, D_HID), dtype=jnp.float32) * 0.05
    att_src2 = jax.random.normal(ks[6], (D_HID,), dtype=jnp.float32) * 0.05
    att_dst2 = jax.random.normal(ks[7], (D_HID,), dtype=jnp.float32) * 0.05
    b2 = jnp.zeros((D_HID,), dtype=jnp.float32)
    # classifier heads
    fW = jax.random.normal(ks[8], (N_FACTORS, D_HID), dtype=jnp.float32) * 0.05
    fb = jnp.zeros((N_FACTORS,), dtype=jnp.float32)
    sW = jax.random.normal(ks[9], (N_SKILLS, D_HID), dtype=jnp.float32) * 0.05
    sb = jnp.zeros((N_SKILLS,), dtype=jnp.float32)
    return {"x": x, "edge_index": edge_index, "W1": W1, "att_src1": att_src1,
            "att_dst1": att_dst1, "b1": b1, "W2": W2, "att_src2": att_src2,
            "att_dst2": att_dst2, "b2": b2, "fW": fW, "fb": fb, "sW": sW, "sb": sb}


def _gat_layer(x, edge_index, W, a_src, a_dst, b):
    # PyG GATConv (heads=1): h = x @ W^T; alpha = softmax_dst(leaky_relu(a_src.h_j + a_dst.h_i))
    h = x @ W.T  # [N, D]
    src = edge_index[0]
    dst = edge_index[1]
    alpha_src = h @ a_src  # [N]
    alpha_dst = h @ a_dst  # [N]
    e = jax.nn.leaky_relu(alpha_src[src] + alpha_dst[dst], negative_slope=0.2)  # [E]
    # segment softmax over destination nodes
    e_max = jax.ops.segment_max(e, dst, num_segments=N)
    e_max = jnp.where(jnp.isfinite(e_max), e_max, 0.0)
    p = jnp.exp(e - e_max[dst])
    denom = jax.ops.segment_sum(p, dst, num_segments=N)
    alpha = p / (denom[dst] + 1e-16)
    out = jax.ops.segment_sum(h[src] * alpha[:, None], dst, num_segments=N)
    return out + b


def reference(x, edge_index, W1, att_src1, att_dst1, b1, W2, att_src2, att_dst2, b2, fW, fb, sW, sb):
    h = _gat_layer(x, edge_index, W1, att_src1, att_dst1, b1)
    h = jax.nn.relu(h)
    # dropout is identity in eval mode
    h = _gat_layer(h, edge_index, W2, att_src2, att_dst2, b2)
    h = jax.nn.relu(h)
    factors_output = h @ fW.T + fb
    skills_output = h @ sW.T + sb
    return (factors_output, skills_output)

if __name__ == "__main__":
    import jax
    _d = setup_inputs()
    print(jax.jit(kernel)(*tuple(_d.values())))

</pallas_src>

<mosaic_0001>
#map = affine_map<(d0, d1) -> (0)>
#map1 = affine_map<(d0, d1) -> (0, 0)>
#map2 = affine_map<(d0, d1) -> (0, 0, 0)>
module attributes {stable_mosaic.version = 14 : i64} {
  func.func @edge_kernel(%arg0: i32, %arg1: i32, %arg2: memref<640640xi32, #tpu.memory_space<hbm>>, %arg3: memref<10000xf32, #tpu.memory_space<hbm>>, %arg4: memref<10000xf32, #tpu.memory_space<hbm>>, %arg5: memref<16xf32, #tpu.memory_space<hbm>>, %arg6: memref<10000x128xf32, #tpu.memory_space<hbm>>, %arg7: memref<640x128xf32, #tpu.memory_space<hbm>>, %arg8: memref<640xf32, #tpu.memory_space<hbm>>, %arg9: memref<2x10000x128xf32, #tpu.memory_space<hbm>>, %arg10: memref<2x10240xf32, #tpu.memory_space<hbm>>, %arg11: memref<10000xf32, #tpu.memory_space<vmem>>, %arg12: memref<10000xf32, #tpu.memory_space<vmem>>, %arg13: memref<16xf32, #tpu.memory_space<vmem>>, %arg14: memref<416xi32, #tpu.memory_space<vmem>>, %arg15: memref<208xi32, #tpu.memory_space<vmem>>, %arg16: memref<208xf32, #tpu.memory_space<vmem>>, %arg17: memref<208x128xf32, #tpu.memory_space<vmem>>, %arg18: memref<10240x128xf32, #tpu.memory_space<vmem_shared>>, %arg19: memref<10240xf32, #tpu.memory_space<vmem_shared>>, %arg20: memref<!tpu.dma_semaphore, #tpu.memory_space<semaphore_mem>>, %arg21: memref<!tpu.dma_semaphore, #tpu.memory_space<semaphore_mem>>) attributes {dimension_semantics = [#tpu.dimension_semantics<core_parallel>, #tpu.dimension_semantics<subcore_parallel>], iteration_bounds = array<i64: 2, 16>, scalar_prefetch = 0 : i64, scratch_operands = 11 : i64, tpu.core_type = #tpu.core_type<sc_vector_subcore>, window_params = [{transform_indices = #map}, {transform_indices = #map}, {transform_indices = #map}, {transform_indices = #map}, {transform_indices = #map1}, {transform_indices = #map1}, {transform_indices = #map}, {transform_indices = #map2}, {transform_indices = #map1}]} {
    %mul3A = arith.constant 16 : i32
    %mul3A_0 = arith.muli %arg0, %mul3A : i32
    %add3A = arith.addi %mul3A_0, %arg1 : i32
    "tpu.region"() ({
      %run_scoped3A = tpu.sem_alloc : memref<!tpu.dma_semaphore, #tpu.memory_space<semaphore_mem>>
      tpu.enqueue_dma source(%arg3 : memref<10000xf32, #tpu.memory_space<hbm>>) target(%arg11 : memref<10000xf32, #tpu.memory_space<vmem>>) target_semaphore(%run_scoped3A : memref<!tpu.dma_semaphore, #tpu.memory_space<semaphore_mem>>)
      tpu.wait_dma2 semaphore(%run_scoped3A : memref<!tpu.dma_semaphore, #tpu.memory_space<semaphore_mem>>) src(%arg3 : memref<10000xf32, #tpu.memory_space<hbm>>) dst(%arg11 : memref<10000xf32, #tpu.memory_space<vmem>>)
      tpu.yield
    }) : () -> ()
    "tpu.region"() ({
      %run_scoped3A = tpu.sem_alloc : memref<!tpu.dma_semaphore, #tpu.memory_space<semaphore_mem>>
      tpu.enqueue_dma source(%arg4 : memref<10000xf32, #tpu.memory_space<hbm>>) target(%arg12 : memref<10000xf32, #tpu.memory_space<vmem>>) target_semaphore(%run_scoped3A : memref<!tpu.dma_semaphore, #tpu.memory_space<semaphore_mem>>)
      tpu.wait_dma2 semaphore(%run_scoped3A : memref<!tpu.dma_semaphore, #tpu.memory_space<semaphore_mem>>) src(%arg4 : memref<10000xf32, #tpu.memory_space<hbm>>) dst(%arg12 : memref<10000xf32, #tpu.memory_space<vmem>>)
      tpu.yield
    }) : () -> ()
    "tpu.region"() ({
      %run_scoped3A = tpu.sem_alloc : memref<!tpu.dma_semaphore, #tpu.memory_space<semaphore_mem>>
      tpu.enqueue_dma source(%arg5 : memref<16xf32, #tpu.memory_space<hbm>>) target(%arg13 : memref<16xf32, #tpu.memory_space<vmem>>) target_semaphore(%run_scoped3A : memref<!tpu.dma_semaphore, #tpu.memory_space<semaphore_mem>>)
      tpu.wait_dma2 semaphore(%run_scoped3A : memref<!tpu.dma_semaphore, #tpu.memory_space<semaphore_mem>>) src(%arg5 : memref<16xf32, #tpu.memory_space<hbm>>) dst(%arg13 : memref<16xf32, #tpu.memory_space<vmem>>)
      tpu.yield
    }) : () -> ()
    %mul3A_1 = arith.constant 640 : i32
    %mul3A_2 = arith.muli %arg1, %mul3A_1 : i32
    "tpu.region"() ({
      %run_scoped3A = tpu.sem_alloc : memref<!tpu.dma_semaphore, #tpu.memory_space<semaphore_mem>>
      %dma_start3A = arith.constant 0 : i32
      %dma_start3A_24 = tpu.memref_slice %arg18[%mul3A_2, %dma_start3A] : memref<10240x128xf32, #tpu.memory_space<vmem_shared>> -> memref<640x128xf32, #tpu.memory_space<vmem_shared>>
      tpu.enqueue_dma source(%arg7 : memref<640x128xf32, #tpu.memory_space<hbm>>) target(%dma_start3A_24 : memref<640x128xf32, #tpu.memory_space<vmem_shared>>) target_semaphore(%run_scoped3A : memref<!tpu.dma_semaphore, #tpu.memory_space<semaphore_mem>>)
      %dma_wait3A = arith.constant 0 : i32
      %dma_wait3A_25 = tpu.memref_slice %arg18[%mul3A_2, %dma_wait3A] : memref<10240x128xf32, #tpu.memory_space<vmem_shared>> -> memref<640x128xf32, #tpu.memory_space<vmem_shared>>
      tpu.wait_dma2 semaphore(%run_scoped3A : memref<!tpu.dma_semaphore, #tpu.memory_space<semaphore_mem>>) src(%arg7 : memref<640x128xf32, #tpu.memory_space<hbm>>) dst(%dma_wait3A_25 : memref<640x128xf32, #tpu.memory_space<vmem_shared>>)
      tpu.yield
    }) : () -> ()
    %mul3A_3 = arith.constant 640 : i32
    %mul3A_4 = arith.muli %arg1, %mul3A_3 : i32
    "tpu.region"() ({
      %run_scoped3A = tpu.sem_alloc : memref<!tpu.dma_semaphore, #tpu.memory_space<semaphore_mem>>
      %dma_start3A = tpu.memref_slice %arg19[%mul3A_4] : memref<10240xf32, #tpu.memory_space<vmem_shared>> -> memref<640xf32, #tpu.memory_space<vmem_shared>>
      tpu.enqueue_dma source(%arg8 : memref<640xf32, #tpu.memory_space<hbm>>) target(%dma_start3A : memref<640xf32, #tpu.memory_space<vmem_shared>>) target_semaphore(%run_scoped3A : memref<!tpu.dma_semaphore, #tpu.memory_space<semaphore_mem>>)
      %dma_wait3A = tpu.memref_slice %arg19[%mul3A_4] : memref<10240xf32, #tpu.memory_space<vmem_shared>> -> memref<640xf32, #tpu.memory_space<vmem_shared>>
      tpu.wait_dma2 semaphore(%run_scoped3A : memref<!tpu.dma_semaphore, #tpu.memory_space<semaphore_mem>>) src(%arg8 : memref<640xf32, #tpu.memory_space<hbm>>) dst(%dma_wait3A : memref<640xf32, #tpu.memory_space<vmem_shared>>)
      tpu.yield
    }) : () -> ()
    %barrier3A = arith.constant 0 : index
    tpu.barrier barrier_id(%barrier3A)
    %get3A = arith.constant 0 : index
    %get3A_5 = tpu.vector_load %arg13[%get3A] {strides = array<i32>} : memref<16xf32, #tpu.memory_space<vmem>>, vector<16xf32>,
    %sub3A = arith.constant 1540 : i32
    %sub3A_6 = arith.subi %sub3A, %add3A : i32
    %sub3A_7 = arith.constant 32 : i32
    %sub3A_8 = arith.constant 1 : i32
    %sub3A_9 = arith.subi %sub3A_7, %sub3A_8 : i32
    %add3A_10 = arith.addi %sub3A_6, %sub3A_9 : i32
    %div3A = arith.constant 32 : i32
    %div3A_11 = arith.divsi %add3A_10, %div3A : i32
    %while3A = arith.constant 32 : i32
    %while3A_12 = arith.constant 0 : i32
    %while3A_13 = arith.subi %div3A_11, %while3A_12 : i32
    %while3A_14 = arith.addi %while3A_12, %while3A_13 : i32
    %while3A_15 = arith.constant 1 : i32
    %while3A_16 = arith.divsi %while3A_13, %while3A_15 : i32
    %while3A_17 = arith.muli %while3A_16, %while3A_15 : i32
    %while3A_18 = arith.addi %while3A_12, %while3A_17 : i32
    %while3A_19 = arith.constant 1 : i32
    scf.for %while3A_24 = %while3A_12 to %while3A_18 step %while3A_19  : i32 {
      %mul3A_25 = arith.muli %while3A_24, %while3A : i32
      %add3A_26 = arith.addi %add3A, %mul3A_25 : i32
      %mul3A_27 = arith.constant 2 : i32
      %mul3A_28 = arith.muli %add3A_26, %mul3A_27 : i32
      %mul3A_29 = arith.constant 208 : i32
      %mul3A_30 = arith.muli %mul3A_28, %mul3A_29 : i32
      "tpu.region"() ({
        %run_scoped3A = tpu.sem_alloc : memref<!tpu.dma_semaphore, #tpu.memory_space<semaphore_mem>>
        %dma_start3A_57 = tpu.memref_slice %arg2[%mul3A_30] : memref<640640xi32, #tpu.memory_space<hbm>> -> memref<416xi32, #tpu.memory_space<hbm>>
        %dma_start3A_58 = tpu.memref_slice %arg2[%mul3A_30] : memref<640640xi32, #tpu.memory_space<hbm>> -> memref<416xi32, #tpu.memory_space<hbm>>
        tpu.enqueue_dma source(%dma_start3A_58 : memref<416xi32, #tpu.memory_space<hbm>>) target(%arg14 : memref<416xi32, #tpu.memory_space<vmem>>) target_semaphore(%run_scoped3A : memref<!tpu.dma_semaphore, #tpu.memory_space<semaphore_mem>>)
        %dma_wait3A_59 = tpu.memref_slice %arg2[%mul3A_30] : memref<640640xi32, #tpu.memory_space<hbm>> -> memref<416xi32, #tpu.memory_space<hbm>>
        %dma_wait3A_60 = tpu.memref_slice %arg2[%mul3A_30] : memref<640640xi32, #tpu.memory_space<hbm>> -> memref<416xi32, #tpu.memory_space<hbm>>
        tpu.wait_dma2 semaphore(%run_scoped3A : memref<!tpu.dma_semaphore, #tpu.memory_space<semaphore_mem>>) src(%dma_wait3A_60 : memref<416xi32, #tpu.memory_space<hbm>>) dst(%arg14 : memref<416xi32, #tpu.memory_space<vmem>>)
        tpu.yield
      }) : () -> ()
      %scan3A = arith.constant 0 : i32
      %scan3A_31 = arith.constant 13 : i32
      %scan3A_32 = arith.addi %scan3A, %scan3A_31 : i32
      %scan3A_33 = arith.constant 1 : i32
      scf.for %scan3A_57 = %scan3A to %scan3A_32 step %scan3A_33  : i32 {
        %mul3A_58 = arith.constant 16 : i32
        %mul3A_59 = arith.muli %scan3A_57, %mul3A_58 : i32
        %add3A_60 = arith.constant 0 : i32
        %add3A_61 = arith.addi %add3A_60, %mul3A_59 : i32
        %add3A_62 = arith.constant 208 : i32
        %add3A_63 = arith.addi %add3A_62, %add3A_61 : i32
        %get3A_64 = arith.index_cast %add3A_63 : i32 to index
        %get3A_65 = tpu.vector_load %arg14[%get3A_64] {strides = array<i32>} : memref<416xi32, #tpu.memory_space<vmem>>, vector<16xi32>,
        %swap3A = arith.index_cast %add3A_61 : i32 to index
        %swap3A_66 = tpu.vector_load %arg15[%swap3A] {strides = array<i32>} : memref<208xi32, #tpu.memory_space<vmem>>, vector<16xi32>,
        tpu.vector_store %arg15[%swap3A], %get3A_65 {strides = array<i32>} : memref<208xi32, #tpu.memory_space<vmem>>, vector<16xi32>,
      }
      %scan3A_34 = arith.constant 13 : i32
      %dma_start3A = arith.constant 0 : i32
      %dma_start3A_35 = tpu.memref_slice %arg14[%dma_start3A] : memref<416xi32, #tpu.memory_space<vmem>> -> memref<208xi32, #tpu.memory_space<vmem>>
      %dma_start3A_36 = arith.constant 0 : i32
      %dma_start3A_37 = arith.constant 0 : i32
      %dma_start3A_38 = tpu.memref_slice %arg6[%dma_start3A_36, %dma_start3A_37] : memref<10000x128xf32, #tpu.memory_space<hbm>> -> memref<10000x128xf32, #tpu.memory_space<hbm>>
      tpu.enqueue_indirect_dma source(%dma_start3A_38 : memref<10000x128xf32, #tpu.memory_space<hbm>>) target(%arg17 : memref<208x128xf32, #tpu.memory_space<vmem>>) offsets(%dma_start3A_35 : memref<208xi32, #tpu.memory_space<vmem>>) semaphore(%arg20 : memref<!tpu.dma_semaphore, #tpu.memory_space<semaphore_mem>>)
      %scan3A_39 = arith.constant 0 : i32
      %scan3A_40 = arith.constant 13 : i32
      %scan3A_41 = arith.addi %scan3A_39, %scan3A_40 : i32
      %scan3A_42 = arith.constant 1 : i32
      scf.for %scan3A_57 = %scan3A_39 to %scan3A_41 step %scan3A_42  : i32 {
        %mul3A_58 = arith.constant 16 : i32
        %mul3A_59 = arith.muli %scan3A_57, %mul3A_58 : i32
        %add3A_60 = arith.constant 0 : i32
        %add3A_61 = arith.addi %add3A_60, %mul3A_59 : i32
        %get3A_62 = arith.index_cast %add3A_61 : i32 to index
        %get3A_63 = tpu.vector_load %arg14[%get3A_62] {strides = array<i32>} : memref<416xi32, #tpu.memory_space<vmem>>, vector<16xi32>,
        %get3A_64 = arith.index_cast %add3A_61 : i32 to index
        %get3A_65 = tpu.vector_load %arg15[%get3A_64] {strides = array<i32>} : memref<208xi32, #tpu.memory_space<vmem>>, vector<16xi32>,
        %gather3A = tpu.vector_load_idx %arg11[%get3A_63] : memref<10000xf32, #tpu.memory_space<vmem>>[vector<16xi32>], vector<16xf32>,
        %gather3A_66 = tpu.vector_load_idx %arg12[%get3A_65] : memref<10000xf32, #tpu.memory_space<vmem>>[vector<16xi32>], vector<16xf32>,
        %add3A_67 = arith.addf %gather3A, %gather3A_66 : vector<16xf32>
        %ge3A = arith.constant 0.000000e+00 : f32
        %ge3A_68 = vector.broadcast %ge3A : f32 to vector<16xf32>
        %ge3A_69 = arith.cmpf oge, %add3A_67, %ge3A_68 : vector<16xf32>
        %mul3A_70 = arith.constant 2.000000e-01 : f32
        %mul3A_71 = vector.broadcast %mul3A_70 : f32 to vector<16xf32>
        %mul3A_72 = arith.mulf %add3A_67, %mul3A_71 : vector<16xf32>
        %select_n3A = arith.select %ge3A_69, %add3A_67, %mul3A_72 : vector<16xi1>, vector<16xf32>
        %sub3A_73 = arith.subf %select_n3A, %get3A_5 : vector<16xf32>
        %exp3A = math.exp %sub3A_73 : vector<16xf32>
        %swap3A = arith.index_cast %add3A_61 : i32 to index
        %swap3A_74 = tpu.vector_load %arg16[%swap3A] {strides = array<i32>} : memref<208xf32, #tpu.memory_space<vmem>>, vector<16xf32>,
        tpu.vector_store %arg16[%swap3A], %exp3A {strides = array<i32>} : memref<208xf32, #tpu.memory_space<vmem>>, vector<16xf32>,
      }
      %scan3A_43 = arith.constant 13 : i32
      %dma_start3A_44 = arith.constant 0 : i32
      %dma_start3A_45 = tpu.memref_slice %arg19[%dma_start3A_44] : memref<10240xf32, #tpu.memory_space<vmem_shared>> -> memref<10240xf32, #tpu.memory_space<vmem_shared>>
      tpu.enqueue_indirect_dma source(%arg16 : memref<208xf32, #tpu.memory_space<vmem>>) target(%dma_start3A_45 : memref<10240xf32, #tpu.memory_space<vmem_shared>>) offsets(%arg15 : memref<208xi32, #tpu.memory_space<vmem>>) semaphore(%arg21 : memref<!tpu.dma_semaphore, #tpu.memory_space<semaphore_mem>>) {add = true}
      %dma_wait3A = arith.constant 0 : i32
      %dma_wait3A_46 = tpu.memref_slice %arg14[%dma_wait3A] : memref<416xi32, #tpu.memory_space<vmem>> -> memref<208xi32, #tpu.memory_space<vmem>>
      %dma_wait3A_47 = arith.constant 0 : i32
      %dma_wait3A_48 = arith.constant 0 : i32
      %dma_wait3A_49 = tpu.memref_slice %arg6[%dma_wait3A_47, %dma_wait3A_48] : memref<10000x128xf32, #tpu.memory_space<hbm>> -> memref<10000x128xf32, #tpu.memory_space<hbm>>
      tpu.wait_indirect_dma semaphore(%arg20 : memref<!tpu.dma_semaphore, #tpu.memory_space<semaphore_mem>>) src(%dma_wait3A_49 : memref<10000x128xf32, #tpu.memory_space<hbm>>) dst(%arg17 : memref<208x128xf32, #tpu.memory_space<vmem>>)
      %scan3A_50 = arith.constant 0 : i32
      %scan3A_51 = arith.constant 26 : i32
      %scan3A_52 = arith.addi %scan3A_50, %scan3A_51 : i32
      %scan3A_53 = arith.constant 1 : i32
      scf.for %scan3A_57 = %scan3A_50 to %scan3A_52 step %scan3A_53  : i32 {
        %mul3A_58 = arith.constant 8 : i32
        %mul3A_59 = arith.muli %scan3A_57, %mul3A_58 : i32
        %add3A_60 = arith.constant 0 : i32
        %add3A_61 = arith.addi %add3A_60, %mul3A_59 : i32
        %add3A_62 = arith.constant 0 : i32
        %add3A_63 = arith.addi %add3A_61, %add3A_62 : i32
        %broadcast_in_dim3A = vector.broadcast %add3A_63 : i32 to vector<16xi32>
        %gather3A = tpu.vector_load_idx %arg16[%broadcast_in_dim3A] : memref<208xf32, #tpu.memory_space<vmem>>[vector<16xi32>], vector<16xf32>,
        %add3A_64 = arith.constant 0 : i32
        %add3A_65 = arith.addi %add3A_61, %add3A_64 : i32
        %get3A_66 = arith.index_cast %add3A_65 : i32 to index
        %get3A_67 = arith.constant 0 : index
        %get3A_68 = tpu.vector_load %arg17[%get3A_66, %get3A_67] {strides = array<i32>} : memref<208x128xf32, #tpu.memory_space<vmem>>, vector<16xf32>,
        %mul3A_69 = arith.mulf %get3A_68, %gather3A : vector<16xf32>
        %add3A_70 = arith.constant 0 : i32
        %add3A_71 = arith.addi %add3A_61, %add3A_70 : i32
        %swap3A = arith.index_cast %add3A_71 : i32 to index
        %swap3A_72 = arith.constant 0 : index
        %swap3A_73 = tpu.vector_load %arg17[%swap3A, %swap3A_72] {strides = array<i32>} : memref<208x128xf32, #tpu.memory_space<vmem>>, vector<16xf32>,
        tpu.vector_store %arg17[%swap3A, %swap3A_72], %mul3A_69 {strides = array<i32>} : memref<208x128xf32, #tpu.memory_space<vmem>>, vector<16xf32>,
        %add3A_74 = arith.constant 0 : i32
        %add3A_75 = arith.addi %add3A_61, %add3A_74 : i32
        %get3A_76 = arith.index_cast %add3A_75 : i32 to index
        %get3A_77 = arith.constant 16 : index
        %get3A_78 = tpu.vector_load %arg17[%get3A_76, %get3A_77] {strides = array<i32>} : memref<208x128xf32, #tpu.memory_space<vmem>>, vector<16xf32>,
        %mul3A_79 = arith.mulf %get3A_78, %gather3A : vector<16xf32>
        %add3A_80 = arith.constant 0 : i32
        %add3A_81 = arith.addi %add3A_61, %add3A_80 : i32
        %swap3A_82 = arith.index_cast %add3A_81 : i32 to index
        %swap3A_83 = arith.constant 16 : index
        %swap3A_84 = tpu.vector_load %arg17[%swap3A_82, %swap3A_83] {strides = array<i32>} : memref<208x128xf32, #tpu.memory_space<vmem>>, vector<16xf32>,
        tpu.vector_store %arg17[%swap3A_82, %swap3A_83], %mul3A_79 {strides = array<i32>} : memref<208x128xf32, #tpu.memory_space<vmem>>, vector<16xf32>,
        %add3A_85 = arith.constant 0 : i32
        %add3A_86 = arith.addi %add3A_61, %add3A_85 : i32
        %get3A_87 = arith.index_cast %add3A_86 : i32 to index
        %get3A_88 = arith.constant 32 : index
        %get3A_89 = tpu.vector_load %arg17[%get3A_87, %get3A_88] {strides = array<i32>} : memref<208x128xf32, #tpu.memory_space<vmem>>, vector<16xf32>,
        %mul3A_90 = arith.mulf %get3A_89, %gather3A : vector<16xf32>
        %add3A_91 = arith.constant 0 : i32
        %add3A_92 = arith.addi %add3A_61, %add3A_91 : i32
        %swap3A_93 = arith.index_cast %add3A_92 : i32 to index
        %swap3A_94 = arith.constant 32 : index
        %swap3A_95 = tpu.vector_load %arg17[%swap3A_93, %swap3A_94] {strides = array<i32>} : memref<208x128xf32, #tpu.memory_space<vmem>>, vector<16xf32>,
        tpu.vector_store %arg17[%swap3A_93, %swap3A_94], %mul3A_90 {strides = array<i32>} : memref<208x128xf32, #tpu.memory_space<vmem>>, vector<16xf32>,
        %add3A_96 = arith.constant 0 : i32
        %add3A_97 = arith.addi %add3A_61, %add3A_96 : i32
        %get3A_98 = arith.index_cast %add3A_97 : i32 to index
        %get3A_99 = arith.constant 48 : index
        %get3A_100 = tpu.vector_load %arg17[%get3A_98, %get3A_99] {strides = array<i32>} : memref<208x128xf32, #tpu.memory_space<vmem>>, vector<16xf32>,
        %mul3A_101 = arith.mulf %get3A_100, %gather3A : vector<16xf32>
        %add3A_102 = arith.constant 0 : i32
        %add3A_103 = arith.addi %add3A_61, %add3A_102 : i32
        %swap3A_104 = arith.index_cast %add3A_103 : i32 to index
        %swap3A_105 = arith.constant 48 : index
        %swap3A_106 = tpu.vector_load %arg17[%swap3A_104, %swap3A_105] {strides = array<i32>} : memref<208x128xf32, #tpu.memory_space<vmem>>, vector<16xf32>,
        tpu.vector_store %arg17[%swap3A_104, %swap3A_105], %mul3A_101 {strides = array<i32>} : memref<208x128xf32, #tpu.memory_space<vmem>>, vector<16xf32>,
        %add3A_107 = arith.constant 0 : i32
        %add3A_108 = arith.addi %add3A_61, %add3A_107 : i32
        %get3A_109 = arith.index_cast %add3A_108 : i32 to index
        %get3A_110 = arith.constant 64 : index
        %get3A_111 = tpu.vector_load %arg17[%get3A_109, %get3A_110] {strides = array<i32>} : memref<208x128xf32, #tpu.memory_space<vmem>>, vector<16xf32>,
        %mul3A_112 = arith.mulf %get3A_111, %gather3A : vector<16xf32>
        %add3A_113 = arith.constant 0 : i32
        %add3A_114 = arith.addi %add3A_61, %add3A_113 : i32
        %swap3A_115 = arith.index_cast %add3A_114 : i32 to index
        %swap3A_116 = arith.constant 64 : index
        %swap3A_117 = tpu.vector_load %arg17[%swap3A_115, %swap3A_116] {strides = array<i32>} : memref<208x128xf32, #tpu.memory_space<vmem>>, vector<16xf32>,
        tpu.vector_store %arg17[%swap3A_115, %swap3A_116], %mul3A_112 {strides = array<i32>} : memref<208x128xf32, #tpu.memory_space<vmem>>, vector<16xf32>,
        %add3A_118 = arith.constant 0 : i32
        %add3A_119 = arith.addi %add3A_61, %add3A_118 : i32
        %get3A_120 = arith.index_cast %add3A_119 : i32 to index
        %get3A_121 = arith.constant 80 : index
        %get3A_122 = tpu.vector_load %arg17[%get3A_120, %get3A_121] {strides = array<i32>} : memref<208x128xf32, #tpu.memory_space<vmem>>, vector<16xf32>,
        %mul3A_123 = arith.mulf %get3A_122, %gather3A : vector<16xf32>
        %add3A_124 = arith.constant 0 : i32
        %add3A_125 = arith.addi %add3A_61, %add3A_124 : i32
        %swap3A_126 = arith.index_cast %add3A_125 : i32 to index
        %swap3A_127 = arith.constant 80 : index
        %swap3A_128 = tpu.vector_load %arg17[%swap3A_126, %swap3A_127] {strides = array<i32>} : memref<208x128xf32, #tpu.memory_space<vmem>>, vector<16xf32>,
        tpu.vector_store %arg17[%swap3A_126, %swap3A_127], %mul3A_123 {strides = array<i32>} : memref<208x128xf32, #tpu.memory_space<vmem>>, vector<16xf32>,
        %add3A_129 = arith.constant 0 : i32
        %add3A_130 = arith.addi %add3A_61, %add3A_129 : i32
        %get3A_131 = arith.index_cast %add3A_130 : i32 to index
        %get3A_132 = arith.constant 96 : index
        %get3A_133 = tpu.vector_load %arg17[%get3A_131, %get3A_132] {strides = array<i32>} : memref<208x128xf32, #tpu.memory_space<vmem>>, vector<16xf32>,
        %mul3A_134 = arith.mulf %get3A_133, %gather3A : vector<16xf32>
        %add3A_135 = arith.constant 0 : i32
        %add3A_136 = arith.addi %add3A_61, %add3A_135 : i32
        %swap3A_137 = arith.index_cast %add3A_136 : i32 to index
        %swap3A_138 = arith.constant 96 : index
        %swap3A_139 = tpu.vector_load %arg17[%swap3A_137, %swap3A_138] {strides = array<i32>} : memref<208x128xf32, #tpu.memory_space<vmem>>, vector<16xf32>,
        tpu.vector_store %arg17[%swap3A_137, %swap3A_138], %mul3A_134 {strides = array<i32>} : memref<208x128xf32, #tpu.memory_space<vmem>>, vector<16xf32>,
        %add3A_140 = arith.constant 0 : i32
        %add3A_141 = arith.addi %add3A_61, %add3A_140 : i32
        %get3A_142 = arith.index_cast %add3A_141 : i32 to index
        %get3A_143 = arith.constant 112 : index
        %get3A_144 = tpu.vector_load %arg17[%get3A_142, %get3A_143] {strides = array<i32>} : memref<208x128xf32, #tpu.memory_space<vmem>>, vector<16xf32>,
        %mul3A_145 = arith.mulf %get3A_144, %gather3A : vector<16xf32>
        %add3A_146 = arith.constant 0 : i32
        %add3A_147 = arith.addi %add3A_61, %add3A_146 : i32
        %swap3A_148 = arith.index_cast %add3A_147 : i32 to index
        %swap3A_149 = arith.constant 112 : index
        %swap3A_150 = tpu.vector_load %arg17[%swap3A_148, %swap3A_149] {strides = array<i32>} : memref<208x128xf32, #tpu.memory_space<vmem>>, vector<16xf32>,
        tpu.vector_store %arg17[%swap3A_148, %swap3A_149], %mul3A_145 {strides = array<i32>} : memref<208x128xf32, #tpu.memory_space<vmem>>, vector<16xf32>,
        %add3A_151 = arith.constant 1 : i32
        %add3A_152 = arith.addi %add3A_61, %add3A_151 : i32
        %broadcast_in_dim3A_153 = vector.broadcast %add3A_152 : i32 to vector<16xi32>
        %gather3A_154 = tpu.vector_load_idx %arg16[%broadcast_in_dim3A_153] : memref<208xf32, #tpu.memory_space<vmem>>[vector<16xi32>], vector<16xf32>,
        %add3A_155 = arith.constant 1 : i32
        %add3A_156 = arith.addi %add3A_61, %add3A_155 : i32
        %get3A_157 = arith.index_cast %add3A_156 : i32 to index
        %get3A_158 = arith.constant 0 : index
        %get3A_159 = tpu.vector_load %arg17[%get3A_157, %get3A_158] {strides = array<i32>} : memref<208x128xf32, #tpu.memory_space<vmem>>, vector<16xf32>,
        %mul3A_160 = arith.mulf %get3A_159, %gather3A_154 : vector<16xf32>
        %add3A_161 = arith.constant 1 : i32
        %add3A_162 = arith.addi %add3A_61, %add3A_161 : i32
        %swap3A_163 = arith.index_cast %add3A_162 : i32 to index
        %swap3A_164 = arith.constant 0 : index
        %swap3A_165 = tpu.vector_load %arg17[%swap3A_163, %swap3A_164] {strides = array<i32>} : memref<208x128xf32, #tpu.memory_space<vmem>>, vector<16xf32>,
        tpu.vector_store %arg17[%swap3A_163, %swap3A_164], %mul3A_160 {strides = array<i32>} : memref<208x128xf32, #tpu.memory_space<vmem>>, vector<16xf32>,
        %add3A_166 = arith.constant 1 : i32
        %add3A_167 = arith.addi %add3A_61, %add3A_166 : i32
        %get3A_168 = arith.index_cast %add3A_167 : i32 to index
        %get3A_169 = arith.constant 16 : index
        %get3A_170 = tpu.vector_load %arg17[%get3A_168, %get3A_169] {strides = array<i32>} : memref<208x128xf32, #tpu.memory_space<vmem>>, vector<16xf32>,
        %mul3A_171 = arith.mulf %get3A_170, %gather3A_154 : vector<16xf32>
        %add3A_172 = arith.constant 1 : i32
        %add3A_173 = arith.addi %add3A_61, %add3A_172 : i32
        %swap3A_174 = arith.index_cast %add3A_173 : i32 to index
        %swap3A_175 = arith.constant 16 : index
        %swap3A_176 = tpu.vector_load %arg17[%swap3A_174, %swap3A_175] {strides = array<i32>} : memref<208x128xf32, #tpu.memory_space<vmem>>, vector<16xf32>,
        tpu.vector_store %arg17[%swap3A_174, %swap3A_175], %mul3A_171 {strides = array<i32>} : memref<208x128xf32, #tpu.memory_space<vmem>>, vector<16xf32>,
        %add3A_177 = arith.constant 1 : i32
        %add3A_178 = arith.addi %add3A_61, %add3A_177 : i32
        %get3A_179 = arith.index_cast %add3A_178 : i32 to index
        %get3A_180 = arith.constant 32 : index
        %get3A_181 = tpu.vector_load %arg17[%get3A_179, %get3A_180] {strides = array<i32>} : memref<208x128xf32, #tpu.memory_space<vmem>>, vector<16xf32>,
        %mul3A_182 = arith.mulf %get3A_181, %gather3A_154 : vector<16xf32>
        %add3A_183 = arith.constant 1 : i32
        %add3A_184 = arith.addi %add3A_61, %add3A_183 : i32
        %swap3A_185 = arith.index_cast %add3A_184 : i32 to index
        %swap3A_186 = arith.constant 32 : index
        %swap3A_187 = tpu.vector_load %arg17[%swap3A_185, %swap3A_186] {strides = array<i32>} : memref<208x128xf32, #tpu.memory_space<vmem>>, vector<16xf32>,
        tpu.vector_store %arg17[%swap3A_185, %swap3A_186], %mul3A_182 {strides = array<i32>} : memref<208x128xf32, #tpu.memory_space<vmem>>, vector<16xf32>,
        %add3A_188 = arith.constant 1 : i32
        %add3A_189 = arith.addi %add3A_61, %add3A_188 : i32
        %get3A_190 = arith.index_cast %add3A_189 : i32 to index
        %get3A_191 = arith.constant 48 : index
        %get3A_192 = tpu.vector_load %arg17[%get3A_190, %get3A_191] {strides = array<i32>} : memref<208x128xf32, #tpu.memory_space<vmem>>, vector<16xf32>,
        %mul3A_193 = arith.mulf %get3A_192, %gather3A_154 : vector<16xf32>
        %add3A_194 = arith.constant 1 : i32
        %add3A_195 = arith.addi %add3A_61, %add3A_194 : i32
        %swap3A_196 = arith.index_cast %add3A_195 : i32 to index
        %swap3A_197 = arith.constant 48 : index
        %swap3A_198 = tpu.vector_load %arg17[%swap3A_196, %swap3A_197] {strides = array<i32>} : memref<208x128xf32, #tpu.memory_space<vmem>>, vector<16xf32>,
        tpu.vector_store %arg17[%swap3A_196, %swap3A_197], %mul3A_193 {strides = array<i32>} : memref<208x128xf32, #tpu.memory_space<vmem>>, vector<16xf32>,
        %add3A_199 = arith.constant 1 : i32
        %add3A_200 = arith.addi %add3A_61, %add3A_199 : i32
        %get3A_201 = arith.index_cast %add3A_200 : i32 to index
        %get3A_202 = arith.constant 64 : index
        %get3A_203 = tpu.vector_load %arg17[%get3A_201, %get3A_202] {strides = array<i32>} : memref<208x128xf32, #tpu.memory_space<vmem>>, vector<16xf32>,
        %mul3A_204 = arith.mulf %get3A_203, %gather3A_154 : vector<16xf32>
        %add3A_205 = arith.constant 1 : i32
        %add3A_206 = arith.addi %add3A_61, %add3A_205 : i32
        %swap3A_207 = arith.index_cast %add3A_206 : i32 to index
        %swap3A_208 = arith.constant 64 : index
        %swap3A_209 = tpu.vector_load %arg17[%swap3A_207, %swap3A_208] {strides = array<i32>} : memref<208x128xf32, #tpu.memory_space<vmem>>, vector<16xf32>,
        tpu.vector_store %arg17[%swap3A_207, %swap3A_208], %mul3A_204 {strides = array<i32>} : memref<208x128xf32, #tpu.memory_space<vmem>>, vector<16xf32>,
        %add3A_210 = arith.constant 1 : i32
        %add3A_211 = arith.addi %add3A_61, %add3A_210 : i32
        %get3A_212 = arith.index_cast %add3A_211 : i32 to index
        %get3A_213 = arith.constant 80 : index
        %get3A_214 = tpu.vector_load %arg17[%get3A_212, %get3A_213] {strides = array<i32>} : memref<208x128xf32, #tpu.memory_space<vmem>>, vector<16xf32>,
        %mul3A_215 = arith.mulf %get3A_214, %gather3A_154 : vector<16xf32>
        %add3A_216 = arith.constant 1 : i32
        %add3A_217 = arith.addi %add3A_61, %add3A_216 : i32
        %swap3A_218 = arith.index_cast %add3A_217 : i32 to index
        %swap3A_219 = arith.constant 80 : index
        %swap3A_220 = tpu.vector_load %arg17[%swap3A_218, %swap3A_219] {strides = array<i32>} : memref<208x128xf32, #tpu.memory_space<vmem>>, vector<16xf32>,
        tpu.vector_store %arg17[%swap3A_218, %swap3A_219], %mul3A_215 {strides = array<i32>} : memref<208x128xf32, #tpu.memory_space<vmem>>, vector<16xf32>,
        %add3A_221 = arith.constant 1 : i32
        %add3A_222 = arith.addi %add3A_61, %add3A_221 : i32
        %get3A_223 = arith.index_cast %add3A_222 : i32 to index
        %get3A_224 = arith.constant 96 : index
        %get3A_225 = tpu.vector_load %arg17[%get3A_223, %get3A_224] {strides = array<i32>} : memref<208x128xf32, #tpu.memory_space<vmem>>, vector<16xf32>,
        %mul3A_226 = arith.mulf %get3A_225, %gather3A_154 : vector<16xf32>
        %add3A_227 = arith.constant 1 : i32
        %add3A_228 = arith.addi %add3A_61, %add3A_227 : i32
        %swap3A_229 = arith.index_cast %add3A_228 : i32 to index
        %swap3A_230 = arith.constant 96 : index
        %swap3A_231 = tpu.vector_load %arg17[%swap3A_229, %swap3A_230] {strides = array<i32>} : memref<208x128xf32, #tpu.memory_space<vmem>>, vector<16xf32>,
        tpu.vector_store %arg17[%swap3A_229, %swap3A_230], %mul3A_226 {strides = array<i32>} : memref<208x128xf32, #tpu.memory_space<vmem>>, vector<16xf32>,
        %add3A_232 = arith.constant 1 : i32
        %add3A_233 = arith.addi %add3A_61, %add3A_232 : i32
        %get3A_234 = arith.index_cast %add3A_233 : i32 to index
        %get3A_235 = arith.constant 112 : index
        %get3A_236 = tpu.vector_load %arg17[%get3A_234, %get3A_235] {strides = array<i32>} : memref<208x128xf32, #tpu.memory_space<vmem>>, vector<16xf32>,
        %mul3A_237 = arith.mulf %get3A_236, %gather3A_154 : vector<16xf32>
        %add3A_238 = arith.constant 1 : i32
        %add3A_239 = arith.addi %add3A_61, %add3A_238 : i32
        %swap3A_240 = arith.index_cast %add3A_239 : i32 to index
        %swap3A_241 = arith.constant 112 : index
        %swap3A_242 = tpu.vector_load %arg17[%swap3A_240, %swap3A_241] {strides = array<i32>} : memref<208x128xf32, #tpu.memory_space<vmem>>, vector<16xf32>,
        tpu.vector_store %arg17[%swap3A_240, %swap3A_241], %mul3A_237 {strides = array<i32>} : memref<208x128xf32, #tpu.memory_space<vmem>>, vector<16xf32>,
        %add3A_243 = arith.constant 2 : i32
        %add3A_244 = arith.addi %add3A_61, %add3A_243 : i32
        %broadcast_in_dim3A_245 = vector.broadcast %add3A_244 : i32 to vector<16xi32>
        %gather3A_246 = tpu.vector_load_idx %arg16[%broadcast_in_dim3A_245] : memref<208xf32, #tpu.memory_space<vmem>>[vector<16xi32>], vector<16xf32>,
        %add3A_247 = arith.constant 2 : i32
        %add3A_248 = arith.addi %add3A_61, %add3A_247 : i32
        %get3A_249 = arith.index_cast %add3A_248 : i32 to index
        %get3A_250 = arith.constant 0 : index
        %get3A_251 = tpu.vector_load %arg17[%get3A_249, %get3A_250] {strides = array<i32>} : memref<208x128xf32, #tpu.memory_space<vmem>>, vector<16xf32>,
        %mul3A_252 = arith.mulf %get3A_251, %gather3A_246 : vector<16xf32>
        %add3A_253 = arith.constant 2 : i32
        %add3A_254 = arith.addi %add3A_61, %add3A_253 : i32
        %swap3A_255 = arith.index_cast %add3A_254 : i32 to index
        %swap3A_256 = arith.constant 0 : index
        %swap3A_257 = tpu.vector_load %arg17[%swap3A_255, %swap3A_256] {strides = array<i32>} : memref<208x128xf32, #tpu.memory_space<vmem>>, vector<16xf32>,
        tpu.vector_store %arg17[%swap3A_255, %swap3A_256], %mul3A_252 {strides = array<i32>} : memref<208x128xf32, #tpu.memory_space<vmem>>, vector<16xf32>,
        %add3A_258 = arith.constant 2 : i32
        %add3A_259 = arith.addi %add3A_61, %add3A_258 : i32
        %get3A_260 = arith.index_cast %add3A_259 : i32 to index
        %get3A_261 = arith.constant 16 : index
        %get3A_262 = tpu.vector_load %arg17[%get3A_260, %get3A_261] {strides = array<i32>} : memref<208x128xf32, #tpu.memory_space<vmem>>, vector<16xf32>,
        %mul3A_263 = arith.mulf %get3A_262, %gather3A_246 : vector<16xf32>
        %add3A_264 = arith.constant 2 : i32
        %add3A_265 = arith.addi %add3A_61, %add3A_264 : i32
        %swap3A_266 = arith.index_cast %add3A_265 : i32 to index
        %swap3A_267 = arith.constant 16 : index
        %swap3A_268 = tpu.vector_load %arg17[%swap3A_266, %swap3A_267] {strides = array<i32>} : memref<208x128xf32, #tpu.memory_space<vmem>>, vector<16xf32>,
        tpu.vector_store %arg17[%swap3A_266, %swap3A_267], %mul3A_263 {strides = array<i32>} : memref<208x128xf32, #tpu.memory_space<vmem>>, vector<16xf32>,
        %add3A_269 = arith.constant 2 : i32
        %add3A_270 = arith.addi %add3A_61, %add3A_269 : i32
        %get3A_271 = arith.index_cast %add3A_270 : i32 to index
        %get3A_272 = arith.constant 32 : index
        %get3A_273 = tpu.vector_load %arg17[%get3A_271, %get3A_272] {strides = array<i32>} : memref<208x128xf32, #tpu.memory_space<vmem>>, vector<16xf32>,
        %mul3A_274 = arith.mulf %get3A_273, %gather3A_246 : vector<16xf32>
        %add3A_275 = arith.constant 2 : i32
        %add3A_276 = arith.addi %add3A_61, %add3A_275 : i32
        %swap3A_277 = arith.index_cast %add3A_276 : i32 to index
        %swap3A_278 = arith.constant 32 : index
        %swap3A_279 = tpu.vector_load %arg17[%swap3A_277, %swap3A_278] {strides = array<i32>} : memref<208x128xf32, #tpu.memory_space<vmem>>, vector<16xf32>,
        tpu.vector_store %arg17[%swap3A_277, %swap3A_278], %mul3A_274 {strides = array<i32>} : memref<208x128xf32, #tpu.memory_space<vmem>>, vector<16xf32>,
        %add3A_280 = arith.constant 2 : i32
        %add3A_281 = arith.addi %add3A_61, %add3A_280 : i32
        %get3A_282 = arith.index_cast %add3A_281 : i32 to index
        %get3A_283 = arith.constant 48 : index
        %get3A_284 = tpu.vector_load %arg17[%get3A_282, %get3A_283] {strides = array<i32>} : memref<208x128xf32, #tpu.memory_space<vmem>>, vector<16xf32>,
        %mul3A_285 = arith.mulf %get3A_284, %gather3A_246 : vector<16xf32>
        %add3A_286 = arith.constant 2 : i32
        %add3A_287 = arith.addi %add3A_61, %add3A_286 : i32
        %swap3A_288 = arith.index_cast %add3A_287 : i32 to index
        %swap3A_289 = arith.constant 48 : index
        %swap3A_290 = tpu.vector_load %arg17[%swap3A_288, %swap3A_289] {strides = array<i32>} : memref<208x128xf32, #tpu.memory_space<vmem>>, vector<16xf32>,
        tpu.vector_store %arg17[%swap3A_288, %swap3A_289], %mul3A_285 {strides = array<i32>} : memref<208x128xf32, #tpu.memory_space<vmem>>, vector<16xf32>,
        %add3A_291 = arith.constant 2 : i32
        %add3A_292 = arith.addi %add3A_61, %add3A_291 : i32
        %get3A_293 = arith.index_cast %add3A_292 : i32 to index
        %get3A_294 = arith.constant 64 : index
        %get3A_295 = tpu.vector_load %arg17[%get3A_293, %get3A_294] {strides = array<i32>} : memref<208x128xf32, #tpu.memory_space<vmem>>, vector<16xf32>,
        %mul3A_296 = arith.mulf %get3A_295, %gather3A_246 : vector<16xf32>
        %add3A_297 = arith.constant 2 : i32
        %add3A_298 = arith.addi %add3A_61, %add3A_297 : i32
        %swap3A_299 = arith.index_cast %add3A_298 : i32 to index
        %swap3A_300 = arith.constant 64 : index
        %swap3A_301 = tpu.vector_load %arg17[%swap3A_299, %swap3A_300] {strides = array<i32>} : memref<208x128xf32, #tpu.memory_space<vmem>>, vector<16xf32>,
        tpu.vector_store %arg17[%swap3A_299, %swap3A_300], %mul3A_296 {strides = array<i32>} : memref<208x128xf32, #tpu.memory_space<vmem>>, vector<16xf32>,
        %add3A_302 = arith.constant 2 : i32
        %add3A_303 = arith.addi %add3A_61, %add3A_302 : i32
        %get3A_304 = arith.index_cast %add3A_303 : i32 to index
        %get3A_305 = arith.constant 80 : index
        %get3A_306 = tpu.vector_load %arg17[%get3A_304, %get3A_305] {strides = array<i32>} : memref<208x128xf32, #tpu.memory_space<vmem>>, vector<16xf32>,
        %mul3A_307 = arith.mulf %get3A_306, %gather3A_246 : vector<16xf32>
        %add3A_308 = arith.constant 2 : i32
        %add3A_309 = arith.addi %add3A_61, %add3A_308 : i32
        %swap3A_310 = arith.index_cast %add3A_309 : i32 to index
        %swap3A_311 = arith.constant 80 : index
        %swap3A_312 = tpu.vector_load %arg17[%swap3A_310, %swap3A_311] {strides = array<i32>} : memref<208x128xf32, #tpu.memory_space<vmem>>, vector<16xf32>,
        tpu.vector_store %arg17[%swap3A_310, %swap3A_311], %mul3A_307 {strides = array<i32>} : memref<208x128xf32, #tpu.memory_space<vmem>>, vector<16xf32>,
        %add3A_313 = arith.constant 2 : i32
        %add3A_314 = arith.addi %add3A_61, %add3A_313 : i32
        %get3A_315 = arith.index_cast %add3A_314 : i32 to index
        %get3A_316 = arith.constant 96 : index
        %get3A_317 = tpu.vector_load %arg17[%get3A_315, %get3A_316] {strides = array<i32>} : memref<208x128xf32, #tpu.memory_space<vmem>>, vector<16xf32>,
        %mul3A_318 = arith.mulf %get3A_317, %gather3A_246 : vector<16xf32>
        %add3A_319 = arith.constant 2 : i32
        %add3A_320 = arith.addi %add3A_61, %add3A_319 : i32
        %swap3A_321 = arith.index_cast %add3A_320 : i32 to index
        %swap3A_322 = arith.constant 96 : index
        %swap3A_323 = tpu.vector_load %arg17[%swap3A_321, %swap3A_322] {strides = array<i32>} : memref<208x128xf32, #tpu.memory_space<vmem>>, vector<16xf32>,
        tpu.vector_store %arg17[%swap3A_321, %swap3A_322], %mul3A_318 {strides = array<i32>} : memref<208x128xf32, #tpu.memory_space<vmem>>, vector<16xf32>,
        %add3A_324 = arith.constant 2 : i32
        %add3A_325 = arith.addi %add3A_61, %add3A_324 : i32
        %get3A_326 = arith.index_cast %add3A_325 : i32 to index
        %get3A_327 = arith.constant 112 : index
        %get3A_328 = tpu.vector_load %arg17[%get3A_326, %get3A_327] {strides = array<i32>} : memref<208x128xf32, #tpu.memory_space<vmem>>, vector<16xf32>,
        %mul3A_329 = arith.mulf %get3A_328, %gather3A_246 : vector<16xf32>
        %add3A_330 = arith.constant 2 : i32
        %add3A_331 = arith.addi %add3A_61, %add3A_330 : i32
        %swap3A_332 = arith.index_cast %add3A_331 : i32 to index
        %swap3A_333 = arith.constant 112 : index
        %swap3A_334 = tpu.vector_load %arg17[%swap3A_332, %swap3A_333] {strides = array<i32>} : memref<208x128xf32, #tpu.memory_space<vmem>>, vector<16xf32>,
        tpu.vector_store %arg17[%swap3A_332, %swap3A_333], %mul3A_329 {strides = array<i32>} : memref<208x128xf32, #tpu.memory_space<vmem>>, vector<16xf32>,
        %add3A_335 = arith.constant 3 : i32
        %add3A_336 = arith.addi %add3A_61, %add3A_335 : i32
        %broadcast_in_dim3A_337 = vector.broadcast %add3A_336 : i32 to vector<16xi32>
        %gather3A_338 = tpu.vector_load_idx %arg16[%broadcast_in_dim3A_337] : memref<208xf32, #tpu.memory_space<vmem>>[vector<16xi32>], vector<16xf32>,
        %add3A_339 = arith.constant 3 : i32
        %add3A_340 = arith.addi %add3A_61, %add3A_339 : i32
        %get3A_341 = arith.index_cast %add3A_340 : i32 to index
        %get3A_342 = arith.constant 0 : index
        %get3A_343 = tpu.vector_load %arg17[%get3A_341, %get3A_342] {strides = array<i32>} : memref<208x128xf32, #tpu.memory_space<vmem>>, vector<16xf32>,
        %mul3A_344 = arith.mulf %get3A_343, %gather3A_338 : vector<16xf32>
        %add3A_345 = arith.constant 3 : i32
        %add3A_346 = arith.addi %add3A_61, %add3A_345 : i32
        %swap3A_347 = arith.index_cast %add3A_346 : i32 to index
        %swap3A_348 = arith.constant 0 : index
        %swap3A_349 = tpu.vector_load %arg17[%swap3A_347, %swap3A_348] {strides = array<i32>} : memref<208x128xf32, #tpu.memory_space<vmem>>, vector<16xf32>,
        tpu.vector_store %arg17[%swap3A_347, %swap3A_348], %mul3A_344 {strides = array<i32>} : memref<208x128xf32, #tpu.memory_space<vmem>>, vector<16xf32>,
        %add3A_350 = arith.constant 3 : i32
        %add3A_351 = arith.addi %add3A_61, %add3A_350 : i32
        %get3A_352 = arith.index_cast %add3A_351 : i32 to index
        %get3A_353 = arith.constant 16 : index
        %get3A_354 = tpu.vector_load %arg17[%get3A_352, %get3A_353] {strides = array<i32>} : memref<208x128xf32, #tpu.memory_space<vmem>>, vector<16xf32>,
        %mul3A_355 = arith.mulf %get3A_354, %gather3A_338 : vector<16xf32>
        %add3A_356 = arith.constant 3 : i32
        %add3A_357 = arith.addi %add3A_61, %add3A_356 : i32
        %swap3A_358 = arith.index_cast %add3A_357 : i32 to index
        %swap3A_359 = arith.constant 16 : index
        %swap3A_360 = tpu.vector_load %arg17[%swap3A_358, %swap3A_359] {strides = array<i32>} : memref<208x128xf32, #tpu.memory_space<vmem>>, vector<16xf32>,
        tpu.vector_store %arg17[%swap3A_358, %swap3A_359], %mul3A_355 {strides = array<i32>} : memref<208x128xf32, #tpu.memory_space<vmem>>, vector<16xf32>,
        %add3A_361 = arith.constant 3 : i32
        %add3A_362 = arith.addi %add3A_61, %add3A_361 : i32
        %get3A_363 = arith.index_cast %add3A_362 : i32 to index
        %get3A_364 = arith.constant 32 : index
        %get3A_365 = tpu.vector_load %arg17[%get3A_363, %get3A_364] {strides = array<i32>} : memref<208x128xf32, #tpu.memory_space<vmem>>, vector<16xf32>,
        %mul3A_366 = arith.mulf %get3A_365, %gather3A_338 : vector<16xf32>
        %add3A_367 = arith.constant 3 : i32
        %add3A_368 = arith.addi %add3A_61, %add3A_367 : i32
        %swap3A_369 = arith.index_cast %add3A_368 : i32 to index
        %swap3A_370 = arith.constant 32 : index
        %swap3A_371 = tpu.vector_load %arg17[%swap3A_369, %swap3A_370] {strides = array<i32>} : memref<208x128xf32, #tpu.memory_space<vmem>>, vector<16xf32>,
        tpu.vector_store %arg17[%swap3A_369, %swap3A_370], %mul3A_366 {strides = array<i32>} : memref<208x128xf32, #tpu.memory_space<vmem>>, vector<16xf32>,
        %add3A_372 = arith.constant 3 : i32
        %add3A_373 = arith.addi %add3A_61, %add3A_372 : i32
        %get3A_374 = arith.index_cast %add3A_373 : i32 to index
        %get3A_375 = arith.constant 48 : index
        %get3A_376 = tpu.vector_load %arg17[%get3A_374, %get3A_375] {strides = array<i32>} : memref<208x128xf32, #tpu.memory_space<vmem>>, vector<16xf32>,
        %mul3A_377 = arith.mulf %get3A_376, %gather3A_338 : vector<16xf32>
        %add3A_378 = arith.constant 3 : i32
        %add3A_379 = arith.addi %add3A_61, %add3A_378 : i32
        %swap3A_380 = arith.index_cast %add3A_379 : i32 to index
        %swap3A_381 = arith.constant 48 : index
        %swap3A_382 = tpu.vector_load %arg17[%swap3A_380, %swap3A_381] {strides = array<i32>} : memref<208x128xf32, #tpu.memory_space<vmem>>, vector<16xf32>,
        tpu.vector_store %arg17[%swap3A_380, %swap3A_381], %mul3A_377 {strides = array<i32>} : memref<208x128xf32, #tpu.memory_space<vmem>>, vector<16xf32>,
        %add3A_383 = arith.constant 3 : i32
        %add3A_384 = arith.addi %add3A_61, %add3A_383 : i32
        %get3A_385 = arith.index_cast %add3A_384 : i32 to index
        %get3A_386 = arith.constant 64 : index
        %get3A_387 = tpu.vector_load %arg17[%get3A_385, %get3A_386] {strides = array<i32>} : memref<208x128xf32, #tpu.memory_space<vmem>>, vector<16xf32>,
        %mul3A_388 = arith.mulf %get3A_387, %gather3A_338 : vector<16xf32>
        %add3A_389 = arith.constant 3 : i32
        %add3A_390 = arith.addi %add3A_61, %add3A_389 : i32
        %swap3A_391 = arith.index_cast %add3A_390 : i32 to index
        %swap3A_392 = arith.constant 64 : index
        %swap3A_393 = tpu.vector_load %arg17[%swap3A_391, %swap3A_392] {strides = array<i32>} : memref<208x128xf32, #tpu.memory_space<vmem>>, vector<16xf32>,
        tpu.vector_store %arg17[%swap3A_391, %swap3A_392], %mul3A_388 {strides = array<i32>} : memref<208x128xf32, #tpu.memory_space<vmem>>, vector<16xf32>,
        %add3A_394 = arith.constant 3 : i32
        %add3A_395 = arith.addi %add3A_61, %add3A_394 : i32
        %get3A_396 = arith.index_cast %add3A_395 : i32 to index
        %get3A_397 = arith.constant 80 : index
        %get3A_398 = tpu.vector_load %arg17[%get3A_396, %get3A_397] {strides = array<i32>} : memref<208x128xf32, #tpu.memory_space<vmem>>, vector<16xf32>,
        %mul3A_399 = arith.mulf %get3A_398, %gather3A_338 : vector<16xf32>
        %add3A_400 = arith.constant 3 : i32
        %add3A_401 = arith.addi %add3A_61, %add3A_400 : i32
        %swap3A_402 = arith.index_cast %add3A_401 : i32 to index
        %swap3A_403 = arith.constant 80 : index
        %swap3A_404 = tpu.vector_load %arg17[%swap3A_402, %swap3A_403] {strides = array<i32>} : memref<208x128xf32, #tpu.memory_space<vmem>>, vector<16xf32>,
        tpu.vector_store %arg17[%swap3A_402, %swap3A_403], %mul3A_399 {strides = array<i32>} : memref<208x128xf32, #tpu.memory_space<vmem>>, vector<16xf32>,
        %add3A_405 = arith.constant 3 : i32
        %add3A_406 = arith.addi %add3A_61, %add3A_405 : i32
        %get3A_407 = arith.index_cast %add3A_406 : i32 to index
        %get3A_408 = arith.constant 96 : index
        %get3A_409 = tpu.vector_load %arg17[%get3A_407, %get3A_408] {strides = array<i32>} : memref<208x128xf32, #tpu.memory_space<vmem>>, vector<16xf32>,
        %mul3A_410 = arith.mulf %get3A_409, %gather3A_338 : vector<16xf32>
        %add3A_411 = arith.constant 3 : i32
        %add3A_412 = arith.addi %add3A_61, %add3A_411 : i32
        %swap3A_413 = arith.index_cast %add3A_412 : i32 to index
        %swap3A_414 = arith.constant 96 : index
        %swap3A_415 = tpu.vector_load %arg17[%swap3A_413, %swap3A_414] {strides = array<i32>} : memref<208x128xf32, #tpu.memory_space<vmem>>, vector<16xf32>,
        tpu.vector_store %arg17[%swap3A_413, %swap3A_414], %mul3A_410 {strides = array<i32>} : memref<208x128xf32, #tpu.memory_space<vmem>>, vector<16xf32>,
        %add3A_416 = arith.constant 3 : i32
        %add3A_417 = arith.addi %add3A_61, %add3A_416 : i32
        %get3A_418 = arith.index_cast %add3A_417 : i32 to index
        %get3A_419 = arith.constant 112 : index
        %get3A_420 = tpu.vector_load %arg17[%get3A_418, %get3A_419] {strides = array<i32>} : memref<208x128xf32, #tpu.memory_space<vmem>>, vector<16xf32>,
        %mul3A_421 = arith.mulf %get3A_420, %gather3A_338 : vector<16xf32>
        %add3A_422 = arith.constant 3 : i32
        %add3A_423 = arith.addi %add3A_61, %add3A_422 : i32
        %swap3A_424 = arith.index_cast %add3A_423 : i32 to index
        %swap3A_425 = arith.constant 112 : index
        %swap3A_426 = tpu.vector_load %arg17[%swap3A_424, %swap3A_425] {strides = array<i32>} : memref<208x128xf32, #tpu.memory_space<vmem>>, vector<16xf32>,
        tpu.vector_store %arg17[%swap3A_424, %swap3A_425], %mul3A_421 {strides = array<i32>} : memref<208x128xf32, #tpu.memory_space<vmem>>, vector<16xf32>,
        %add3A_427 = arith.constant 4 : i32
        %add3A_428 = arith.addi %add3A_61, %add3A_427 : i32
        %broadcast_in_dim3A_429 = vector.broadcast %add3A_428 : i32 to vector<16xi32>
        %gather3A_430 = tpu.vector_load_idx %arg16[%broadcast_in_dim3A_429] : memref<208xf32, #tpu.memory_space<vmem>>[vector<16xi32>], vector<16xf32>,
        %add3A_431 = arith.constant 4 : i32
        %add3A_432 = arith.addi %add3A_61, %add3A_431 : i32
        %get3A_433 = arith.index_cast %add3A_432 : i32 to index
        %get3A_434 = arith.constant 0 : index
        %get3A_435 = tpu.vector_load %arg17[%get3A_433, %get3A_434] {strides = array<i32>} : memref<208x128xf32, #tpu.memory_space<vmem>>, vector<16xf32>,
        %mul3A_436 = arith.mulf %get3A_435, %gather3A_430 : vector<16xf32>
        %add3A_437 = arith.constant 4 : i32
        %add3A_438 = arith.addi %add3A_61, %add3A_437 : i32
        %swap3A_439 = arith.index_cast %add3A_438 : i32 to index
        %swap3A_440 = arith.constant 0 : index
        %swap3A_441 = tpu.vector_load %arg17[%swap3A_439, %swap3A_440] {strides = array<i32>} : memref<208x128xf32, #tpu.memory_space<vmem>>, vector<16xf32>,
        tpu.vector_store %arg17[%swap3A_439, %swap3A_440], %mul3A_436 {strides = array<i32>} : memref<208x128xf32, #tpu.memory_space<vmem>>, vector<16xf32>,
        %add3A_442 = arith.constant 4 : i32
        %add3A_443 = arith.addi %add3A_61, %add3A_442 : i32
        %get3A_444 = arith.index_cast %add3A_443 : i32 to index
        %get3A_445 = arith.constant 16 : index
        %get3A_446 = tpu.vector_load %arg17[%get3A_444, %get3A_445] {strides = array<i32>} : memref<208x128xf32, #tpu.memory_space<vmem>>, vector<16xf32>,
        %mul3A_447 = arith.mulf %get3A_446, %gather3A_430 : vector<16xf32>
        %add3A_448 = arith.constant 4 : i32
        %add3A_449 = arith.addi %add3A_61, %add3A_448 : i32
        %swap3A_450 = arith.index_cast %add3A_449 : i32 to index
        %swap3A_451 = arith.constant 16 : index
        %swap3A_452 = tpu.vector_load %arg17[%swap3A_450, %swap3A_451] {strides = array<i32>} : memref<208x128xf32, #tpu.memory_space<vmem>>, vector<16xf32>,
        tpu.vector_store %arg17[%swap3A_450, %swap3A_451], %mul3A_447 {strides = array<i32>} : memref<208x128xf32, #tpu.memory_space<vmem>>, vector<16xf32>,
        %add3A_453 = arith.constant 4 : i32
        %add3A_454 = arith.addi %add3A_61, %add3A_453 : i32
        %get3A_455 = arith.index_cast %add3A_454 : i32 to index
        %get3A_456 = arith.constant 32 : index
        %get3A_457 = tpu.vector_load %arg17[%get3A_455, %get3A_456] {strides = array<i32>} : memref<208x128xf32, #tpu.memory_space<vmem>>, vector<16xf32>,
        %mul3A_458 = arith.mulf %get3A_457, %gather3A_430 : vector<16xf32>
        %add3A_459 = arith.constant 4 : i32
        %add3A_460 = arith.addi %add3A_61, %add3A_459 : i32
        %swap3A_461 = arith.index_cast %add3A_460 : i32 to index
        %swap3A_462 = arith.constant 32 : index
        %swap3A_463 = tpu.vector_load %arg17[%swap3A_461, %swap3A_462] {strides = array<i32>} : memref<208x128xf32, #tpu.memory_space<vmem>>, vector<16xf32>,
        tpu.vector_store %arg17[%swap3A_461, %swap3A_462], %mul3A_458 {strides = array<i32>} : memref<208x128xf32, #tpu.memory_space<vmem>>, vector<16xf32>,
        %add3A_464 = arith.constant 4 : i32
        %add3A_465 = arith.addi %add3A_61, %add3A_464 : i32
        %get3A_466 = arith.index_cast %add3A_465 : i32 to index
        %get3A_467 = arith.constant 48 : index
        %get3A_468 = tpu.vector_load %arg17[%get3A_466, %get3A_467] {strides = array<i32>} : memref<208x128xf32, #tpu.memory_space<vmem>>, vector<16xf32>,
        %mul3A_469 = arith.mulf %get3A_468, %gather3A_430 : vector<16xf32>
        %add3A_470 = arith.constant 4 : i32
        %add3A_471 = arith.addi %add3A_61, %add3A_470 : i32
        %swap3A_472 = arith.index_cast %add3A_471 : i32 to index
        %swap3A_473 = arith.constant 48 : index
        %swap3A_474 = tpu.vector_load %arg17[%swap3A_472, %swap3A_473] {strides = array<i32>} : memref<208x128xf32, #tpu.memory_space<vmem>>, vector<16xf32>,
        tpu.vector_store %arg17[%swap3A_472, %swap3A_473], %mul3A_469 {strides = array<i32>} : memref<208x128xf32, #tpu.memory_space<vmem>>, vector<16xf32>,
        %add3A_475 = arith.constant 4 : i32
        %add3A_476 = arith.addi %add3A_61, %add3A_475 : i32
        %get3A_477 = arith.index_cast %add3A_476 : i32 to index
        %get3A_478 = arith.constant 64 : index
        %get3A_479 = tpu.vector_load %arg17[%get3A_477, %get3A_478] {strides = array<i32>} : memref<208x128xf32, #tpu.memory_space<vmem>>, vector<16xf32>,
        %mul3A_480 = arith.mulf %get3A_479, %gather3A_430 : vector<16xf32>
        %add3A_481 = arith.constant 4 : i32
        %add3A_482 = arith.addi %add3A_61, %add3A_481 : i32
        %swap3A_483 = arith.index_cast %add3A_482 : i32 to index
        %swap3A_484 = arith.constant 64 : index
        %swap3A_485 = tpu.vector_load %arg17[%swap3A_483, %swap3A_484] {strides = array<i32>} : memref<208x128xf32, #tpu.memory_space<vmem>>, vector<16xf32>,
        tpu.vector_store %arg17[%swap3A_483, %swap3A_484], %mul3A_480 {strides = array<i32>} : memref<208x128xf32, #tpu.memory_space<vmem>>, vector<16xf32>,
        %add3A_486 = arith.constant 4 : i32
        %add3A_487 = arith.addi %add3A_61, %add3A_486 : i32
        %get3A_488 = arith.index_cast %add3A_487 : i32 to index
        %get3A_489 = arith.constant 80 : index
        %get3A_490 = tpu.vector_load %arg17[%get3A_488, %get3A_489] {strides = array<i32>} : memref<208x128xf32, #tpu.memory_space<vmem>>, vector<16xf32>,
        %mul3A_491 = arith.mulf %get3A_490, %gather3A_430 : vector<16xf32>
        %add3A_492 = arith.constant 4 : i32
        %add3A_493 = arith.addi %add3A_61, %add3A_492 : i32
        %swap3A_494 = arith.index_cast %add3A_493 : i32 to index
        %swap3A_495 = arith.constant 80 : index
        %swap3A_496 = tpu.vector_load %arg17[%swap3A_494, %swap3A_495] {strides = array<i32>} : memref<208x128xf32, #tpu.memory_space<vmem>>, vector<16xf32>,
        tpu.vector_store %arg17[%swap3A_494, %swap3A_495], %mul3A_491 {strides = array<i32>} : memref<208x128xf32, #tpu.memory_space<vmem>>, vector<16xf32>,
        %add3A_497 = arith.constant 4 : i32
        %add3A_498 = arith.addi %add3A_61, %add3A_497 : i32
        %get3A_499 = arith.index_cast %add3A_498 : i32 to index
        %get3A_500 = arith.constant 96 : index
        %get3A_501 = tpu.vector_load %arg17[%get3A_499, %get3A_500] {strides = array<i32>} : memref<208x128xf32, #tpu.memory_space<vmem>>, vector<16xf32>,
        %mul3A_502 = arith.mulf %get3A_501, %gather3A_430 : vector<16xf32>
        %add3A_503 = arith.constant 4 : i32
        %add3A_504 = arith.addi %add3A_61, %add3A_503 : i32
        %swap3A_505 = arith.index_cast %add3A_504 : i32 to index
        %swap3A_506 = arith.constant 96 : index
        %swap3A_507 = tpu.vector_load %arg17[%swap3A_505, %swap3A_506] {strides = array<i32>} : memref<208x128xf32, #tpu.memory_space<vmem>>, vector<16xf32>,
        tpu.vector_store %arg17[%swap3A_505, %swap3A_506], %mul3A_502 {strides = array<i32>} : memref<208x128xf32, #tpu.memory_space<vmem>>, vector<16xf32>,
        %add3A_508 = arith.constant 4 : i32
        %add3A_509 = arith.addi %add3A_61, %add3A_508 : i32
        %get3A_510 = arith.index_cast %add3A_509 : i32 to index
        %get3A_511 = arith.constant 112 : index
        %get3A_512 = tpu.vector_load %arg17[%get3A_510, %get3A_511] {strides = array<i32>} : memref<208x128xf32, #tpu.memory_space<vmem>>, vector<16xf32>,
        %mul3A_513 = arith.mulf %get3A_512, %gather3A_430 : vector<16xf32>
        %add3A_514 = arith.constant 4 : i32
        %add3A_515 = arith.addi %add3A_61, %add3A_514 : i32
        %swap3A_516 = arith.index_cast %add3A_515 : i32 to index
        %swap3A_517 = arith.constant 112 : index
        %swap3A_518 = tpu.vector_load %arg17[%swap3A_516, %swap3A_517] {strides = array<i32>} : memref<208x128xf32, #tpu.memory_space<vmem>>, vector<16xf32>,
        tpu.vector_store %arg17[%swap3A_516, %swap3A_517], %mul3A_513 {strides = array<i32>} : memref<208x128xf32, #tpu.memory_space<vmem>>, vector<16xf32>,
        %add3A_519 = arith.constant 5 : i32
        %add3A_520 = arith.addi %add3A_61, %add3A_519 : i32
        %broadcast_in_dim3A_521 = vector.broadcast %add3A_520 : i32 to vector<16xi32>
        %gather3A_522 = tpu.vector_load_idx %arg16[%broadcast_in_dim3A_521] : memref<208xf32, #tpu.memory_space<vmem>>[vector<16xi32>], vector<16xf32>,
        %add3A_523 = arith.constant 5 : i32
        %add3A_524 = arith.addi %add3A_61, %add3A_523 : i32
        %get3A_525 = arith.index_cast %add3A_524 : i32 to index
        %get3A_526 = arith.constant 0 : index
        %get3A_527 = tpu.vector_load %arg17[%get3A_525, %get3A_526] {strides = array<i32>} : memref<208x128xf32, #tpu.memory_space<vmem>>, vector<16xf32>,
        %mul3A_528 = arith.mulf %get3A_527, %gather3A_522 : vector<16xf32>
        %add3A_529 = arith.constant 5 : i32
        %add3A_530 = arith.addi %add3A_61, %add3A_529 : i32
        %swap3A_531 = arith.index_cast %add3A_530 : i32 to index
        %swap3A_532 = arith.constant 0 : index
        %swap3A_533 = tpu.vector_load %arg17[%swap3A_531, %swap3A_532] {strides = array<i32>} : memref<208x128xf32, #tpu.memory_space<vmem>>, vector<16xf32>,
        tpu.vector_store %arg17[%swap3A_531, %swap3A_532], %mul3A_528 {strides = array<i32>} : memref<208x128xf32, #tpu.memory_space<vmem>>, vector<16xf32>,
        %add3A_534 = arith.constant 5 : i32
        %add3A_535 = arith.addi %add3A_61, %add3A_534 : i32
        %get3A_536 = arith.index_cast %add3A_535 : i32 to index
        %get3A_537 = arith.constant 16 : index
        %get3A_538 = tpu.vector_load %arg17[%get3A_536, %get3A_537] {strides = array<i32>} : memref<208x128xf32, #tpu.memory_space<vmem>>, vector<16xf32>,
        %mul3A_539 = arith.mulf %get3A_538, %gather3A_522 : vector<16xf32>
        %add3A_540 = arith.constant 5 : i32
        %add3A_541 = arith.addi %add3A_61, %add3A_540 : i32
        %swap3A_542 = arith.index_cast %add3A_541 : i32 to index
        %swap3A_543 = arith.constant 16 : index
        %swap3A_544 = tpu.vector_load %arg17[%swap3A_542, %swap3A_543] {strides = array<i32>} : memref<208x128xf32, #tpu.memory_space<vmem>>, vector<16xf32>,
        tpu.vector_store %arg17[%swap3A_542, %swap3A_543], %mul3A_539 {strides = array<i32>} : memref<208x128xf32, #tpu.memory_space<vmem>>, vector<16xf32>,
        %add3A_545 = arith.constant 5 : i32
        %add3A_546 = arith.addi %add3A_61, %add3A_545 : i32
        %get3A_547 = arith.index_cast %add3A_546 : i32 to index
        %get3A_548 = arith.constant 32 : index
        %get3A_549 = tpu.vector_load %arg17[%get3A_547, %get3A_548] {strides = array<i32>} : memref<208x128xf32, #tpu.memory_space<vmem>>, vector<16xf32>,
        %mul3A_550 = arith.mulf %get3A_549, %gather3A_522 : vector<16xf32>
        %add3A_551 = arith.constant 5 : i32
        %add3A_552 = arith.addi %add3A_61, %add3A_551 : i32
        %swap3A_553 = arith.index_cast %add3A_552 : i32 to index
        %swap3A_554 = arith.constant 32 : index
        %swap3A_555 = tpu.vector_load %arg17[%swap3A_553, %swap3A_554] {strides = array<i32>} : memref<208x128xf32, #tpu.memory_space<vmem>>, vector<16xf32>,
        tpu.vector_store %arg17[%swap3A_553, %swap3A_554], %mul3A_550 {strides = array<i32>} : memref<208x128xf32, #tpu.memory_space<vmem>>, vector<16xf32>,
        %add3A_556 = arith.constant 5 : i32
        %add3A_557 = arith.addi %add3A_61, %add3A_556 : i32
        %get3A_558 = arith.index_cast %add3A_557 : i32 to index
        %get3A_559 = arith.constant 48 : index
        %get3A_560 = tpu.vector_load %arg17[%get3A_558, %get3A_559] {strides = array<i32>} : memref<208x128xf32, #tpu.memory_space<vmem>>, vector<16xf32>,
        %mul3A_561 = arith.mulf %get3A_560, %gather3A_522 : vector<16xf32>
        %add3A_562 = arith.constant 5 : i32
        %add3A_563 = arith.addi %add3A_61, %add3A_562 : i32
        %swap3A_564 = arith.index_cast %add3A_563 : i32 to index
        %swap3A_565 = arith.constant 48 : index
        %swap3A_566 = tpu.vector_load %arg17[%swap3A_564, %swap3A_565] {strides = array<i32>} : memref<208x128xf32, #tpu.memory_space<vmem>>, vector<16xf32>,
        tpu.vector_store %arg17[%swap3A_564, %swap3A_565], %mul3A_561 {strides = array<i32>} : memref<208x128xf32, #tpu.memory_space<vmem>>, vector<16xf32>,
        %add3A_567 = arith.constant 5 : i32
        %add3A_568 = arith.addi %add3A_61, %add3A_567 : i32
        %get3A_569 = arith.index_cast %add3A_568 : i32 to index
        %get3A_570 = arith.constant 64 : index
        %get3A_571 = tpu.vector_load %arg17[%get3A_569, %get3A_570] {strides = array<i32>} : memref<208x128xf32, #tpu.memory_space<vmem>>, vector<16xf32>,
        %mul3A_572 = arith.mulf %get3A_571, %gather3A_522 : vector<16xf32>
        %add3A_573 = arith.constant 5 : i32
        %add3A_574 = arith.addi %add3A_61, %add3A_573 : i32
        %swap3A_575 = arith.index_cast %add3A_574 : i32 to index
        %swap3A_576 = arith.constant 64 : index
        %swap3A_577 = tpu.vector_load %arg17[%swap3A_575, %swap3A_576] {strides = array<i32>} : memref<208x128xf32, #tpu.memory_space<vmem>>, vector<16xf32>,
        tpu.vector_store %arg17[%swap3A_575, %swap3A_576], %mul3A_572 {strides = array<i32>} : memref<208x128xf32, #tpu.memory_space<vmem>>, vector<16xf32>,
        %add3A_578 = arith.constant 5 : i32
        %add3A_579 = arith.addi %add3A_61, %add3A_578 : i32
        %get3A_580 = arith.index_cast %add3A_579 : i32 to index
        %get3A_581 = arith.constant 80 : index
        %get3A_582 = tpu.vector_load %arg17[%get3A_580, %get3A_581] {strides = array<i32>} : memref<208x128xf32, #tpu.memory_space<vmem>>, vector<16xf32>,
        %mul3A_583 = arith.mulf %get3A_582, %gather3A_522 : vector<16xf32>
        %add3A_584 = arith.constant 5 : i32
        %add3A_585 = arith.addi %add3A_61, %add3A_584 : i32
        %swap3A_586 = arith.index_cast %add3A_585 : i32 to index
        %swap3A_587 = arith.constant 80 : index
        %swap3A_588 = tpu.vector_load %arg17[%swap3A_586, %swap3A_587] {strides = array<i32>} : memref<208x128xf32, #tpu.memory_space<vmem>>, vector<16xf32>,
        tpu.vector_store %arg17[%swap3A_586, %swap3A_587], %mul3A_583 {strides = array<i32>} : memref<208x128xf32, #tpu.memory_space<vmem>>, vector<16xf32>,
        %add3A_589 = arith.constant 5 : i32
        %add3A_590 = arith.addi %add3A_61, %add3A_589 : i32
        %get3A_591 = arith.index_cast %add3A_590 : i32 to index
        %get3A_592 = arith.constant 96 : index
        %get3A_593 = tpu.vector_load %arg17[%get3A_591, %get3A_592] {strides = array<i32>} : memref<208x128xf32, #tpu.memory_space<vmem>>, vector<16xf32>,
        %mul3A_594 = arith.mulf %get3A_593, %gather3A_522 : vector<16xf32>
        %add3A_595 = arith.constant 5 : i32
        %add3A_596 = arith.addi %add3A_61, %add3A_595 : i32
        %swap3A_597 = arith.index_cast %add3A_596 : i32 to index
        %swap3A_598 = arith.constant 96 : index
        %swap3A_599 = tpu.vector_load %arg17[%swap3A_597, %swap3A_598] {strides = array<i32>} : memref<208x128xf32, #tpu.memory_space<vmem>>, vector<16xf32>,
        tpu.vector_store %arg17[%swap3A_597, %swap3A_598], %mul3A_594 {strides = array<i32>} : memref<208x128xf32, #tpu.memory_space<vmem>>, vector<16xf32>,
        %add3A_600 = arith.constant 5 : i32
        %add3A_601 = arith.addi %add3A_61, %add3A_600 : i32
        %get3A_602 = arith.index_cast %add3A_601 : i32 to index
        %get3A_603 = arith.constant 112 : index
        %get3A_604 = tpu.vector_load %arg17[%get3A_602, %get3A_603] {strides = array<i32>} : memref<208x128xf32, #tpu.memory_space<vmem>>, vector<16xf32>,
        %mul3A_605 = arith.mulf %get3A_604, %gather3A_522 : vector<16xf32>
        %add3A_606 = arith.constant 5 : i32
        %add3A_607 = arith.addi %add3A_61, %add3A_606 : i32
        %swap3A_608 = arith.index_cast %add3A_607 : i32 to index
        %swap3A_609 = arith.constant 112 : index
        %swap3A_610 = tpu.vector_load %arg17[%swap3A_608, %swap3A_609] {strides = array<i32>} : memref<208x128xf32, #tpu.memory_space<vmem>>, vector<16xf32>,
        tpu.vector_store %arg17[%swap3A_608, %swap3A_609], %mul3A_605 {strides = array<i32>} : memref<208x128xf32, #tpu.memory_space<vmem>>, vector<16xf32>,
        %add3A_611 = arith.constant 6 : i32
        %add3A_612 = arith.addi %add3A_61, %add3A_611 : i32
        %broadcast_in_dim3A_613 = vector.broadcast %add3A_612 : i32 to vector<16xi32>
        %gather3A_614 = tpu.vector_load_idx %arg16[%broadcast_in_dim3A_613] : memref<208xf32, #tpu.memory_space<vmem>>[vector<16xi32>], vector<16xf32>,
        %add3A_615 = arith.constant 6 : i32
        %add3A_616 = arith.addi %add3A_61, %add3A_615 : i32
        %get3A_617 = arith.index_cast %add3A_616 : i32 to index
        %get3A_618 = arith.constant 0 : index
        %get3A_619 = tpu.vector_load %arg17[%get3A_617, %get3A_618] {strides = array<i32>} : memref<208x128xf32, #tpu.memory_space<vmem>>, vector<16xf32>,
        %mul3A_620 = arith.mulf %get3A_619, %gather3A_614 : vector<16xf32>
        %add3A_621 = arith.constant 6 : i32
        %add3A_622 = arith.addi %add3A_61, %add3A_621 : i32
        %swap3A_623 = arith.index_cast %add3A_622 : i32 to index
        %swap3A_624 = arith.constant 0 : index
        %swap3A_625 = tpu.vector_load %arg17[%swap3A_623, %swap3A_624] {strides = array<i32>} : memref<208x128xf32, #tpu.memory_space<vmem>>, vector<16xf32>,
        tpu.vector_store %arg17[%swap3A_623, %swap3A_624], %mul3A_620 {strides = array<i32>} : memref<208x128xf32, #tpu.memory_space<vmem>>, vector<16xf32>,
        %add3A_626 = arith.constant 6 : i32
        %add3A_627 = arith.addi %add3A_61, %add3A_626 : i32
        %get3A_628 = arith.index_cast %add3A_627 : i32 to index
        %get3A_629 = arith.constant 16 : index
        %get3A_630 = tpu.vector_load %arg17[%get3A_628, %get3A_629] {strides = array<i32>} : memref<208x128xf32, #tpu.memory_space<vmem>>, vector<16xf32>,
        %mul3A_631 = arith.mulf %get3A_630, %gather3A_614 : vector<16xf32>
        %add3A_632 = arith.constant 6 : i32
        %add3A_633 = arith.addi %add3A_61, %add3A_632 : i32
        %swap3A_634 = arith.index_cast %add3A_633 : i32 to index
        %swap3A_635 = arith.constant 16 : index
        %swap3A_636 = tpu.vector_load %arg17[%swap3A_634, %swap3A_635] {strides = array<i32>} : memref<208x128xf32, #tpu.memory_space<vmem>>, vector<16xf32>,
        tpu.vector_store %arg17[%swap3A_634, %swap3A_635], %mul3A_631 {strides = array<i32>} : memref<208x128xf32, #tpu.memory_space<vmem>>, vector<16xf32>,
        %add3A_637 = arith.constant 6 : i32
        %add3A_638 = arith.addi %add3A_61, %add3A_637 : i32
        %get3A_639 = arith.index_cast %add3A_638 : i32 to index
        %get3A_640 = arith.constant 32 : index
        %get3A_641 = tpu.vector_load %arg17[%get3A_639, %get3A_640] {strides = array<i32>} : memref<208x128xf32, #tpu.memory_space<vmem>>, vector<16xf32>,
        %mul3A_642 = arith.mulf %get3A_641, %gather3A_614 : vector<16xf32>
        %add3A_643 = arith.constant 6 : i32
        %add3A_644 = arith.addi %add3A_61, %add3A_643 : i32
        %swap3A_645 = arith.index_cast %add3A_644 : i32 to index
        %swap3A_646 = arith.constant 32 : index
        %swap3A_647 = tpu.vector_load %arg17[%swap3A_645, %swap3A_646] {strides = array<i32>} : memref<208x128xf32, #tpu.memory_space<vmem>>, vector<16xf32>,
        tpu.vector_store %arg17[%swap3A_645, %swap3A_646], %mul3A_642 {strides = array<i32>} : memref<208x128xf32, #tpu.memory_space<vmem>>, vector<16xf32>,
        %add3A_648 = arith.constant 6 : i32
        %add3A_649 = arith.addi %add3A_61, %add3A_648 : i32
        %get3A_650 = arith.index_cast %add3A_649 : i32 to index
        %get3A_651 = arith.constant 48 : index
        %get3A_652 = tpu.vector_load %arg17[%get3A_650, %get3A_651] {strides = array<i32>} : memref<208x128xf32, #tpu.memory_space<vmem>>, vector<16xf32>,
        %mul3A_653 = arith.mulf %get3A_652, %gather3A_614 : vector<16xf32>
        %add3A_654 = arith.constant 6 : i32
        %add3A_655 = arith.addi %add3A_61, %add3A_654 : i32
        %swap3A_656 = arith.index_cast %add3A_655 : i32 to index
        %swap3A_657 = arith.constant 48 : index
        %swap3A_658 = tpu.vector_load %arg17[%swap3A_656, %swap3A_657] {strides = array<i32>} : memref<208x128xf32, #tpu.memory_space<vmem>>, vector<16xf32>,
        tpu.vector_store %arg17[%swap3A_656, %swap3A_657], %mul3A_653 {strides = array<i32>} : memref<208x128xf32, #tpu.memory_space<vmem>>, vector<16xf32>,
        %add3A_659 = arith.constant 6 : i32
        %add3A_660 = arith.addi %add3A_61, %add3A_659 : i32
        %get3A_661 = arith.index_cast %add3A_660 : i32 to index
        %get3A_662 = arith.constant 64 : index
        %get3A_663 = tpu.vector_load %arg17[%get3A_661, %get3A_662] {strides = array<i32>} : memref<208x128xf32, #tpu.memory_space<vmem>>, vector<16xf32>,
        %mul3A_664 = arith.mulf %get3A_663, %gather3A_614 : vector<16xf32>
        %add3A_665 = arith.constant 6 : i32
        %add3A_666 = arith.addi %add3A_61, %add3A_665 : i32
        %swap3A_667 = arith.index_cast %add3A_666 : i32 to index
        %swap3A_668 = arith.constant 64 : index
        %swap3A_669 = tpu.vector_load %arg17[%swap3A_667, %swap3A_668] {strides = array<i32>} : memref<208x128xf32, #tpu.memory_space<vmem>>, vector<16xf32>,
        tpu.vector_store %arg17[%swap3A_667, %swap3A_668], %mul3A_664 {strides = array<i32>} : memref<208x128xf32, #tpu.memory_space<vmem>>, vector<16xf32>,
        %add3A_670 = arith.constant 6 : i32
        %add3A_671 = arith.addi %add3A_61, %add3A_670 : i32
        %get3A_672 = arith.index_cast %add3A_671 : i32 to index
        %get3A_673 = arith.constant 80 : index
        %get3A_674 = tpu.vector_load %arg17[%get3A_672, %get3A_673] {strides = array<i32>} : memref<208x128xf32, #tpu.memory_space<vmem>>, vector<16xf32>,
        %mul3A_675 = arith.mulf %get3A_674, %gather3A_614 : vector<16xf32>
        %add3A_676 = arith.constant 6 : i32
        %add3A_677 = arith.addi %add3A_61, %add3A_676 : i32
        %swap3A_678 = arith.index_cast %add3A_677 : i32 to index
        %swap3A_679 = arith.constant 80 : index
        %swap3A_680 = tpu.vector_load %arg17[%swap3A_678, %swap3A_679] {strides = array<i32>} : memref<208x128xf32, #tpu.memory_space<vmem>>, vector<16xf32>,
        tpu.vector_store %arg17[%swap3A_678, %swap3A_679], %mul3A_675 {strides = array<i32>} : memref<208x128xf32, #tpu.memory_space<vmem>>, vector<16xf32>,
        %add3A_681 = arith.constant 6 : i32
        %add3A_682 = arith.addi %add3A_61, %add3A_681 : i32
        %get3A_683 = arith.index_cast %add3A_682 : i32 to index
        %get3A_684 = arith.constant 96 : index
        %get3A_685 = tpu.vector_load %arg17[%get3A_683, %get3A_684] {strides = array<i32>} : memref<208x128xf32, #tpu.memory_space<vmem>>, vector<16xf32>,
        %mul3A_686 = arith.mulf %get3A_685, %gather3A_614 : vector<16xf32>
        %add3A_687 = arith.constant 6 : i32
        %add3A_688 = arith.addi %add3A_61, %add3A_687 : i32
        %swap3A_689 = arith.index_cast %add3A_688 : i32 to index
        %swap3A_690 = arith.constant 96 : index
        %swap3A_691 = tpu.vector_load %arg17[%swap3A_689, %swap3A_690] {strides = array<i32>} : memref<208x128xf32, #tpu.memory_space<vmem>>, vector<16xf32>,
        tpu.vector_store %arg17[%swap3A_689, %swap3A_690], %mul3A_686 {strides = array<i32>} : memref<208x128xf32, #tpu.memory_space<vmem>>, vector<16xf32>,
        %add3A_692 = arith.constant 6 : i32
        %add3A_693 = arith.addi %add3A_61, %add3A_692 : i32
        %get3A_694 = arith.index_cast %add3A_693 : i32 to index
        %get3A_695 = arith.constant 112 : index
        %get3A_696 = tpu.vector_load %arg17[%get3A_694, %get3A_695] {strides = array<i32>} : memref<208x128xf32, #tpu.memory_space<vmem>>, vector<16xf32>,
        %mul3A_697 = arith.mulf %get3A_696, %gather3A_614 : vector<16xf32>
        %add3A_698 = arith.constant 6 : i32
        %add3A_699 = arith.addi %add3A_61, %add3A_698 : i32
        %swap3A_700 = arith.index_cast %add3A_699 : i32 to index
        %swap3A_701 = arith.constant 112 : index
        %swap3A_702 = tpu.vector_load %arg17[%swap3A_700, %swap3A_701] {strides = array<i32>} : memref<208x128xf32, #tpu.memory_space<vmem>>, vector<16xf32>,
        tpu.vector_store %arg17[%swap3A_700, %swap3A_701], %mul3A_697 {strides = array<i32>} : memref<208x128xf32, #tpu.memory_space<vmem>>, vector<16xf32>,
        %add3A_703 = arith.constant 7 : i32
        %add3A_704 = arith.addi %add3A_61, %add3A_703 : i32
        %broadcast_in_dim3A_705 = vector.broadcast %add3A_704 : i32 to vector<16xi32>
        %gather3A_706 = tpu.vector_load_idx %arg16[%broadcast_in_dim3A_705] : memref<208xf32, #tpu.memory_space<vmem>>[vector<16xi32>], vector<16xf32>,
        %add3A_707 = arith.constant 7 : i32
        %add3A_708 = arith.addi %add3A_61, %add3A_707 : i32
        %get3A_709 = arith.index_cast %add3A_708 : i32 to index
        %get3A_710 = arith.constant 0 : index
        %get3A_711 = tpu.vector_load %arg17[%get3A_709, %get3A_710] {strides = array<i32>} : memref<208x128xf32, #tpu.memory_space<vmem>>, vector<16xf32>,
        %mul3A_712 = arith.mulf %get3A_711, %gather3A_706 : vector<16xf32>
        %add3A_713 = arith.constant 7 : i32
        %add3A_714 = arith.addi %add3A_61, %add3A_713 : i32
        %swap3A_715 = arith.index_cast %add3A_714 : i32 to index
        %swap3A_716 = arith.constant 0 : index
        %swap3A_717 = tpu.vector_load %arg17[%swap3A_715, %swap3A_716] {strides = array<i32>} : memref<208x128xf32, #tpu.memory_space<vmem>>, vector<16xf32>,
        tpu.vector_store %arg17[%swap3A_715, %swap3A_716], %mul3A_712 {strides = array<i32>} : memref<208x128xf32, #tpu.memory_space<vmem>>, vector<16xf32>,
        %add3A_718 = arith.constant 7 : i32
        %add3A_719 = arith.addi %add3A_61, %add3A_718 : i32
        %get3A_720 = arith.index_cast %add3A_719 : i32 to index
        %get3A_721 = arith.constant 16 : index
        %get3A_722 = tpu.vector_load %arg17[%get3A_720, %get3A_721] {strides = array<i32>} : memref<208x128xf32, #tpu.memory_space<vmem>>, vector<16xf32>,
        %mul3A_723 = arith.mulf %get3A_722, %gather3A_706 : vector<16xf32>
        %add3A_724 = arith.constant 7 : i32
        %add3A_725 = arith.addi %add3A_61, %add3A_724 : i32
        %swap3A_726 = arith.index_cast %add3A_725 : i32 to index
        %swap3A_727 = arith.constant 16 : index
        %swap3A_728 = tpu.vector_load %arg17[%swap3A_726, %swap3A_727] {strides = array<i32>} : memref<208x128xf32, #tpu.memory_space<vmem>>, vector<16xf32>,
        tpu.vector_store %arg17[%swap3A_726, %swap3A_727], %mul3A_723 {strides = array<i32>} : memref<208x128xf32, #tpu.memory_space<vmem>>, vector<16xf32>,
        %add3A_729 = arith.constant 7 : i32
        %add3A_730 = arith.addi %add3A_61, %add3A_729 : i32
        %get3A_731 = arith.index_cast %add3A_730 : i32 to index
        %get3A_732 = arith.constant 32 : index
        %get3A_733 = tpu.vector_load %arg17[%get3A_731, %get3A_732] {strides = array<i32>} : memref<208x128xf32, #tpu.memory_space<vmem>>, vector<16xf32>,
        %mul3A_734 = arith.mulf %get3A_733, %gather3A_706 : vector<16xf32>
        %add3A_735 = arith.constant 7 : i32
        %add3A_736 = arith.addi %add3A_61, %add3A_735 : i32
        %swap3A_737 = arith.index_cast %add3A_736 : i32 to index
        %swap3A_738 = arith.constant 32 : index
        %swap3A_739 = tpu.vector_load %arg17[%swap3A_737, %swap3A_738] {strides = array<i32>} : memref<208x128xf32, #tpu.memory_space<vmem>>, vector<16xf32>,
        tpu.vector_store %arg17[%swap3A_737, %swap3A_738], %mul3A_734 {strides = array<i32>} : memref<208x128xf32, #tpu.memory_space<vmem>>, vector<16xf32>,
        %add3A_740 = arith.constant 7 : i32
        %add3A_741 = arith.addi %add3A_61, %add3A_740 : i32
        %get3A_742 = arith.index_cast %add3A_741 : i32 to index
        %get3A_743 = arith.constant 48 : index
        %get3A_744 = tpu.vector_load %arg17[%get3A_742, %get3A_743] {strides = array<i32>} : memref<208x128xf32, #tpu.memory_space<vmem>>, vector<16xf32>,
        %mul3A_745 = arith.mulf %get3A_744, %gather3A_706 : vector<16xf32>
        %add3A_746 = arith.constant 7 : i32
        %add3A_747 = arith.addi %add3A_61, %add3A_746 : i32
        %swap3A_748 = arith.index_cast %add3A_747 : i32 to index
        %swap3A_749 = arith.constant 48 : index
        %swap3A_750 = tpu.vector_load %arg17[%swap3A_748, %swap3A_749] {strides = array<i32>} : memref<208x128xf32, #tpu.memory_space<vmem>>, vector<16xf32>,
        tpu.vector_store %arg17[%swap3A_748, %swap3A_749], %mul3A_745 {strides = array<i32>} : memref<208x128xf32, #tpu.memory_space<vmem>>, vector<16xf32>,
        %add3A_751 = arith.constant 7 : i32
        %add3A_752 = arith.addi %add3A_61, %add3A_751 : i32
        %get3A_753 = arith.index_cast %add3A_752 : i32 to index
        %get3A_754 = arith.constant 64 : index
        %get3A_755 = tpu.vector_load %arg17[%get3A_753, %get3A_754] {strides = array<i32>} : memref<208x128xf32, #tpu.memory_space<vmem>>, vector<16xf32>,
        %mul3A_756 = arith.mulf %get3A_755, %gather3A_706 : vector<16xf32>
        %add3A_757 = arith.constant 7 : i32
        %add3A_758 = arith.addi %add3A_61, %add3A_757 : i32
        %swap3A_759 = arith.index_cast %add3A_758 : i32 to index
        %swap3A_760 = arith.constant 64 : index
        %swap3A_761 = tpu.vector_load %arg17[%swap3A_759, %swap3A_760] {strides = array<i32>} : memref<208x128xf32, #tpu.memory_space<vmem>>, vector<16xf32>,
        tpu.vector_store %arg17[%swap3A_759, %swap3A_760], %mul3A_756 {strides = array<i32>} : memref<208x128xf32, #tpu.memory_space<vmem>>, vector<16xf32>,
        %add3A_762 = arith.constant 7 : i32
        %add3A_763 = arith.addi %add3A_61, %add3A_762 : i32
        %get3A_764 = arith.index_cast %add3A_763 : i32 to index
        %get3A_765 = arith.constant 80 : index
        %get3A_766 = tpu.vector_load %arg17[%get3A_764, %get3A_765] {strides = array<i32>} : memref<208x128xf32, #tpu.memory_space<vmem>>, vector<16xf32>,
        %mul3A_767 = arith.mulf %get3A_766, %gather3A_706 : vector<16xf32>
        %add3A_768 = arith.constant 7 : i32
        %add3A_769 = arith.addi %add3A_61, %add3A_768 : i32
        %swap3A_770 = arith.index_cast %add3A_769 : i32 to index
        %swap3A_771 = arith.constant 80 : index
        %swap3A_772 = tpu.vector_load %arg17[%swap3A_770, %swap3A_771] {strides = array<i32>} : memref<208x128xf32, #tpu.memory_space<vmem>>, vector<16xf32>,
        tpu.vector_store %arg17[%swap3A_770, %swap3A_771], %mul3A_767 {strides = array<i32>} : memref<208x128xf32, #tpu.memory_space<vmem>>, vector<16xf32>,
        %add3A_773 = arith.constant 7 : i32
        %add3A_774 = arith.addi %add3A_61, %add3A_773 : i32
        %get3A_775 = arith.index_cast %add3A_774 : i32 to index
        %get3A_776 = arith.constant 96 : index
        %get3A_777 = tpu.vector_load %arg17[%get3A_775, %get3A_776] {strides = array<i32>} : memref<208x128xf32, #tpu.memory_space<vmem>>, vector<16xf32>,
        %mul3A_778 = arith.mulf %get3A_777, %gather3A_706 : vector<16xf32>
        %add3A_779 = arith.constant 7 : i32
        %add3A_780 = arith.addi %add3A_61, %add3A_779 : i32
        %swap3A_781 = arith.index_cast %add3A_780 : i32 to index
        %swap3A_782 = arith.constant 96 : index
        %swap3A_783 = tpu.vector_load %arg17[%swap3A_781, %swap3A_782] {strides = array<i32>} : memref<208x128xf32, #tpu.memory_space<vmem>>, vector<16xf32>,
        tpu.vector_store %arg17[%swap3A_781, %swap3A_782], %mul3A_778 {strides = array<i32>} : memref<208x128xf32, #tpu.memory_space<vmem>>, vector<16xf32>,
        %add3A_784 = arith.constant 7 : i32
        %add3A_785 = arith.addi %add3A_61, %add3A_784 : i32
        %get3A_786 = arith.index_cast %add3A_785 : i32 to index
        %get3A_787 = arith.constant 112 : index
        %get3A_788 = tpu.vector_load %arg17[%get3A_786, %get3A_787] {strides = array<i32>} : memref<208x128xf32, #tpu.memory_space<vmem>>, vector<16xf32>,
        %mul3A_789 = arith.mulf %get3A_788, %gather3A_706 : vector<16xf32>
        %add3A_790 = arith.constant 7 : i32
        %add3A_791 = arith.addi %add3A_61, %add3A_790 : i32
        %swap3A_792 = arith.index_cast %add3A_791 : i32 to index
        %swap3A_793 = arith.constant 112 : index
        %swap3A_794 = tpu.vector_load %arg17[%swap3A_792, %swap3A_793] {strides = array<i32>} : memref<208x128xf32, #tpu.memory_space<vmem>>, vector<16xf32>,
        tpu.vector_store %arg17[%swap3A_792, %swap3A_793], %mul3A_789 {strides = array<i32>} : memref<208x128xf32, #tpu.memory_space<vmem>>, vector<16xf32>,
      }
      %scan3A_54 = arith.constant 26 : i32
      "tpu.region"() ({
        %run_scoped3A = tpu.sem_alloc : memref<!tpu.dma_semaphore, #tpu.memory_space<semaphore_mem>>
        %dma_start3A_57 = arith.constant 0 : i32
        %dma_start3A_58 = arith.constant 0 : i32
        %dma_start3A_59 = tpu.memref_slice %arg18[%dma_start3A_57, %dma_start3A_58] : memref<10240x128xf32, #tpu.memory_space<vmem_shared>> -> memref<10240x128xf32, #tpu.memory_space<vmem_shared>>
        tpu.enqueue_indirect_dma source(%arg17 : memref<208x128xf32, #tpu.memory_space<vmem>>) target(%dma_start3A_59 : memref<10240x128xf32, #tpu.memory_space<vmem_shared>>) offsets(%arg15 : memref<208xi32, #tpu.memory_space<vmem>>) semaphore(%run_scoped3A : memref<!tpu.dma_semaphore, #tpu.memory_space<semaphore_mem>>) {add = true}
        %dma_wait3A_60 = arith.constant 0 : i32
        %dma_wait3A_61 = arith.constant 0 : i32
        %dma_wait3A_62 = tpu.memref_slice %arg18[%dma_wait3A_60, %dma_wait3A_61] : memref<10240x128xf32, #tpu.memory_space<vmem_shared>> -> memref<10240x128xf32, #tpu.memory_space<vmem_shared>>
        tpu.wait_indirect_dma semaphore(%run_scoped3A : memref<!tpu.dma_semaphore, #tpu.memory_space<semaphore_mem>>) src(%arg17 : memref<208x128xf32, #tpu.memory_space<vmem>>) dst(%dma_wait3A_62 : memref<10240x128xf32, #tpu.memory_space<vmem_shared>>)
        tpu.yield
      }) : () -> ()
      %dma_wait3A_55 = arith.constant 0 : i32
      %dma_wait3A_56 = tpu.memref_slice %arg19[%dma_wait3A_55] : memref<10240xf32, #tpu.memory_space<vmem_shared>> -> memref<10240xf32, #tpu.memory_space<vmem_shared>>
      tpu.wait_indirect_dma semaphore(%arg21 : memref<!tpu.dma_semaphore, #tpu.memory_space<semaphore_mem>>) src(%arg16 : memref<208xf32, #tpu.memory_space<vmem>>) dst(%dma_wait3A_56 : memref<10240xf32, #tpu.memory_space<vmem_shared>>)
    }
    %while3A_20 = arith.constant 1 : i32
    scf.for %while3A_24 = %while3A_18 to %while3A_14 step %while3A_20  : i32 {
      %mul3A_25 = arith.muli %while3A_24, %while3A : i32
      %add3A_26 = arith.addi %add3A, %mul3A_25 : i32
      %mul3A_27 = arith.constant 2 : i32
      %mul3A_28 = arith.muli %add3A_26, %mul3A_27 : i32
      %mul3A_29 = arith.constant 208 : i32
      %mul3A_30 = arith.muli %mul3A_28, %mul3A_29 : i32
      "tpu.region"() ({
        %run_scoped3A = tpu.sem_alloc : memref<!tpu.dma_semaphore, #tpu.memory_space<semaphore_mem>>
        %dma_start3A_57 = tpu.memref_slice %arg2[%mul3A_30] : memref<640640xi32, #tpu.memory_space<hbm>> -> memref<416xi32, #tpu.memory_space<hbm>>
        %dma_start3A_58 = tpu.memref_slice %arg2[%mul3A_30] : memref<640640xi32, #tpu.memory_space<hbm>> -> memref<416xi32, #tpu.memory_space<hbm>>
        tpu.enqueue_dma source(%dma_start3A_58 : memref<416xi32, #tpu.memory_space<hbm>>) target(%arg14 : memref<416xi32, #tpu.memory_space<vmem>>) target_semaphore(%run_scoped3A : memref<!tpu.dma_semaphore, #tpu.memory_space<semaphore_mem>>)
        %dma_wait3A_59 = tpu.memref_slice %arg2[%mul3A_30] : memref<640640xi32, #tpu.memory_space<hbm>> -> memref<416xi32, #tpu.memory_space<hbm>>
        %dma_wait3A_60 = tpu.memref_slice %arg2[%mul3A_30] : memref<640640xi32, #tpu.memory_space<hbm>> -> memref<416xi32, #tpu.memory_space<hbm>>
        tpu.wait_dma2 semaphore(%run_scoped3A : memref<!tpu.dma_semaphore, #tpu.memory_space<semaphore_mem>>) src(%dma_wait3A_60 : memref<416xi32, #tpu.memory_space<hbm>>) dst(%arg14 : memref<416xi32, #tpu.memory_space<vmem>>)
        tpu.yield
      }) : () -> ()
      %scan3A = arith.constant 0 : i32
      %scan3A_31 = arith.constant 13 : i32
      %scan3A_32 = arith.addi %scan3A, %scan3A_31 : i32
      %scan3A_33 = arith.constant 1 : i32
      scf.for %scan3A_57 = %scan3A to %scan3A_32 step %scan3A_33  : i32 {
        %mul3A_58 = arith.constant 16 : i32
        %mul3A_59 = arith.muli %scan3A_57, %mul3A_58 : i32
        %add3A_60 = arith.constant 0 : i32
        %add3A_61 = arith.addi %add3A_60, %mul3A_59 : i32
        %add3A_62 = arith.constant 208 : i32
        %add3A_63 = arith.addi %add3A_62, %add3A_61 : i32
        %get3A_64 = arith.index_cast %add3A_63 : i32 to index
        %get3A_65 = tpu.vector_load %arg14[%get3A_64] {strides = array<i32>} : memref<416xi32, #tpu.memory_space<vmem>>, vector<16xi32>,
        %swap3A = arith.index_cast %add3A_61 : i32 to index
        %swap3A_66 = tpu.vector_load %arg15[%swap3A] {strides = array<i32>} : memref<208xi32, #tpu.memory_space<vmem>>, vector<16xi32>,
        tpu.vector_store %arg15[%swap3A], %get3A_65 {strides = array<i32>} : memref<208xi32, #tpu.memory_space<vmem>>, vector<16xi32>,
      }
      %scan3A_34 = arith.constant 13 : i32
      %dma_start3A = arith.constant 0 : i32
      %dma_start3A_35 = tpu.memref_slice %arg14[%dma_start3A] : memref<416xi32, #tpu.memory_space<vmem>> -> memref<208xi32, #tpu.memory_space<vmem>>
      %dma_start3A_36 = arith.constant 0 : i32
      %dma_start3A_37 = arith.constant 0 : i32
      %dma_start3A_38 = tpu.memref_slice %arg6[%dma_start3A_36, %dma_start3A_37] : memref<10000x128xf32, #tpu.memory_space<hbm>> -> memref<10000x128xf32, #tpu.memory_space<hbm>>
      tpu.enqueue_indirect_dma source(%dma_start3A_38 : memref<10000x128xf32, #tpu.memory_space<hbm>>) target(%arg17 : memref<208x128xf32, #tpu.memory_space<vmem>>) offsets(%dma_start3A_35 : memref<208xi32, #tpu.memory_space<vmem>>) semaphore(%arg20 : memref<!tpu.dma_semaphore, #tpu.memory_space<semaphore_mem>>)
      %scan3A_39 = arith.constant 0 : i32
      %scan3A_40 = arith.constant 13 : i32
      %scan3A_41 = arith.addi %scan3A_39, %scan3A_40 : i32
      %scan3A_42 = arith.constant 1 : i32
      scf.for %scan3A_57 = %scan3A_39 to %scan3A_41 step %scan3A_42  : i32 {
        %mul3A_58 = arith.constant 16 : i32
        %mul3A_59 = arith.muli %scan3A_57, %mul3A_58 : i32
        %add3A_60 = arith.constant 0 : i32
        %add3A_61 = arith.addi %add3A_60, %mul3A_59 : i32
        %get3A_62 = arith.index_cast %add3A_61 : i32 to index
        %get3A_63 = tpu.vector_load %arg14[%get3A_62] {strides = array<i32>} : memref<416xi32, #tpu.memory_space<vmem>>, vector<16xi32>,
        %get3A_64 = arith.index_cast %add3A_61 : i32 to index
        %get3A_65 = tpu.vector_load %arg15[%get3A_64] {strides = array<i32>} : memref<208xi32, #tpu.memory_space<vmem>>, vector<16xi32>,
        %gather3A = tpu.vector_load_idx %arg11[%get3A_63] : memref<10000xf32, #tpu.memory_space<vmem>>[vector<16xi32>], vector<16xf32>,
        %gather3A_66 = tpu.vector_load_idx %arg12[%get3A_65] : memref<10000xf32, #tpu.memory_space<vmem>>[vector<16xi32>], vector<16xf32>,
        %add3A_67 = arith.addf %gather3A, %gather3A_66 : vector<16xf32>
        %ge3A = arith.constant 0.000000e+00 : f32
        %ge3A_68 = vector.broadcast %ge3A : f32 to vector<16xf32>
        %ge3A_69 = arith.cmpf oge, %add3A_67, %ge3A_68 : vector<16xf32>
        %mul3A_70 = arith.constant 2.000000e-01 : f32
        %mul3A_71 = vector.broadcast %mul3A_70 : f32 to vector<16xf32>
        %mul3A_72 = arith.mulf %add3A_67, %mul3A_71 : vector<16xf32>
        %select_n3A = arith.select %ge3A_69, %add3A_67, %mul3A_72 : vector<16xi1>, vector<16xf32>
        %sub3A_73 = arith.subf %select_n3A, %get3A_5 : vector<16xf32>
        %exp3A = math.exp %sub3A_73 : vector<16xf32>
        %swap3A = arith.index_cast %add3A_61 : i32 to index
        %swap3A_74 = tpu.vector_load %arg16[%swap3A] {strides = array<i32>} : memref<208xf32, #tpu.memory_space<vmem>>, vector<16xf32>,
        tpu.vector_store %arg16[%swap3A], %exp3A {strides = array<i32>} : memref<208xf32, #tpu.memory_space<vmem>>, vector<16xf32>,
      }
      %scan3A_43 = arith.constant 13 : i32
      %dma_start3A_44 = arith.constant 0 : i32
      %dma_start3A_45 = tpu.memref_slice %arg19[%dma_start3A_44] : memref<10240xf32, #tpu.memory_space<vmem_shared>> -> memref<10240xf32, #tpu.memory_space<vmem_shared>>
      tpu.enqueue_indirect_dma source(%arg16 : memref<208xf32, #tpu.memory_space<vmem>>) target(%dma_start3A_45 : memref<10240xf32, #tpu.memory_space<vmem_shared>>) offsets(%arg15 : memref<208xi32, #tpu.memory_space<vmem>>) semaphore(%arg21 : memref<!tpu.dma_semaphore, #tpu.memory_space<semaphore_mem>>) {add = true}
      %dma_wait3A = arith.constant 0 : i32
      %dma_wait3A_46 = tpu.memref_slice %arg14[%dma_wait3A] : memref<416xi32, #tpu.memory_space<vmem>> -> memref<208xi32, #tpu.memory_space<vmem>>
      %dma_wait3A_47 = arith.constant 0 : i32
      %dma_wait3A_48 = arith.constant 0 : i32
      %dma_wait3A_49 = tpu.memref_slice %arg6[%dma_wait3A_47, %dma_wait3A_48] : memref<10000x128xf32, #tpu.memory_space<hbm>> -> memref<10000x128xf32, #tpu.memory_space<hbm>>
      tpu.wait_indirect_dma semaphore(%arg20 : memref<!tpu.dma_semaphore, #tpu.memory_space<semaphore_mem>>) src(%dma_wait3A_49 : memref<10000x128xf32, #tpu.memory_space<hbm>>) dst(%arg17 : memref<208x128xf32, #tpu.memory_space<vmem>>)
      %scan3A_50 = arith.constant 0 : i32
      %scan3A_51 = arith.constant 26 : i32
      %scan3A_52 = arith.addi %scan3A_50, %scan3A_51 : i32
      %scan3A_53 = arith.constant 1 : i32
      scf.for %scan3A_57 = %scan3A_50 to %scan3A_52 step %scan3A_53  : i32 {
        %mul3A_58 = arith.constant 8 : i32
        %mul3A_59 = arith.muli %scan3A_57, %mul3A_58 : i32
        %add3A_60 = arith.constant 0 : i32
        %add3A_61 = arith.addi %add3A_60, %mul3A_59 : i32
        %add3A_62 = arith.constant 0 : i32
        %add3A_63 = arith.addi %add3A_61, %add3A_62 : i32
        %broadcast_in_dim3A = vector.broadcast %add3A_63 : i32 to vector<16xi32>
        %gather3A = tpu.vector_load_idx %arg16[%broadcast_in_dim3A] : memref<208xf32, #tpu.memory_space<vmem>>[vector<16xi32>], vector<16xf32>,
        %add3A_64 = arith.constant 0 : i32
        %add3A_65 = arith.addi %add3A_61, %add3A_64 : i32
        %get3A_66 = arith.index_cast %add3A_65 : i32 to index
        %get3A_67 = arith.constant 0 : index
        %get3A_68 = tpu.vector_load %arg17[%get3A_66, %get3A_67] {strides = array<i32>} : memref<208x128xf32, #tpu.memory_space<vmem>>, vector<16xf32>,
        %mul3A_69 = arith.mulf %get3A_68, %gather3A : vector<16xf32>
        %add3A_70 = arith.constant 0 : i32
        %add3A_71 = arith.addi %add3A_61, %add3A_70 : i32
        %swap3A = arith.index_cast %add3A_71 : i32 to index
        %swap3A_72 = arith.constant 0 : index
        %swap3A_73 = tpu.vector_load %arg17[%swap3A, %swap3A_72] {strides = array<i32>} : memref<208x128xf32, #tpu.memory_space<vmem>>, vector<16xf32>,
        tpu.vector_store %arg17[%swap3A, %swap3A_72], %mul3A_69 {strides = array<i32>} : memref<208x128xf32, #tpu.memory_space<vmem>>, vector<16xf32>,
        %add3A_74 = arith.constant 0 : i32
        %add3A_75 = arith.addi %add3A_61, %add3A_74 : i32
        %get3A_76 = arith.index_cast %add3A_75 : i32 to index
        %get3A_77 = arith.constant 16 : index
        %get3A_78 = tpu.vector_load %arg17[%get3A_76, %get3A_77] {strides = array<i32>} : memref<208x128xf32, #tpu.memory_space<vmem>>, vector<16xf32>,
        %mul3A_79 = arith.mulf %get3A_78, %gather3A : vector<16xf32>
        %add3A_80 = arith.constant 0 : i32
        %add3A_81 = arith.addi %add3A_61, %add3A_80 : i32
        %swap3A_82 = arith.index_cast %add3A_81 : i32 to index
        %swap3A_83 = arith.constant 16 : index
        %swap3A_84 = tpu.vector_load %arg17[%swap3A_82, %swap3A_83] {strides = array<i32>} : memref<208x128xf32, #tpu.memory_space<vmem>>, vector<16xf32>,
        tpu.vector_store %arg17[%swap3A_82, %swap3A_83], %mul3A_79 {strides = array<i32>} : memref<208x128xf32, #tpu.memory_space<vmem>>, vector<16xf32>,
        %add3A_85 = arith.constant 0 : i32
        %add3A_86 = arith.addi %add3A_61, %add3A_85 : i32
        %get3A_87 = arith.index_cast %add3A_86 : i32 to index
        %get3A_88 = arith.constant 32 : index
        %get3A_89 = tpu.vector_load %arg17[%get3A_87, %get3A_88] {strides = array<i32>} : memref<208x128xf32, #tpu.memory_space<vmem>>, vector<16xf32>,
        %mul3A_90 = arith.mulf %get3A_89, %gather3A : vector<16xf32>
        %add3A_91 = arith.constant 0 : i32
        %add3A_92 = arith.addi %add3A_61, %add3A_91 : i32
        %swap3A_93 = arith.index_cast %add3A_92 : i32 to index
        %swap3A_94 = arith.constant 32 : index
        %swap3A_95 = tpu.vector_load %arg17[%swap3A_93, %swap3A_94] {strides = array<i32>} : memref<208x128xf32, #tpu.memory_space<vmem>>, vector<16xf32>,
        tpu.vector_store %arg17[%swap3A_93, %swap3A_94], %mul3A_90 {strides = array<i32>} : memref<208x128xf32, #tpu.memory_space<vmem>>, vector<16xf32>,
        %add3A_96 = arith.constant 0 : i32
        %add3A_97 = arith.addi %add3A_61, %add3A_96 : i32
        %get3A_98 = arith.index_cast %add3A_97 : i32 to index
        %get3A_99 = arith.constant 48 : index
        %get3A_100 = tpu.vector_load %arg17[%get3A_98, %get3A_99] {strides = array<i32>} : memref<208x128xf32, #tpu.memory_space<vmem>>, vector<16xf32>,
        %mul3A_101 = arith.mulf %get3A_100, %gather3A : vector<16xf32>
        %add3A_102 = arith.constant 0 : i32
        %add3A_103 = arith.addi %add3A_61, %add3A_102 : i32
        %swap3A_104 = arith.index_cast %add3A_103 : i32 to index
        %swap3A_105 = arith.constant 48 : index
        %swap3A_106 = tpu.vector_load %arg17[%swap3A_104, %swap3A_105] {strides = array<i32>} : memref<208x128xf32, #tpu.memory_space<vmem>>, vector<16xf32>,
        tpu.vector_store %arg17[%swap3A_104, %swap3A_105], %mul3A_101 {strides = array<i32>} : memref<208x128xf32, #tpu.memory_space<vmem>>, vector<16xf32>,
        %add3A_107 = arith.constant 0 : i32
        %add3A_108 = arith.addi %add3A_61, %add3A_107 : i32
        %get3A_109 = arith.index_cast %add3A_108 : i32 to index
        %get3A_110 = arith.constant 64 : index
        %get3A_111 = tpu.vector_load %arg17[%get3A_109, %get3A_110] {strides = array<i32>} : memref<208x128xf32, #tpu.memory_space<vmem>>, vector<16xf32>,
        %mul3A_112 = arith.mulf %get3A_111, %gather3A : vector<16xf32>
        %add3A_113 = arith.constant 0 : i32
        %add3A_114 = arith.addi %add3A_61, %add3A_113 : i32
        %swap3A_115 = arith.index_cast %add3A_114 : i32 to index
        %swap3A_116 = arith.constant 64 : index
        %swap3A_117 = tpu.vector_load %arg17[%swap3A_115, %swap3A_116] {strides = array<i32>} : memref<208x128xf32, #tpu.memory_space<vmem>>, vector<16xf32>,
        tpu.vector_store %arg17[%swap3A_115, %swap3A_116], %mul3A_112 {strides = array<i32>} : memref<208x128xf32, #tpu.memory_space<vmem>>, vector<16xf32>,
        %add3A_118 = arith.constant 0 : i32
        %add3A_119 = arith.addi %add3A_61, %add3A_118 : i32
        %get3A_120 = arith.index_cast %add3A_119 : i32 to index
        %get3A_121 = arith.constant 80 : index
        %get3A_122 = tpu.vector_load %arg17[%get3A_120, %get3A_121] {strides = array<i32>} : memref<208x128xf32, #tpu.memory_space<vmem>>, vector<16xf32>,
        %mul3A_123 = arith.mulf %get3A_122, %gather3A : vector<16xf32>
        %add3A_124 = arith.constant 0 : i32
        %add3A_125 = arith.addi %add3A_61, %add3A_124 : i32
        %swap3A_126 = arith.index_cast %add3A_125 : i32 to index
        %swap3A_127 = arith.constant 80 : index
        %swap3A_128 = tpu.vector_load %arg17[%swap3A_126, %swap3A_127] {strides = array<i32>} : memref<208x128xf32, #tpu.memory_space<vmem>>, vector<16xf32>,
        tpu.vector_store %arg17[%swap3A_126, %swap3A_127], %mul3A_123 {strides = array<i32>} : memref<208x128xf32, #tpu.memory_space<vmem>>, vector<16xf32>,
        %add3A_129 = arith.constant 0 : i32
        %add3A_130 = arith.addi %add3A_61, %add3A_129 : i32
        %get3A_131 = arith.index_cast %add3A_130 : i32 to index
        %get3A_132 = arith.constant 96 : index
        %get3A_133 = tpu.vector_load %arg17[%get3A_131, %get3A_132] {strides = array<i32>} : memref<208x128xf32, #tpu.memory_space<vmem>>, vector<16xf32>,
        %mul3A_134 = arith.mulf %get3A_133, %gather3A : vector<16xf32>
        %add3A_135 = arith.constant 0 : i32
        %add3A_136 = arith.addi %add3A_61, %add3A_135 : i32
        %swap3A_137 = arith.index_cast %add3A_136 : i32 to index
        %swap3A_138 = arith.constant 96 : index
        %swap3A_139 = tpu.vector_load %arg17[%swap3A_137, %swap3A_138] {strides = array<i32>} : memref<208x128xf32, #tpu.memory_space<vmem>>, vector<16xf32>,
        tpu.vector_store %arg17[%swap3A_137, %swap3A_138], %mul3A_134 {strides = array<i32>} : memref<208x128xf32, #tpu.memory_space<vmem>>, vector<16xf32>,
        %add3A_140 = arith.constant 0 : i32
        %add3A_141 = arith.addi %add3A_61, %add3A_140 : i32
        %get3A_142 = arith.index_cast %add3A_141 : i32 to index
        %get3A_143 = arith.constant 112 : index
        %get3A_144 = tpu.vector_load %arg17[%get3A_142, %get3A_143] {strides = array<i32>} : memref<208x128xf32, #tpu.memory_space<vmem>>, vector<16xf32>,
        %mul3A_145 = arith.mulf %get3A_144, %gather3A : vector<16xf32>
        %add3A_146 = arith.constant 0 : i32
        %add3A_147 = arith.addi %add3A_61, %add3A_146 : i32
        %swap3A_148 = arith.index_cast %add3A_147 : i32 to index
        %swap3A_149 = arith.constant 112 : index
        %swap3A_150 = tpu.vector_load %arg17[%swap3A_148, %swap3A_149] {strides = array<i32>} : memref<208x128xf32, #tpu.memory_space<vmem>>, vector<16xf32>,
        tpu.vector_store %arg17[%swap3A_148, %swap3A_149], %mul3A_145 {strides = array<i32>} : memref<208x128xf32, #tpu.memory_space<vmem>>, vector<16xf32>,
        %add3A_151 = arith.constant 1 : i32
        %add3A_152 = arith.addi %add3A_61, %add3A_151 : i32
        %broadcast_in_dim3A_153 = vector.broadcast %add3A_152 : i32 to vector<16xi32>
        %gather3A_154 = tpu.vector_load_idx %arg16[%broadcast_in_dim3A_153] : memref<208xf32, #tpu.memory_space<vmem>>[vector<16xi32>], vector<16xf32>,
        %add3A_155 = arith.constant 1 : i32
        %add3A_156 = arith.addi %add3A_61, %add3A_155 : i32
        %get3A_157 = arith.index_cast %add3A_156 : i32 to index
        %get3A_158 = arith.constant 0 : index
        %get3A_159 = tpu.vector_load %arg17[%get3A_157, %get3A_158] {strides = array<i32>} : memref<208x128xf32, #tpu.memory_space<vmem>>, vector<16xf32>,
        %mul3A_160 = arith.mulf %get3A_159, %gather3A_154 : vector<16xf32>
        %add3A_161 = arith.constant 1 : i32
        %add3A_162 = arith.addi %add3A_61, %add3A_161 : i32
        %swap3A_163 = arith.index_cast %add3A_162 : i32 to index
        %swap3A_164 = arith.constant 0 : index
        %swap3A_165 = tpu.vector_load %arg17[%swap3A_163, %swap3A_164] {strides = array<i32>} : memref<208x128xf32, #tpu.memory_space<vmem>>, vector<16xf32>,
        tpu.vector_store %arg17[%swap3A_163, %swap3A_164], %mul3A_160 {strides = array<i32>} : memref<208x128xf32, #tpu.memory_space<vmem>>, vector<16xf32>,
        %add3A_166 = arith.constant 1 : i32
        %add3A_167 = arith.addi %add3A_61, %add3A_166 : i32
        %get3A_168 = arith.index_cast %add3A_167 : i32 to index
        %get3A_169 = arith.constant 16 : index
        %get3A_170 = tpu.vector_load %arg17[%get3A_168, %get3A_169] {strides = array<i32>} : memref<208x128xf32, #tpu.memory_space<vmem>>, vector<16xf32>,
        %mul3A_171 = arith.mulf %get3A_170, %gather3A_154 : vector<16xf32>
        %add3A_172 = arith.constant 1 : i32
        %add3A_173 = arith.addi %add3A_61, %add3A_172 : i32
        %swap3A_174 = arith.index_cast %add3A_173 : i32 to index
        %swap3A_175 = arith.constant 16 : index
        %swap3A_176 = tpu.vector_load %arg17[%swap3A_174, %swap3A_175] {strides = array<i32>} : memref<208x128xf32, #tpu.memory_space<vmem>>, vector<16xf32>,
        tpu.vector_store %arg17[%swap3A_174, %swap3A_175], %mul3A_171 {strides = array<i32>} : memref<208x128xf32, #tpu.memory_space<vmem>>, vector<16xf32>,
        %add3A_177 = arith.constant 1 : i32
        %add3A_178 = arith.addi %add3A_61, %add3A_177 : i32
        %get3A_179 = arith.index_cast %add3A_178 : i32 to index
        %get3A_180 = arith.constant 32 : index
        %get3A_181 = tpu.vector_load %arg17[%get3A_179, %get3A_180] {strides = array<i32>} : memref<208x128xf32, #tpu.memory_space<vmem>>, vector<16xf32>,
        %mul3A_182 = arith.mulf %get3A_181, %gather3A_154 : vector<16xf32>
        %add3A_183 = arith.constant 1 : i32
        %add3A_184 = arith.addi %add3A_61, %add3A_183 : i32
        %swap3A_185 = arith.index_cast %add3A_184 : i32 to index
        %swap3A_186 = arith.constant 32 : index
        %swap3A_187 = tpu.vector_load %arg17[%swap3A_185, %swap3A_186] {strides = array<i32>} : memref<208x128xf32, #tpu.memory_space<vmem>>, vector<16xf32>,
        tpu.vector_store %arg17[%swap3A_185, %swap3A_186], %mul3A_182 {strides = array<i32>} : memref<208x128xf32, #tpu.memory_space<vmem>>, vector<16xf32>,
        %add3A_188 = arith.constant 1 : i32
        %add3A_189 = arith.addi %add3A_61, %add3A_188 : i32
        %get3A_190 = arith.index_cast %add3A_189 : i32 to index
        %get3A_191 = arith.constant 48 : index
        %get3A_192 = tpu.vector_load %arg17[%get3A_190, %get3A_191] {strides = array<i32>} : memref<208x128xf32, #tpu.memory_space<vmem>>, vector<16xf32>,
        %mul3A_193 = arith.mulf %get3A_192, %gather3A_154 : vector<16xf32>
        %add3A_194 = arith.constant 1 : i32
        %add3A_195 = arith.addi %add3A_61, %add3A_194 : i32
        %swap3A_196 = arith.index_cast %add3A_195 : i32 to index
        %swap3A_197 = arith.constant 48 : index
        %swap3A_198 = tpu.vector_load %arg17[%swap3A_196, %swap3A_197] {strides = array<i32>} : memref<208x128xf32, #tpu.memory_space<vmem>>, vector<16xf32>,
        tpu.vector_store %arg17[%swap3A_196, %swap3A_197], %mul3A_193 {strides = array<i32>} : memref<208x128xf32, #tpu.memory_space<vmem>>, vector<16xf32>,
        %add3A_199 = arith.constant 1 : i32
        %add3A_200 = arith.addi %add3A_61, %add3A_199 : i32
        %get3A_201 = arith.index_cast %add3A_200 : i32 to index
        %get3A_202 = arith.constant 64 : index
        %get3A_203 = tpu.vector_load %arg17[%get3A_201, %get3A_202] {strides = array<i32>} : memref<208x128xf32, #tpu.memory_space<vmem>>, vector<16xf32>,
        %mul3A_204 = arith.mulf %get3A_203, %gather3A_154 : vector<16xf32>
        %add3A_205 = arith.constant 1 : i32
        %add3A_206 = arith.addi %add3A_61, %add3A_205 : i32
        %swap3A_207 = arith.index_cast %add3A_206 : i32 to index
        %swap3A_208 = arith.constant 64 : index
        %swap3A_209 = tpu.vector_load %arg17[%swap3A_207, %swap3A_208] {strides = array<i32>} : memref<208x128xf32, #tpu.memory_space<vmem>>, vector<16xf32>,
        tpu.vector_store %arg17[%swap3A_207, %swap3A_208], %mul3A_204 {strides = array<i32>} : memref<208x128xf32, #tpu.memory_space<vmem>>, vector<16xf32>,
        %add3A_210 = arith.constant 1 : i32
        %add3A_211 = arith.addi %add3A_61, %add3A_210 : i32
        %get3A_212 = arith.index_cast %add3A_211 : i32 to index
        %get3A_213 = arith.constant 80 : index
        %get3A_214 = tpu.vector_load %arg17[%get3A_212, %get3A_213] {strides = array<i32>} : memref<208x128xf32, #tpu.memory_space<vmem>>, vector<16xf32>,
        %mul3A_215 = arith.mulf %get3A_214, %gather3A_154 : vector<16xf32>
        %add3A_216 = arith.constant 1 : i32
        %add3A_217 = arith.addi %add3A_61, %add3A_216 : i32
        %swap3A_218 = arith.index_cast %add3A_217 : i32 to index
        %swap3A_219 = arith.constant 80 : index
        %swap3A_220 = tpu.vector_load %arg17[%swap3A_218, %swap3A_219] {strides = array<i32>} : memref<208x128xf32, #tpu.memory_space<vmem>>, vector<16xf32>,
        tpu.vector_store %arg17[%swap3A_218, %swap3A_219], %mul3A_215 {strides = array<i32>} : memref<208x128xf32, #tpu.memory_space<vmem>>, vector<16xf32>,
        %add3A_221 = arith.constant 1 : i32
        %add3A_222 = arith.addi %add3A_61, %add3A_221 : i32
        %get3A_223 = arith.index_cast %add3A_222 : i32 to index
        %get3A_224 = arith.constant 96 : index
        %get3A_225 = tpu.vector_load %arg17[%get3A_223, %get3A_224] {strides = array<i32>} : memref<208x128xf32, #tpu.memory_space<vmem>>, vector<16xf32>,
        %mul3A_226 = arith.mulf %get3A_225, %gather3A_154 : vector<16xf32>
        %add3A_227 = arith.constant 1 : i32
        %add3A_228 = arith.addi %add3A_61, %add3A_227 : i32
        %swap3A_229 = arith.index_cast %add3A_228 : i32 to index
        %swap3A_230 = arith.constant 96 : index
        %swap3A_231 = tpu.vector_load %arg17[%swap3A_229, %swap3A_230] {strides = array<i32>} : memref<208x128xf32, #tpu.memory_space<vmem>>, vector<16xf32>,
        tpu.vector_store %arg17[%swap3A_229, %swap3A_230], %mul3A_226 {strides = array<i32>} : memref<208x128xf32, #tpu.memory_space<vmem>>, vector<16xf32>,
        %add3A_232 = arith.constant 1 : i32
        %add3A_233 = arith.addi %add3A_61, %add3A_232 : i32
        %get3A_234 = arith.index_cast %add3A_233 : i32 to index
        %get3A_235 = arith.constant 112 : index
        %get3A_236 = tpu.vector_load %arg17[%get3A_234, %get3A_235] {strides = array<i32>} : memref<208x128xf32, #tpu.memory_space<vmem>>, vector<16xf32>,
        %mul3A_237 = arith.mulf %get3A_236, %gather3A_154 : vector<16xf32>
        %add3A_238 = arith.constant 1 : i32
        %add3A_239 = arith.addi %add3A_61, %add3A_238 : i32
        %swap3A_240 = arith.index_cast %add3A_239 : i32 to index
        %swap3A_241 = arith.constant 112 : index
        %swap3A_242 = tpu.vector_load %arg17[%swap3A_240, %swap3A_241] {strides = array<i32>} : memref<208x128xf32, #tpu.memory_space<vmem>>, vector<16xf32>,
        tpu.vector_store %arg17[%swap3A_240, %swap3A_241], %mul3A_237 {strides = array<i32>} : memref<208x128xf32, #tpu.memory_space<vmem>>, vector<16xf32>,
        %add3A_243 = arith.constant 2 : i32
        %add3A_244 = arith.addi %add3A_61, %add3A_243 : i32
        %broadcast_in_dim3A_245 = vector.broadcast %add3A_244 : i32 to vector<16xi32>
        %gather3A_246 = tpu.vector_load_idx %arg16[%broadcast_in_dim3A_245] : memref<208xf32, #tpu.memory_space<vmem>>[vector<16xi32>], vector<16xf32>,
        %add3A_247 = arith.constant 2 : i32
        %add3A_248 = arith.addi %add3A_61, %add3A_247 : i32
        %get3A_249 = arith.index_cast %add3A_248 : i32 to index
        %get3A_250 = arith.constant 0 : index
        %get3A_251 = tpu.vector_load %arg17[%get3A_249, %get3A_250] {strides = array<i32>} : memref<208x128xf32, #tpu.memory_space<vmem>>, vector<16xf32>,
        %mul3A_252 = arith.mulf %get3A_251, %gather3A_246 : vector<16xf32>
        %add3A_253 = arith.constant 2 : i32
        %add3A_254 = arith.addi %add3A_61, %add3A_253 : i32
        %swap3A_255 = arith.index_cast %add3A_254 : i32 to index
        %swap3A_256 = arith.constant 0 : index
        %swap3A_257 = tpu.vector_load %arg17[%swap3A_255, %swap3A_256] {strides = array<i32>} : memref<208x128xf32, #tpu.memory_space<vmem>>, vector<16xf32>,
        tpu.vector_store %arg17[%swap3A_255, %swap3A_256], %mul3A_252 {strides = array<i32>} : memref<208x128xf32, #tpu.memory_space<vmem>>, vector<16xf32>,
        %add3A_258 = arith.constant 2 : i32
        %add3A_259 = arith.addi %add3A_61, %add3A_258 : i32
        %get3A_260 = arith.index_cast %add3A_259 : i32 to index
        %get3A_261 = arith.constant 16 : index
        %get3A_262 = tpu.vector_load %arg17[%get3A_260, %get3A_261] {strides = array<i32>} : memref<208x128xf32, #tpu.memory_space<vmem>>, vector<16xf32>,
        %mul3A_263 = arith.mulf %get3A_262, %gather3A_246 : vector<16xf32>
        %add3A_264 = arith.constant 2 : i32
        %add3A_265 = arith.addi %add3A_61, %add3A_264 : i32
        %swap3A_266 = arith.index_cast %add3A_265 : i32 to index
        %swap3A_267 = arith.constant 16 : index
        %swap3A_268 = tpu.vector_load %arg17[%swap3A_266, %swap3A_267] {strides = array<i32>} : memref<208x128xf32, #tpu.memory_space<vmem>>, vector<16xf32>,
        tpu.vector_store %arg17[%swap3A_266, %swap3A_267], %mul3A_263 {strides = array<i32>} : memref<208x128xf32, #tpu.memory_space<vmem>>, vector<16xf32>,
        %add3A_269 = arith.constant 2 : i32
        %add3A_270 = arith.addi %add3A_61, %add3A_269 : i32
        %get3A_271 = arith.index_cast %add3A_270 : i32 to index
        %get3A_272 = arith.constant 32 : index
        %get3A_273 = tpu.vector_load %arg17[%get3A_271, %get3A_272] {strides = array<i32>} : memref<208x128xf32, #tpu.memory_space<vmem>>, vector<16xf32>,
        %mul3A_274 = arith.mulf %get3A_273, %gather3A_246 : vector<16xf32>
        %add3A_275 = arith.constant 2 : i32
        %add3A_276 = arith.addi %add3A_61, %add3A_275 : i32
        %swap3A_277 = arith.index_cast %add3A_276 : i32 to index
        %swap3A_278 = arith.constant 32 : index
        %swap3A_279 = tpu.vector_load %arg17[%swap3A_277, %swap3A_278] {strides = array<i32>} : memref<208x128xf32, #tpu.memory_space<vmem>>, vector<16xf32>,
        tpu.vector_store %arg17[%swap3A_277, %swap3A_278], %mul3A_274 {strides = array<i32>} : memref<208x128xf32, #tpu.memory_space<vmem>>, vector<16xf32>,
        %add3A_280 = arith.constant 2 : i32
        %add3A_281 = arith.addi %add3A_61, %add3A_280 : i32
        %get3A_282 = arith.index_cast %add3A_281 : i32 to index
        %get3A_283 = arith.constant 48 : index
        %get3A_284 = tpu.vector_load %arg17[%get3A_282, %get3A_283] {strides = array<i32>} : memref<208x128xf32, #tpu.memory_space<vmem>>, vector<16xf32>,
        %mul3A_285 = arith.mulf %get3A_284, %gather3A_246 : vector<16xf32>
        %add3A_286 = arith.constant 2 : i32
        %add3A_287 = arith.addi %add3A_61, %add3A_286 : i32
        %swap3A_288 = arith.index_cast %add3A_287 : i32 to index
        %swap3A_289 = arith.constant 48 : index
        %swap3A_290 = tpu.vector_load %arg17[%swap3A_288, %swap3A_289] {strides = array<i32>} : memref<208x128xf32, #tpu.memory_space<vmem>>, vector<16xf32>,
        tpu.vector_store %arg17[%swap3A_288, %swap3A_289], %mul3A_285 {strides = array<i32>} : memref<208x128xf32, #tpu.memory_space<vmem>>, vector<16xf32>,
        %add3A_291 = arith.constant 2 : i32
        %add3A_292 = arith.addi %add3A_61, %add3A_291 : i32
        %get3A_293 = arith.index_cast %add3A_292 : i32 to index
        %get3A_294 = arith.constant 64 : index
        %get3A_295 = tpu.vector_load %arg17[%get3A_293, %get3A_294] {strides = array<i32>} : memref<208x128xf32, #tpu.memory_space<vmem>>, vector<16xf32>,
        %mul3A_296 = arith.mulf %get3A_295, %gather3A_246 : vector<16xf32>
        %add3A_297 = arith.constant 2 : i32
        %add3A_298 = arith.addi %add3A_61, %add3A_297 : i32
        %swap3A_299 = arith.index_cast %add3A_298 : i32 to index
        %swap3A_300 = arith.constant 64 : index
        %swap3A_301 = tpu.vector_load %arg17[%swap3A_299, %swap3A_300] {strides = array<i32>} : memref<208x128xf32, #tpu.memory_space<vmem>>, vector<16xf32>,
        tpu.vector_store %arg17[%swap3A_299, %swap3A_300], %mul3A_296 {strides = array<i32>} : memref<208x128xf32, #tpu.memory_space<vmem>>, vector<16xf32>,
        %add3A_302 = arith.constant 2 : i32
        %add3A_303 = arith.addi %add3A_61, %add3A_302 : i32
        %get3A_304 = arith.index_cast %add3A_303 : i32 to index
        %get3A_305 = arith.constant 80 : index
        %get3A_306 = tpu.vector_load %arg17[%get3A_304, %get3A_305] {strides = array<i32>} : memref<208x128xf32, #tpu.memory_space<vmem>>, vector<16xf32>,
        %mul3A_307 = arith.mulf %get3A_306, %gather3A_246 : vector<16xf32>
        %add3A_308 = arith.constant 2 : i32
        %add3A_309 = arith.addi %add3A_61, %add3A_308 : i32
        %swap3A_310 = arith.index_cast %add3A_309 : i32 to index
        %swap3A_311 = arith.constant 80 : index
        %swap3A_312 = tpu.vector_load %arg17[%swap3A_310, %swap3A_311] {strides = array<i32>} : memref<208x128xf32, #tpu.memory_space<vmem>>, vector<16xf32>,
        tpu.vector_store %arg17[%swap3A_310, %swap3A_311], %mul3A_307 {strides = array<i32>} : memref<208x128xf32, #tpu.memory_space<vmem>>, vector<16xf32>,
        %add3A_313 = arith.constant 2 : i32
        %add3A_314 = arith.addi %add3A_61, %add3A_313 : i32
        %get3A_315 = arith.index_cast %add3A_314 : i32 to index
        %get3A_316 = arith.constant 96 : index
        %get3A_317 = tpu.vector_load %arg17[%get3A_315, %get3A_316] {strides = array<i32>} : memref<208x128xf32, #tpu.memory_space<vmem>>, vector<16xf32>,
        %mul3A_318 = arith.mulf %get3A_317, %gather3A_246 : vector<16xf32>
        %add3A_319 = arith.constant 2 : i32
        %add3A_320 = arith.addi %add3A_61, %add3A_319 : i32
        %swap3A_321 = arith.index_cast %add3A_320 : i32 to index
        %swap3A_322 = arith.constant 96 : index
        %swap3A_323 = tpu.vector_load %arg17[%swap3A_321, %swap3A_322] {strides = array<i32>} : memref<208x128xf32, #tpu.memory_space<vmem>>, vector<16xf32>,
        tpu.vector_store %arg17[%swap3A_321, %swap3A_322], %mul3A_318 {strides = array<i32>} : memref<208x128xf32, #tpu.memory_space<vmem>>, vector<16xf32>,
        %add3A_324 = arith.constant 2 : i32
        %add3A_325 = arith.addi %add3A_61, %add3A_324 : i32
        %get3A_326 = arith.index_cast %add3A_325 : i32 to index
        %get3A_327 = arith.constant 112 : index
        %get3A_328 = tpu.vector_load %arg17[%get3A_326, %get3A_327] {strides = array<i32>} : memref<208x128xf32, #tpu.memory_space<vmem>>, vector<16xf32>,
        %mul3A_329 = arith.mulf %get3A_328, %gather3A_246 : vector<16xf32>
        %add3A_330 = arith.constant 2 : i32
        %add3A_331 = arith.addi %add3A_61, %add3A_330 : i32
        %swap3A_332 = arith.index_cast %add3A_331 : i32 to index
        %swap3A_333 = arith.constant 112 : index
        %swap3A_334 = tpu.vector_load %arg17[%swap3A_332, %swap3A_333] {strides = array<i32>} : memref<208x128xf32, #tpu.memory_space<vmem>>, vector<16xf32>,
        tpu.vector_store %arg17[%swap3A_332, %swap3A_333], %mul3A_329 {strides = array<i32>} : memref<208x128xf32, #tpu.memory_space<vmem>>, vector<16xf32>,
        %add3A_335 = arith.constant 3 : i32
        %add3A_336 = arith.addi %add3A_61, %add3A_335 : i32
        %broadcast_in_dim3A_337 = vector.broadcast %add3A_336 : i32 to vector<16xi32>
        %gather3A_338 = tpu.vector_load_idx %arg16[%broadcast_in_dim3A_337] : memref<208xf32, #tpu.memory_space<vmem>>[vector<16xi32>], vector<16xf32>,
        %add3A_339 = arith.constant 3 : i32
        %add3A_340 = arith.addi %add3A_61, %add3A_339 : i32
        %get3A_341 = arith.index_cast %add3A_340 : i32 to index
        %get3A_342 = arith.constant 0 : index
        %get3A_343 = tpu.vector_load %arg17[%get3A_341, %get3A_342] {strides = array<i32>} : memref<208x128xf32, #tpu.memory_space<vmem>>, vector<16xf32>,
        %mul3A_344 = arith.mulf %get3A_343, %gather3A_338 : vector<16xf32>
        %add3A_345 = arith.constant 3 : i32
        %add3A_346 = arith.addi %add3A_61, %add3A_345 : i32
        %swap3A_347 = arith.index_cast %add3A_346 : i32 to index
        %swap3A_348 = arith.constant 0 : index
        %swap3A_349 = tpu.vector_load %arg17[%swap3A_347, %swap3A_348] {strides = array<i32>} : memref<208x128xf32, #tpu.memory_space<vmem>>, vector<16xf32>,
        tpu.vector_store %arg17[%swap3A_347, %swap3A_348], %mul3A_344 {strides = array<i32>} : memref<208x128xf32, #tpu.memory_space<vmem>>, vector<16xf32>,
        %add3A_350 = arith.constant 3 : i32
        %add3A_351 = arith.addi %add3A_61, %add3A_350 : i32
        %get3A_352 = arith.index_cast %add3A_351 : i32 to index
        %get3A_353 = arith.constant 16 : index
        %get3A_354 = tpu.vector_load %arg17[%get3A_352, %get3A_353] {strides = array<i32>} : memref<208x128xf32, #tpu.memory_space<vmem>>, vector<16xf32>,
        %mul3A_355 = arith.mulf %get3A_354, %gather3A_338 : vector<16xf32>
        %add3A_356 = arith.constant 3 : i32
        %add3A_357 = arith.addi %add3A_61, %add3A_356 : i32
        %swap3A_358 = arith.index_cast %add3A_357 : i32 to index
        %swap3A_359 = arith.constant 16 : index
        %swap3A_360 = tpu.vector_load %arg17[%swap3A_358, %swap3A_359] {strides = array<i32>} : memref<208x128xf32, #tpu.memory_space<vmem>>, vector<16xf32>,
        tpu.vector_store %arg17[%swap3A_358, %swap3A_359], %mul3A_355 {strides = array<i32>} : memref<208x128xf32, #tpu.memory_space<vmem>>, vector<16xf32>,
        %add3A_361 = arith.constant 3 : i32
        %add3A_362 = arith.addi %add3A_61, %add3A_361 : i32
        %get3A_363 = arith.index_cast %add3A_362 : i32 to index
        %get3A_364 = arith.constant 32 : index
        %get3A_365 = tpu.vector_load %arg17[%get3A_363, %get3A_364] {strides = array<i32>} : memref<208x128xf32, #tpu.memory_space<vmem>>, vector<16xf32>,
        %mul3A_366 = arith.mulf %get3A_365, %gather3A_338 : vector<16xf32>
        %add3A_367 = arith.constant 3 : i32
        %add3A_368 = arith.addi %add3A_61, %add3A_367 : i32
        %swap3A_369 = arith.index_cast %add3A_368 : i32 to index
        %swap3A_370 = arith.constant 32 : index
        %swap3A_371 = tpu.vector_load %arg17[%swap3A_369, %swap3A_370] {strides = array<i32>} : memref<208x128xf32, #tpu.memory_space<vmem>>, vector<16xf32>,
        tpu.vector_store %arg17[%swap3A_369, %swap3A_370], %mul3A_366 {strides = array<i32>} : memref<208x128xf32, #tpu.memory_space<vmem>>, vector<16xf32>,
        %add3A_372 = arith.constant 3 : i32
        %add3A_373 = arith.addi %add3A_61, %add3A_372 : i32
        %get3A_374 = arith.index_cast %add3A_373 : i32 to index
        %get3A_375 = arith.constant 48 : index
        %get3A_376 = tpu.vector_load %arg17[%get3A_374, %get3A_375] {strides = array<i32>} : memref<208x128xf32, #tpu.memory_space<vmem>>, vector<16xf32>,
        %mul3A_377 = arith.mulf %get3A_376, %gather3A_338 : vector<16xf32>
        %add3A_378 = arith.constant 3 : i32
        %add3A_379 = arith.addi %add3A_61, %add3A_378 : i32
        %swap3A_380 = arith.index_cast %add3A_379 : i32 to index
        %swap3A_381 = arith.constant 48 : index
        %swap3A_382 = tpu.vector_load %arg17[%swap3A_380, %swap3A_381] {strides = array<i32>} : memref<208x128xf32, #tpu.memory_space<vmem>>, vector<16xf32>,
        tpu.vector_store %arg17[%swap3A_380, %swap3A_381], %mul3A_377 {strides = array<i32>} : memref<208x128xf32, #tpu.memory_space<vmem>>, vector<16xf32>,
        %add3A_383 = arith.constant 3 : i32
        %add3A_384 = arith.addi %add3A_61, %add3A_383 : i32
        %get3A_385 = arith.index_cast %add3A_384 : i32 to index
        %get3A_386 = arith.constant 64 : index
        %get3A_387 = tpu.vector_load %arg17[%get3A_385, %get3A_386] {strides = array<i32>} : memref<208x128xf32, #tpu.memory_space<vmem>>, vector<16xf32>,
        %mul3A_388 = arith.mulf %get3A_387, %gather3A_338 : vector<16xf32>
        %add3A_389 = arith.constant 3 : i32
        %add3A_390 = arith.addi %add3A_61, %add3A_389 : i32
        %swap3A_391 = arith.index_cast %add3A_390 : i32 to index
        %swap3A_392 = arith.constant 64 : index
        %swap3A_393 = tpu.vector_load %arg17[%swap3A_391, %swap3A_392] {strides = array<i32>} : memref<208x128xf32, #tpu.memory_space<vmem>>, vector<16xf32>,
        tpu.vector_store %arg17[%swap3A_391, %swap3A_392], %mul3A_388 {strides = array<i32>} : memref<208x128xf32, #tpu.memory_space<vmem>>, vector<16xf32>,
        %add3A_394 = arith.constant 3 : i32
        %add3A_395 = arith.addi %add3A_61, %add3A_394 : i32
        %get3A_396 = arith.index_cast %add3A_395 : i32 to index
        %get3A_397 = arith.constant 80 : index
        %get3A_398 = tpu.vector_load %arg17[%get3A_396, %get3A_397] {strides = array<i32>} : memref<208x128xf32, #tpu.memory_space<vmem>>, vector<16xf32>,
        %mul3A_399 = arith.mulf %get3A_398, %gather3A_338 : vector<16xf32>
        %add3A_400 = arith.constant 3 : i32
        %add3A_401 = arith.addi %add3A_61, %add3A_400 : i32
        %swap3A_402 = arith.index_cast %add3A_401 : i32 to index
        %swap3A_403 = arith.constant 80 : index
        %swap3A_404 = tpu.vector_load %arg17[%swap3A_402, %swap3A_403] {strides = array<i32>} : memref<208x128xf32, #tpu.memory_space<vmem>>, vector<16xf32>,
        tpu.vector_store %arg17[%swap3A_402, %swap3A_403], %mul3A_399 {strides = array<i32>} : memref<208x128xf32, #tpu.memory_space<vmem>>, vector<16xf32>,
        %add3A_405 = arith.constant 3 : i32
        %add3A_406 = arith.addi %add3A_61, %add3A_405 : i32
        %get3A_407 = arith.index_cast %add3A_406 : i32 to index
        %get3A_408 = arith.constant 96 : index
        %get3A_409 = tpu.vector_load %arg17[%get3A_407, %get3A_408] {strides = array<i32>} : memref<208x128xf32, #tpu.memory_space<vmem>>, vector<16xf32>,
        %mul3A_410 = arith.mulf %get3A_409, %gather3A_338 : vector<16xf32>
        %add3A_411 = arith.constant 3 : i32
        %add3A_412 = arith.addi %add3A_61, %add3A_411 : i32
        %swap3A_413 = arith.index_cast %add3A_412 : i32 to index
        %swap3A_414 = arith.constant 96 : index
        %swap3A_415 = tpu.vector_load %arg17[%swap3A_413, %swap3A_414] {strides = array<i32>} : memref<208x128xf32, #tpu.memory_space<vmem>>, vector<16xf32>,
        tpu.vector_store %arg17[%swap3A_413, %swap3A_414], %mul3A_410 {strides = array<i32>} : memref<208x128xf32, #tpu.memory_space<vmem>>, vector<16xf32>,
        %add3A_416 = arith.constant 3 : i32
        %add3A_417 = arith.addi %add3A_61, %add3A_416 : i32
        %get3A_418 = arith.index_cast %add3A_417 : i32 to index
        %get3A_419 = arith.constant 112 : index
        %get3A_420 = tpu.vector_load %arg17[%get3A_418, %get3A_419] {strides = array<i32>} : memref<208x128xf32, #tpu.memory_space<vmem>>, vector<16xf32>,
        %mul3A_421 = arith.mulf %get3A_420, %gather3A_338 : vector<16xf32>
        %add3A_422 = arith.constant 3 : i32
        %add3A_423 = arith.addi %add3A_61, %add3A_422 : i32
        %swap3A_424 = arith.index_cast %add3A_423 : i32 to index
        %swap3A_425 = arith.constant 112 : index
        %swap3A_426 = tpu.vector_load %arg17[%swap3A_424, %swap3A_425] {strides = array<i32>} : memref<208x128xf32, #tpu.memory_space<vmem>>, vector<16xf32>,
        tpu.vector_store %arg17[%swap3A_424, %swap3A_425], %mul3A_421 {strides = array<i32>} : memref<208x128xf32, #tpu.memory_space<vmem>>, vector<16xf32>,
        %add3A_427 = arith.constant 4 : i32
        %add3A_428 = arith.addi %add3A_61, %add3A_427 : i32
        %broadcast_in_dim3A_429 = vector.broadcast %add3A_428 : i32 to vector<16xi32>
        %gather3A_430 = tpu.vector_load_idx %arg16[%broadcast_in_dim3A_429] : memref<208xf32, #tpu.memory_space<vmem>>[vector<16xi32>], vector<16xf32>,
        %add3A_431 = arith.constant 4 : i32
        %add3A_432 = arith.addi %add3A_61, %add3A_431 : i32
        %get3A_433 = arith.index_cast %add3A_432 : i32 to index
        %get3A_434 = arith.constant 0 : index
        %get3A_435 = tpu.vector_load %arg17[%get3A_433, %get3A_434] {strides = array<i32>} : memref<208x128xf32, #tpu.memory_space<vmem>>, vector<16xf32>,
        %mul3A_436 = arith.mulf %get3A_435, %gather3A_430 : vector<16xf32>
        %add3A_437 = arith.constant 4 : i32
        %add3A_438 = arith.addi %add3A_61, %add3A_437 : i32
        %swap3A_439 = arith.index_cast %add3A_438 : i32 to index
        %swap3A_440 = arith.constant 0 : index
        %swap3A_441 = tpu.vector_load %arg17[%swap3A_439, %swap3A_440] {strides = array<i32>} : memref<208x128xf32, #tpu.memory_space<vmem>>, vector<16xf32>,
        tpu.vector_store %arg17[%swap3A_439, %swap3A_440], %mul3A_436 {strides = array<i32>} : memref<208x128xf32, #tpu.memory_space<vmem>>, vector<16xf32>,
        %add3A_442 = arith.constant 4 : i32
        %add3A_443 = arith.addi %add3A_61, %add3A_442 : i32
        %get3A_444 = arith.index_cast %add3A_443 : i32 to index
        %get3A_445 = arith.constant 16 : index
        %get3A_446 = tpu.vector_load %arg17[%get3A_444, %get3A_445] {strides = array<i32>} : memref<208x128xf32, #tpu.memory_space<vmem>>, vector<16xf32>,
        %mul3A_447 = arith.mulf %get3A_446, %gather3A_430 : vector<16xf32>
        %add3A_448 = arith.constant 4 : i32
        %add3A_449 = arith.addi %add3A_61, %add3A_448 : i32
        %swap3A_450 = arith.index_cast %add3A_449 : i32 to index
        %swap3A_451 = arith.constant 16 : index
        %swap3A_452 = tpu.vector_load %arg17[%swap3A_450, %swap3A_451] {strides = array<i32>} : memref<208x128xf32, #tpu.memory_space<vmem>>, vector<16xf32>,
        tpu.vector_store %arg17[%swap3A_450, %swap3A_451], %mul3A_447 {strides = array<i32>} : memref<208x128xf32, #tpu.memory_space<vmem>>, vector<16xf32>,
        %add3A_453 = arith.constant 4 : i32
        %add3A_454 = arith.addi %add3A_61, %add3A_453 : i32
        %get3A_455 = arith.index_cast %add3A_454 : i32 to index
        %get3A_456 = arith.constant 32 : index
        %get3A_457 = tpu.vector_load %arg17[%get3A_455, %get3A_456] {strides = array<i32>} : memref<208x128xf32, #tpu.memory_space<vmem>>, vector<16xf32>,
        %mul3A_458 = arith.mulf %get3A_457, %gather3A_430 : vector<16xf32>
        %add3A_459 = arith.constant 4 : i32
        %add3A_460 = arith.addi %add3A_61, %add3A_459 : i32
        %swap3A_461 = arith.index_cast %add3A_460 : i32 to index
        %swap3A_462 = arith.constant 32 : index
        %swap3A_463 = tpu.vector_load %arg17[%swap3A_461, %swap3A_462] {strides = array<i32>} : memref<208x128xf32, #tpu.memory_space<vmem>>, vector<16xf32>,
        tpu.vector_store %arg17[%swap3A_461, %swap3A_462], %mul3A_458 {strides = array<i32>} : memref<208x128xf32, #tpu.memory_space<vmem>>, vector<16xf32>,
        %add3A_464 = arith.constant 4 : i32
        %add3A_465 = arith.addi %add3A_61, %add3A_464 : i32
        %get3A_466 = arith.index_cast %add3A_465 : i32 to index
        %get3A_467 = arith.constant 48 : index
        %get3A_468 = tpu.vector_load %arg17[%get3A_466, %get3A_467] {strides = array<i32>} : memref<208x128xf32, #tpu.memory_space<vmem>>, vector<16xf32>,
        %mul3A_469 = arith.mulf %get3A_468, %gather3A_430 : vector<16xf32>
        %add3A_470 = arith.constant 4 : i32
        %add3A_471 = arith.addi %add3A_61, %add3A_470 : i32
        %swap3A_472 = arith.index_cast %add3A_471 : i32 to index
        %swap3A_473 = arith.constant 48 : index
        %swap3A_474 = tpu.vector_load %arg17[%swap3A_472, %swap3A_473] {strides = array<i32>} : memref<208x128xf32, #tpu.memory_space<vmem>>, vector<16xf32>,
        tpu.vector_store %arg17[%swap3A_472, %swap3A_473], %mul3A_469 {strides = array<i32>} : memref<208x128xf32, #tpu.memory_space<vmem>>, vector<16xf32>,
        %add3A_475 = arith.constant 4 : i32
        %add3A_476 = arith.addi %add3A_61, %add3A_475 : i32
        %get3A_477 = arith.index_cast %add3A_476 : i32 to index
        %get3A_478 = arith.constant 64 : index
        %get3A_479 = tpu.vector_load %arg17[%get3A_477, %get3A_478] {strides = array<i32>} : memref<208x128xf32, #tpu.memory_space<vmem>>, vector<16xf32>,
        %mul3A_480 = arith.mulf %get3A_479, %gather3A_430 : vector<16xf32>
        %add3A_481 = arith.constant 4 : i32
        %add3A_482 = arith.addi %add3A_61, %add3A_481 : i32
        %swap3A_483 = arith.index_cast %add3A_482 : i32 to index
        %swap3A_484 = arith.constant 64 : index
        %swap3A_485 = tpu.vector_load %arg17[%swap3A_483, %swap3A_484] {strides = array<i32>} : memref<208x128xf32, #tpu.memory_space<vmem>>, vector<16xf32>,
        tpu.vector_store %arg17[%swap3A_483, %swap3A_484], %mul3A_480 {strides = array<i32>} : memref<208x128xf32, #tpu.memory_space<vmem>>, vector<16xf32>,
        %add3A_486 = arith.constant 4 : i32
        %add3A_487 = arith.addi %add3A_61, %add3A_486 : i32
        %get3A_488 = arith.index_cast %add3A_487 : i32 to index
        %get3A_489 = arith.constant 80 : index
        %get3A_490 = tpu.vector_load %arg17[%get3A_488, %get3A_489] {strides = array<i32>} : memref<208x128xf32, #tpu.memory_space<vmem>>, vector<16xf32>,
        %mul3A_491 = arith.mulf %get3A_490, %gather3A_430 : vector<16xf32>
        %add3A_492 = arith.constant 4 : i32
        %add3A_493 = arith.addi %add3A_61, %add3A_492 : i32
        %swap3A_494 = arith.index_cast %add3A_493 : i32 to index
        %swap3A_495 = arith.constant 80 : index
        %swap3A_496 = tpu.vector_load %arg17[%swap3A_494, %swap3A_495] {strides = array<i32>} : memref<208x128xf32, #tpu.memory_space<vmem>>, vector<16xf32>,
        tpu.vector_store %arg17[%swap3A_494, %swap3A_495], %mul3A_491 {strides = array<i32>} : memref<208x128xf32, #tpu.memory_space<vmem>>, vector<16xf32>,
        %add3A_497 = arith.constant 4 : i32
        %add3A_498 = arith.addi %add3A_61, %add3A_497 : i32
        %get3A_499 = arith.index_cast %add3A_498 : i32 to index
        %get3A_500 = arith.constant 96 : index
        %get3A_501 = tpu.vector_load %arg17[%get3A_499, %get3A_500] {strides = array<i32>} : memref<208x128xf32, #tpu.memory_space<vmem>>, vector<16xf32>,
        %mul3A_502 = arith.mulf %get3A_501, %gather3A_430 : vector<16xf32>
        %add3A_503 = arith.constant 4 : i32
        %add3A_504 = arith.addi %add3A_61, %add3A_503 : i32
        %swap3A_505 = arith.index_cast %add3A_504 : i32 to index
        %swap3A_506 = arith.constant 96 : index
        %swap3A_507 = tpu.vector_load %arg17[%swap3A_505, %swap3A_506] {strides = array<i32>} : memref<208x128xf32, #tpu.memory_space<vmem>>, vector<16xf32>,
        tpu.vector_store %arg17[%swap3A_505, %swap3A_506], %mul3A_502 {strides = array<i32>} : memref<208x128xf32, #tpu.memory_space<vmem>>, vector<16xf32>,
        %add3A_508 = arith.constant 4 : i32
        %add3A_509 = arith.addi %add3A_61, %add3A_508 : i32
        %get3A_510 = arith.index_cast %add3A_509 : i32 to index
        %get3A_511 = arith.constant 112 : index
        %get3A_512 = tpu.vector_load %arg17[%get3A_510, %get3A_511] {strides = array<i32>} : memref<208x128xf32, #tpu.memory_space<vmem>>, vector<16xf32>,
        %mul3A_513 = arith.mulf %get3A_512, %gather3A_430 : vector<16xf32>
        %add3A_514 = arith.constant 4 : i32
        %add3A_515 = arith.addi %add3A_61, %add3A_514 : i32
        %swap3A_516 = arith.index_cast %add3A_515 : i32 to index
        %swap3A_517 = arith.constant 112 : index
        %swap3A_518 = tpu.vector_load %arg17[%swap3A_516, %swap3A_517] {strides = array<i32>} : memref<208x128xf32, #tpu.memory_space<vmem>>, vector<16xf32>,
        tpu.vector_store %arg17[%swap3A_516, %swap3A_517], %mul3A_513 {strides = array<i32>} : memref<208x128xf32, #tpu.memory_space<vmem>>, vector<16xf32>,
        %add3A_519 = arith.constant 5 : i32
        %add3A_520 = arith.addi %add3A_61, %add3A_519 : i32
        %broadcast_in_dim3A_521 = vector.broadcast %add3A_520 : i32 to vector<16xi32>
        %gather3A_522 = tpu.vector_load_idx %arg16[%broadcast_in_dim3A_521] : memref<208xf32, #tpu.memory_space<vmem>>[vector<16xi32>], vector<16xf32>,
        %add3A_523 = arith.constant 5 : i32
        %add3A_524 = arith.addi %add3A_61, %add3A_523 : i32
        %get3A_525 = arith.index_cast %add3A_524 : i32 to index
        %get3A_526 = arith.constant 0 : index
        %get3A_527 = tpu.vector_load %arg17[%get3A_525, %get3A_526] {strides = array<i32>} : memref<208x128xf32, #tpu.memory_space<vmem>>, vector<16xf32>,
        %mul3A_528 = arith.mulf %get3A_527, %gather3A_522 : vector<16xf32>
        %add3A_529 = arith.constant 5 : i32
        %add3A_530 = arith.addi %add3A_61, %add3A_529 : i32
        %swap3A_531 = arith.index_cast %add3A_530 : i32 to index
        %swap3A_532 = arith.constant 0 : index
        %swap3A_533 = tpu.vector_load %arg17[%swap3A_531, %swap3A_532] {strides = array<i32>} : memref<208x128xf32, #tpu.memory_space<vmem>>, vector<16xf32>,
        tpu.vector_store %arg17[%swap3A_531, %swap3A_532], %mul3A_528 {strides = array<i32>} : memref<208x128xf32, #tpu.memory_space<vmem>>, vector<16xf32>,
        %add3A_534 = arith.constant 5 : i32
        %add3A_535 = arith.addi %add3A_61, %add3A_534 : i32
        %get3A_536 = arith.index_cast %add3A_535 : i32 to index
        %get3A_537 = arith.constant 16 : index
        %get3A_538 = tpu.vector_load %arg17[%get3A_536, %get3A_537] {strides = array<i32>} : memref<208x128xf32, #tpu.memory_space<vmem>>, vector<16xf32>,
        %mul3A_539 = arith.mulf %get3A_538, %gather3A_522 : vector<16xf32>
        %add3A_540 = arith.constant 5 : i32
        %add3A_541 = arith.addi %add3A_61, %add3A_540 : i32
        %swap3A_542 = arith.index_cast %add3A_541 : i32 to index
        %swap3A_543 = arith.constant 16 : index
        %swap3A_544 = tpu.vector_load %arg17[%swap3A_542, %swap3A_543] {strides = array<i32>} : memref<208x128xf32, #tpu.memory_space<vmem>>, vector<16xf32>,
        tpu.vector_store %arg17[%swap3A_542, %swap3A_543], %mul3A_539 {strides = array<i32>} : memref<208x128xf32, #tpu.memory_space<vmem>>, vector<16xf32>,
        %add3A_545 = arith.constant 5 : i32
        %add3A_546 = arith.addi %add3A_61, %add3A_545 : i32
        %get3A_547 = arith.index_cast %add3A_546 : i32 to index
        %get3A_548 = arith.constant 32 : index
        %get3A_549 = tpu.vector_load %arg17[%get3A_547, %get3A_548] {strides = array<i32>} : memref<208x128xf32, #tpu.memory_space<vmem>>, vector<16xf32>,
        %mul3A_550 = arith.mulf %get3A_549, %gather3A_522 : vector<16xf32>
        %add3A_551 = arith.constant 5 : i32
        %add3A_552 = arith.addi %add3A_61, %add3A_551 : i32
        %swap3A_553 = arith.index_cast %add3A_552 : i32 to index
        %swap3A_554 = arith.constant 32 : index
        %swap3A_555 = tpu.vector_load %arg17[%swap3A_553, %swap3A_554] {strides = array<i32>} : memref<208x128xf32, #tpu.memory_space<vmem>>, vector<16xf32>,
        tpu.vector_store %arg17[%swap3A_553, %swap3A_554], %mul3A_550 {strides = array<i32>} : memref<208x128xf32, #tpu.memory_space<vmem>>, vector<16xf32>,
        %add3A_556 = arith.constant 5 : i32
        %add3A_557 = arith.addi %add3A_61, %add3A_556 : i32
        %get3A_558 = arith.index_cast %add3A_557 : i32 to index
        %get3A_559 = arith.constant 48 : index
        %get3A_560 = tpu.vector_load %arg17[%get3A_558, %get3A_559] {strides = array<i32>} : memref<208x128xf32, #tpu.memory_space<vmem>>, vector<16xf32>,
        %mul3A_561 = arith.mulf %get3A_560, %gather3A_522 : vector<16xf32>
        %add3A_562 = arith.constant 5 : i32
        %add3A_563 = arith.addi %add3A_61, %add3A_562 : i32
        %swap3A_564 = arith.index_cast %add3A_563 : i32 to index
        %swap3A_565 = arith.constant 48 : index
        %swap3A_566 = tpu.vector_load %arg17[%swap3A_564, %swap3A_565] {strides = array<i32>} : memref<208x128xf32, #tpu.memory_space<vmem>>, vector<16xf32>,
        tpu.vector_store %arg17[%swap3A_564, %swap3A_565], %mul3A_561 {strides = array<i32>} : memref<208x128xf32, #tpu.memory_space<vmem>>, vector<16xf32>,
        %add3A_567 = arith.constant 5 : i32
        %add3A_568 = arith.addi %add3A_61, %add3A_567 : i32
        %get3A_569 = arith.index_cast %add3A_568 : i32 to index
        %get3A_570 = arith.constant 64 : index
        %get3A_571 = tpu.vector_load %arg17[%get3A_569, %get3A_570] {strides = array<i32>} : memref<208x128xf32, #tpu.memory_space<vmem>>, vector<16xf32>,
        %mul3A_572 = arith.mulf %get3A_571, %gather3A_522 : vector<16xf32>
        %add3A_573 = arith.constant 5 : i32
        %add3A_574 = arith.addi %add3A_61, %add3A_573 : i32
        %swap3A_575 = arith.index_cast %add3A_574 : i32 to index
        %swap3A_576 = arith.constant 64 : index
        %swap3A_577 = tpu.vector_load %arg17[%swap3A_575, %swap3A_576] {strides = array<i32>} : memref<208x128xf32, #tpu.memory_space<vmem>>, vector<16xf32>,
        tpu.vector_store %arg17[%swap3A_575, %swap3A_576], %mul3A_572 {strides = array<i32>} : memref<208x128xf32, #tpu.memory_space<vmem>>, vector<16xf32>,
        %add3A_578 = arith.constant 5 : i32
        %add3A_579 = arith.addi %add3A_61, %add3A_578 : i32
        %get3A_580 = arith.index_cast %add3A_579 : i32 to index
        %get3A_581 = arith.constant 80 : index
        %get3A_582 = tpu.vector_load %arg17[%get3A_580, %get3A_581] {strides = array<i32>} : memref<208x128xf32, #tpu.memory_space<vmem>>, vector<16xf32>,
        %mul3A_583 = arith.mulf %get3A_582, %gather3A_522 : vector<16xf32>
        %add3A_584 = arith.constant 5 : i32
        %add3A_585 = arith.addi %add3A_61, %add3A_584 : i32
        %swap3A_586 = arith.index_cast %add3A_585 : i32 to index
        %swap3A_587 = arith.constant 80 : index
        %swap3A_588 = tpu.vector_load %arg17[%swap3A_586, %swap3A_587] {strides = array<i32>} : memref<208x128xf32, #tpu.memory_space<vmem>>, vector<16xf32>,
        tpu.vector_store %arg17[%swap3A_586, %swap3A_587], %mul3A_583 {strides = array<i32>} : memref<208x128xf32, #tpu.memory_space<vmem>>, vector<16xf32>,
        %add3A_589 = arith.constant 5 : i32
        %add3A_590 = arith.addi %add3A_61, %add3A_589 : i32
        %get3A_591 = arith.index_cast %add3A_590 : i32 to index
        %get3A_592 = arith.constant 96 : index
        %get3A_593 = tpu.vector_load %arg17[%get3A_591, %get3A_592] {strides = array<i32>} : memref<208x128xf32, #tpu.memory_space<vmem>>, vector<16xf32>,
        %mul3A_594 = arith.mulf %get3A_593, %gather3A_522 : vector<16xf32>
        %add3A_595 = arith.constant 5 : i32
        %add3A_596 = arith.addi %add3A_61, %add3A_595 : i32
        %swap3A_597 = arith.index_cast %add3A_596 : i32 to index
        %swap3A_598 = arith.constant 96 : index
        %swap3A_599 = tpu.vector_load %arg17[%swap3A_597, %swap3A_598] {strides = array<i32>} : memref<208x128xf32, #tpu.memory_space<vmem>>, vector<16xf32>,
        tpu.vector_store %arg17[%swap3A_597, %swap3A_598], %mul3A_594 {strides = array<i32>} : memref<208x128xf32, #tpu.memory_space<vmem>>, vector<16xf32>,
        %add3A_600 = arith.constant 5 : i32
        %add3A_601 = arith.addi %add3A_61, %add3A_600 : i32
        %get3A_602 = arith.index_cast %add3A_601 : i32 to index
        %get3A_603 = arith.constant 112 : index
        %get3A_604 = tpu.vector_load %arg17[%get3A_602, %get3A_603] {strides = array<i32>} : memref<208x128xf32, #tpu.memory_space<vmem>>, vector<16xf32>,
        %mul3A_605 = arith.mulf %get3A_604, %gather3A_522 : vector<16xf32>
        %add3A_606 = arith.constant 5 : i32
        %add3A_607 = arith.addi %add3A_61, %add3A_606 : i32
        %swap3A_608 = arith.index_cast %add3A_607 : i32 to index
        %swap3A_609 = arith.constant 112 : index
        %swap3A_610 = tpu.vector_load %arg17[%swap3A_608, %swap3A_609] {strides = array<i32>} : memref<208x128xf32, #tpu.memory_space<vmem>>, vector<16xf32>,
        tpu.vector_store %arg17[%swap3A_608, %swap3A_609], %mul3A_605 {strides = array<i32>} : memref<208x128xf32, #tpu.memory_space<vmem>>, vector<16xf32>,
        %add3A_611 = arith.constant 6 : i32
        %add3A_612 = arith.addi %add3A_61, %add3A_611 : i32
        %broadcast_in_dim3A_613 = vector.broadcast %add3A_612 : i32 to vector<16xi32>
        %gather3A_614 = tpu.vector_load_idx %arg16[%broadcast_in_dim3A_613] : memref<208xf32, #tpu.memory_space<vmem>>[vector<16xi32>], vector<16xf32>,
        %add3A_615 = arith.constant 6 : i32
        %add3A_616 = arith.addi %add3A_61, %add3A_615 : i32
        %get3A_617 = arith.index_cast %add3A_616 : i32 to index
        %get3A_618 = arith.constant 0 : index
        %get3A_619 = tpu.vector_load %arg17[%get3A_617, %get3A_618] {strides = array<i32>} : memref<208x128xf32, #tpu.memory_space<vmem>>, vector<16xf32>,
        %mul3A_620 = arith.mulf %get3A_619, %gather3A_614 : vector<16xf32>
        %add3A_621 = arith.constant 6 : i32
        %add3A_622 = arith.addi %add3A_61, %add3A_621 : i32
        %swap3A_623 = arith.index_cast %add3A_622 : i32 to index
        %swap3A_624 = arith.constant 0 : index
        %swap3A_625 = tpu.vector_load %arg17[%swap3A_623, %swap3A_624] {strides = array<i32>} : memref<208x128xf32, #tpu.memory_space<vmem>>, vector<16xf32>,
        tpu.vector_store %arg17[%swap3A_623, %swap3A_624], %mul3A_620 {strides = array<i32>} : memref<208x128xf32, #tpu.memory_space<vmem>>, vector<16xf32>,
        %add3A_626 = arith.constant 6 : i32
        %add3A_627 = arith.addi %add3A_61, %add3A_626 : i32
        %get3A_628 = arith.index_cast %add3A_627 : i32 to index
        %get3A_629 = arith.constant 16 : index
        %get3A_630 = tpu.vector_load %arg17[%get3A_628, %get3A_629] {strides = array<i32>} : memref<208x128xf32, #tpu.memory_space<vmem>>, vector<16xf32>,
        %mul3A_631 = arith.mulf %get3A_630, %gather3A_614 : vector<16xf32>
        %add3A_632 = arith.constant 6 : i32
        %add3A_633 = arith.addi %add3A_61, %add3A_632 : i32
        %swap3A_634 = arith.index_cast %add3A_633 : i32 to index
        %swap3A_635 = arith.constant 16 : index
        %swap3A_636 = tpu.vector_load %arg17[%swap3A_634, %swap3A_635] {strides = array<i32>} : memref<208x128xf32, #tpu.memory_space<vmem>>, vector<16xf32>,
        tpu.vector_store %arg17[%swap3A_634, %swap3A_635], %mul3A_631 {strides = array<i32>} : memref<208x128xf32, #tpu.memory_space<vmem>>, vector<16xf32>,
        %add3A_637 = arith.constant 6 : i32
        %add3A_638 = arith.addi %add3A_61, %add3A_637 : i32
        %get3A_639 = arith.index_cast %add3A_638 : i32 to index
        %get3A_640 = arith.constant 32 : index
        %get3A_641 = tpu.vector_load %arg17[%get3A_639, %get3A_640] {strides = array<i32>} : memref<208x128xf32, #tpu.memory_space<vmem>>, vector<16xf32>,
        %mul3A_642 = arith.mulf %get3A_641, %gather3A_614 : vector<16xf32>
        %add3A_643 = arith.constant 6 : i32
        %add3A_644 = arith.addi %add3A_61, %add3A_643 : i32
        %swap3A_645 = arith.index_cast %add3A_644 : i32 to index
        %swap3A_646 = arith.constant 32 : index
        %swap3A_647 = tpu.vector_load %arg17[%swap3A_645, %swap3A_646] {strides = array<i32>} : memref<208x128xf32, #tpu.memory_space<vmem>>, vector<16xf32>,
        tpu.vector_store %arg17[%swap3A_645, %swap3A_646], %mul3A_642 {strides = array<i32>} : memref<208x128xf32, #tpu.memory_space<vmem>>, vector<16xf32>,
        %add3A_648 = arith.constant 6 : i32
        %add3A_649 = arith.addi %add3A_61, %add3A_648 : i32
        %get3A_650 = arith.index_cast %add3A_649 : i32 to index
        %get3A_651 = arith.constant 48 : index
        %get3A_652 = tpu.vector_load %arg17[%get3A_650, %get3A_651] {strides = array<i32>} : memref<208x128xf32, #tpu.memory_space<vmem>>, vector<16xf32>,
        %mul3A_653 = arith.mulf %get3A_652, %gather3A_614 : vector<16xf32>
        %add3A_654 = arith.constant 6 : i32
        %add3A_655 = arith.addi %add3A_61, %add3A_654 : i32
        %swap3A_656 = arith.index_cast %add3A_655 : i32 to index
        %swap3A_657 = arith.constant 48 : index
        %swap3A_658 = tpu.vector_load %arg17[%swap3A_656, %swap3A_657] {strides = array<i32>} : memref<208x128xf32, #tpu.memory_space<vmem>>, vector<16xf32>,
        tpu.vector_store %arg17[%swap3A_656, %swap3A_657], %mul3A_653 {strides = array<i32>} : memref<208x128xf32, #tpu.memory_space<vmem>>, vector<16xf32>,
        %add3A_659 = arith.constant 6 : i32
        %add3A_660 = arith.addi %add3A_61, %add3A_659 : i32
        %get3A_661 = arith.index_cast %add3A_660 : i32 to index
        %get3A_662 = arith.constant 64 : index
        %get3A_663 = tpu.vector_load %arg17[%get3A_661, %get3A_662] {strides = array<i32>} : memref<208x128xf32, #tpu.memory_space<vmem>>, vector<16xf32>,
        %mul3A_664 = arith.mulf %get3A_663, %gather3A_614 : vector<16xf32>
        %add3A_665 = arith.constant 6 : i32
        %add3A_666 = arith.addi %add3A_61, %add3A_665 : i32
        %swap3A_667 = arith.index_cast %add3A_666 : i32 to index
        %swap3A_668 = arith.constant 64 : index
        %swap3A_669 = tpu.vector_load %arg17[%swap3A_667, %swap3A_668] {strides = array<i32>} : memref<208x128xf32, #tpu.memory_space<vmem>>, vector<16xf32>,
        tpu.vector_store %arg17[%swap3A_667, %swap3A_668], %mul3A_664 {strides = array<i32>} : memref<208x128xf32, #tpu.memory_space<vmem>>, vector<16xf32>,
        %add3A_670 = arith.constant 6 : i32
        %add3A_671 = arith.addi %add3A_61, %add3A_670 : i32
        %get3A_672 = arith.index_cast %add3A_671 : i32 to index
        %get3A_673 = arith.constant 80 : index
        %get3A_674 = tpu.vector_load %arg17[%get3A_672, %get3A_673] {strides = array<i32>} : memref<208x128xf32, #tpu.memory_space<vmem>>, vector<16xf32>,
        %mul3A_675 = arith.mulf %get3A_674, %gather3A_614 : vector<16xf32>
        %add3A_676 = arith.constant 6 : i32
        %add3A_677 = arith.addi %add3A_61, %add3A_676 : i32
        %swap3A_678 = arith.index_cast %add3A_677 : i32 to index
        %swap3A_679 = arith.constant 80 : index
        %swap3A_680 = tpu.vector_load %arg17[%swap3A_678, %swap3A_679] {strides = array<i32>} : memref<208x128xf32, #tpu.memory_space<vmem>>, vector<16xf32>,
        tpu.vector_store %arg17[%swap3A_678, %swap3A_679], %mul3A_675 {strides = array<i32>} : memref<208x128xf32, #tpu.memory_space<vmem>>, vector<16xf32>,
        %add3A_681 = arith.constant 6 : i32
        %add3A_682 = arith.addi %add3A_61, %add3A_681 : i32
        %get3A_683 = arith.index_cast %add3A_682 : i32 to index
        %get3A_684 = arith.constant 96 : index
        %get3A_685 = tpu.vector_load %arg17[%get3A_683, %get3A_684] {strides = array<i32>} : memref<208x128xf32, #tpu.memory_space<vmem>>, vector<16xf32>,
        %mul3A_686 = arith.mulf %get3A_685, %gather3A_614 : vector<16xf32>
        %add3A_687 = arith.constant 6 : i32
        %add3A_688 = arith.addi %add3A_61, %add3A_687 : i32
        %swap3A_689 = arith.index_cast %add3A_688 : i32 to index
        %swap3A_690 = arith.constant 96 : index
        %swap3A_691 = tpu.vector_load %arg17[%swap3A_689, %swap3A_690] {strides = array<i32>} : memref<208x128xf32, #tpu.memory_space<vmem>>, vector<16xf32>,
        tpu.vector_store %arg17[%swap3A_689, %swap3A_690], %mul3A_686 {strides = array<i32>} : memref<208x128xf32, #tpu.memory_space<vmem>>, vector<16xf32>,
        %add3A_692 = arith.constant 6 : i32
        %add3A_693 = arith.addi %add3A_61, %add3A_692 : i32
        %get3A_694 = arith.index_cast %add3A_693 : i32 to index
        %get3A_695 = arith.constant 112 : index
        %get3A_696 = tpu.vector_load %arg17[%get3A_694, %get3A_695] {strides = array<i32>} : memref<208x128xf32, #tpu.memory_space<vmem>>, vector<16xf32>,
        %mul3A_697 = arith.mulf %get3A_696, %gather3A_614 : vector<16xf32>
        %add3A_698 = arith.constant 6 : i32
        %add3A_699 = arith.addi %add3A_61, %add3A_698 : i32
        %swap3A_700 = arith.index_cast %add3A_699 : i32 to index
        %swap3A_701 = arith.constant 112 : index
        %swap3A_702 = tpu.vector_load %arg17[%swap3A_700, %swap3A_701] {strides = array<i32>} : memref<208x128xf32, #tpu.memory_space<vmem>>, vector<16xf32>,
        tpu.vector_store %arg17[%swap3A_700, %swap3A_701], %mul3A_697 {strides = array<i32>} : memref<208x128xf32, #tpu.memory_space<vmem>>, vector<16xf32>,
        %add3A_703 = arith.constant 7 : i32
        %add3A_704 = arith.addi %add3A_61, %add3A_703 : i32
        %broadcast_in_dim3A_705 = vector.broadcast %add3A_704 : i32 to vector<16xi32>
        %gather3A_706 = tpu.vector_load_idx %arg16[%broadcast_in_dim3A_705] : memref<208xf32, #tpu.memory_space<vmem>>[vector<16xi32>], vector<16xf32>,
        %add3A_707 = arith.constant 7 : i32
        %add3A_708 = arith.addi %add3A_61, %add3A_707 : i32
        %get3A_709 = arith.index_cast %add3A_708 : i32 to index
        %get3A_710 = arith.constant 0 : index
        %get3A_711 = tpu.vector_load %arg17[%get3A_709, %get3A_710] {strides = array<i32>} : memref<208x128xf32, #tpu.memory_space<vmem>>, vector<16xf32>,
        %mul3A_712 = arith.mulf %get3A_711, %gather3A_706 : vector<16xf32>
        %add3A_713 = arith.constant 7 : i32
        %add3A_714 = arith.addi %add3A_61, %add3A_713 : i32
        %swap3A_715 = arith.index_cast %add3A_714 : i32 to index
        %swap3A_716 = arith.constant 0 : index
        %swap3A_717 = tpu.vector_load %arg17[%swap3A_715, %swap3A_716] {strides = array<i32>} : memref<208x128xf32, #tpu.memory_space<vmem>>, vector<16xf32>,
        tpu.vector_store %arg17[%swap3A_715, %swap3A_716], %mul3A_712 {strides = array<i32>} : memref<208x128xf32, #tpu.memory_space<vmem>>, vector<16xf32>,
        %add3A_718 = arith.constant 7 : i32
        %add3A_719 = arith.addi %add3A_61, %add3A_718 : i32
        %get3A_720 = arith.index_cast %add3A_719 : i32 to index
        %get3A_721 = arith.constant 16 : index
        %get3A_722 = tpu.vector_load %arg17[%get3A_720, %get3A_721] {strides = array<i32>} : memref<208x128xf32, #tpu.memory_space<vmem>>, vector<16xf32>,
        %mul3A_723 = arith.mulf %get3A_722, %gather3A_706 : vector<16xf32>
        %add3A_724 = arith.constant 7 : i32
        %add3A_725 = arith.addi %add3A_61, %add3A_724 : i32
        %swap3A_726 = arith.index_cast %add3A_725 : i32 to index
        %swap3A_727 = arith.constant 16 : index
        %swap3A_728 = tpu.vector_load %arg17[%swap3A_726, %swap3A_727] {strides = array<i32>} : memref<208x128xf32, #tpu.memory_space<vmem>>, vector<16xf32>,
        tpu.vector_store %arg17[%swap3A_726, %swap3A_727], %mul3A_723 {strides = array<i32>} : memref<208x128xf32, #tpu.memory_space<vmem>>, vector<16xf32>,
        %add3A_729 = arith.constant 7 : i32
        %add3A_730 = arith.addi %add3A_61, %add3A_729 : i32
        %get3A_731 = arith.index_cast %add3A_730 : i32 to index
        %get3A_732 = arith.constant 32 : index
        %get3A_733 = tpu.vector_load %arg17[%get3A_731, %get3A_732] {strides = array<i32>} : memref<208x128xf32, #tpu.memory_space<vmem>>, vector<16xf32>,
        %mul3A_734 = arith.mulf %get3A_733, %gather3A_706 : vector<16xf32>
        %add3A_735 = arith.constant 7 : i32
        %add3A_736 = arith.addi %add3A_61, %add3A_735 : i32
        %swap3A_737 = arith.index_cast %add3A_736 : i32 to index
        %swap3A_738 = arith.constant 32 : index
        %swap3A_739 = tpu.vector_load %arg17[%swap3A_737, %swap3A_738] {strides = array<i32>} : memref<208x128xf32, #tpu.memory_space<vmem>>, vector<16xf32>,
        tpu.vector_store %arg17[%swap3A_737, %swap3A_738], %mul3A_734 {strides = array<i32>} : memref<208x128xf32, #tpu.memory_space<vmem>>, vector<16xf32>,
        %add3A_740 = arith.constant 7 : i32
        %add3A_741 = arith.addi %add3A_61, %add3A_740 : i32
        %get3A_742 = arith.index_cast %add3A_741 : i32 to index
        %get3A_743 = arith.constant 48 : index
        %get3A_744 = tpu.vector_load %arg17[%get3A_742, %get3A_743] {strides = array<i32>} : memref<208x128xf32, #tpu.memory_space<vmem>>, vector<16xf32>,
        %mul3A_745 = arith.mulf %get3A_744, %gather3A_706 : vector<16xf32>
        %add3A_746 = arith.constant 7 : i32
        %add3A_747 = arith.addi %add3A_61, %add3A_746 : i32
        %swap3A_748 = arith.index_cast %add3A_747 : i32 to index
        %swap3A_749 = arith.constant 48 : index
        %swap3A_750 = tpu.vector_load %arg17[%swap3A_748, %swap3A_749] {strides = array<i32>} : memref<208x128xf32, #tpu.memory_space<vmem>>, vector<16xf32>,
        tpu.vector_store %arg17[%swap3A_748, %swap3A_749], %mul3A_745 {strides = array<i32>} : memref<208x128xf32, #tpu.memory_space<vmem>>, vector<16xf32>,
        %add3A_751 = arith.constant 7 : i32
        %add3A_752 = arith.addi %add3A_61, %add3A_751 : i32
        %get3A_753 = arith.index_cast %add3A_752 : i32 to index
        %get3A_754 = arith.constant 64 : index
        %get3A_755 = tpu.vector_load %arg17[%get3A_753, %get3A_754] {strides = array<i32>} : memref<208x128xf32, #tpu.memory_space<vmem>>, vector<16xf32>,
        %mul3A_756 = arith.mulf %get3A_755, %gather3A_706 : vector<16xf32>
        %add3A_757 = arith.constant 7 : i32
        %add3A_758 = arith.addi %add3A_61, %add3A_757 : i32
        %swap3A_759 = arith.index_cast %add3A_758 : i32 to index
        %swap3A_760 = arith.constant 64 : index
        %swap3A_761 = tpu.vector_load %arg17[%swap3A_759, %swap3A_760] {strides = array<i32>} : memref<208x128xf32, #tpu.memory_space<vmem>>, vector<16xf32>,
        tpu.vector_store %arg17[%swap3A_759, %swap3A_760], %mul3A_756 {strides = array<i32>} : memref<208x128xf32, #tpu.memory_space<vmem>>, vector<16xf32>,
        %add3A_762 = arith.constant 7 : i32
        %add3A_763 = arith.addi %add3A_61, %add3A_762 : i32
        %get3A_764 = arith.index_cast %add3A_763 : i32 to index
        %get3A_765 = arith.constant 80 : index
        %get3A_766 = tpu.vector_load %arg17[%get3A_764, %get3A_765] {strides = array<i32>} : memref<208x128xf32, #tpu.memory_space<vmem>>, vector<16xf32>,
        %mul3A_767 = arith.mulf %get3A_766, %gather3A_706 : vector<16xf32>
        %add3A_768 = arith.constant 7 : i32
        %add3A_769 = arith.addi %add3A_61, %add3A_768 : i32
        %swap3A_770 = arith.index_cast %add3A_769 : i32 to index
        %swap3A_771 = arith.constant 80 : index
        %swap3A_772 = tpu.vector_load %arg17[%swap3A_770, %swap3A_771] {strides = array<i32>} : memref<208x128xf32, #tpu.memory_space<vmem>>, vector<16xf32>,
        tpu.vector_store %arg17[%swap3A_770, %swap3A_771], %mul3A_767 {strides = array<i32>} : memref<208x128xf32, #tpu.memory_space<vmem>>, vector<16xf32>,
        %add3A_773 = arith.constant 7 : i32
        %add3A_774 = arith.addi %add3A_61, %add3A_773 : i32
        %get3A_775 = arith.index_cast %add3A_774 : i32 to index
        %get3A_776 = arith.constant 96 : index
        %get3A_777 = tpu.vector_load %arg17[%get3A_775, %get3A_776] {strides = array<i32>} : memref<208x128xf32, #tpu.memory_space<vmem>>, vector<16xf32>,
        %mul3A_778 = arith.mulf %get3A_777, %gather3A_706 : vector<16xf32>
        %add3A_779 = arith.constant 7 : i32
        %add3A_780 = arith.addi %add3A_61, %add3A_779 : i32
        %swap3A_781 = arith.index_cast %add3A_780 : i32 to index
        %swap3A_782 = arith.constant 96 : index
        %swap3A_783 = tpu.vector_load %arg17[%swap3A_781, %swap3A_782] {strides = array<i32>} : memref<208x128xf32, #tpu.memory_space<vmem>>, vector<16xf32>,
        tpu.vector_store %arg17[%swap3A_781, %swap3A_782], %mul3A_778 {strides = array<i32>} : memref<208x128xf32, #tpu.memory_space<vmem>>, vector<16xf32>,
        %add3A_784 = arith.constant 7 : i32
        %add3A_785 = arith.addi %add3A_61, %add3A_784 : i32
        %get3A_786 = arith.index_cast %add3A_785 : i32 to index
        %get3A_787 = arith.constant 112 : index
        %get3A_788 = tpu.vector_load %arg17[%get3A_786, %get3A_787] {strides = array<i32>} : memref<208x128xf32, #tpu.memory_space<vmem>>, vector<16xf32>,
        %mul3A_789 = arith.mulf %get3A_788, %gather3A_706 : vector<16xf32>
        %add3A_790 = arith.constant 7 : i32
        %add3A_791 = arith.addi %add3A_61, %add3A_790 : i32
        %swap3A_792 = arith.index_cast %add3A_791 : i32 to index
        %swap3A_793 = arith.constant 112 : index
        %swap3A_794 = tpu.vector_load %arg17[%swap3A_792, %swap3A_793] {strides = array<i32>} : memref<208x128xf32, #tpu.memory_space<vmem>>, vector<16xf32>,
        tpu.vector_store %arg17[%swap3A_792, %swap3A_793], %mul3A_789 {strides = array<i32>} : memref<208x128xf32, #tpu.memory_space<vmem>>, vector<16xf32>,
      }
      %scan3A_54 = arith.constant 26 : i32
      "tpu.region"() ({
        %run_scoped3A = tpu.sem_alloc : memref<!tpu.dma_semaphore, #tpu.memory_space<semaphore_mem>>
        %dma_start3A_57 = arith.constant 0 : i32
        %dma_start3A_58 = arith.constant 0 : i32
        %dma_start3A_59 = tpu.memref_slice %arg18[%dma_start3A_57, %dma_start3A_58] : memref<10240x128xf32, #tpu.memory_space<vmem_shared>> -> memref<10240x128xf32, #tpu.memory_space<vmem_shared>>
        tpu.enqueue_indirect_dma source(%arg17 : memref<208x128xf32, #tpu.memory_space<vmem>>) target(%dma_start3A_59 : memref<10240x128xf32, #tpu.memory_space<vmem_shared>>) offsets(%arg15 : memref<208xi32, #tpu.memory_space<vmem>>) semaphore(%run_scoped3A : memref<!tpu.dma_semaphore, #tpu.memory_space<semaphore_mem>>) {add = true}
        %dma_wait3A_60 = arith.constant 0 : i32
        %dma_wait3A_61 = arith.constant 0 : i32
        %dma_wait3A_62 = tpu.memref_slice %arg18[%dma_wait3A_60, %dma_wait3A_61] : memref<10240x128xf32, #tpu.memory_space<vmem_shared>> -> memref<10240x128xf32, #tpu.memory_space<vmem_shared>>
        tpu.wait_indirect_dma semaphore(%run_scoped3A : memref<!tpu.dma_semaphore, #tpu.memory_space<semaphore_mem>>) src(%arg17 : memref<208x128xf32, #tpu.memory_space<vmem>>) dst(%dma_wait3A_62 : memref<10240x128xf32, #tpu.memory_space<vmem_shared>>)
        tpu.yield
      }) : () -> ()
      %dma_wait3A_55 = arith.constant 0 : i32
      %dma_wait3A_56 = tpu.memref_slice %arg19[%dma_wait3A_55] : memref<10240xf32, #tpu.memory_space<vmem_shared>> -> memref<10240xf32, #tpu.memory_space<vmem_shared>>
      tpu.wait_indirect_dma semaphore(%arg21 : memref<!tpu.dma_semaphore, #tpu.memory_space<semaphore_mem>>) src(%arg16 : memref<208xf32, #tpu.memory_space<vmem>>) dst(%dma_wait3A_56 : memref<10240xf32, #tpu.memory_space<vmem_shared>>)
    }
    %barrier3A_21 = arith.constant 0 : index
    tpu.barrier barrier_id(%barrier3A_21)
    %eq3A = arith.constant 0 : i32
    %eq3A_22 = arith.cmpi eq, %arg1, %eq3A : i32
    %convert_element_type3A = arith.extui %eq3A_22 : i1 to i32
    %cond3A = arith.constant 0 : i32
    %cond3A_23 = arith.cmpi ne, %convert_element_type3A, %cond3A : i32
    scf.if %cond3A_23 {
      "tpu.region"() ({
        %run_scoped3A = tpu.sem_alloc : memref<!tpu.dma_semaphore, #tpu.memory_space<semaphore_mem>>
        %dma_start3A = arith.constant 0 : i32
        %dma_start3A_24 = arith.constant 0 : i32
        %dma_start3A_25 = tpu.memref_slice %arg9[%arg0, %dma_start3A, %dma_start3A_24] : memref<2x10000x128xf32, #tpu.memory_space<hbm>> -> memref<1x10000x128xf32, #tpu.memory_space<hbm>>
        %dma_start3A_26 = tpu.memref_squeeze %dma_start3A_25 : memref<1x10000x128xf32, #tpu.memory_space<hbm>> -> memref<10000x128xf32, #tpu.memory_space<hbm>>
        %dma_start3A_27 = arith.constant 0 : i32
        %dma_start3A_28 = arith.constant 0 : i32
        %dma_start3A_29 = tpu.memref_slice %arg18[%dma_start3A_27, %dma_start3A_28] : memref<10240x128xf32, #tpu.memory_space<vmem_shared>> -> memref<10000x128xf32, #tpu.memory_space<vmem_shared>>
        tpu.enqueue_dma source(%dma_start3A_29 : memref<10000x128xf32, #tpu.memory_space<vmem_shared>>) target(%dma_start3A_26 : memref<10000x128xf32, #tpu.memory_space<hbm>>) target_semaphore(%run_scoped3A : memref<!tpu.dma_semaphore, #tpu.memory_space<semaphore_mem>>)
        %dma_wait3A = arith.constant 0 : i32
        %dma_wait3A_30 = arith.constant 0 : i32
        %dma_wait3A_31 = tpu.memref_slice %arg9[%arg0, %dma_wait3A, %dma_wait3A_30] : memref<2x10000x128xf32, #tpu.memory_space<hbm>> -> memref<1x10000x128xf32, #tpu.memory_space<hbm>>
        %dma_wait3A_32 = tpu.memref_squeeze %dma_wait3A_31 : memref<1x10000x128xf32, #tpu.memory_space<hbm>> -> memref<10000x128xf32, #tpu.memory_space<hbm>>
        %dma_wait3A_33 = arith.constant 0 : i32
        %dma_wait3A_34 = arith.constant 0 : i32
        %dma_wait3A_35 = tpu.memref_slice %arg18[%dma_wait3A_33, %dma_wait3A_34] : memref<10240x128xf32, #tpu.memory_space<vmem_shared>> -> memref<10000x128xf32, #tpu.memory_space<vmem_shared>>
        tpu.wait_dma2 semaphore(%run_scoped3A : memref<!tpu.dma_semaphore, #tpu.memory_space<semaphore_mem>>) src(%dma_wait3A_35 : memref<10000x128xf32, #tpu.memory_space<vmem_shared>>) dst(%dma_wait3A_32 : memref<10000x128xf32, #tpu.memory_space<hbm>>)
        tpu.yield
      }) : () -> ()
      "tpu.region"() ({
        %run_scoped3A = tpu.sem_alloc : memref<!tpu.dma_semaphore, #tpu.memory_space<semaphore_mem>>
        %dma_start3A = arith.constant 0 : i32
        %dma_start3A_24 = tpu.memref_slice %arg10[%arg0, %dma_start3A] : memref<2x10240xf32, #tpu.memory_space<hbm>> -> memref<1x10240xf32, #tpu.memory_space<hbm>>
        %dma_start3A_25 = tpu.memref_squeeze %dma_start3A_24 : memref<1x10240xf32, #tpu.memory_space<hbm>> -> memref<10240xf32, #tpu.memory_space<hbm>>
        tpu.enqueue_dma source(%arg19 : memref<10240xf32, #tpu.memory_space<vmem_shared>>) target(%dma_start3A_25 : memref<10240xf32, #tpu.memory_space<hbm>>) target_semaphore(%run_scoped3A : memref<!tpu.dma_semaphore, #tpu.memory_space<semaphore_mem>>)
        %dma_wait3A = arith.constant 0 : i32
        %dma_wait3A_26 = tpu.memref_slice %arg10[%arg0, %dma_wait3A] : memref<2x10240xf32, #tpu.memory_space<hbm>> -> memref<1x10240xf32, #tpu.memory_space<hbm>>
        %dma_wait3A_27 = tpu.memref_squeeze %dma_wait3A_26 : memref<1x10240xf32, #tpu.memory_space<hbm>> -> memref<10240xf32, #tpu.memory_space<hbm>>
        tpu.wait_dma2 semaphore(%run_scoped3A : memref<!tpu.dma_semaphore, #tpu.memory_space<semaphore_mem>>) src(%arg19 : memref<10240xf32, #tpu.memory_space<vmem_shared>>) dst(%dma_wait3A_27 : memref<10240xf32, #tpu.memory_space<hbm>>)
        tpu.yield
      }) : () -> ()
    } else {
    }
    return
  }
}

#map = affine_map<(d0, d1) -> (0)>
#map1 = affine_map<(d0, d1) -> (0, 0)>
#map2 = affine_map<(d0, d1) -> (0, 0, 0)>
module attributes {stable_mosaic.version = 14 : i64} {
  func.func @edge_kernel(%arg0: i32, %arg1: i32, %arg2: memref<640640xi32, #tpu.memory_space<hbm>>, %arg3: memref<10000xf32, #tpu.memory_space<hbm>>, %arg4: memref<10000xf32, #tpu.memory_space<hbm>>, %arg5: memref<16xf32, #tpu.memory_space<hbm>>, %arg6: memref<10000x128xf32, #tpu.memory_space<hbm>>, %arg7: memref<640x128xf32, #tpu.memory_space<hbm>>, %arg8: memref<640xf32, #tpu.memory_space<hbm>>, %arg9: memref<2x10000x128xf32, #tpu.memory_space<hbm>>, %arg10: memref<2x10240xf32, #tpu.memory_space<hbm>>, %arg11: memref<10000xf32, #tpu.memory_space<vmem>>, %arg12: memref<10000xf32, #tpu.memory_space<vmem>>, %arg13: memref<16xf32, #tpu.memory_space<vmem>>, %arg14: memref<416xi32, #tpu.memory_space<vmem>>, %arg15: memref<208xi32, #tpu.memory_space<vmem>>, %arg16: memref<208xf32, #tpu.memory_space<vmem>>, %arg17: memref<208x128xf32, #tpu.memory_space<vmem>>, %arg18: memref<10240x128xf32, #tpu.memory_space<vmem_shared>>, %arg19: memref<10240xf32, #tpu.memory_space<vmem_shared>>, %arg20: memref<!tpu.dma_semaphore, #tpu.memory_space<semaphore_mem>>, %arg21: memref<!tpu.dma_semaphore, #tpu.memory_space<semaphore_mem>>) attributes {dimension_semantics = [#tpu.dimension_semantics<core_parallel>, #tpu.dimension_semantics<subcore_parallel>], iteration_bounds = array<i64: 2, 16>, scalar_prefetch = 0 : i64, scratch_operands = 11 : i64, tpu.core_type = #tpu.core_type<sc_vector_subcore>, window_params = [{transform_indices = #map}, {transform_indices = #map}, {transform_indices = #map}, {transform_indices = #map}, {transform_indices = #map1}, {transform_indices = #map1}, {transform_indices = #map}, {transform_indices = #map2}, {transform_indices = #map1}]} {
    %mul3A = arith.constant 16 : i32
    %mul3A_0 = arith.muli %arg0, %mul3A : i32
    %add3A = arith.addi %mul3A_0, %arg1 : i32
    "tpu.region"() ({
      %run_scoped3A = tpu.sem_alloc : memref<!tpu.dma_semaphore, #tpu.memory_space<semaphore_mem>>
      tpu.enqueue_dma source(%arg3 : memref<10000xf32, #tpu.memory_space<hbm>>) target(%arg11 : memref<10000xf32, #tpu.memory_space<vmem>>) target_semaphore(%run_scoped3A : memref<!tpu.dma_semaphore, #tpu.memory_space<semaphore_mem>>)
      tpu.wait_dma2 semaphore(%run_scoped3A : memref<!tpu.dma_semaphore, #tpu.memory_space<semaphore_mem>>) src(%arg3 : memref<10000xf32, #tpu.memory_space<hbm>>) dst(%arg11 : memref<10000xf32, #tpu.memory_space<vmem>>)
      tpu.yield
    }) : () -> ()
    "tpu.region"() ({
      %run_scoped3A = tpu.sem_alloc : memref<!tpu.dma_semaphore, #tpu.memory_space<semaphore_mem>>
      tpu.enqueue_dma source(%arg4 : memref<10000xf32, #tpu.memory_space<hbm>>) target(%arg12 : memref<10000xf32, #tpu.memory_space<vmem>>) target_semaphore(%run_scoped3A : memref<!tpu.dma_semaphore, #tpu.memory_space<semaphore_mem>>)
      tpu.wait_dma2 semaphore(%run_scoped3A : memref<!tpu.dma_semaphore, #tpu.memory_space<semaphore_mem>>) src(%arg4 : memref<10000xf32, #tpu.memory_space<hbm>>) dst(%arg12 : memref<10000xf32, #tpu.memory_space<vmem>>)
      tpu.yield
    }) : () -> ()
    "tpu.region"() ({
      %run_scoped3A = tpu.sem_alloc : memref<!tpu.dma_semaphore, #tpu.memory_space<semaphore_mem>>
      tpu.enqueue_dma source(%arg5 : memref<16xf32, #tpu.memory_space<hbm>>) target(%arg13 : memref<16xf32, #tpu.memory_space<vmem>>) target_semaphore(%run_scoped3A : memref<!tpu.dma_semaphore, #tpu.memory_space<semaphore_mem>>)
      tpu.wait_dma2 semaphore(%run_scoped3A : memref<!tpu.dma_semaphore, #tpu.memory_space<semaphore_mem>>) src(%arg5 : memref<16xf32, #tpu.memory_space<hbm>>) dst(%arg13 : memref<16xf32, #tpu.memory_space<vmem>>)
      tpu.yield
    }) : () -> ()
    %mul3A_1 = arith.constant 640 : i32
    %mul3A_2 = arith.muli %arg1, %mul3A_1 : i32
    "tpu.region"() ({
      %run_scoped3A = tpu.sem_alloc : memref<!tpu.dma_semaphore, #tpu.memory_space<semaphore_mem>>
      %dma_start3A = arith.constant 0 : i32
      %dma_start3A_24 = tpu.memref_slice %arg18[%mul3A_2, %dma_start3A] : memref<10240x128xf32, #tpu.memory_space<vmem_shared>> -> memref<640x128xf32, #tpu.memory_space<vmem_shared>>
      tpu.enqueue_dma source(%arg7 : memref<640x128xf32, #tpu.memory_space<hbm>>) target(%dma_start3A_24 : memref<640x128xf32, #tpu.memory_space<vmem_shared>>) target_semaphore(%run_scoped3A : memref<!tpu.dma_semaphore, #tpu.memory_space<semaphore_mem>>)
      %dma_wait3A = arith.constant 0 : i32
      %dma_wait3A_25 = tpu.memref_slice %arg18[%mul3A_2, %dma_wait3A] : memref<10240x128xf32, #tpu.memory_space<vmem_shared>> -> memref<640x128xf32, #tpu.memory_space<vmem_shared>>
      tpu.wait_dma2 semaphore(%run_scoped3A : memref<!tpu.dma_semaphore, #tpu.memory_space<semaphore_mem>>) src(%arg7 : memref<640x128xf32, #tpu.memory_space<hbm>>) dst(%dma_wait3A_25 : memref<640x128xf32, #tpu.memory_space<vmem_shared>>)
      tpu.yield
    }) : () -> ()
    %mul3A_3 = arith.constant 640 : i32
    %mul3A_4 = arith.muli %arg1, %mul3A_3 : i32
    "tpu.region"() ({
      %run_scoped3A = tpu.sem_alloc : memref<!tpu.dma_semaphore, #tpu.memory_space<semaphore_mem>>
      %dma_start3A = tpu.memref_slice %arg19[%mul3A_4] : memref<10240xf32, #tpu.memory_space<vmem_shared>> -> memref<640xf32, #tpu.memory_space<vmem_shared>>
      tpu.enqueue_dma source(%arg8 : memref<640xf32, #tpu.memory_space<hbm>>) target(%dma_start3A : memref<640xf32, #tpu.memory_space<vmem_shared>>) target_semaphore(%run_scoped3A : memref<!tpu.dma_semaphore, #tpu.memory_space<semaphore_mem>>)
      %dma_wait3A = tpu.memref_slice %arg19[%mul3A_4] : memref<10240xf32, #tpu.memory_space<vmem_shared>> -> memref<640xf32, #tpu.memory_space<vmem_shared>>
      tpu.wait_dma2 semaphore(%run_scoped3A : memref<!tpu.dma_semaphore, #tpu.memory_space<semaphore_mem>>) src(%arg8 : memref<640xf32, #tpu.memory_space<hbm>>) dst(%dma_wait3A : memref<640xf32, #tpu.memory_space<vmem_shared>>)
      tpu.yield
    }) : () -> ()
    %barrier3A = arith.constant 0 : index
    tpu.barrier barrier_id(%barrier3A)
    %get3A = arith.constant 0 : index
    %get3A_5 = tpu.vector_load %arg13[%get3A] {strides = array<i32>} : memref<16xf32, #tpu.memory_space<vmem>>, vector<16xf32>,
    %sub3A = arith.constant 1540 : i32
    %sub3A_6 = arith.subi %sub3A, %add3A : i32
    %sub3A_7 = arith.constant 32 : i32
    %sub3A_8 = arith.constant 1 : i32
    %sub3A_9 = arith.subi %sub3A_7, %sub3A_8 : i32
    %add3A_10 = arith.addi %sub3A_6, %sub3A_9 : i32
    %div3A = arith.constant 32 : i32
    %div3A_11 = arith.divsi %add3A_10, %div3A : i32
    %while3A = arith.constant 32 : i32
    %while3A_12 = arith.constant 0 : i32
    %while3A_13 = arith.subi %div3A_11, %while3A_12 : i32
    %while3A_14 = arith.addi %while3A_12, %while3A_13 : i32
    %while3A_15 = arith.constant 1 : i32
    %while3A_16 = arith.divsi %while3A_13, %while3A_15 : i32
    %while3A_17 = arith.muli %while3A_16, %while3A_15 : i32
    %while3A_18 = arith.addi %while3A_12, %while3A_17 : i32
    %while3A_19 = arith.constant 1 : i32
    scf.for %while3A_24 = %while3A_12 to %while3A_18 step %while3A_19  : i32 {
      %mul3A_25 = arith.muli %while3A_24, %while3A : i32
      %add3A_26 = arith.addi %add3A, %mul3A_25 : i32
      %mul3A_27 = arith.constant 2 : i32
      %mul3A_28 = arith.muli %add3A_26, %mul3A_27 : i32
      %mul3A_29 = arith.constant 208 : i32
      %mul3A_30 = arith.muli %mul3A_28, %mul3A_29 : i32
      "tpu.region"() ({
        %run_scoped3A = tpu.sem_alloc : memref<!tpu.dma_semaphore, #tpu.memory_space<semaphore_mem>>
        %dma_start3A_57 = tpu.memref_slice %arg2[%mul3A_30] : memref<640640xi32, #tpu.memory_space<hbm>> -> memref<416xi32, #tpu.memory_space<hbm>>
        %dma_start3A_58 = tpu.memref_slice %arg2[%mul3A_30] : memref<640640xi32, #tpu.memory_space<hbm>> -> memref<416xi32, #tpu.memory_space<hbm>>
        tpu.enqueue_dma source(%dma_start3A_58 : memref<416xi32, #tpu.memory_space<hbm>>) target(%arg14 : memref<416xi32, #tpu.memory_space<vmem>>) target_semaphore(%run_scoped3A : memref<!tpu.dma_semaphore, #tpu.memory_space<semaphore_mem>>)
        %dma_wait3A_59 = tpu.memref_slice %arg2[%mul3A_30] : memref<640640xi32, #tpu.memory_space<hbm>> -> memref<416xi32, #tpu.memory_space<hbm>>
        %dma_wait3A_60 = tpu.memref_slice %arg2[%mul3A_30] : memref<640640xi32, #tpu.memory_space<hbm>> -> memref<416xi32, #tpu.memory_space<hbm>>
        tpu.wait_dma2 semaphore(%run_scoped3A : memref<!tpu.dma_semaphore, #tpu.memory_space<semaphore_mem>>) src(%dma_wait3A_60 : memref<416xi32, #tpu.memory_space<hbm>>) dst(%arg14 : memref<416xi32, #tpu.memory_space<vmem>>)
        tpu.yield
      }) : () -> ()
      %scan3A = arith.constant 0 : i32
      %scan3A_31 = arith.constant 13 : i32
      %scan3A_32 = arith.addi %scan3A, %scan3A_31 : i32
      %scan3A_33 = arith.constant 1 : i32
      scf.for %scan3A_57 = %scan3A to %scan3A_32 step %scan3A_33  : i32 {
        %mul3A_58 = arith.constant 16 : i32
        %mul3A_59 = arith.muli %scan3A_57, %mul3A_58 : i32
        %add3A_60 = arith.constant 0 : i32
        %add3A_61 = arith.addi %add3A_60, %mul3A_59 : i32
        %add3A_62 = arith.constant 208 : i32
        %add3A_63 = arith.addi %add3A_62, %add3A_61 : i32
        %get3A_64 = arith.index_cast %add3A_63 : i32 to index
        %get3A_65 = tpu.vector_load %arg14[%get3A_64] {strides = array<i32>} : memref<416xi32, #tpu.memory_space<vmem>>, vector<16xi32>,
        %swap3A = arith.index_cast %add3A_61 : i32 to index
        %swap3A_66 = tpu.vector_load %arg15[%swap3A] {strides = array<i32>} : memref<208xi32, #tpu.memory_space<vmem>>, vector<16xi32>,
        tpu.vector_store %arg15[%swap3A], %get3A_65 {strides = array<i32>} : memref<208xi32, #tpu.memory_space<vmem>>, vector<16xi32>,
      }
      %scan3A_34 = arith.constant 13 : i32
      %dma_start3A = arith.constant 0 : i32
      %dma_start3A_35 = tpu.memref_slice %arg14[%dma_start3A] : memref<416xi32, #tpu.memory_space<vmem>> -> memref<208xi32, #tpu.memory_space<vmem>>
      %dma_start3A_36 = arith.constant 0 : i32
      %dma_start3A_37 = arith.constant 0 : i32
      %dma_start3A_38 = tpu.memref_slice %arg6[%dma_start3A_36, %dma_start3A_37] : memref<10000x128xf32, #tpu.memory_space<hbm>> -> memref<10000x128xf32, #tpu.memory_space<hbm>>
      tpu.enqueue_indirect_dma source(%dma_start3A_38 : memref<10000x128xf32, #tpu.memory_space<hbm>>) target(%arg17 : memref<208x128xf32, #tpu.memory_space<vmem>>) offsets(%dma_start3A_35 : memref<208xi32, #tpu.memory_space<vmem>>) semaphore(%arg20 : memref<!tpu.dma_semaphore, #tpu.memory_space<semaphore_mem>>)
      %scan3A_39 = arith.constant 0 : i32
      %scan3A_40 = arith.constant 13 : i32
      %scan3A_41 = arith.addi %scan3A_39, %scan3A_40 : i32
      %scan3A_42 = arith.constant 1 : i32
      scf.for %scan3A_57 = %scan3A_39 to %scan3A_41 step %scan3A_42  : i32 {
        %mul3A_58 = arith.constant 16 : i32
        %mul3A_59 = arith.muli %scan3A_57, %mul3A_58 : i32
        %add3A_60 = arith.constant 0 : i32
        %add3A_61 = arith.addi %add3A_60, %mul3A_59 : i32
        %get3A_62 = arith.index_cast %add3A_61 : i32 to index
        %get3A_63 = tpu.vector_load %arg14[%get3A_62] {strides = array<i32>} : memref<416xi32, #tpu.memory_space<vmem>>, vector<16xi32>,
        %get3A_64 = arith.index_cast %add3A_61 : i32 to index
        %get3A_65 = tpu.vector_load %arg15[%get3A_64] {strides = array<i32>} : memref<208xi32, #tpu.memory_space<vmem>>, vector<16xi32>,
        %gather3A = tpu.vector_load_idx %arg11[%get3A_63] : memref<10000xf32, #tpu.memory_space<vmem>>[vector<16xi32>], vector<16xf32>,
        %gather3A_66 = tpu.vector_load_idx %arg12[%get3A_65] : memref<10000xf32, #tpu.memory_space<vmem>>[vector<16xi32>], vector<16xf32>,
        %add3A_67 = arith.addf %gather3A, %gather3A_66 : vector<16xf32>
        %ge3A = arith.constant 0.000000e+00 : f32
        %ge3A_68 = vector.broadcast %ge3A : f32 to vector<16xf32>
        %ge3A_69 = arith.cmpf oge, %add3A_67, %ge3A_68 : vector<16xf32>
        %mul3A_70 = arith.constant 2.000000e-01 : f32
        %mul3A_71 = vector.broadcast %mul3A_70 : f32 to vector<16xf32>
        %mul3A_72 = arith.mulf %add3A_67, %mul3A_71 : vector<16xf32>
        %select_n3A = arith.select %ge3A_69, %add3A_67, %mul3A_72 : vector<16xi1>, vector<16xf32>
        %sub3A_73 = arith.subf %select_n3A, %get3A_5 : vector<16xf32>
        %exp3A = math.exp %sub3A_73 : vector<16xf32>
        %swap3A = arith.index_cast %add3A_61 : i32 to index
        %swap3A_74 = tpu.vector_load %arg16[%swap3A] {strides = array<i32>} : memref<208xf32, #tpu.memory_space<vmem>>, vector<16xf32>,
        tpu.vector_store %arg16[%swap3A], %exp3A {strides = array<i32>} : memref<208xf32, #tpu.memory_space<vmem>>, vector<16xf32>,
      }
      %scan3A_43 = arith.constant 13 : i32
      %dma_start3A_44 = arith.constant 0 : i32
      %dma_start3A_45 = tpu.memref_slice %arg19[%dma_start3A_44] : memref<10240xf32, #tpu.memory_space<vmem_shared>> -> memref<10240xf32, #tpu.memory_space<vmem_shared>>
      tpu.enqueue_indirect_dma source(%arg16 : memref<208xf32, #tpu.memory_space<vmem>>) target(%dma_start3A_45 : memref<10240xf32, #tpu.memory_space<vmem_shared>>) offsets(%arg15 : memref<208xi32, #tpu.memory_space<vmem>>) semaphore(%arg21 : memref<!tpu.dma_semaphore, #tpu.memory_space<semaphore_mem>>) {add = true}
      %dma_wait3A = arith.constant 0 : i32
      %dma_wait3A_46 = tpu.memref_slice %arg14[%dma_wait3A] : memref<416xi32, #tpu.memory_space<vmem>> -> memref<208xi32, #tpu.memory_space<vmem>>
      %dma_wait3A_47 = arith.constant 0 : i32
      %dma_wait3A_48 = arith.constant 0 : i32
      %dma_wait3A_49 = tpu.memref_slice %arg6[%dma_wait3A_47, %dma_wait3A_48] : memref<10000x128xf32, #tpu.memory_space<hbm>> -> memref<10000x128xf32, #tpu.memory_space<hbm>>
      tpu.wait_indirect_dma semaphore(%arg20 : memref<!tpu.dma_semaphore, #tpu.memory_space<semaphore_mem>>) src(%dma_wait3A_49 : memref<10000x128xf32, #tpu.memory_space<hbm>>) dst(%arg17 : memref<208x128xf32, #tpu.memory_space<vmem>>)
      %scan3A_50 = arith.constant 0 : i32
      %scan3A_51 = arith.constant 26 : i32
      %scan3A_52 = arith.addi %scan3A_50, %scan3A_51 : i32
      %scan3A_53 = arith.constant 1 : i32
      scf.for %scan3A_57 = %scan3A_50 to %scan3A_52 step %scan3A_53  : i32 {
        %mul3A_58 = arith.constant 8 : i32
        %mul3A_59 = arith.muli %scan3A_57, %mul3A_58 : i32
        %add3A_60 = arith.constant 0 : i32
        %add3A_61 = arith.addi %add3A_60, %mul3A_59 : i32
        %add3A_62 = arith.constant 0 : i32
        %add3A_63 = arith.addi %add3A_61, %add3A_62 : i32
        %broadcast_in_dim3A = vector.broadcast %add3A_63 : i32 to vector<16xi32>
        %gather3A = tpu.vector_load_idx %arg16[%broadcast_in_dim3A] : memref<208xf32, #tpu.memory_space<vmem>>[vector<16xi32>], vector<16xf32>,
        %add3A_64 = arith.constant 0 : i32
        %add3A_65 = arith.addi %add3A_61, %add3A_64 : i32
        %get3A_66 = arith.index_cast %add3A_65 : i32 to index
        %get3A_67 = arith.constant 0 : index
        %get3A_68 = tpu.vector_load %arg17[%get3A_66, %get3A_67] {strides = array<i32>} : memref<208x128xf32, #tpu.memory_space<vmem>>, vector<16xf32>,
        %mul3A_69 = arith.mulf %get3A_68, %gather3A : vector<16xf32>
        %add3A_70 = arith.constant 0 : i32
        %add3A_71 = arith.addi %add3A_61, %add3A_70 : i32
        %swap3A = arith.index_cast %add3A_71 : i32 to index
        %swap3A_72 = arith.constant 0 : index
        %swap3A_73 = tpu.vector_load %arg17[%swap3A, %swap3A_72] {strides = array<i32>} : memref<208x128xf32, #tpu.memory_space<vmem>>, vector<16xf32>,
        tpu.vector_store %arg17[%swap3A, %swap3A_72], %mul3A_69 {strides = array<i32>} : memref<208x128xf32, #tpu.memory_space<vmem>>, vector<16xf32>,
        %add3A_74 = arith.constant 0 : i32
        %add3A_75 = arith.addi %add3A_61, %add3A_74 : i32
        %get3A_76 = arith.index_cast %add3A_75 : i32 to index
        %get3A_77 = arith.constant 16 : index
        %get3A_78 = tpu.vector_load %arg17[%get3A_76, %get3A_77] {strides = array<i32>} : memref<208x128xf32, #tpu.memory_space<vmem>>, vector<16xf32>,
        %mul3A_79 = arith.mulf %get3A_78, %gather3A : vector<16xf32>
        %add3A_80 = arith.constant 0 : i32
        %add3A_81 = arith.addi %add3A_61, %add3A_80 : i32
        %swap3A_82 = arith.index_cast %add3A_81 : i32 to index
        %swap3A_83 = arith.constant 16 : index
        %swap3A_84 = tpu.vector_load %arg17[%swap3A_82, %swap3A_83] {strides = array<i32>} : memref<208x128xf32, #tpu.memory_space<vmem>>, vector<16xf32>,
        tpu.vector_store %arg17[%swap3A_82, %swap3A_83], %mul3A_79 {strides = array<i32>} : memref<208x128xf32, #tpu.memory_space<vmem>>, vector<16xf32>,
        %add3A_85 = arith.constant 0 : i32
        %add3A_86 = arith.addi %add3A_61, %add3A_85 : i32
        %get3A_87 = arith.index_cast %add3A_86 : i32 to index
        %get3A_88 = arith.constant 32 : index
        %get3A_89 = tpu.vector_load %arg17[%get3A_87, %get3A_88] {strides = array<i32>} : memref<208x128xf32, #tpu.memory_space<vmem>>, vector<16xf32>,
        %mul3A_90 = arith.mulf %get3A_89, %gather3A : vector<16xf32>
        %add3A_91 = arith.constant 0 : i32
        %add3A_92 = arith.addi %add3A_61, %add3A_91 : i32
        %swap3A_93 = arith.index_cast %add3A_92 : i32 to index
        %swap3A_94 = arith.constant 32 : index
        %swap3A_95 = tpu.vector_load %arg17[%swap3A_93, %swap3A_94] {strides = array<i32>} : memref<208x128xf32, #tpu.memory_space<vmem>>, vector<16xf32>,
        tpu.vector_store %arg17[%swap3A_93, %swap3A_94], %mul3A_90 {strides = array<i32>} : memref<208x128xf32, #tpu.memory_space<vmem>>, vector<16xf32>,
        %add3A_96 = arith.constant 0 : i32
        %add3A_97 = arith.addi %add3A_61, %add3A_96 : i32
        %get3A_98 = arith.index_cast %add3A_97 : i32 to index
        %get3A_99 = arith.constant 48 : index
        %get3A_100 = tpu.vector_load %arg17[%get3A_98, %get3A_99] {strides = array<i32>} : memref<208x128xf32, #tpu.memory_space<vmem>>, vector<16xf32>,
        %mul3A_101 = arith.mulf %get3A_100, %gather3A : vector<16xf32>
        %add3A_102 = arith.constant 0 : i32
        %add3A_103 = arith.addi %add3A_61, %add3A_102 : i32
        %swap3A_104 = arith.index_cast %add3A_103 : i32 to index
        %swap3A_105 = arith.constant 48 : index
        %swap3A_106 = tpu.vector_load %arg17[%swap3A_104, %swap3A_105] {strides = array<i32>} : memref<208x128xf32, #tpu.memory_space<vmem>>, vector<16xf32>,
        tpu.vector_store %arg17[%swap3A_104, %swap3A_105], %mul3A_101 {strides = array<i32>} : memref<208x128xf32, #tpu.memory_space<vmem>>, vector<16xf32>,
        %add3A_107 = arith.constant 0 : i32
        %add3A_108 = arith.addi %add3A_61, %add3A_107 : i32
        %get3A_109 = arith.index_cast %add3A_108 : i32 to index
        %get3A_110 = arith.constant 64 : index
        %get3A_111 = tpu.vector_load %arg17[%get3A_109, %get3A_110] {strides = array<i32>} : memref<208x128xf32, #tpu.memory_space<vmem>>, vector<16xf32>,
        %mul3A_112 = arith.mulf %get3A_111, %gather3A : vector<16xf32>
        %add3A_113 = arith.constant 0 : i32
        %add3A_114 = arith.addi %add3A_61, %add3A_113 : i32
        %swap3A_115 = arith.index_cast %add3A_114 : i32 to index
        %swap3A_116 = arith.constant 64 : index
        %swap3A_117 = tpu.vector_load %arg17[%swap3A_115, %swap3A_116] {strides = array<i32>} : memref<208x128xf32, #tpu.memory_space<vmem>>, vector<16xf32>,
        tpu.vector_store %arg17[%swap3A_115, %swap3A_116], %mul3A_112 {strides = array<i32>} : memref<208x128xf32, #tpu.memory_space<vmem>>, vector<16xf32>,
        %add3A_118 = arith.constant 0 : i32
        %add3A_119 = arith.addi %add3A_61, %add3A_118 : i32
        %get3A_120 = arith.index_cast %add3A_119 : i32 to index
        %get3A_121 = arith.constant 80 : index
        %get3A_122 = tpu.vector_load %arg17[%get3A_120, %get3A_121] {strides = array<i32>} : memref<208x128xf32, #tpu.memory_space<vmem>>, vector<16xf32>,
        %mul3A_123 = arith.mulf %get3A_122, %gather3A : vector<16xf32>
        %add3A_124 = arith.constant 0 : i32
        %add3A_125 = arith.addi %add3A_61, %add3A_124 : i32
        %swap3A_126 = arith.index_cast %add3A_125 : i32 to index
        %swap3A_127 = arith.constant 80 : index
        %swap3A_128 = tpu.vector_load %arg17[%swap3A_126, %swap3A_127] {strides = array<i32>} : memref<208x128xf32, #tpu.memory_space<vmem>>, vector<16xf32>,
        tpu.vector_store %arg17[%swap3A_126, %swap3A_127], %mul3A_123 {strides = array<i32>} : memref<208x128xf32, #tpu.memory_space<vmem>>, vector<16xf32>,
        %add3A_129 = arith.constant 0 : i32
        %add3A_130 = arith.addi %add3A_61, %add3A_129 : i32
        %get3A_131 = arith.index_cast %add3A_130 : i32 to index
        %get3A_132 = arith.constant 96 : index
        %get3A_133 = tpu.vector_load %arg17[%get3A_131, %get3A_132] {strides = array<i32>} : memref<208x128xf32, #tpu.memory_space<vmem>>, vector<16xf32>,
        %mul3A_134 = arith.mulf %get3A_133, %gather3A : vector<16xf32>
        %add3A_135 = arith.constant 0 : i32
        %add3A_136 = arith.addi %add3A_61, %add3A_135 : i32
        %swap3A_137 = arith.index_cast %add3A_136 : i32 to index
        %swap3A_138 = arith.constant 96 : index
        %swap3A_139 = tpu.vector_load %arg17[%swap3A_137, %swap3A_138] {strides = array<i32>} : memref<208x128xf32, #tpu.memory_space<vmem>>, vector<16xf32>,
        tpu.vector_store %arg17[%swap3A_137, %swap3A_138], %mul3A_134 {strides = array<i32>} : memref<208x128xf32, #tpu.memory_space<vmem>>, vector<16xf32>,
        %add3A_140 = arith.constant 0 : i32
        %add3A_141 = arith.addi %add3A_61, %add3A_140 : i32
        %get3A_142 = arith.index_cast %add3A_141 : i32 to index
        %get3A_143 = arith.constant 112 : index
        %get3A_144 = tpu.vector_load %arg17[%get3A_142, %get3A_143] {strides = array<i32>} : memref<208x128xf32, #tpu.memory_space<vmem>>, vector<16xf32>,
        %mul3A_145 = arith.mulf %get3A_144, %gather3A : vector<16xf32>
        %add3A_146 = arith.constant 0 : i32
        %add3A_147 = arith.addi %add3A_61, %add3A_146 : i32
        %swap3A_148 = arith.index_cast %add3A_147 : i32 to index
        %swap3A_149 = arith.constant 112 : index
        %swap3A_150 = tpu.vector_load %arg17[%swap3A_148, %swap3A_149] {strides = array<i32>} : memref<208x128xf32, #tpu.memory_space<vmem>>, vector<16xf32>,
        tpu.vector_store %arg17[%swap3A_148, %swap3A_149], %mul3A_145 {strides = array<i32>} : memref<208x128xf32, #tpu.memory_space<vmem>>, vector<16xf32>,
        %add3A_151 = arith.constant 1 : i32
        %add3A_152 = arith.addi %add3A_61, %add3A_151 : i32
        %broadcast_in_dim3A_153 = vector.broadcast %add3A_152 : i32 to vector<16xi32>
        %gather3A_154 = tpu.vector_load_idx %arg16[%broadcast_in_dim3A_153] : memref<208xf32, #tpu.memory_space<vmem>>[vector<16xi32>], vector<16xf32>,
        %add3A_155 = arith.constant 1 : i32
        %add3A_156 = arith.addi %add3A_61, %add3A_155 : i32
        %get3A_157 = arith.index_cast %add3A_156 : i32 to index
        %get3A_158 = arith.constant 0 : index
        %get3A_159 = tpu.vector_load %arg17[%get3A_157, %get3A_158] {strides = array<i32>} : memref<208x128xf32, #tpu.memory_space<vmem>>, vector<16xf32>,
        %mul3A_160 = arith.mulf %get3A_159, %gather3A_154 : vector<16xf32>
        %add3A_161 = arith.constant 1 : i32
        %add3A_162 = arith.addi %add3A_61, %add3A_161 : i32
        %swap3A_163 = arith.index_cast %add3A_162 : i32 to index
        %swap3A_164 = arith.constant 0 : index
        %swap3A_165 = tpu.vector_load %arg17[%swap3A_163, %swap3A_164] {strides = array<i32>} : memref<208x128xf32, #tpu.memory_space<vmem>>, vector<16xf32>,
        tpu.vector_store %arg17[%swap3A_163, %swap3A_164], %mul3A_160 {strides = array<i32>} : memref<208x128xf32, #tpu.memory_space<vmem>>, vector<16xf32>,
        %add3A_166 = arith.constant 1 : i32
        %add3A_167 = arith.addi %add3A_61, %add3A_166 : i32
        %get3A_168 = arith.index_cast %add3A_167 : i32 to index
        %get3A_169 = arith.constant 16 : index
        %get3A_170 = tpu.vector_load %arg17[%get3A_168, %get3A_169] {strides = array<i32>} : memref<208x128xf32, #tpu.memory_space<vmem>>, vector<16xf32>,
        %mul3A_171 = arith.mulf %get3A_170, %gather3A_154 : vector<16xf32>
        %add3A_172 = arith.constant 1 : i32
        %add3A_173 = arith.addi %add3A_61, %add3A_172 : i32
        %swap3A_174 = arith.index_cast %add3A_173 : i32 to index
        %swap3A_175 = arith.constant 16 : index
        %swap3A_176 = tpu.vector_load %arg17[%swap3A_174, %swap3A_175] {strides = array<i32>} : memref<208x128xf32, #tpu.memory_space<vmem>>, vector<16xf32>,
        tpu.vector_store %arg17[%swap3A_174, %swap3A_175], %mul3A_171 {strides = array<i32>} : memref<208x128xf32, #tpu.memory_space<vmem>>, vector<16xf32>,
        %add3A_177 = arith.constant 1 : i32
        %add3A_178 = arith.addi %add3A_61, %add3A_177 : i32
        %get3A_179 = arith.index_cast %add3A_178 : i32 to index
        %get3A_180 = arith.constant 32 : index
        %get3A_181 = tpu.vector_load %arg17[%get3A_179, %get3A_180] {strides = array<i32>} : memref<208x128xf32, #tpu.memory_space<vmem>>, vector<16xf32>,
        %mul3A_182 = arith.mulf %get3A_181, %gather3A_154 : vector<16xf32>
        %add3A_183 = arith.constant 1 : i32
        %add3A_184 = arith.addi %add3A_61, %add3A_183 : i32
        %swap3A_185 = arith.index_cast %add3A_184 : i32 to index
        %swap3A_186 = arith.constant 32 : index
        %swap3A_187 = tpu.vector_load %arg17[%swap3A_185, %swap3A_186] {strides = array<i32>} : memref<208x128xf32, #tpu.memory_space<vmem>>, vector<16xf32>,
        tpu.vector_store %arg17[%swap3A_185, %swap3A_186], %mul3A_182 {strides = array<i32>} : memref<208x128xf32, #tpu.memory_space<vmem>>, vector<16xf32>,
        %add3A_188 = arith.constant 1 : i32
        %add3A_189 = arith.addi %add3A_61, %add3A_188 : i32
        %get3A_190 = arith.index_cast %add3A_189 : i32 to index
        %get3A_191 = arith.constant 48 : index
        %get3A_192 = tpu.vector_load %arg17[%get3A_190, %get3A_191] {strides = array<i32>} : memref<208x128xf32, #tpu.memory_space<vmem>>, vector<16xf32>,
        %mul3A_193 = arith.mulf %get3A_192, %gather3A_154 : vector<16xf32>
        %add3A_194 = arith.constant 1 : i32
        %add3A_195 = arith.addi %add3A_61, %add3A_194 : i32
        %swap3A_196 = arith.index_cast %add3A_195 : i32 to index
        %swap3A_197 = arith.constant 48 : index
        %swap3A_198 = tpu.vector_load %arg17[%swap3A_196, %swap3A_197] {strides = array<i32>} : memref<208x128xf32, #tpu.memory_space<vmem>>, vector<16xf32>,
        tpu.vector_store %arg17[%swap3A_196, %swap3A_197], %mul3A_193 {strides = array<i32>} : memref<208x128xf32, #tpu.memory_space<vmem>>, vector<16xf32>,
        %add3A_199 = arith.constant 1 : i32
        %add3A_200 = arith.addi %add3A_61, %add3A_199 : i32
        %get3A_201 = arith.index_cast %add3A_200 : i32 to index
        %get3A_202 = arith.constant 64 : index
        %get3A_203 = tpu.vector_load %arg17[%get3A_201, %get3A_202] {strides = array<i32>} : memref<208x128xf32, #tpu.memory_space<vmem>>, vector<16xf32>,
        %mul3A_204 = arith.mulf %get3A_203, %gather3A_154 : vector<16xf32>
        %add3A_205 = arith.constant 1 : i32
        %add3A_206 = arith.addi %add3A_61, %add3A_205 : i32
        %swap3A_207 = arith.index_cast %add3A_206 : i32 to index
        %swap3A_208 = arith.constant 64 : index
        %swap3A_209 = tpu.vector_load %arg17[%swap3A_207, %swap3A_208] {strides = array<i32>} : memref<208x128xf32, #tpu.memory_space<vmem>>, vector<16xf32>,
        tpu.vector_store %arg17[%swap3A_207, %swap3A_208], %mul3A_204 {strides = array<i32>} : memref<208x128xf32, #tpu.memory_space<vmem>>, vector<16xf32>,
        %add3A_210 = arith.constant 1 : i32
        %add3A_211 = arith.addi %add3A_61, %add3A_210 : i32
        %get3A_212 = arith.index_cast %add3A_211 : i32 to index
        %get3A_213 = arith.constant 80 : index
        %get3A_214 = tpu.vector_load %arg17[%get3A_212, %get3A_213] {strides = array<i32>} : memref<208x128xf32, #tpu.memory_space<vmem>>, vector<16xf32>,
        %mul3A_215 = arith.mulf %get3A_214, %gather3A_154 : vector<16xf32>
        %add3A_216 = arith.constant 1 : i32
        %add3A_217 = arith.addi %add3A_61, %add3A_216 : i32
        %swap3A_218 = arith.index_cast %add3A_217 : i32 to index
        %swap3A_219 = arith.constant 80 : index
        %swap3A_220 = tpu.vector_load %arg17[%swap3A_218, %swap3A_219] {strides = array<i32>} : memref<208x128xf32, #tpu.memory_space<vmem>>, vector<16xf32>,
        tpu.vector_store %arg17[%swap3A_218, %swap3A_219], %mul3A_215 {strides = array<i32>} : memref<208x128xf32, #tpu.memory_space<vmem>>, vector<16xf32>,
        %add3A_221 = arith.constant 1 : i32
        %add3A_222 = arith.addi %add3A_61, %add3A_221 : i32
        %get3A_223 = arith.index_cast %add3A_222 : i32 to index
        %get3A_224 = arith.constant 96 : index
        %get3A_225 = tpu.vector_load %arg17[%get3A_223, %get3A_224] {strides = array<i32>} : memref<208x128xf32, #tpu.memory_space<vmem>>, vector<16xf32>,
        %mul3A_226 = arith.mulf %get3A_225, %gather3A_154 : vector<16xf32>
        %add3A_227 = arith.constant 1 : i32
        %add3A_228 = arith.addi %add3A_61, %add3A_227 : i32
        %swap3A_229 = arith.index_cast %add3A_228 : i32 to index
        %swap3A_230 = arith.constant 96 : index
        %swap3A_231 = tpu.vector_load %arg17[%swap3A_229, %swap3A_230] {strides = array<i32>} : memref<208x128xf32, #tpu.memory_space<vmem>>, vector<16xf32>,
        tpu.vector_store %arg17[%swap3A_229, %swap3A_230], %mul3A_226 {strides = array<i32>} : memref<208x128xf32, #tpu.memory_space<vmem>>, vector<16xf32>,
        %add3A_232 = arith.constant 1 : i32
        %add3A_233 = arith.addi %add3A_61, %add3A_232 : i32
        %get3A_234 = arith.index_cast %add3A_233 : i32 to index
        %get3A_235 = arith.constant 112 : index
        %get3A_236 = tpu.vector_load %arg17[%get3A_234, %get3A_235] {strides = array<i32>} : memref<208x128xf32, #tpu.memory_space<vmem>>, vector<16xf32>,
        %mul3A_237 = arith.mulf %get3A_236, %gather3A_154 : vector<16xf32>
        %add3A_238 = arith.constant 1 : i32
        %add3A_239 = arith.addi %add3A_61, %add3A_238 : i32
        %swap3A_240 = arith.index_cast %add3A_239 : i32 to index
        %swap3A_241 = arith.constant 112 : index
        %swap3A_242 = tpu.vector_load %arg17[%swap3A_240, %swap3A_241] {strides = array<i32>} : memref<208x128xf32, #tpu.memory_space<vmem>>, vector<16xf32>,
        tpu.vector_store %arg17[%swap3A_240, %swap3A_241], %mul3A_237 {strides = array<i32>} : memref<208x128xf32, #tpu.memory_space<vmem>>, vector<16xf32>,
        %add3A_243 = arith.constant 2 : i32
        %add3A_244 = arith.addi %add3A_61, %add3A_243 : i32
        %broadcast_in_dim3A_245 = vector.broadcast %add3A_244 : i32 to vector<16xi32>
        %gather3A_246 = tpu.vector_load_idx %arg16[%broadcast_in_dim3A_245] : memref<208xf32, #tpu.memory_space<vmem>>[vector<16xi32>], vector<16xf32>,
        %add3A_247 = arith.constant 2 : i32
        %add3A_248 = arith.addi %add3A_61, %add3A_247 : i32
        %get3A_249 = arith.index_cast %add3A_248 : i32 to index
        %get3A_250 = arith.constant 0 : index
        %get3A_251 = tpu.vector_load %arg17[%get3A_249, %get3A_250] {strides = array<i32>} : memref<208x128xf32, #tpu.memory_space<vmem>>, vector<16xf32>,
        %mul3A_252 = arith.mulf %get3A_251, %gather3A_246 : vector<16xf32>
        %add3A_253 = arith.constant 2 : i32
        %add3A_254 = arith.addi %add3A_61, %add3A_253 : i32
        %swap3A_255 = arith.index_cast %add3A_254 : i32 to index
        %swap3A_256 = arith.constant 0 : index
        %swap3A_257 = tpu.vector_load %arg17[%swap3A_255, %swap3A_256] {strides = array<i32>} : memref<208x128xf32, #tpu.memory_space<vmem>>, vector<16xf32>,
        tpu.vector_store %arg17[%swap3A_255, %swap3A_256], %mul3A_252 {strides = array<i32>} : memref<208x128xf32, #tpu.memory_space<vmem>>, vector<16xf32>,
        %add3A_258 = arith.constant 2 : i32
        %add3A_259 = arith.addi %add3A_61, %add3A_258 : i32
        %get3A_260 = arith.index_cast %add3A_259 : i32 to index
        %get3A_261 = arith.constant 16 : index
        %get3A_262 = tpu.vector_load %arg17[%get3A_260, %get3A_261] {strides = array<i32>} : memref<208x128xf32, #tpu.memory_space<vmem>>, vector<16xf32>,
        %mul3A_263 = arith.mulf %get3A_262, %gather3A_246 : vector<16xf32>
        %add3A_264 = arith.constant 2 : i32
        %add3A_265 = arith.addi %add3A_61, %add3A_264 : i32
        %swap3A_266 = arith.index_cast %add3A_265 : i32 to index
        %swap3A_267 = arith.constant 16 : index
        %swap3A_268 = tpu.vector_load %arg17[%swap3A_266, %swap3A_267] {strides = array<i32>} : memref<208x128xf32, #tpu.memory_space<vmem>>, vector<16xf32>,
        tpu.vector_store %arg17[%swap3A_266, %swap3A_267], %mul3A_263 {strides = array<i32>} : memref<208x128xf32, #tpu.memory_space<vmem>>, vector<16xf32>,
        %add3A_269 = arith.constant 2 : i32
        %add3A_270 = arith.addi %add3A_61, %add3A_269 : i32
        %get3A_271 = arith.index_cast %add3A_270 : i32 to index
        %get3A_272 = arith.constant 32 : index
        %get3A_273 = tpu.vector_load %arg17[%get3A_271, %get3A_272] {strides = array<i32>} : memref<208x128xf32, #tpu.memory_space<vmem>>, vector<16xf32>,
        %mul3A_274 = arith.mulf %get3A_273, %gather3A_246 : vector<16xf32>
        %add3A_275 = arith.constant 2 : i32
        %add3A_276 = arith.addi %add3A_61, %add3A_275 : i32
        %swap3A_277 = arith.index_cast %add3A_276 : i32 to index
        %swap3A_278 = arith.constant 32 : index
        %swap3A_279 = tpu.vector_load %arg17[%swap3A_277, %swap3A_278] {strides = array<i32>} : memref<208x128xf32, #tpu.memory_space<vmem>>, vector<16xf32>,
        tpu.vector_store %arg17[%swap3A_277, %swap3A_278], %mul3A_274 {strides = array<i32>} : memref<208x128xf32, #tpu.memory_space<vmem>>, vector<16xf32>,
        %add3A_280 = arith.constant 2 : i32
        %add3A_281 = arith.addi %add3A_61, %add3A_280 : i32
        %get3A_282 = arith.index_cast %add3A_281 : i32 to index
        %get3A_283 = arith.constant 48 : index
        %get3A_284 = tpu.vector_load %arg17[%get3A_282, %get3A_283] {strides = array<i32>} : memref<208x128xf32, #tpu.memory_space<vmem>>, vector<16xf32>,
        %mul3A_285 = arith.mulf %get3A_284, %gather3A_246 : vector<16xf32>
        %add3A_286 = arith.constant 2 : i32
        %add3A_287 = arith.addi %add3A_61, %add3A_286 : i32
        %swap3A_288 = arith.index_cast %add3A_287 : i32 to index
        %swap3A_289 = arith.constant 48 : index
        %swap3A_290 = tpu.vector_load %arg17[%swap3A_288, %swap3A_289] {strides = array<i32>} : memref<208x128xf32, #tpu.memory_space<vmem>>, vector<16xf32>,
        tpu.vector_store %arg17[%swap3A_288, %swap3A_289], %mul3A_285 {strides = array<i32>} : memref<208x128xf32, #tpu.memory_space<vmem>>, vector<16xf32>,
        %add3A_291 = arith.constant 2 : i32
        %add3A_292 = arith.addi %add3A_61, %add3A_291 : i32
        %get3A_293 = arith.index_cast %add3A_292 : i32 to index
        %get3A_294 = arith.constant 64 : index
        %get3A_295 = tpu.vector_load %arg17[%get3A_293, %get3A_294] {strides = array<i32>} : memref<208x128xf32, #tpu.memory_space<vmem>>, vector<16xf32>,
        %mul3A_296 = arith.mulf %get3A_295, %gather3A_246 : vector<16xf32>
        %add3A_297 = arith.constant 2 : i32
        %add3A_298 = arith.addi %add3A_61, %add3A_297 : i32
        %swap3A_299 = arith.index_cast %add3A_298 : i32 to index
        %swap3A_300 = arith.constant 64 : index
        %swap3A_301 = tpu.vector_load %arg17[%swap3A_299, %swap3A_300] {strides = array<i32>} : memref<208x128xf32, #tpu.memory_space<vmem>>, vector<16xf32>,
        tpu.vector_store %arg17[%swap3A_299, %swap3A_300], %mul3A_296 {strides = array<i32>} : memref<208x128xf32, #tpu.memory_space<vmem>>, vector<16xf32>,
        %add3A_302 = arith.constant 2 : i32
        %add3A_303 = arith.addi %add3A_61, %add3A_302 : i32
        %get3A_304 = arith.index_cast %add3A_303 : i32 to index
        %get3A_305 = arith.constant 80 : index
        %get3A_306 = tpu.vector_load %arg17[%get3A_304, %get3A_305] {strides = array<i32>} : memref<208x128xf32, #tpu.memory_space<vmem>>, vector<16xf32>,
        %mul3A_307 = arith.mulf %get3A_306, %gather3A_246 : vector<16xf32>
        %add3A_308 = arith.constant 2 : i32
        %add3A_309 = arith.addi %add3A_61, %add3A_308 : i32
        %swap3A_310 = arith.index_cast %add3A_309 : i32 to index
        %swap3A_311 = arith.constant 80 : index
        %swap3A_312 = tpu.vector_load %arg17[%swap3A_310, %swap3A_311] {strides = array<i32>} : memref<208x128xf32, #tpu.memory_space<vmem>>, vector<16xf32>,
        tpu.vector_store %arg17[%swap3A_310, %swap3A_311], %mul3A_307 {strides = array<i32>} : memref<208x128xf32, #tpu.memory_space<vmem>>, vector<16xf32>,
        %add3A_313 = arith.constant 2 : i32
        %add3A_314 = arith.addi %add3A_61, %add3A_313 : i32
        %get3A_315 = arith.index_cast %add3A_314 : i32 to index
        %get3A_316 = arith.constant 96 : index
        %get3A_317 = tpu.vector_load %arg17[%get3A_315, %get3A_316] {strides = array<i32>} : memref<208x128xf32, #tpu.memory_space<vmem>>, vector<16xf32>,
        %mul3A_318 = arith.mulf %get3A_317, %gather3A_246 : vector<16xf32>
        %add3A_319 = arith.constant 2 : i32
        %add3A_320 = arith.addi %add3A_61, %add3A_319 : i32
        %swap3A_321 = arith.index_cast %add3A_320 : i32 to index
        %swap3A_322 = arith.constant 96 : index
        %swap3A_323 = tpu.vector_load %arg17[%swap3A_321, %swap3A_322] {strides = array<i32>} : memref<208x128xf32, #tpu.memory_space<vmem>>, vector<16xf32>,
        tpu.vector_store %arg17[%swap3A_321, %swap3A_322], %mul3A_318 {strides = array<i32>} : memref<208x128xf32, #tpu.memory_space<vmem>>, vector<16xf32>,
        %add3A_324 = arith.constant 2 : i32
        %add3A_325 = arith.addi %add3A_61, %add3A_324 : i32
        %get3A_326 = arith.index_cast %add3A_325 : i32 to index
        %get3A_327 = arith.constant 112 : index
        %get3A_328 = tpu.vector_load %arg17[%get3A_326, %get3A_327] {strides = array<i32>} : memref<208x128xf32, #tpu.memory_space<vmem>>, vector<16xf32>,
        %mul3A_329 = arith.mulf %get3A_328, %gather3A_246 : vector<16xf32>
        %add3A_330 = arith.constant 2 : i32
        %add3A_331 = arith.addi %add3A_61, %add3A_330 : i32
        %swap3A_332 = arith.index_cast %add3A_331 : i32 to index
        %swap3A_333 = arith.constant 112 : index
        %swap3A_334 = tpu.vector_load %arg17[%swap3A_332, %swap3A_333] {strides = array<i32>} : memref<208x128xf32, #tpu.memory_space<vmem>>, vector<16xf32>,
        tpu.vector_store %arg17[%swap3A_332, %swap3A_333], %mul3A_329 {strides = array<i32>} : memref<208x128xf32, #tpu.memory_space<vmem>>, vector<16xf32>,
        %add3A_335 = arith.constant 3 : i32
        %add3A_336 = arith.addi %add3A_61, %add3A_335 : i32
        %broadcast_in_dim3A_337 = vector.broadcast %add3A_336 : i32 to vector<16xi32>
        %gather3A_338 = tpu.vector_load_idx %arg16[%broadcast_in_dim3A_337] : memref<208xf32, #tpu.memory_space<vmem>>[vector<16xi32>], vector<16xf32>,
        %add3A_339 = arith.constant 3 : i32
        %add3A_340 = arith.addi %add3A_61, %add3A_339 : i32
        %get3A_341 = arith.index_cast %add3A_340 : i32 to index
        %get3A_342 = arith.constant 0 : index
        %get3A_343 = tpu.vector_load %arg17[%get3A_341, %get3A_342] {strides = array<i32>} : memref<208x128xf32, #tpu.memory_space<vmem>>, vector<16xf32>,
        %mul3A_344 = arith.mulf %get3A_343, %gather3A_338 : vector<16xf32>
        %add3A_345 = arith.constant 3 : i32
        %add3A_346 = arith.addi %add3A_61, %add3A_345 : i32
        %swap3A_347 = arith.index_cast %add3A_346 : i32 to index
        %swap3A_348 = arith.constant 0 : index
        %swap3A_349 = tpu.vector_load %arg17[%swap3A_347, %swap3A_348] {strides = array<i32>} : memref<208x128xf32, #tpu.memory_space<vmem>>, vector<16xf32>,
        tpu.vector_store %arg17[%swap3A_347, %swap3A_348], %mul3A_344 {strides = array<i32>} : memref<208x128xf32, #tpu.memory_space<vmem>>, vector<16xf32>,
        %add3A_350 = arith.constant 3 : i32
        %add3A_351 = arith.addi %add3A_61, %add3A_350 : i32
        %get3A_352 = arith.index_cast %add3A_351 : i32 to index
        %get3A_353 = arith.constant 16 : index
        %get3A_354 = tpu.vector_load %arg17[%get3A_352, %get3A_353] {strides = array<i32>} : memref<208x128xf32, #tpu.memory_space<vmem>>, vector<16xf32>,
        %mul3A_355 = arith.mulf %get3A_354, %gather3A_338 : vector<16xf32>
        %add3A_356 = arith.constant 3 : i32
        %add3A_357 = arith.addi %add3A_61, %add3A_356 : i32
        %swap3A_358 = arith.index_cast %add3A_357 : i32 to index
        %swap3A_359 = arith.constant 16 : index
        %swap3A_360 = tpu.vector_load %arg17[%swap3A_358, %swap3A_359] {strides = array<i32>} : memref<208x128xf32, #tpu.memory_space<vmem>>, vector<16xf32>,
        tpu.vector_store %arg17[%swap3A_358, %swap3A_359], %mul3A_355 {strides = array<i32>} : memref<208x128xf32, #tpu.memory_space<vmem>>, vector<16xf32>,
        %add3A_361 = arith.constant 3 : i32
        %add3A_362 = arith.addi %add3A_61, %add3A_361 : i32
        %get3A_363 = arith.index_cast %add3A_362 : i32 to index
        %get3A_364 = arith.constant 32 : index
        %get3A_365 = tpu.vector_load %arg17[%get3A_363, %get3A_364] {strides = array<i32>} : memref<208x128xf32, #tpu.memory_space<vmem>>, vector<16xf32>,
        %mul3A_366 = arith.mulf %get3A_365, %gather3A_338 : vector<16xf32>
        %add3A_367 = arith.constant 3 : i32
        %add3A_368 = arith.addi %add3A_61, %add3A_367 : i32
        %swap3A_369 = arith.index_cast %add3A_368 : i32 to index
        %swap3A_370 = arith.constant 32 : index
        %swap3A_371 = tpu.vector_load %arg17[%swap3A_369, %swap3A_370] {strides = array<i32>} : memref<208x128xf32, #tpu.memory_space<vmem>>, vector<16xf32>,
        tpu.vector_store %arg17[%swap3A_369, %swap3A_370], %mul3A_366 {strides = array<i32>} : memref<208x128xf32, #tpu.memory_space<vmem>>, vector<16xf32>,
        %add3A_372 = arith.constant 3 : i32
        %add3A_373 = arith.addi %add3A_61, %add3A_372 : i32
        %get3A_374 = arith.index_cast %add3A_373 : i32 to index
        %get3A_375 = arith.constant 48 : index
        %get3A_376 = tpu.vector_load %arg17[%get3A_374, %get3A_375] {strides = array<i32>} : memref<208x128xf32, #tpu.memory_space<vmem>>, vector<16xf32>,
        %mul3A_377 = arith.mulf %get3A_376, %gather3A_338 : vector<16xf32>
        %add3A_378 = arith.constant 3 : i32
        %add3A_379 = arith.addi %add3A_61, %add3A_378 : i32
        %swap3A_380 = arith.index_cast %add3A_379 : i32 to index
        %swap3A_381 = arith.constant 48 : index
        %swap3A_382 = tpu.vector_load %arg17[%swap3A_380, %swap3A_381] {strides = array<i32>} : memref<208x128xf32, #tpu.memory_space<vmem>>, vector<16xf32>,
        tpu.vector_store %arg17[%swap3A_380, %swap3A_381], %mul3A_377 {strides = array<i32>} : memref<208x128xf32, #tpu.memory_space<vmem>>, vector<16xf32>,
        %add3A_383 = arith.constant 3 : i32
        %add3A_384 = arith.addi %add3A_61, %add3A_383 : i32
        %get3A_385 = arith.index_cast %add3A_384 : i32 to index
        %get3A_386 = arith.constant 64 : index
        %get3A_387 = tpu.vector_load %arg17[%get3A_385, %get3A_386] {strides = array<i32>} : memref<208x128xf32, #tpu.memory_space<vmem>>, vector<16xf32>,
        %mul3A_388 = arith.mulf %get3A_387, %gather3A_338 : vector<16xf32>
        %add3A_389 = arith.constant 3 : i32
        %add3A_390 = arith.addi %add3A_61, %add3A_389 : i32
        %swap3A_391 = arith.index_cast %add3A_390 : i32 to index
        %swap3A_392 = arith.constant 64 : index
        %swap3A_393 = tpu.vector_load %arg17[%swap3A_391, %swap3A_392] {strides = array<i32>} : memref<208x128xf32, #tpu.memory_space<vmem>>, vector<16xf32>,
        tpu.vector_store %arg17[%swap3A_391, %swap3A_392], %mul3A_388 {strides = array<i32>} : memref<208x128xf32, #tpu.memory_space<vmem>>, vector<16xf32>,
        %add3A_394 = arith.constant 3 : i32
        %add3A_395 = arith.addi %add3A_61, %add3A_394 : i32
        %get3A_396 = arith.index_cast %add3A_395 : i32 to index
        %get3A_397 = arith.constant 80 : index
        %get3A_398 = tpu.vector_load %arg17[%get3A_396, %get3A_397] {strides = array<i32>} : memref<208x128xf32, #tpu.memory_space<vmem>>, vector<16xf32>,
        %mul3A_399 = arith.mulf %get3A_398, %gather3A_338 : vector<16xf32>
        %add3A_400 = arith.constant 3 : i32
        %add3A_401 = arith.addi %add3A_61, %add3A_400 : i32
        %swap3A_402 = arith.index_cast %add3A_401 : i32 to index
        %swap3A_403 = arith.constant 80 : index
        %swap3A_404 = tpu.vector_load %arg17[%swap3A_402, %swap3A_403] {strides = array<i32>} : memref<208x128xf32, #tpu.memory_space<vmem>>, vector<16xf32>,
        tpu.vector_store %arg17[%swap3A_402, %swap3A_403], %mul3A_399 {strides = array<i32>} : memref<208x128xf32, #tpu.memory_space<vmem>>, vector<16xf32>,
        %add3A_405 = arith.constant 3 : i32
        %add3A_406 = arith.addi %add3A_61, %add3A_405 : i32
        %get3A_407 = arith.index_cast %add3A_406 : i32 to index
        %get3A_408 = arith.constant 96 : index
        %get3A_409 = tpu.vector_load %arg17[%get3A_407, %get3A_408] {strides = array<i32>} : memref<208x128xf32, #tpu.memory_space<vmem>>, vector<16xf32>,
        %mul3A_410 = arith.mulf %get3A_409, %gather3A_338 : vector<16xf32>
        %add3A_411 = arith.constant 3 : i32
        %add3A_412 = arith.addi %add3A_61, %add3A_411 : i32
        %swap3A_413 = arith.index_cast %add3A_412 : i32 to index
        %swap3A_414 = arith.constant 96 : index
        %swap3A_415 = tpu.vector_load %arg17[%swap3A_413, %swap3A_414] {strides = array<i32>} : memref<208x128xf32, #tpu.memory_space<vmem>>, vector<16xf32>,
        tpu.vector_store %arg17[%swap3A_413, %swap3A_414], %mul3A_410 {strides = array<i32>} : memref<208x128xf32, #tpu.memory_space<vmem>>, vector<16xf32>,
        %add3A_416 = arith.constant 3 : i32
        %add3A_417 = arith.addi %add3A_61, %add3A_416 : i32
        %get3A_418 = arith.index_cast %add3A_417 : i32 to index
        %get3A_419 = arith.constant 112 : index
        %get3A_420 = tpu.vector_load %arg17[%get3A_418, %get3A_419] {strides = array<i32>} : memref<208x128xf32, #tpu.memory_space<vmem>>, vector<16xf32>,
        %mul3A_421 = arith.mulf %get3A_420, %gather3A_338 : vector<16xf32>
        %add3A_422 = arith.constant 3 : i32
        %add3A_423 = arith.addi %add3A_61, %add3A_422 : i32
        %swap3A_424 = arith.index_cast %add3A_423 : i32 to index
        %swap3A_425 = arith.constant 112 : index
        %swap3A_426 = tpu.vector_load %arg17[%swap3A_424, %swap3A_425] {strides = array<i32>} : memref<208x128xf32, #tpu.memory_space<vmem>>, vector<16xf32>,
        tpu.vector_store %arg17[%swap3A_424, %swap3A_425], %mul3A_421 {strides = array<i32>} : memref<208x128xf32, #tpu.memory_space<vmem>>, vector<16xf32>,
        %add3A_427 = arith.constant 4 : i32
        %add3A_428 = arith.addi %add3A_61, %add3A_427 : i32
        %broadcast_in_dim3A_429 = vector.broadcast %add3A_428 : i32 to vector<16xi32>
        %gather3A_430 = tpu.vector_load_idx %arg16[%broadcast_in_dim3A_429] : memref<208xf32, #tpu.memory_space<vmem>>[vector<16xi32>], vector<16xf32>,
        %add3A_431 = arith.constant 4 : i32
        %add3A_432 = arith.addi %add3A_61, %add3A_431 : i32
        %get3A_433 = arith.index_cast %add3A_432 : i32 to index
        %get3A_434 = arith.constant 0 : index
        %get3A_435 = tpu.vector_load %arg17[%get3A_433, %get3A_434] {strides = array<i32>} : memref<208x128xf32, #tpu.memory_space<vmem>>, vector<16xf32>,
        %mul3A_436 = arith.mulf %get3A_435, %gather3A_430 : vector<16xf32>
        %add3A_437 = arith.constant 4 : i32
        %add3A_438 = arith.addi %add3A_61, %add3A_437 : i32
        %swap3A_439 = arith.index_cast %add3A_438 : i32 to index
        %swap3A_440 = arith.constant 0 : index
        %swap3A_441 = tpu.vector_load %arg17[%swap3A_439, %swap3A_440] {strides = array<i32>} : memref<208x128xf32, #tpu.memory_space<vmem>>, vector<16xf32>,
        tpu.vector_store %arg17[%swap3A_439, %swap3A_440], %mul3A_436 {strides = array<i32>} : memref<208x128xf32, #tpu.memory_space<vmem>>, vector<16xf32>,
        %add3A_442 = arith.constant 4 : i32
        %add3A_443 = arith.addi %add3A_61, %add3A_442 : i32
        %get3A_444 = arith.index_cast %add3A_443 : i32 to index
        %get3A_445 = arith.constant 16 : index
        %get3A_446 = tpu.vector_load %arg17[%get3A_444, %get3A_445] {strides = array<i32>} : memref<208x128xf32, #tpu.memory_space<vmem>>, vector<16xf32>,
        %mul3A_447 = arith.mulf %get3A_446, %gather3A_430 : vector<16xf32>
        %add3A_448 = arith.constant 4 : i32
        %add3A_449 = arith.addi %add3A_61, %add3A_448 : i32
        %swap3A_450 = arith.index_cast %add3A_449 : i32 to index
        %swap3A_451 = arith.constant 16 : index
        %swap3A_452 = tpu.vector_load %arg17[%swap3A_450, %swap3A_451] {strides = array<i32>} : memref<208x128xf32, #tpu.memory_space<vmem>>, vector<16xf32>,
        tpu.vector_store %arg17[%swap3A_450, %swap3A_451], %mul3A_447 {strides = array<i32>} : memref<208x128xf32, #tpu.memory_space<vmem>>, vector<16xf32>,
        %add3A_453 = arith.constant 4 : i32
        %add3A_454 = arith.addi %add3A_61, %add3A_453 : i32
        %get3A_455 = arith.index_cast %add3A_454 : i32 to index
        %get3A_456 = arith.constant 32 : index
        %get3A_457 = tpu.vector_load %arg17[%get3A_455, %get3A_456] {strides = array<i32>} : memref<208x128xf32, #tpu.memory_space<vmem>>, vector<16xf32>,
        %mul3A_458 = arith.mulf %get3A_457, %gather3A_430 : vector<16xf32>
        %add3A_459 = arith.constant 4 : i32
        %add3A_460 = arith.addi %add3A_61, %add3A_459 : i32
        %swap3A_461 = arith.index_cast %add3A_460 : i32 to index
        %swap3A_462 = arith.constant 32 : index
        %swap3A_463 = tpu.vector_load %arg17[%swap3A_461, %swap3A_462] {strides = array<i32>} : memref<208x128xf32, #tpu.memory_space<vmem>>, vector<16xf32>,
        tpu.vector_store %arg17[%swap3A_461, %swap3A_462], %mul3A_458 {strides = array<i32>} : memref<208x128xf32, #tpu.memory_space<vmem>>, vector<16xf32>,
        %add3A_464 = arith.constant 4 : i32
        %add3A_465 = arith.addi %add3A_61, %add3A_464 : i32
        %get3A_466 = arith.index_cast %add3A_465 : i32 to index
        %get3A_467 = arith.constant 48 : index
        %get3A_468 = tpu.vector_load %arg17[%get3A_466, %get3A_467] {strides = array<i32>} : memref<208x128xf32, #tpu.memory_space<vmem>>, vector<16xf32>,
        %mul3A_469 = arith.mulf %get3A_468, %gather3A_430 : vector<16xf32>
        %add3A_470 = arith.constant 4 : i32
        %add3A_471 = arith.addi %add3A_61, %add3A_470 : i32
        %swap3A_472 = arith.index_cast %add3A_471 : i32 to index
        %swap3A_473 = arith.constant 48 : index
        %swap3A_474 = tpu.vector_load %arg17[%swap3A_472, %swap3A_473] {strides = array<i32>} : memref<208x128xf32, #tpu.memory_space<vmem>>, vector<16xf32>,
        tpu.vector_store %arg17[%swap3A_472, %swap3A_473], %mul3A_469 {strides = array<i32>} : memref<208x128xf32, #tpu.memory_space<vmem>>, vector<16xf32>,
        %add3A_475 = arith.constant 4 : i32
        %add3A_476 = arith.addi %add3A_61, %add3A_475 : i32
        %get3A_477 = arith.index_cast %add3A_476 : i32 to index
        %get3A_478 = arith.constant 64 : index
        %get3A_479 = tpu.vector_load %arg17[%get3A_477, %get3A_478] {strides = array<i32>} : memref<208x128xf32, #tpu.memory_space<vmem>>, vector<16xf32>,
        %mul3A_480 = arith.mulf %get3A_479, %gather3A_430 : vector<16xf32>
        %add3A_481 = arith.constant 4 : i32
        %add3A_482 = arith.addi %add3A_61, %add3A_481 : i32
        %swap3A_483 = arith.index_cast %add3A_482 : i32 to index
        %swap3A_484 = arith.constant 64 : index
        %swap3A_485 = tpu.vector_load %arg17[%swap3A_483, %swap3A_484] {strides = array<i32>} : memref<208x128xf32, #tpu.memory_space<vmem>>, vector<16xf32>,
        tpu.vector_store %arg17[%swap3A_483, %swap3A_484], %mul3A_480 {strides = array<i32>} : memref<208x128xf32, #tpu.memory_space<vmem>>, vector<16xf32>,
        %add3A_486 = arith.constant 4 : i32
        %add3A_487 = arith.addi %add3A_61, %add3A_486 : i32
        %get3A_488 = arith.index_cast %add3A_487 : i32 to index
        %get3A_489 = arith.constant 80 : index
        %get3A_490 = tpu.vector_load %arg17[%get3A_488, %get3A_489] {strides = array<i32>} : memref<208x128xf32, #tpu.memory_space<vmem>>, vector<16xf32>,
        %mul3A_491 = arith.mulf %get3A_490, %gather3A_430 : vector<16xf32>
        %add3A_492 = arith.constant 4 : i32
        %add3A_493 = arith.addi %add3A_61, %add3A_492 : i32
        %swap3A_494 = arith.index_cast %add3A_493 : i32 to index
        %swap3A_495 = arith.constant 80 : index
        %swap3A_496 = tpu.vector_load %arg17[%swap3A_494, %swap3A_495] {strides = array<i32>} : memref<208x128xf32, #tpu.memory_space<vmem>>, vector<16xf32>,
        tpu.vector_store %arg17[%swap3A_494, %swap3A_495], %mul3A_491 {strides = array<i32>} : memref<208x128xf32, #tpu.memory_space<vmem>>, vector<16xf32>,
        %add3A_497 = arith.constant 4 : i32
        %add3A_498 = arith.addi %add3A_61, %add3A_497 : i32
        %get3A_499 = arith.index_cast %add3A_498 : i32 to index
        %get3A_500 = arith.constant 96 : index
        %get3A_501 = tpu.vector_load %arg17[%get3A_499, %get3A_500] {strides = array<i32>} : memref<208x128xf32, #tpu.memory_space<vmem>>, vector<16xf32>,
        %mul3A_502 = arith.mulf %get3A_501, %gather3A_430 : vector<16xf32>
        %add3A_503 = arith.constant 4 : i32
        %add3A_504 = arith.addi %add3A_61, %add3A_503 : i32
        %swap3A_505 = arith.index_cast %add3A_504 : i32 to index
        %swap3A_506 = arith.constant 96 : index
        %swap3A_507 = tpu.vector_load %arg17[%swap3A_505, %swap3A_506] {strides = array<i32>} : memref<208x128xf32, #tpu.memory_space<vmem>>, vector<16xf32>,
        tpu.vector_store %arg17[%swap3A_505, %swap3A_506], %mul3A_502 {strides = array<i32>} : memref<208x128xf32, #tpu.memory_space<vmem>>, vector<16xf32>,
        %add3A_508 = arith.constant 4 : i32
        %add3A_509 = arith.addi %add3A_61, %add3A_508 : i32
        %get3A_510 = arith.index_cast %add3A_509 : i32 to index
        %get3A_511 = arith.constant 112 : index
        %get3A_512 = tpu.vector_load %arg17[%get3A_510, %get3A_511] {strides = array<i32>} : memref<208x128xf32, #tpu.memory_space<vmem>>, vector<16xf32>,
        %mul3A_513 = arith.mulf %get3A_512, %gather3A_430 : vector<16xf32>
        %add3A_514 = arith.constant 4 : i32
        %add3A_515 = arith.addi %add3A_61, %add3A_514 : i32
        %swap3A_516 = arith.index_cast %add3A_515 : i32 to index
        %swap3A_517 = arith.constant 112 : index
        %swap3A_518 = tpu.vector_load %arg17[%swap3A_516, %swap3A_517] {strides = array<i32>} : memref<208x128xf32, #tpu.memory_space<vmem>>, vector<16xf32>,
        tpu.vector_store %arg17[%swap3A_516, %swap3A_517], %mul3A_513 {strides = array<i32>} : memref<208x128xf32, #tpu.memory_space<vmem>>, vector<16xf32>,
        %add3A_519 = arith.constant 5 : i32
        %add3A_520 = arith.addi %add3A_61, %add3A_519 : i32
        %broadcast_in_dim3A_521 = vector.broadcast %add3A_520 : i32 to vector<16xi32>
        %gather3A_522 = tpu.vector_load_idx %arg16[%broadcast_in_dim3A_521] : memref<208xf32, #tpu.memory_space<vmem>>[vector<16xi32>], vector<16xf32>,
        %add3A_523 = arith.constant 5 : i32
        %add3A_524 = arith.addi %add3A_61, %add3A_523 : i32
        %get3A_525 = arith.index_cast %add3A_524 : i32 to index
        %get3A_526 = arith.constant 0 : index
        %get3A_527 = tpu.vector_load %arg17[%get3A_525, %get3A_526] {strides = array<i32>} : memref<208x128xf32, #tpu.memory_space<vmem>>, vector<16xf32>,
        %mul3A_528 = arith.mulf %get3A_527, %gather3A_522 : vector<16xf32>
        %add3A_529 = arith.constant 5 : i32
        %add3A_530 = arith.addi %add3A_61, %add3A_529 : i32
        %swap3A_531 = arith.index_cast %add3A_530 : i32 to index
        %swap3A_532 = arith.constant 0 : index
        %swap3A_533 = tpu.vector_load %arg17[%swap3A_531, %swap3A_532] {strides = array<i32>} : memref<208x128xf32, #tpu.memory_space<vmem>>, vector<16xf32>,
        tpu.vector_store %arg17[%swap3A_531, %swap3A_532], %mul3A_528 {strides = array<i32>} : memref<208x128xf32, #tpu.memory_space<vmem>>, vector<16xf32>,
        %add3A_534 = arith.constant 5 : i32
        %add3A_535 = arith.addi %add3A_61, %add3A_534 : i32
        %get3A_536 = arith.index_cast %add3A_535 : i32 to index
        %get3A_537 = arith.constant 16 : index
        %get3A_538 = tpu.vector_load %arg17[%get3A_536, %get3A_537] {strides = array<i32>} : memref<208x128xf32, #tpu.memory_space<vmem>>, vector<16xf32>,
        %mul3A_539 = arith.mulf %get3A_538, %gather3A_522 : vector<16xf32>
        %add3A_540 = arith.constant 5 : i32
        %add3A_541 = arith.addi %add3A_61, %add3A_540 : i32
        %swap3A_542 = arith.index_cast %add3A_541 : i32 to index
        %swap3A_543 = arith.constant 16 : index
        %swap3A_544 = tpu.vector_load %arg17[%swap3A_542, %swap3A_543] {strides = array<i32>} : memref<208x128xf32, #tpu.memory_space<vmem>>, vector<16xf32>,
        tpu.vector_store %arg17[%swap3A_542, %swap3A_543], %mul3A_539 {strides = array<i32>} : memref<208x128xf32, #tpu.memory_space<vmem>>, vector<16xf32>,
        %add3A_545 = arith.constant 5 : i32
        %add3A_546 = arith.addi %add3A_61, %add3A_545 : i32
        %get3A_547 = arith.index_cast %add3A_546 : i32 to index
        %get3A_548 = arith.constant 32 : index
        %get3A_549 = tpu.vector_load %arg17[%get3A_547, %get3A_548] {strides = array<i32>} : memref<208x128xf32, #tpu.memory_space<vmem>>, vector<16xf32>,
        %mul3A_550 = arith.mulf %get3A_549, %gather3A_522 : vector<16xf32>
        %add3A_551 = arith.constant 5 : i32
        %add3A_552 = arith.addi %add3A_61, %add3A_551 : i32
        %swap3A_553 = arith.index_cast %add3A_552 : i32 to index
        %swap3A_554 = arith.constant 32 : index
        %swap3A_555 = tpu.vector_load %arg17[%swap3A_553, %swap3A_554] {strides = array<i32>} : memref<208x128xf32, #tpu.memory_space<vmem>>, vector<16xf32>,
        tpu.vector_store %arg17[%swap3A_553, %swap3A_554], %mul3A_550 {strides = array<i32>} : memref<208x128xf32, #tpu.memory_space<vmem>>, vector<16xf32>,
        %add3A_556 = arith.constant 5 : i32
        %add3A_557 = arith.addi %add3A_61, %add3A_556 : i32
        %get3A_558 = arith.index_cast %add3A_557 : i32 to index
        %get3A_559 = arith.constant 48 : index
        %get3A_560 = tpu.vector_load %arg17[%get3A_558, %get3A_559] {strides = array<i32>} : memref<208x128xf32, #tpu.memory_space<vmem>>, vector<16xf32>,
        %mul3A_561 = arith.mulf %get3A_560, %gather3A_522 : vector<16xf32>
        %add3A_562 = arith.constant 5 : i32
        %add3A_563 = arith.addi %add3A_61, %add3A_562 : i32
        %swap3A_564 = arith.index_cast %add3A_563 : i32 to index
        %swap3A_565 = arith.constant 48 : index
        %swap3A_566 = tpu.vector_load %arg17[%swap3A_564, %swap3A_565] {strides = array<i32>} : memref<208x128xf32, #tpu.memory_space<vmem>>, vector<16xf32>,
        tpu.vector_store %arg17[%swap3A_564, %swap3A_565], %mul3A_561 {strides = array<i32>} : memref<208x128xf32, #tpu.memory_space<vmem>>, vector<16xf32>,
        %add3A_567 = arith.constant 5 : i32
        %add3A_568 = arith.addi %add3A_61, %add3A_567 : i32
        %get3A_569 = arith.index_cast %add3A_568 : i32 to index
        %get3A_570 = arith.constant 64 : index
        %get3A_571 = tpu.vector_load %arg17[%get3A_569, %get3A_570] {strides = array<i32>} : memref<208x128xf32, #tpu.memory_space<vmem>>, vector<16xf32>,
        %mul3A_572 = arith.mulf %get3A_571, %gather3A_522 : vector<16xf32>
        %add3A_573 = arith.constant 5 : i32
        %add3A_574 = arith.addi %add3A_61, %add3A_573 : i32
        %swap3A_575 = arith.index_cast %add3A_574 : i32 to index
        %swap3A_576 = arith.constant 64 : index
        %swap3A_577 = tpu.vector_load %arg17[%swap3A_575, %swap3A_576] {strides = array<i32>} : memref<208x128xf32, #tpu.memory_space<vmem>>, vector<16xf32>,
        tpu.vector_store %arg17[%swap3A_575, %swap3A_576], %mul3A_572 {strides = array<i32>} : memref<208x128xf32, #tpu.memory_space<vmem>>, vector<16xf32>,
        %add3A_578 = arith.constant 5 : i32
        %add3A_579 = arith.addi %add3A_61, %add3A_578 : i32
        %get3A_580 = arith.index_cast %add3A_579 : i32 to index
        %get3A_581 = arith.constant 80 : index
        %get3A_582 = tpu.vector_load %arg17[%get3A_580, %get3A_581] {strides = array<i32>} : memref<208x128xf32, #tpu.memory_space<vmem>>, vector<16xf32>,
        %mul3A_583 = arith.mulf %get3A_582, %gather3A_522 : vector<16xf32>
        %add3A_584 = arith.constant 5 : i32
        %add3A_585 = arith.addi %add3A_61, %add3A_584 : i32
        %swap3A_586 = arith.index_cast %add3A_585 : i32 to index
        %swap3A_587 = arith.constant 80 : index
        %swap3A_588 = tpu.vector_load %arg17[%swap3A_586, %swap3A_587] {strides = array<i32>} : memref<208x128xf32, #tpu.memory_space<vmem>>, vector<16xf32>,
        tpu.vector_store %arg17[%swap3A_586, %swap3A_587], %mul3A_583 {strides = array<i32>} : memref<208x128xf32, #tpu.memory_space<vmem>>, vector<16xf32>,
        %add3A_589 = arith.constant 5 : i32
        %add3A_590 = arith.addi %add3A_61, %add3A_589 : i32
        %get3A_591 = arith.index_cast %add3A_590 : i32 to index
        %get3A_592 = arith.constant 96 : index
        %get3A_593 = tpu.vector_load %arg17[%get3A_591, %get3A_592] {strides = array<i32>} : memref<208x128xf32, #tpu.memory_space<vmem>>, vector<16xf32>,
        %mul3A_594 = arith.mulf %get3A_593, %gather3A_522 : vector<16xf32>
        %add3A_595 = arith.constant 5 : i32
        %add3A_596 = arith.addi %add3A_61, %add3A_595 : i32
        %swap3A_597 = arith.index_cast %add3A_596 : i32 to index
        %swap3A_598 = arith.constant 96 : index
        %swap3A_599 = tpu.vector_load %arg17[%swap3A_597, %swap3A_598] {strides = array<i32>} : memref<208x128xf32, #tpu.memory_space<vmem>>, vector<16xf32>,
        tpu.vector_store %arg17[%swap3A_597, %swap3A_598], %mul3A_594 {strides = array<i32>} : memref<208x128xf32, #tpu.memory_space<vmem>>, vector<16xf32>,
        %add3A_600 = arith.constant 5 : i32
        %add3A_601 = arith.addi %add3A_61, %add3A_600 : i32
        %get3A_602 = arith.index_cast %add3A_601 : i32 to index
        %get3A_603 = arith.constant 112 : index
        %get3A_604 = tpu.vector_load %arg17[%get3A_602, %get3A_603] {strides = array<i32>} : memref<208x128xf32, #tpu.memory_space<vmem>>, vector<16xf32>,
        %mul3A_605 = arith.mulf %get3A_604, %gather3A_522 : vector<16xf32>
        %add3A_606 = arith.constant 5 : i32
        %add3A_607 = arith.addi %add3A_61, %add3A_606 : i32
        %swap3A_608 = arith.index_cast %add3A_607 : i32 to index
        %swap3A_609 = arith.constant 112 : index
        %swap3A_610 = tpu.vector_load %arg17[%swap3A_608, %swap3A_609] {strides = array<i32>} : memref<208x128xf32, #tpu.memory_space<vmem>>, vector<16xf32>,
        tpu.vector_store %arg17[%swap3A_608, %swap3A_609], %mul3A_605 {strides = array<i32>} : memref<208x128xf32, #tpu.memory_space<vmem>>, vector<16xf32>,
        %add3A_611 = arith.constant 6 : i32
        %add3A_612 = arith.addi %add3A_61, %add3A_611 : i32
        %broadcast_in_dim3A_613 = vector.broadcast %add3A_612 : i32 to vector<16xi32>
        %gather3A_614 = tpu.vector_load_idx %arg16[%broadcast_in_dim3A_613] : memref<208xf32, #tpu.memory_space<vmem>>[vector<16xi32>], vector<16xf32>,
        %add3A_615 = arith.constant 6 : i32
        %add3A_616 = arith.addi %add3A_61, %add3A_615 : i32
        %get3A_617 = arith.index_cast %add3A_616 : i32 to index
        %get3A_618 = arith.constant 0 : index
        %get3A_619 = tpu.vector_load %arg17[%get3A_617, %get3A_618] {strides = array<i32>} : memref<208x128xf32, #tpu.memory_space<vmem>>, vector<16xf32>,
        %mul3A_620 = arith.mulf %get3A_619, %gather3A_614 : vector<16xf32>
        %add3A_621 = arith.constant 6 : i32
        %add3A_622 = arith.addi %add3A_61, %add3A_621 : i32
        %swap3A_623 = arith.index_cast %add3A_622 : i32 to index
        %swap3A_624 = arith.constant 0 : index
        %swap3A_625 = tpu.vector_load %arg17[%swap3A_623, %swap3A_624] {strides = array<i32>} : memref<208x128xf32, #tpu.memory_space<vmem>>, vector<16xf32>,
        tpu.vector_store %arg17[%swap3A_623, %swap3A_624], %mul3A_620 {strides = array<i32>} : memref<208x128xf32, #tpu.memory_space<vmem>>, vector<16xf32>,
        %add3A_626 = arith.constant 6 : i32
        %add3A_627 = arith.addi %add3A_61, %add3A_626 : i32
        %get3A_628 = arith.index_cast %add3A_627 : i32 to index
        %get3A_629 = arith.constant 16 : index
        %get3A_630 = tpu.vector_load %arg17[%get3A_628, %get3A_629] {strides = array<i32>} : memref<208x128xf32, #tpu.memory_space<vmem>>, vector<16xf32>,
        %mul3A_631 = arith.mulf %get3A_630, %gather3A_614 : vector<16xf32>
        %add3A_632 = arith.constant 6 : i32
        %add3A_633 = arith.addi %add3A_61, %add3A_632 : i32
        %swap3A_634 = arith.index_cast %add3A_633 : i32 to index
        %swap3A_635 = arith.constant 16 : index
        %swap3A_636 = tpu.vector_load %arg17[%swap3A_634, %swap3A_635] {strides = array<i32>} : memref<208x128xf32, #tpu.memory_space<vmem>>, vector<16xf32>,
        tpu.vector_store %arg17[%swap3A_634, %swap3A_635], %mul3A_631 {strides = array<i32>} : memref<208x128xf32, #tpu.memory_space<vmem>>, vector<16xf32>,
        %add3A_637 = arith.constant 6 : i32
        %add3A_638 = arith.addi %add3A_61, %add3A_637 : i32
        %get3A_639 = arith.index_cast %add3A_638 : i32 to index
        %get3A_640 = arith.constant 32 : index
        %get3A_641 = tpu.vector_load %arg17[%get3A_639, %get3A_640] {strides = array<i32>} : memref<208x128xf32, #tpu.memory_space<vmem>>, vector<16xf32>,
        %mul3A_642 = arith.mulf %get3A_641, %gather3A_614 : vector<16xf32>
        %add3A_643 = arith.constant 6 : i32
        %add3A_644 = arith.addi %add3A_61, %add3A_643 : i32
        %swap3A_645 = arith.index_cast %add3A_644 : i32 to index
        %swap3A_646 = arith.constant 32 : index
        %swap3A_647 = tpu.vector_load %arg17[%swap3A_645, %swap3A_646] {strides = array<i32>} : memref<208x128xf32, #tpu.memory_space<vmem>>, vector<16xf32>,
        tpu.vector_store %arg17[%swap3A_645, %swap3A_646], %mul3A_642 {strides = array<i32>} : memref<208x128xf32, #tpu.memory_space<vmem>>, vector<16xf32>,
        %add3A_648 = arith.constant 6 : i32
        %add3A_649 = arith.addi %add3A_61, %add3A_648 : i32
        %get3A_650 = arith.index_cast %add3A_649 : i32 to index
        %get3A_651 = arith.constant 48 : index
        %get3A_652 = tpu.vector_load %arg17[%get3A_650, %get3A_651] {strides = array<i32>} : memref<208x128xf32, #tpu.memory_space<vmem>>, vector<16xf32>,
        %mul3A_653 = arith.mulf %get3A_652, %gather3A_614 : vector<16xf32>
        %add3A_654 = arith.constant 6 : i32
        %add3A_655 = arith.addi %add3A_61, %add3A_654 : i32
        %swap3A_656 = arith.index_cast %add3A_655 : i32 to index
        %swap3A_657 = arith.constant 48 : index
        %swap3A_658 = tpu.vector_load %arg17[%swap3A_656, %swap3A_657] {strides = array<i32>} : memref<208x128xf32, #tpu.memory_space<vmem>>, vector<16xf32>,
        tpu.vector_store %arg17[%swap3A_656, %swap3A_657], %mul3A_653 {strides = array<i32>} : memref<208x128xf32, #tpu.memory_space<vmem>>, vector<16xf32>,
        %add3A_659 = arith.constant 6 : i32
        %add3A_660 = arith.addi %add3A_61, %add3A_659 : i32
        %get3A_661 = arith.index_cast %add3A_660 : i32 to index
        %get3A_662 = arith.constant 64 : index
        %get3A_663 = tpu.vector_load %arg17[%get3A_661, %get3A_662] {strides = array<i32>} : memref<208x128xf32, #tpu.memory_space<vmem>>, vector<16xf32>,
        %mul3A_664 = arith.mulf %get3A_663, %gather3A_614 : vector<16xf32>
        %add3A_665 = arith.constant 6 : i32
        %add3A_666 = arith.addi %add3A_61, %add3A_665 : i32
        %swap3A_667 = arith.index_cast %add3A_666 : i32 to index
        %swap3A_668 = arith.constant 64 : index
        %swap3A_669 = tpu.vector_load %arg17[%swap3A_667, %swap3A_668] {strides = array<i32>} : memref<208x128xf32, #tpu.memory_space<vmem>>, vector<16xf32>,
        tpu.vector_store %arg17[%swap3A_667, %swap3A_668], %mul3A_664 {strides = array<i32>} : memref<208x128xf32, #tpu.memory_space<vmem>>, vector<16xf32>,
        %add3A_670 = arith.constant 6 : i32
        %add3A_671 = arith.addi %add3A_61, %add3A_670 : i32
        %get3A_672 = arith.index_cast %add3A_671 : i32 to index
        %get3A_673 = arith.constant 80 : index
        %get3A_674 = tpu.vector_load %arg17[%get3A_672, %get3A_673] {strides = array<i32>} : memref<208x128xf32, #tpu.memory_space<vmem>>, vector<16xf32>,
        %mul3A_675 = arith.mulf %get3A_674, %gather3A_614 : vector<16xf32>
        %add3A_676 = arith.constant 6 : i32
        %add3A_677 = arith.addi %add3A_61, %add3A_676 : i32
        %swap3A_678 = arith.index_cast %add3A_677 : i32 to index
        %swap3A_679 = arith.constant 80 : index
        %swap3A_680 = tpu.vector_load %arg17[%swap3A_678, %swap3A_679] {strides = array<i32>} : memref<208x128xf32, #tpu.memory_space<vmem>>, vector<16xf32>,
        tpu.vector_store %arg17[%swap3A_678, %swap3A_679], %mul3A_675 {strides = array<i32>} : memref<208x128xf32, #tpu.memory_space<vmem>>, vector<16xf32>,
        %add3A_681 = arith.constant 6 : i32
        %add3A_682 = arith.addi %add3A_61, %add3A_681 : i32
        %get3A_683 = arith.index_cast %add3A_682 : i32 to index
        %get3A_684 = arith.constant 96 : index
        %get3A_685 = tpu.vector_load %arg17[%get3A_683, %get3A_684] {strides = array<i32>} : memref<208x128xf32, #tpu.memory_space<vmem>>, vector<16xf32>,
        %mul3A_686 = arith.mulf %get3A_685, %gather3A_614 : vector<16xf32>
        %add3A_687 = arith.constant 6 : i32
        %add3A_688 = arith.addi %add3A_61, %add3A_687 : i32
        %swap3A_689 = arith.index_cast %add3A_688 : i32 to index
        %swap3A_690 = arith.constant 96 : index
        %swap3A_691 = tpu.vector_load %arg17[%swap3A_689, %swap3A_690] {strides = array<i32>} : memref<208x128xf32, #tpu.memory_space<vmem>>, vector<16xf32>,
        tpu.vector_store %arg17[%swap3A_689, %swap3A_690], %mul3A_686 {strides = array<i32>} : memref<208x128xf32, #tpu.memory_space<vmem>>, vector<16xf32>,
        %add3A_692 = arith.constant 6 : i32
        %add3A_693 = arith.addi %add3A_61, %add3A_692 : i32
        %get3A_694 = arith.index_cast %add3A_693 : i32 to index
        %get3A_695 = arith.constant 112 : index
        %get3A_696 = tpu.vector_load %arg17[%get3A_694, %get3A_695] {strides = array<i32>} : memref<208x128xf32, #tpu.memory_space<vmem>>, vector<16xf32>,
        %mul3A_697 = arith.mulf %get3A_696, %gather3A_614 : vector<16xf32>
        %add3A_698 = arith.constant 6 : i32
        %add3A_699 = arith.addi %add3A_61, %add3A_698 : i32
        %swap3A_700 = arith.index_cast %add3A_699 : i32 to index
        %swap3A_701 = arith.constant 112 : index
        %swap3A_702 = tpu.vector_load %arg17[%swap3A_700, %swap3A_701] {strides = array<i32>} : memref<208x128xf32, #tpu.memory_space<vmem>>, vector<16xf32>,
        tpu.vector_store %arg17[%swap3A_700, %swap3A_701], %mul3A_697 {strides = array<i32>} : memref<208x128xf32, #tpu.memory_space<vmem>>, vector<16xf32>,
        %add3A_703 = arith.constant 7 : i32
        %add3A_704 = arith.addi %add3A_61, %add3A_703 : i32
        %broadcast_in_dim3A_705 = vector.broadcast %add3A_704 : i32 to vector<16xi32>
        %gather3A_706 = tpu.vector_load_idx %arg16[%broadcast_in_dim3A_705] : memref<208xf32, #tpu.memory_space<vmem>>[vector<16xi32>], vector<16xf32>,
        %add3A_707 = arith.constant 7 : i32
        %add3A_708 = arith.addi %add3A_61, %add3A_707 : i32
        %get3A_709 = arith.index_cast %add3A_708 : i32 to index
        %get3A_710 = arith.constant 0 : index
        %get3A_711 = tpu.vector_load %arg17[%get3A_709, %get3A_710] {strides = array<i32>} : memref<208x128xf32, #tpu.memory_space<vmem>>, vector<16xf32>,
        %mul3A_712 = arith.mulf %get3A_711, %gather3A_706 : vector<16xf32>
        %add3A_713 = arith.constant 7 : i32
        %add3A_714 = arith.addi %add3A_61, %add3A_713 : i32
        %swap3A_715 = arith.index_cast %add3A_714 : i32 to index
        %swap3A_716 = arith.constant 0 : index
        %swap3A_717 = tpu.vector_load %arg17[%swap3A_715, %swap3A_716] {strides = array<i32>} : memref<208x128xf32, #tpu.memory_space<vmem>>, vector<16xf32>,
        tpu.vector_store %arg17[%swap3A_715, %swap3A_716], %mul3A_712 {strides = array<i32>} : memref<208x128xf32, #tpu.memory_space<vmem>>, vector<16xf32>,
        %add3A_718 = arith.constant 7 : i32
        %add3A_719 = arith.addi %add3A_61, %add3A_718 : i32
        %get3A_720 = arith.index_cast %add3A_719 : i32 to index
        %get3A_721 = arith.constant 16 : index
        %get3A_722 = tpu.vector_load %arg17[%get3A_720, %get3A_721] {strides = array<i32>} : memref<208x128xf32, #tpu.memory_space<vmem>>, vector<16xf32>,
        %mul3A_723 = arith.mulf %get3A_722, %gather3A_706 : vector<16xf32>
        %add3A_724 = arith.constant 7 : i32
        %add3A_725 = arith.addi %add3A_61, %add3A_724 : i32
        %swap3A_726 = arith.index_cast %add3A_725 : i32 to index
        %swap3A_727 = arith.constant 16 : index
        %swap3A_728 = tpu.vector_load %arg17[%swap3A_726, %swap3A_727] {strides = array<i32>} : memref<208x128xf32, #tpu.memory_space<vmem>>, vector<16xf32>,
        tpu.vector_store %arg17[%swap3A_726, %swap3A_727], %mul3A_723 {strides = array<i32>} : memref<208x128xf32, #tpu.memory_space<vmem>>, vector<16xf32>,
        %add3A_729 = arith.constant 7 : i32
        %add3A_730 = arith.addi %add3A_61, %add3A_729 : i32
        %get3A_731 = arith.index_cast %add3A_730 : i32 to index
        %get3A_732 = arith.constant 32 : index
        %get3A_733 = tpu.vector_load %arg17[%get3A_731, %get3A_732] {strides = array<i32>} : memref<208x128xf32, #tpu.memory_space<vmem>>, vector<16xf32>,
        %mul3A_734 = arith.mulf %get3A_733, %gather3A_706 : vector<16xf32>
        %add3A_735 = arith.constant 7 : i32
        %add3A_736 = arith.addi %add3A_61, %add3A_735 : i32
        %swap3A_737 = arith.index_cast %add3A_736 : i32 to index
        %swap3A_738 = arith.constant 32 : index
        %swap3A_739 = tpu.vector_load %arg17[%swap3A_737, %swap3A_738] {strides = array<i32>} : memref<208x128xf32, #tpu.memory_space<vmem>>, vector<16xf32>,
        tpu.vector_store %arg17[%swap3A_737, %swap3A_738], %mul3A_734 {strides = array<i32>} : memref<208x128xf32, #tpu.memory_space<vmem>>, vector<16xf32>,
        %add3A_740 = arith.constant 7 : i32
        %add3A_741 = arith.addi %add3A_61, %add3A_740 : i32
        %get3A_742 = arith.index_cast %add3A_741 : i32 to index
        %get3A_743 = arith.constant 48 : index
        %get3A_744 = tpu.vector_load %arg17[%get3A_742, %get3A_743] {strides = array<i32>} : memref<208x128xf32, #tpu.memory_space<vmem>>, vector<16xf32>,
        %mul3A_745 = arith.mulf %get3A_744, %gather3A_706 : vector<16xf32>
        %add3A_746 = arith.constant 7 : i32
        %add3A_747 = arith.addi %add3A_61, %add3A_746 : i32
        %swap3A_748 = arith.index_cast %add3A_747 : i32 to index
        %swap3A_749 = arith.constant 48 : index
        %swap3A_750 = tpu.vector_load %arg17[%swap3A_748, %swap3A_749] {strides = array<i32>} : memref<208x128xf32, #tpu.memory_space<vmem>>, vector<16xf32>,
        tpu.vector_store %arg17[%swap3A_748, %swap3A_749], %mul3A_745 {strides = array<i32>} : memref<208x128xf32, #tpu.memory_space<vmem>>, vector<16xf32>,
        %add3A_751 = arith.constant 7 : i32
        %add3A_752 = arith.addi %add3A_61, %add3A_751 : i32
        %get3A_753 = arith.index_cast %add3A_752 : i32 to index
        %get3A_754 = arith.constant 64 : index
        %get3A_755 = tpu.vector_load %arg17[%get3A_753, %get3A_754] {strides = array<i32>} : memref<208x128xf32, #tpu.memory_space<vmem>>, vector<16xf32>,
        %mul3A_756 = arith.mulf %get3A_755, %gather3A_706 : vector<16xf32>
        %add3A_757 = arith.constant 7 : i32
        %add3A_758 = arith.addi %add3A_61, %add3A_757 : i32
        %swap3A_759 = arith.index_cast %add3A_758 : i32 to index
        %swap3A_760 = arith.constant 64 : index
        %swap3A_761 = tpu.vector_load %arg17[%swap3A_759, %swap3A_760] {strides = array<i32>} : memref<208x128xf32, #tpu.memory_space<vmem>>, vector<16xf32>,
        tpu.vector_store %arg17[%swap3A_759, %swap3A_760], %mul3A_756 {strides = array<i32>} : memref<208x128xf32, #tpu.memory_space<vmem>>, vector<16xf32>,
        %add3A_762 = arith.constant 7 : i32
        %add3A_763 = arith.addi %add3A_61, %add3A_762 : i32
        %get3A_764 = arith.index_cast %add3A_763 : i32 to index
        %get3A_765 = arith.constant 80 : index
        %get3A_766 = tpu.vector_load %arg17[%get3A_764, %get3A_765] {strides = array<i32>} : memref<208x128xf32, #tpu.memory_space<vmem>>, vector<16xf32>,
        %mul3A_767 = arith.mulf %get3A_766, %gather3A_706 : vector<16xf32>
        %add3A_768 = arith.constant 7 : i32
        %add3A_769 = arith.addi %add3A_61, %add3A_768 : i32
        %swap3A_770 = arith.index_cast %add3A_769 : i32 to index
        %swap3A_771 = arith.constant 80 : index
        %swap3A_772 = tpu.vector_load %arg17[%swap3A_770, %swap3A_771] {strides = array<i32>} : memref<208x128xf32, #tpu.memory_space<vmem>>, vector<16xf32>,
        tpu.vector_store %arg17[%swap3A_770, %swap3A_771], %mul3A_767 {strides = array<i32>} : memref<208x128xf32, #tpu.memory_space<vmem>>, vector<16xf32>,
        %add3A_773 = arith.constant 7 : i32
        %add3A_774 = arith.addi %add3A_61, %add3A_773 : i32
        %get3A_775 = arith.index_cast %add3A_774 : i32 to index
        %get3A_776 = arith.constant 96 : index
        %get3A_777 = tpu.vector_load %arg17[%get3A_775, %get3A_776] {strides = array<i32>} : memref<208x128xf32, #tpu.memory_space<vmem>>, vector<16xf32>,
        %mul3A_778 = arith.mulf %get3A_777, %gather3A_706 : vector<16xf32>
        %add3A_779 = arith.constant 7 : i32
        %add3A_780 = arith.addi %add3A_61, %add3A_779 : i32
        %swap3A_781 = arith.index_cast %add3A_780 : i32 to index
        %swap3A_782 = arith.constant 96 : index
        %swap3A_783 = tpu.vector_load %arg17[%swap3A_781, %swap3A_782] {strides = array<i32>} : memref<208x128xf32, #tpu.memory_space<vmem>>, vector<16xf32>,
        tpu.vector_store %arg17[%swap3A_781, %swap3A_782], %mul3A_778 {strides = array<i32>} : memref<208x128xf32, #tpu.memory_space<vmem>>, vector<16xf32>,
        %add3A_784 = arith.constant 7 : i32
        %add3A_785 = arith.addi %add3A_61, %add3A_784 : i32
        %get3A_786 = arith.index_cast %add3A_785 : i32 to index
        %get3A_787 = arith.constant 112 : index
        %get3A_788 = tpu.vector_load %arg17[%get3A_786, %get3A_787] {strides = array<i32>} : memref<208x128xf32, #tpu.memory_space<vmem>>, vector<16xf32>,
        %mul3A_789 = arith.mulf %get3A_788, %gather3A_706 : vector<16xf32>
        %add3A_790 = arith.constant 7 : i32
        %add3A_791 = arith.addi %add3A_61, %add3A_790 : i32
        %swap3A_792 = arith.index_cast %add3A_791 : i32 to index
        %swap3A_793 = arith.constant 112 : index
        %swap3A_794 = tpu.vector_load %arg17[%swap3A_792, %swap3A_793] {strides = array<i32>} : memref<208x128xf32, #tpu.memory_space<vmem>>, vector<16xf32>,
        tpu.vector_store %arg17[%swap3A_792, %swap3A_793], %mul3A_789 {strides = array<i32>} : memref<208x128xf32, #tpu.memory_space<vmem>>, vector<16xf32>,
      }
      %scan3A_54 = arith.constant 26 : i32
      "tpu.region"() ({
        %run_scoped3A = tpu.sem_alloc : memref<!tpu.dma_semaphore, #tpu.memory_space<semaphore_mem>>
        %dma_start3A_57 = arith.constant 0 : i32
        %dma_start3A_58 = arith.constant 0 : i32
        %dma_start3A_59 = tpu.memref_slice %arg18[%dma_start3A_57, %dma_start3A_58] : memref<10240x128xf32, #tpu.memory_space<vmem_shared>> -> memref<10240x128xf32, #tpu.memory_space<vmem_shared>>
        tpu.enqueue_indirect_dma source(%arg17 : memref<208x128xf32, #tpu.memory_space<vmem>>) target(%dma_start3A_59 : memref<10240x128xf32, #tpu.memory_space<vmem_shared>>) offsets(%arg15 : memref<208xi32, #tpu.memory_space<vmem>>) semaphore(%run_scoped3A : memref<!tpu.dma_semaphore, #tpu.memory_space<semaphore_mem>>) {add = true}
        %dma_wait3A_60 = arith.constant 0 : i32
        %dma_wait3A_61 = arith.constant 0 : i32
        %dma_wait3A_62 = tpu.memref_slice %arg18[%dma_wait3A_60, %dma_wait3A_61] : memref<10240x128xf32, #tpu.memory_space<vmem_shared>> -> memref<10240x128xf32, #tpu.memory_space<vmem_shared>>
        tpu.wait_indirect_dma semaphore(%run_scoped3A : memref<!tpu.dma_semaphore, #tpu.memory_space<semaphore_mem>>) src(%arg17 : memref<208x128xf32, #tpu.memory_space<vmem>>) dst(%dma_wait3A_62 : memref<10240x128xf32, #tpu.memory_space<vmem_shared>>)
        tpu.yield
      }) : () -> ()
      %dma_wait3A_55 = arith.constant 0 : i32
      %dma_wait3A_56 = tpu.memref_slice %arg19[%dma_wait3A_55] : memref<10240xf32, #tpu.memory_space<vmem_shared>> -> memref<10240xf32, #tpu.memory_space<vmem_shared>>
      tpu.wait_indirect_dma semaphore(%arg21 : memref<!tpu.dma_semaphore, #tpu.memory_space<semaphore_mem>>) src(%arg16 : memref<208xf32, #tpu.memory_space<vmem>>) dst(%dma_wait3A_56 : memref<10240xf32, #tpu.memory_space<vmem_shared>>)
    }
    %while3A_20 = arith.constant 1 : i32
    scf.for %while3A_24 = %while3A_18 to %while3A_14 step %while3A_20  : i32 {
      %mul3A_25 = arith.muli %while3A_24, %while3A : i32
      %add3A_26 = arith.addi %add3A, %mul3A_25 : i32
      %mul3A_27 = arith.constant 2 : i32
      %mul3A_28 = arith.muli %add3A_26, %mul3A_27 : i32
      %mul3A_29 = arith.constant 208 : i32
      %mul3A_30 = arith.muli %mul3A_28, %mul3A_29 : i32
      "tpu.region"() ({
        %run_scoped3A = tpu.sem_alloc : memref<!tpu.dma_semaphore, #tpu.memory_space<semaphore_mem>>
        %dma_start3A_57 = tpu.memref_slice %arg2[%mul3A_30] : memref<640640xi32, #tpu.memory_space<hbm>> -> memref<416xi32, #tpu.memory_space<hbm>>
        %dma_start3A_58 = tpu.memref_slice %arg2[%mul3A_30] : memref<640640xi32, #tpu.memory_space<hbm>> -> memref<416xi32, #tpu.memory_space<hbm>>
        tpu.enqueue_dma source(%dma_start3A_58 : memref<416xi32, #tpu.memory_space<hbm>>) target(%arg14 : memref<416xi32, #tpu.memory_space<vmem>>) target_semaphore(%run_scoped3A : memref<!tpu.dma_semaphore, #tpu.memory_space<semaphore_mem>>)
        %dma_wait3A_59 = tpu.memref_slice %arg2[%mul3A_30] : memref<640640xi32, #tpu.memory_space<hbm>> -> memref<416xi32, #tpu.memory_space<hbm>>
        %dma_wait3A_60 = tpu.memref_slice %arg2[%mul3A_30] : memref<640640xi32, #tpu.memory_space<hbm>> -> memref<416xi32, #tpu.memory_space<hbm>>
        tpu.wait_dma2 semaphore(%run_scoped3A : memref<!tpu.dma_semaphore, #tpu.memory_space<semaphore_mem>>) src(%dma_wait3A_60 : memref<416xi32, #tpu.memory_space<hbm>>) dst(%arg14 : memref<416xi32, #tpu.memory_space<vmem>>)
        tpu.yield
      }) : () -> ()
      %scan3A = arith.constant 0 : i32
      %scan3A_31 = arith.constant 13 : i32
      %scan3A_32 = arith.addi %scan3A, %scan3A_31 : i32
      %scan3A_33 = arith.constant 1 : i32
      scf.for %scan3A_57 = %scan3A to %scan3A_32 step %scan3A_33  : i32 {
        %mul3A_58 = arith.constant 16 : i32
        %mul3A_59 = arith.muli %scan3A_57, %mul3A_58 : i32
        %add3A_60 = arith.constant 0 : i32
        %add3A_61 = arith.addi %add3A_60, %mul3A_59 : i32
        %add3A_62 = arith.constant 208 : i32
        %add3A_63 = arith.addi %add3A_62, %add3A_61 : i32
        %get3A_64 = arith.index_cast %add3A_63 : i32 to index
        %get3A_65 = tpu.vector_load %arg14[%get3A_64] {strides = array<i32>} : memref<416xi32, #tpu.memory_space<vmem>>, vector<16xi32>,
        %swap3A = arith.index_cast %add3A_61 : i32 to index
        %swap3A_66 = tpu.vector_load %arg15[%swap3A] {strides = array<i32>} : memref<208xi32, #tpu.memory_space<vmem>>, vector<16xi32>,
        tpu.vector_store %arg15[%swap3A], %get3A_65 {strides = array<i32>} : memref<208xi32, #tpu.memory_space<vmem>>, vector<16xi32>,
      }
      %scan3A_34 = arith.constant 13 : i32
      %dma_start3A = arith.constant 0 : i32
      %dma_start3A_35 = tpu.memref_slice %arg14[%dma_start3A] : memref<416xi32, #tpu.memory_space<vmem>> -> memref<208xi32, #tpu.memory_space<vmem>>
      %dma_start3A_36 = arith.constant 0 : i32
      %dma_start3A_37 = arith.constant 0 : i32
      %dma_start3A_38 = tpu.memref_slice %arg6[%dma_start3A_36, %dma_start3A_37] : memref<10000x128xf32, #tpu.memory_space<hbm>> -> memref<10000x128xf32, #tpu.memory_space<hbm>>
      tpu.enqueue_indirect_dma source(%dma_start3A_38 : memref<10000x128xf32, #tpu.memory_space<hbm>>) target(%arg17 : memref<208x128xf32, #tpu.memory_space<vmem>>) offsets(%dma_start3A_35 : memref<208xi32, #tpu.memory_space<vmem>>) semaphore(%arg20 : memref<!tpu.dma_semaphore, #tpu.memory_space<semaphore_mem>>)
      %scan3A_39 = arith.constant 0 : i32
      %scan3A_40 = arith.constant 13 : i32
      %scan3A_41 = arith.addi %scan3A_39, %scan3A_40 : i32
      %scan3A_42 = arith.constant 1 : i32
      scf.for %scan3A_57 = %scan3A_39 to %scan3A_41 step %scan3A_42  : i32 {
        %mul3A_58 = arith.constant 16 : i32
        %mul3A_59 = arith.muli %scan3A_57, %mul3A_58 : i32
        %add3A_60 = arith.constant 0 : i32
        %add3A_61 = arith.addi %add3A_60, %mul3A_59 : i32
        %get3A_62 = arith.index_cast %add3A_61 : i32 to index
        %get3A_63 = tpu.vector_load %arg14[%get3A_62] {strides = array<i32>} : memref<416xi32, #tpu.memory_space<vmem>>, vector<16xi32>,
        %get3A_64 = arith.index_cast %add3A_61 : i32 to index
        %get3A_65 = tpu.vector_load %arg15[%get3A_64] {strides = array<i32>} : memref<208xi32, #tpu.memory_space<vmem>>, vector<16xi32>,
        %gather3A = tpu.vector_load_idx %arg11[%get3A_63] : memref<10000xf32, #tpu.memory_space<vmem>>[vector<16xi32>], vector<16xf32>,
        %gather3A_66 = tpu.vector_load_idx %arg12[%get3A_65] : memref<10000xf32, #tpu.memory_space<vmem>>[vector<16xi32>], vector<16xf32>,
        %add3A_67 = arith.addf %gather3A, %gather3A_66 : vector<16xf32>
        %ge3A = arith.constant 0.000000e+00 : f32
        %ge3A_68 = vector.broadcast %ge3A : f32 to vector<16xf32>
        %ge3A_69 = arith.cmpf oge, %add3A_67, %ge3A_68 : vector<16xf32>
        %mul3A_70 = arith.constant 2.000000e-01 : f32
        %mul3A_71 = vector.broadcast %mul3A_70 : f32 to vector<16xf32>
        %mul3A_72 = arith.mulf %add3A_67, %mul3A_71 : vector<16xf32>
        %select_n3A = arith.select %ge3A_69, %add3A_67, %mul3A_72 : vector<16xi1>, vector<16xf32>
        %sub3A_73 = arith.subf %select_n3A, %get3A_5 : vector<16xf32>
        %exp3A = math.exp %sub3A_73 : vector<16xf32>
        %swap3A = arith.index_cast %add3A_61 : i32 to index
        %swap3A_74 = tpu.vector_load %arg16[%swap3A] {strides = array<i32>} : memref<208xf32, #tpu.memory_space<vmem>>, vector<16xf32>,
        tpu.vector_store %arg16[%swap3A], %exp3A {strides = array<i32>} : memref<208xf32, #tpu.memory_space<vmem>>, vector<16xf32>,
      }
      %scan3A_43 = arith.constant 13 : i32
      %dma_start3A_44 = arith.constant 0 : i32
      %dma_start3A_45 = tpu.memref_slice %arg19[%dma_start3A_44] : memref<10240xf32, #tpu.memory_space<vmem_shared>> -> memref<10240xf32, #tpu.memory_space<vmem_shared>>
      tpu.enqueue_indirect_dma source(%arg16 : memref<208xf32, #tpu.memory_space<vmem>>) target(%dma_start3A_45 : memref<10240xf32, #tpu.memory_space<vmem_shared>>) offsets(%arg15 : memref<208xi32, #tpu.memory_space<vmem>>) semaphore(%arg21 : memref<!tpu.dma_semaphore, #tpu.memory_space<semaphore_mem>>) {add = true}
      %dma_wait3A = arith.constant 0 : i32
      %dma_wait3A_46 = tpu.memref_slice %arg14[%dma_wait3A] : memref<416xi32, #tpu.memory_space<vmem>> -> memref<208xi32, #tpu.memory_space<vmem>>
      %dma_wait3A_47 = arith.constant 0 : i32
      %dma_wait3A_48 = arith.constant 0 : i32
      %dma_wait3A_49 = tpu.memref_slice %arg6[%dma_wait3A_47, %dma_wait3A_48] : memref<10000x128xf32, #tpu.memory_space<hbm>> -> memref<10000x128xf32, #tpu.memory_space<hbm>>
      tpu.wait_indirect_dma semaphore(%arg20 : memref<!tpu.dma_semaphore, #tpu.memory_space<semaphore_mem>>) src(%dma_wait3A_49 : memref<10000x128xf32, #tpu.memory_space<hbm>>) dst(%arg17 : memref<208x128xf32, #tpu.memory_space<vmem>>)
      %scan3A_50 = arith.constant 0 : i32
      %scan3A_51 = arith.constant 26 : i32
      %scan3A_52 = arith.addi %scan3A_50, %scan3A_51 : i32
      %scan3A_53 = arith.constant 1 : i32
      scf.for %scan3A_57 = %scan3A_50 to %scan3A_52 step %scan3A_53  : i32 {
        %mul3A_58 = arith.constant 8 : i32
        %mul3A_59 = arith.muli %scan3A_57, %mul3A_58 : i32
        %add3A_60 = arith.constant 0 : i32
        %add3A_61 = arith.addi %add3A_60, %mul3A_59 : i32
        %add3A_62 = arith.constant 0 : i32
        %add3A_63 = arith.addi %add3A_61, %add3A_62 : i32
        %broadcast_in_dim3A = vector.broadcast %add3A_63 : i32 to vector<16xi32>
        %gather3A = tpu.vector_load_idx %arg16[%broadcast_in_dim3A] : memref<208xf32, #tpu.memory_space<vmem>>[vector<16xi32>], vector<16xf32>,
        %add3A_64 = arith.constant 0 : i32
        %add3A_65 = arith.addi %add3A_61, %add3A_64 : i32
        %get3A_66 = arith.index_cast %add3A_65 : i32 to index
        %get3A_67 = arith.constant 0 : index
        %get3A_68 = tpu.vector_load %arg17[%get3A_66, %get3A_67] {strides = array<i32>} : memref<208x128xf32, #tpu.memory_space<vmem>>, vector<16xf32>,
        %mul3A_69 = arith.mulf %get3A_68, %gather3A : vector<16xf32>
        %add3A_70 = arith.constant 0 : i32
        %add3A_71 = arith.addi %add3A_61, %add3A_70 : i32
        %swap3A = arith.index_cast %add3A_71 : i32 to index
        %swap3A_72 = arith.constant 0 : index
        %swap3A_73 = tpu.vector_load %arg17[%swap3A, %swap3A_72] {strides = array<i32>} : memref<208x128xf32, #tpu.memory_space<vmem>>, vector<16xf32>,
        tpu.vector_store %arg17[%swap3A, %swap3A_72], %mul3A_69 {strides = array<i32>} : memref<208x128xf32, #tpu.memory_space<vmem>>, vector<16xf32>,
        %add3A_74 = arith.constant 0 : i32
        %add3A_75 = arith.addi %add3A_61, %add3A_74 : i32
        %get3A_76 = arith.index_cast %add3A_75 : i32 to index
        %get3A_77 = arith.constant 16 : index
        %get3A_78 = tpu.vector_load %arg17[%get3A_76, %get3A_77] {strides = array<i32>} : memref<208x128xf32, #tpu.memory_space<vmem>>, vector<16xf32>,
        %mul3A_79 = arith.mulf %get3A_78, %gather3A : vector<16xf32>
        %add3A_80 = arith.constant 0 : i32
        %add3A_81 = arith.addi %add3A_61, %add3A_80 : i32
        %swap3A_82 = arith.index_cast %add3A_81 : i32 to index
        %swap3A_83 = arith.constant 16 : index
        %swap3A_84 = tpu.vector_load %arg17[%swap3A_82, %swap3A_83] {strides = array<i32>} : memref<208x128xf32, #tpu.memory_space<vmem>>, vector<16xf32>,
        tpu.vector_store %arg17[%swap3A_82, %swap3A_83], %mul3A_79 {strides = array<i32>} : memref<208x128xf32, #tpu.memory_space<vmem>>, vector<16xf32>,
        %add3A_85 = arith.constant 0 : i32
        %add3A_86 = arith.addi %add3A_61, %add3A_85 : i32
        %get3A_87 = arith.index_cast %add3A_86 : i32 to index
        %get3A_88 = arith.constant 32 : index
        %get3A_89 = tpu.vector_load %arg17[%get3A_87, %get3A_88] {strides = array<i32>} : memref<208x128xf32, #tpu.memory_space<vmem>>, vector<16xf32>,
        %mul3A_90 = arith.mulf %get3A_89, %gather3A : vector<16xf32>
        %add3A_91 = arith.constant 0 : i32
        %add3A_92 = arith.addi %add3A_61, %add3A_91 : i32
        %swap3A_93 = arith.index_cast %add3A_92 : i32 to index
        %swap3A_94 = arith.constant 32 : index
        %swap3A_95 = tpu.vector_load %arg17[%swap3A_93, %swap3A_94] {strides = array<i32>} : memref<208x128xf32, #tpu.memory_space<vmem>>, vector<16xf32>,
        tpu.vector_store %arg17[%swap3A_93, %swap3A_94], %mul3A_90 {strides = array<i32>} : memref<208x128xf32, #tpu.memory_space<vmem>>, vector<16xf32>,
        %add3A_96 = arith.constant 0 : i32
        %add3A_97 = arith.addi %add3A_61, %add3A_96 : i32
        %get3A_98 = arith.index_cast %add3A_97 : i32 to index
        %get3A_99 = arith.constant 48 : index
        %get3A_100 = tpu.vector_load %arg17[%get3A_98, %get3A_99] {strides = array<i32>} : memref<208x128xf32, #tpu.memory_space<vmem>>, vector<16xf32>,
        %mul3A_101 = arith.mulf %get3A_100, %gather3A : vector<16xf32>
        %add3A_102 = arith.constant 0 : i32
        %add3A_103 = arith.addi %add3A_61, %add3A_102 : i32
        %swap3A_104 = arith.index_cast %add3A_103 : i32 to index
        %swap3A_105 = arith.constant 48 : index
        %swap3A_106 = tpu.vector_load %arg17[%swap3A_104, %swap3A_105] {strides = array<i32>} : memref<208x128xf32, #tpu.memory_space<vmem>>, vector<16xf32>,
        tpu.vector_store %arg17[%swap3A_104, %swap3A_105], %mul3A_101 {strides = array<i32>} : memref<208x128xf32, #tpu.memory_space<vmem>>, vector<16xf32>,
        %add3A_107 = arith.constant 0 : i32
        %add3A_108 = arith.addi %add3A_61, %add3A_107 : i32
        %get3A_109 = arith.index_cast %add3A_108 : i32 to index
        %get3A_110 = arith.constant 64 : index
        %get3A_111 = tpu.vector_load %arg17[%get3A_109, %get3A_110] {strides = array<i32>} : memref<208x128xf32, #tpu.memory_space<vmem>>, vector<16xf32>,
        %mul3A_112 = arith.mulf %get3A_111, %gather3A : vector<16xf32>
        %add3A_113 = arith.constant 0 : i32
        %add3A_114 = arith.addi %add3A_61, %add3A_113 : i32
        %swap3A_115 = arith.index_cast %add3A_114 : i32 to index
        %swap3A_116 = arith.constant 64 : index
        %swap3A_117 = tpu.vector_load %arg17[%swap3A_115, %swap3A_116] {strides = array<i32>} : memref<208x128xf32, #tpu.memory_space<vmem>>, vector<16xf32>,
        tpu.vector_store %arg17[%swap3A_115, %swap3A_116], %mul3A_112 {strides = array<i32>} : memref<208x128xf32, #tpu.memory_space<vmem>>, vector<16xf32>,
        %add3A_118 = arith.constant 0 : i32
        %add3A_119 = arith.addi %add3A_61, %add3A_118 : i32
        %get3A_120 = arith.index_cast %add3A_119 : i32 to index
        %get3A_121 = arith.constant 80 : index
        %get3A_122 = tpu.vector_load %arg17[%get3A_120, %get3A_121] {strides = array<i32>} : memref<208x128xf32, #tpu.memory_space<vmem>>, vector<16xf32>,
        %mul3A_123 = arith.mulf %get3A_122, %gather3A : vector<16xf32>
        %add3A_124 = arith.constant 0 : i32
        %add3A_125 = arith.addi %add3A_61, %add3A_124 : i32
        %swap3A_126 = arith.index_cast %add3A_125 : i32 to index
        %swap3A_127 = arith.constant 80 : index
        %swap3A_128 = tpu.vector_load %arg17[%swap3A_126, %swap3A_127] {strides = array<i32>} : memref<208x128xf32, #tpu.memory_space<vmem>>, vector<16xf32>,
        tpu.vector_store %arg17[%swap3A_126, %swap3A_127], %mul3A_123 {strides = array<i32>} : memref<208x128xf32, #tpu.memory_space<vmem>>, vector<16xf32>,
        %add3A_129 = arith.constant 0 : i32
        %add3A_130 = arith.addi %add3A_61, %add3A_129 : i32
        %get3A_131 = arith.index_cast %add3A_130 : i32 to index
        %get3A_132 = arith.constant 96 : index
        %get3A_133 = tpu.vector_load %arg17[%get3A_131, %get3A_132] {strides = array<i32>} : memref<208x128xf32, #tpu.memory_space<vmem>>, vector<16xf32>,
        %mul3A_134 = arith.mulf %get3A_133, %gather3A : vector<16xf32>
        %add3A_135 = arith.constant 0 : i32
        %add3A_136 = arith.addi %add3A_61, %add3A_135 : i32
        %swap3A_137 = arith.index_cast %add3A_136 : i32 to index
        %swap3A_138 = arith.constant 96 : index
        %swap3A_139 = tpu.vector_load %arg17[%swap3A_137, %swap3A_138] {strides = array<i32>} : memref<208x128xf32, #tpu.memory_space<vmem>>, vector<16xf32>,
        tpu.vector_store %arg17[%swap3A_137, %swap3A_138], %mul3A_134 {strides = array<i32>} : memref<208x128xf32, #tpu.memory_space<vmem>>, vector<16xf32>,
        %add3A_140 = arith.constant 0 : i32
        %add3A_141 = arith.addi %add3A_61, %add3A_140 : i32
        %get3A_142 = arith.index_cast %add3A_141 : i32 to index
        %get3A_143 = arith.constant 112 : index
        %get3A_144 = tpu.vector_load %arg17[%get3A_142, %get3A_143] {strides = array<i32>} : memref<208x128xf32, #tpu.memory_space<vmem>>, vector<16xf32>,
        %mul3A_145 = arith.mulf %get3A_144, %gather3A : vector<16xf32>
        %add3A_146 = arith.constant 0 : i32
        %add3A_147 = arith.addi %add3A_61, %add3A_146 : i32
        %swap3A_148 = arith.index_cast %add3A_147 : i32 to index
        %swap3A_149 = arith.constant 112 : index
        %swap3A_150 = tpu.vector_load %arg17[%swap3A_148, %swap3A_149] {strides = array<i32>} : memref<208x128xf32, #tpu.memory_space<vmem>>, vector<16xf32>,
        tpu.vector_store %arg17[%swap3A_148, %swap3A_149], %mul3A_145 {strides = array<i32>} : memref<208x128xf32, #tpu.memory_space<vmem>>, vector<16xf32>,
        %add3A_151 = arith.constant 1 : i32
        %add3A_152 = arith.addi %add3A_61, %add3A_151 : i32
        %broadcast_in_dim3A_153 = vector.broadcast %add3A_152 : i32 to vector<16xi32>
        %gather3A_154 = tpu.vector_load_idx %arg16[%broadcast_in_dim3A_153] : memref<208xf32, #tpu.memory_space<vmem>>[vector<16xi32>], vector<16xf32>,
        %add3A_155 = arith.constant 1 : i32
        %add3A_156 = arith.addi %add3A_61, %add3A_155 : i32
        %get3A_157 = arith.index_cast %add3A_156 : i32 to index
        %get3A_158 = arith.constant 0 : index
        %get3A_159 = tpu.vector_load %arg17[%get3A_157, %get3A_158] {strides = array<i32>} : memref<208x128xf32, #tpu.memory_space<vmem>>, vector<16xf32>,
        %mul3A_160 = arith.mulf %get3A_159, %gather3A_154 : vector<16xf32>
        %add3A_161 = arith.constant 1 : i32
        %add3A_162 = arith.addi %add3A_61, %add3A_161 : i32
        %swap3A_163 = arith.index_cast %add3A_162 : i32 to index
        %swap3A_164 = arith.constant 0 : index
        %swap3A_165 = tpu.vector_load %arg17[%swap3A_163, %swap3A_164] {strides = array<i32>} : memref<208x128xf32, #tpu.memory_space<vmem>>, vector<16xf32>,
        tpu.vector_store %arg17[%swap3A_163, %swap3A_164], %mul3A_160 {strides = array<i32>} : memref<208x128xf32, #tpu.memory_space<vmem>>, vector<16xf32>,
        %add3A_166 = arith.constant 1 : i32
        %add3A_167 = arith.addi %add3A_61, %add3A_166 : i32
        %get3A_168 = arith.index_cast %add3A_167 : i32 to index
        %get3A_169 = arith.constant 16 : index
        %get3A_170 = tpu.vector_load %arg17[%get3A_168, %get3A_169] {strides = array<i32>} : memref<208x128xf32, #tpu.memory_space<vmem>>, vector<16xf32>,
        %mul3A_171 = arith.mulf %get3A_170, %gather3A_154 : vector<16xf32>
        %add3A_172 = arith.constant 1 : i32
        %add3A_173 = arith.addi %add3A_61, %add3A_172 : i32
        %swap3A_174 = arith.index_cast %add3A_173 : i32 to index
        %swap3A_175 = arith.constant 16 : index
        %swap3A_176 = tpu.vector_load %arg17[%swap3A_174, %swap3A_175] {strides = array<i32>} : memref<208x128xf32, #tpu.memory_space<vmem>>, vector<16xf32>,
        tpu.vector_store %arg17[%swap3A_174, %swap3A_175], %mul3A_171 {strides = array<i32>} : memref<208x128xf32, #tpu.memory_space<vmem>>, vector<16xf32>,
        %add3A_177 = arith.constant 1 : i32
        %add3A_178 = arith.addi %add3A_61, %add3A_177 : i32
        %get3A_179 = arith.index_cast %add3A_178 : i32 to index
        %get3A_180 = arith.constant 32 : index
        %get3A_181 = tpu.vector_load %arg17[%get3A_179, %get3A_180] {strides = array<i32>} : memref<208x128xf32, #tpu.memory_space<vmem>>, vector<16xf32>,
        %mul3A_182 = arith.mulf %get3A_181, %gather3A_154 : vector<16xf32>
        %add3A_183 = arith.constant 1 : i32
        %add3A_184 = arith.addi %add3A_61, %add3A_183 : i32
        %swap3A_185 = arith.index_cast %add3A_184 : i32 to index
        %swap3A_186 = arith.constant 32 : index
        %swap3A_187 = tpu.vector_load %arg17[%swap3A_185, %swap3A_186] {strides = array<i32>} : memref<208x128xf32, #tpu.memory_space<vmem>>, vector<16xf32>,
        tpu.vector_store %arg17[%swap3A_185, %swap3A_186], %mul3A_182 {strides = array<i32>} : memref<208x128xf32, #tpu.memory_space<vmem>>, vector<16xf32>,
        %add3A_188 = arith.constant 1 : i32
        %add3A_189 = arith.addi %add3A_61, %add3A_188 : i32
        %get3A_190 = arith.index_cast %add3A_189 : i32 to index
        %get3A_191 = arith.constant 48 : index
        %get3A_192 = tpu.vector_load %arg17[%get3A_190, %get3A_191] {strides = array<i32>} : memref<208x128xf32, #tpu.memory_space<vmem>>, vector<16xf32>,
        %mul3A_193 = arith.mulf %get3A_192, %gather3A_154 : vector<16xf32>
        %add3A_194 = arith.constant 1 : i32
        %add3A_195 = arith.addi %add3A_61, %add3A_194 : i32
        %swap3A_196 = arith.index_cast %add3A_195 : i32 to index
        %swap3A_197 = arith.constant 48 : index
        %swap3A_198 = tpu.vector_load %arg17[%swap3A_196, %swap3A_197] {strides = array<i32>} : memref<208x128xf32, #tpu.memory_space<vmem>>, vector<16xf32>,
        tpu.vector_store %arg17[%swap3A_196, %swap3A_197], %mul3A_193 {strides = array<i32>} : memref<208x128xf32, #tpu.memory_space<vmem>>, vector<16xf32>,
        %add3A_199 = arith.constant 1 : i32
        %add3A_200 = arith.addi %add3A_61, %add3A_199 : i32
        %get3A_201 = arith.index_cast %add3A_200 : i32 to index
        %get3A_202 = arith.constant 64 : index
        %get3A_203 = tpu.vector_load %arg17[%get3A_201, %get3A_202] {strides = array<i32>} : memref<208x128xf32, #tpu.memory_space<vmem>>, vector<16xf32>,
        %mul3A_204 = arith.mulf %get3A_203, %gather3A_154 : vector<16xf32>
        %add3A_205 = arith.constant 1 : i32
        %add3A_206 = arith.addi %add3A_61, %add3A_205 : i32
        %swap3A_207 = arith.index_cast %add3A_206 : i32 to index
        %swap3A_208 = arith.constant 64 : index
        %swap3A_209 = tpu.vector_load %arg17[%swap3A_207, %swap3A_208] {strides = array<i32>} : memref<208x128xf32, #tpu.memory_space<vmem>>, vector<16xf32>,
        tpu.vector_store %arg17[%swap3A_207, %swap3A_208], %mul3A_204 {strides = array<i32>} : memref<208x128xf32, #tpu.memory_space<vmem>>, vector<16xf32>,
        %add3A_210 = arith.constant 1 : i32
        %add3A_211 = arith.addi %add3A_61, %add3A_210 : i32
        %get3A_212 = arith.index_cast %add3A_211 : i32 to index
        %get3A_213 = arith.constant 80 : index
        %get3A_214 = tpu.vector_load %arg17[%get3A_212, %get3A_213] {strides = array<i32>} : memref<208x128xf32, #tpu.memory_space<vmem>>, vector<16xf32>,
        %mul3A_215 = arith.mulf %get3A_214, %gather3A_154 : vector<16xf32>
        %add3A_216 = arith.constant 1 : i32
        %add3A_217 = arith.addi %add3A_61, %add3A_216 : i32
        %swap3A_218 = arith.index_cast %add3A_217 : i32 to index
        %swap3A_219 = arith.constant 80 : index
        %swap3A_220 = tpu.vector_load %arg17[%swap3A_218, %swap3A_219] {strides = array<i32>} : memref<208x128xf32, #tpu.memory_space<vmem>>, vector<16xf32>,
        tpu.vector_store %arg17[%swap3A_218, %swap3A_219], %mul3A_215 {strides = array<i32>} : memref<208x128xf32, #tpu.memory_space<vmem>>, vector<16xf32>,
        %add3A_221 = arith.constant 1 : i32
        %add3A_222 = arith.addi %add3A_61, %add3A_221 : i32
        %get3A_223 = arith.index_cast %add3A_222 : i32 to index
        %get3A_224 = arith.constant 96 : index
        %get3A_225 = tpu.vector_load %arg17[%get3A_223, %get3A_224] {strides = array<i32>} : memref<208x128xf32, #tpu.memory_space<vmem>>, vector<16xf32>,
        %mul3A_226 = arith.mulf %get3A_225, %gather3A_154 : vector<16xf32>
        %add3A_227 = arith.constant 1 : i32
        %add3A_228 = arith.addi %add3A_61, %add3A_227 : i32
        %swap3A_229 = arith.index_cast %add3A_228 : i32 to index
        %swap3A_230 = arith.constant 96 : index
        %swap3A_231 = tpu.vector_load %arg17[%swap3A_229, %swap3A_230] {strides = array<i32>} : memref<208x128xf32, #tpu.memory_space<vmem>>, vector<16xf32>,
        tpu.vector_store %arg17[%swap3A_229, %swap3A_230], %mul3A_226 {strides = array<i32>} : memref<208x128xf32, #tpu.memory_space<vmem>>, vector<16xf32>,
        %add3A_232 = arith.constant 1 : i32
        %add3A_233 = arith.addi %add3A_61, %add3A_232 : i32
        %get3A_234 = arith.index_cast %add3A_233 : i32 to index
        %get3A_235 = arith.constant 112 : index
        %get3A_236 = tpu.vector_load %arg17[%get3A_234, %get3A_235] {strides = array<i32>} : memref<208x128xf32, #tpu.memory_space<vmem>>, vector<16xf32>,
        %mul3A_237 = arith.mulf %get3A_236, %gather3A_154 : vector<16xf32>
        %add3A_238 = arith.constant 1 : i32
        %add3A_239 = arith.addi %add3A_61, %add3A_238 : i32
        %swap3A_240 = arith.index_cast %add3A_239 : i32 to index
        %swap3A_241 = arith.constant 112 : index
        %swap3A_242 = tpu.vector_load %arg17[%swap3A_240, %swap3A_241] {strides = array<i32>} : memref<208x128xf32, #tpu.memory_space<vmem>>, vector<16xf32>,
        tpu.vector_store %arg17[%swap3A_240, %swap3A_241], %mul3A_237 {strides = array<i32>} : memref<208x128xf32, #tpu.memory_space<vmem>>, vector<16xf32>,
        %add3A_243 = arith.constant 2 : i32
        %add3A_244 = arith.addi %add3A_61, %add3A_243 : i32
        %broadcast_in_dim3A_245 = vector.broadcast %add3A_244 : i32 to vector<16xi32>
        %gather3A_246 = tpu.vector_load_idx %arg16[%broadcast_in_dim3A_245] : memref<208xf32, #tpu.memory_space<vmem>>[vector<16xi32>], vector<16xf32>,
        %add3A_247 = arith.constant 2 : i32
        %add3A_248 = arith.addi %add3A_61, %add3A_247 : i32
        %get3A_249 = arith.index_cast %add3A_248 : i32 to index
        %get3A_250 = arith.constant 0 : index
        %get3A_251 = tpu.vector_load %arg17[%get3A_249, %get3A_250] {strides = array<i32>} : memref<208x128xf32, #tpu.memory_space<vmem>>, vector<16xf32>,
        %mul3A_252 = arith.mulf %get3A_251, %gather3A_246 : vector<16xf32>
        %add3A_253 = arith.constant 2 : i32
        %add3A_254 = arith.addi %add3A_61, %add3A_253 : i32
        %swap3A_255 = arith.index_cast %add3A_254 : i32 to index
        %swap3A_256 = arith.constant 0 : index
        %swap3A_257 = tpu.vector_load %arg17[%swap3A_255, %swap3A_256] {strides = array<i32>} : memref<208x128xf32, #tpu.memory_space<vmem>>, vector<16xf32>,
        tpu.vector_store %arg17[%swap3A_255, %swap3A_256], %mul3A_252 {strides = array<i32>} : memref<208x128xf32, #tpu.memory_space<vmem>>, vector<16xf32>,
        %add3A_258 = arith.constant 2 : i32
        %add3A_259 = arith.addi %add3A_61, %add3A_258 : i32
        %get3A_260 = arith.index_cast %add3A_259 : i32 to index
        %get3A_261 = arith.constant 16 : index
        %get3A_262 = tpu.vector_load %arg17[%get3A_260, %get3A_261] {strides = array<i32>} : memref<208x128xf32, #tpu.memory_space<vmem>>, vector<16xf32>,
        %mul3A_263 = arith.mulf %get3A_262, %gather3A_246 : vector<16xf32>
        %add3A_264 = arith.constant 2 : i32
        %add3A_265 = arith.addi %add3A_61, %add3A_264 : i32
        %swap3A_266 = arith.index_cast %add3A_265 : i32 to index
        %swap3A_267 = arith.constant 16 : index
        %swap3A_268 = tpu.vector_load %arg17[%swap3A_266, %swap3A_267] {strides = array<i32>} : memref<208x128xf32, #tpu.memory_space<vmem>>, vector<16xf32>,
        tpu.vector_store %arg17[%swap3A_266, %swap3A_267], %mul3A_263 {strides = array<i32>} : memref<208x128xf32, #tpu.memory_space<vmem>>, vector<16xf32>,
        %add3A_269 = arith.constant 2 : i32
        %add3A_270 = arith.addi %add3A_61, %add3A_269 : i32
        %get3A_271 = arith.index_cast %add3A_270 : i32 to index
        %get3A_272 = arith.constant 32 : index
        %get3A_273 = tpu.vector_load %arg17[%get3A_271, %get3A_272] {strides = array<i32>} : memref<208x128xf32, #tpu.memory_space<vmem>>, vector<16xf32>,
        %mul3A_274 = arith.mulf %get3A_273, %gather3A_246 : vector<16xf32>
        %add3A_275 = arith.constant 2 : i32
        %add3A_276 = arith.addi %add3A_61, %add3A_275 : i32
        %swap3A_277 = arith.index_cast %add3A_276 : i32 to index
        %swap3A_278 = arith.constant 32 : index
        %swap3A_279 = tpu.vector_load %arg17[%swap3A_277, %swap3A_278] {strides = array<i32>} : memref<208x128xf32, #tpu.memory_space<vmem>>, vector<16xf32>,
        tpu.vector_store %arg17[%swap3A_277, %swap3A_278], %mul3A_274 {strides = array<i32>} : memref<208x128xf32, #tpu.memory_space<vmem>>, vector<16xf32>,
        %add3A_280 = arith.constant 2 : i32
        %add3A_281 = arith.addi %add3A_61, %add3A_280 : i32
        %get3A_282 = arith.index_cast %add3A_281 : i32 to index
        %get3A_283 = arith.constant 48 : index
        %get3A_284 = tpu.vector_load %arg17[%get3A_282, %get3A_283] {strides = array<i32>} : memref<208x128xf32, #tpu.memory_space<vmem>>, vector<16xf32>,
        %mul3A_285 = arith.mulf %get3A_284, %gather3A_246 : vector<16xf32>
        %add3A_286 = arith.constant 2 : i32
        %add3A_287 = arith.addi %add3A_61, %add3A_286 : i32
        %swap3A_288 = arith.index_cast %add3A_287 : i32 to index
        %swap3A_289 = arith.constant 48 : index
        %swap3A_290 = tpu.vector_load %arg17[%swap3A_288, %swap3A_289] {strides = array<i32>} : memref<208x128xf32, #tpu.memory_space<vmem>>, vector<16xf32>,
        tpu.vector_store %arg17[%swap3A_288, %swap3A_289], %mul3A_285 {strides = array<i32>} : memref<208x128xf32, #tpu.memory_space<vmem>>, vector<16xf32>,
        %add3A_291 = arith.constant 2 : i32
        %add3A_292 = arith.addi %add3A_61, %add3A_291 : i32
        %get3A_293 = arith.index_cast %add3A_292 : i32 to index
        %get3A_294 = arith.constant 64 : index
        %get3A_295 = tpu.vector_load %arg17[%get3A_293, %get3A_294] {strides = array<i32>} : memref<208x128xf32, #tpu.memory_space<vmem>>, vector<16xf32>,
        %mul3A_296 = arith.mulf %get3A_295, %gather3A_246 : vector<16xf32>
        %add3A_297 = arith.constant 2 : i32
        %add3A_298 = arith.addi %add3A_61, %add3A_297 : i32
        %swap3A_299 = arith.index_cast %add3A_298 : i32 to index
        %swap3A_300 = arith.constant 64 : index
        %swap3A_301 = tpu.vector_load %arg17[%swap3A_299, %swap3A_300] {strides = array<i32>} : memref<208x128xf32, #tpu.memory_space<vmem>>, vector<16xf32>,
        tpu.vector_store %arg17[%swap3A_299, %swap3A_300], %mul3A_296 {strides = array<i32>} : memref<208x128xf32, #tpu.memory_space<vmem>>, vector<16xf32>,
        %add3A_302 = arith.constant 2 : i32
        %add3A_303 = arith.addi %add3A_61, %add3A_302 : i32
        %get3A_304 = arith.index_cast %add3A_303 : i32 to index
        %get3A_305 = arith.constant 80 : index
        %get3A_306 = tpu.vector_load %arg17[%get3A_304, %get3A_305] {strides = array<i32>} : memref<208x128xf32, #tpu.memory_space<vmem>>, vector<16xf32>,
        %mul3A_307 = arith.mulf %get3A_306, %gather3A_246 : vector<16xf32>
        %add3A_308 = arith.constant 2 : i32
        %add3A_309 = arith.addi %add3A_61, %add3A_308 : i32
        %swap3A_310 = arith.index_cast %add3A_309 : i32 to index
        %swap3A_311 = arith.constant 80 : index
        %swap3A_312 = tpu.vector_load %arg17[%swap3A_310, %swap3A_311] {strides = array<i32>} : memref<208x128xf32, #tpu.memory_space<vmem>>, vector<16xf32>,
        tpu.vector_store %arg17[%swap3A_310, %swap3A_311], %mul3A_307 {strides = array<i32>} : memref<208x128xf32, #tpu.memory_space<vmem>>, vector<16xf32>,
        %add3A_313 = arith.constant 2 : i32
        %add3A_314 = arith.addi %add3A_61, %add3A_313 : i32
        %get3A_315 = arith.index_cast %add3A_314 : i32 to index
        %get3A_316 = arith.constant 96 : index
        %get3A_317 = tpu.vector_load %arg17[%get3A_315, %get3A_316] {strides = array<i32>} : memref<208x128xf32, #tpu.memory_space<vmem>>, vector<16xf32>,
        %mul3A_318 = arith.mulf %get3A_317, %gather3A_246 : vector<16xf32>
        %add3A_319 = arith.constant 2 : i32
        %add3A_320 = arith.addi %add3A_61, %add3A_319 : i32
        %swap3A_321 = arith.index_cast %add3A_320 : i32 to index
        %swap3A_322 = arith.constant 96 : index
        %swap3A_323 = tpu.vector_load %arg17[%swap3A_321, %swap3A_322] {strides = array<i32>} : memref<208x128xf32, #tpu.memory_space<vmem>>, vector<16xf32>,
        tpu.vector_store %arg17[%swap3A_321, %swap3A_322], %mul3A_318 {strides = array<i32>} : memref<208x128xf32, #tpu.memory_space<vmem>>, vector<16xf32>,
        %add3A_324 = arith.constant 2 : i32
        %add3A_325 = arith.addi %add3A_61, %add3A_324 : i32
        %get3A_326 = arith.index_cast %add3A_325 : i32 to index
        %get3A_327 = arith.constant 112 : index
        %get3A_328 = tpu.vector_load %arg17[%get3A_326, %get3A_327] {strides = array<i32>} : memref<208x128xf32, #tpu.memory_space<vmem>>, vector<16xf32>,
        %mul3A_329 = arith.mulf %get3A_328, %gather3A_246 : vector<16xf32>
        %add3A_330 = arith.constant 2 : i32
        %add3A_331 = arith.addi %add3A_61, %add3A_330 : i32
        %swap3A_332 = arith.index_cast %add3A_331 : i32 to index
        %swap3A_333 = arith.constant 112 : index
        %swap3A_334 = tpu.vector_load %arg17[%swap3A_332, %swap3A_333] {strides = array<i32>} : memref<208x128xf32, #tpu.memory_space<vmem>>, vector<16xf32>,
        tpu.vector_store %arg17[%swap3A_332, %swap3A_333], %mul3A_329 {strides = array<i32>} : memref<208x128xf32, #tpu.memory_space<vmem>>, vector<16xf32>,
        %add3A_335 = arith.constant 3 : i32
        %add3A_336 = arith.addi %add3A_61, %add3A_335 : i32
        %broadcast_in_dim3A_337 = vector.broadcast %add3A_336 : i32 to vector<16xi32>
        %gather3A_338 = tpu.vector_load_idx %arg16[%broadcast_in_dim3A_337] : memref<208xf32, #tpu.memory_space<vmem>>[vector<16xi32>], vector<16xf32>,
        %add3A_339 = arith.constant 3 : i32
        %add3A_340 = arith.addi %add3A_61, %add3A_339 : i32
        %get3A_341 = arith.index_cast %add3A_340 : i32 to index
        %get3A_342 = arith.constant 0 : index
        %get3A_343 = tpu.vector_load %arg17[%get3A_341, %get3A_342] {strides = array<i32>} : memref<208x128xf32, #tpu.memory_space<vmem>>, vector<16xf32>,
        %mul3A_344 = arith.mulf %get3A_343, %gather3A_338 : vector<16xf32>
        %add3A_345 = arith.constant 3 : i32
        %add3A_346 = arith.addi %add3A_61, %add3A_345 : i32
        %swap3A_347 = arith.index_cast %add3A_346 : i32 to index
        %swap3A_348 = arith.constant 0 : index
        %swap3A_349 = tpu.vector_load %arg17[%swap3A_347, %swap3A_348] {strides = array<i32>} : memref<208x128xf32, #tpu.memory_space<vmem>>, vector<16xf32>,
        tpu.vector_store %arg17[%swap3A_347, %swap3A_348], %mul3A_344 {strides = array<i32>} : memref<208x128xf32, #tpu.memory_space<vmem>>, vector<16xf32>,
        %add3A_350 = arith.constant 3 : i32
        %add3A_351 = arith.addi %add3A_61, %add3A_350 : i32
        %get3A_352 = arith.index_cast %add3A_351 : i32 to index
        %get3A_353 = arith.constant 16 : index
        %get3A_354 = tpu.vector_load %arg17[%get3A_352, %get3A_353] {strides = array<i32>} : memref<208x128xf32, #tpu.memory_space<vmem>>, vector<16xf32>,
        %mul3A_355 = arith.mulf %get3A_354, %gather3A_338 : vector<16xf32>
        %add3A_356 = arith.constant 3 : i32
        %add3A_357 = arith.addi %add3A_61, %add3A_356 : i32
        %swap3A_358 = arith.index_cast %add3A_357 : i32 to index
        %swap3A_359 = arith.constant 16 : index
        %swap3A_360 = tpu.vector_load %arg17[%swap3A_358, %swap3A_359] {strides = array<i32>} : memref<208x128xf32, #tpu.memory_space<vmem>>, vector<16xf32>,
        tpu.vector_store %arg17[%swap3A_358, %swap3A_359], %mul3A_355 {strides = array<i32>} : memref<208x128xf32, #tpu.memory_space<vmem>>, vector<16xf32>,
        %add3A_361 = arith.constant 3 : i32
        %add3A_362 = arith.addi %add3A_61, %add3A_361 : i32
        %get3A_363 = arith.index_cast %add3A_362 : i32 to index
        %get3A_364 = arith.constant 32 : index
        %get3A_365 = tpu.vector_load %arg17[%get3A_363, %get3A_364] {strides = array<i32>} : memref<208x128xf32, #tpu.memory_space<vmem>>, vector<16xf32>,
        %mul3A_366 = arith.mulf %get3A_365, %gather3A_338 : vector<16xf32>
        %add3A_367 = arith.constant 3 : i32
        %add3A_368 = arith.addi %add3A_61, %add3A_367 : i32
        %swap3A_369 = arith.index_cast %add3A_368 : i32 to index
        %swap3A_370 = arith.constant 32 : index
        %swap3A_371 = tpu.vector_load %arg17[%swap3A_369, %swap3A_370] {strides = array<i32>} : memref<208x128xf32, #tpu.memory_space<vmem>>, vector<16xf32>,
        tpu.vector_store %arg17[%swap3A_369, %swap3A_370], %mul3A_366 {strides = array<i32>} : memref<208x128xf32, #tpu.memory_space<vmem>>, vector<16xf32>,
        %add3A_372 = arith.constant 3 : i32
        %add3A_373 = arith.addi %add3A_61, %add3A_372 : i32
        %get3A_374 = arith.index_cast %add3A_373 : i32 to index
        %get3A_375 = arith.constant 48 : index
        %get3A_376 = tpu.vector_load %arg17[%get3A_374, %get3A_375] {strides = array<i32>} : memref<208x128xf32, #tpu.memory_space<vmem>>, vector<16xf32>,
        %mul3A_377 = arith.mulf %get3A_376, %gather3A_338 : vector<16xf32>
        %add3A_378 = arith.constant 3 : i32
        %add3A_379 = arith.addi %add3A_61, %add3A_378 : i32
        %swap3A_380 = arith.index_cast %add3A_379 : i32 to index
        %swap3A_381 = arith.constant 48 : index
        %swap3A_382 = tpu.vector_load %arg17[%swap3A_380, %swap3A_381] {strides = array<i32>} : memref<208x128xf32, #tpu.memory_space<vmem>>, vector<16xf32>,
        tpu.vector_store %arg17[%swap3A_380, %swap3A_381], %mul3A_377 {strides = array<i32>} : memref<208x128xf32, #tpu.memory_space<vmem>>, vector<16xf32>,
        %add3A_383 = arith.constant 3 : i32
        %add3A_384 = arith.addi %add3A_61, %add3A_383 : i32
        %get3A_385 = arith.index_cast %add3A_384 : i32 to index
        %get3A_386 = arith.constant 64 : index
        %get3A_387 = tpu.vector_load %arg17[%get3A_385, %get3A_386] {strides = array<i32>} : memref<208x128xf32, #tpu.memory_space<vmem>>, vector<16xf32>,
        %mul3A_388 = arith.mulf %get3A_387, %gather3A_338 : vector<16xf32>
        %add3A_389 = arith.constant 3 : i32
        %add3A_390 = arith.addi %add3A_61, %add3A_389 : i32
        %swap3A_391 = arith.index_cast %add3A_390 : i32 to index
        %swap3A_392 = arith.constant 64 : index
        %swap3A_393 = tpu.vector_load %arg17[%swap3A_391, %swap3A_392] {strides = array<i32>} : memref<208x128xf32, #tpu.memory_space<vmem>>, vector<16xf32>,
        tpu.vector_store %arg17[%swap3A_391, %swap3A_392], %mul3A_388 {strides = array<i32>} : memref<208x128xf32, #tpu.memory_space<vmem>>, vector<16xf32>,
        %add3A_394 = arith.constant 3 : i32
        %add3A_395 = arith.addi %add3A_61, %add3A_394 : i32
        %get3A_396 = arith.index_cast %add3A_395 : i32 to index
        %get3A_397 = arith.constant 80 : index
        %get3A_398 = tpu.vector_load %arg17[%get3A_396, %get3A_397] {strides = array<i32>} : memref<208x128xf32, #tpu.memory_space<vmem>>, vector<16xf32>,
        %mul3A_399 = arith.mulf %get3A_398, %gather3A_338 : vector<16xf32>
        %add3A_400 = arith.constant 3 : i32
        %add3A_401 = arith.addi %add3A_61, %add3A_400 : i32
        %swap3A_402 = arith.index_cast %add3A_401 : i32 to index
        %swap3A_403 = arith.constant 80 : index
        %swap3A_404 = tpu.vector_load %arg17[%swap3A_402, %swap3A_403] {strides = array<i32>} : memref<208x128xf32, #tpu.memory_space<vmem>>, vector<16xf32>,
        tpu.vector_store %arg17[%swap3A_402, %swap3A_403], %mul3A_399 {strides = array<i32>} : memref<208x128xf32, #tpu.memory_space<vmem>>, vector<16xf32>,
        %add3A_405 = arith.constant 3 : i32
        %add3A_406 = arith.addi %add3A_61, %add3A_405 : i32
        %get3A_407 = arith.index_cast %add3A_406 : i32 to index
        %get3A_408 = arith.constant 96 : index
        %get3A_409 = tpu.vector_load %arg17[%get3A_407, %get3A_408] {strides = array<i32>} : memref<208x128xf32, #tpu.memory_space<vmem>>, vector<16xf32>,
        %mul3A_410 = arith.mulf %get3A_409, %gather3A_338 : vector<16xf32>
        %add3A_411 = arith.constant 3 : i32
        %add3A_412 = arith.addi %add3A_61, %add3A_411 : i32
        %swap3A_413 = arith.index_cast %add3A_412 : i32 to index
        %swap3A_414 = arith.constant 96 : index
        %swap3A_415 = tpu.vector_load %arg17[%swap3A_413, %swap3A_414] {strides = array<i32>} : memref<208x128xf32, #tpu.memory_space<vmem>>, vector<16xf32>,
        tpu.vector_store %arg17[%swap3A_413, %swap3A_414], %mul3A_410 {strides = array<i32>} : memref<208x128xf32, #tpu.memory_space<vmem>>, vector<16xf32>,
        %add3A_416 = arith.constant 3 : i32
        %add3A_417 = arith.addi %add3A_61, %add3A_416 : i32
        %get3A_418 = arith.index_cast %add3A_417 : i32 to index
        %get3A_419 = arith.constant 112 : index
        %get3A_420 = tpu.vector_load %arg17[%get3A_418, %get3A_419] {strides = array<i32>} : memref<208x128xf32, #tpu.memory_space<vmem>>, vector<16xf32>,
        %mul3A_421 = arith.mulf %get3A_420, %gather3A_338 : vector<16xf32>
        %add3A_422 = arith.constant 3 : i32
        %add3A_423 = arith.addi %add3A_61, %add3A_422 : i32
        %swap3A_424 = arith.index_cast %add3A_423 : i32 to index
        %swap3A_425 = arith.constant 112 : index
        %swap3A_426 = tpu.vector_load %arg17[%swap3A_424, %swap3A_425] {strides = array<i32>} : memref<208x128xf32, #tpu.memory_space<vmem>>, vector<16xf32>,
        tpu.vector_store %arg17[%swap3A_424, %swap3A_425], %mul3A_421 {strides = array<i32>} : memref<208x128xf32, #tpu.memory_space<vmem>>, vector<16xf32>,
        %add3A_427 = arith.constant 4 : i32
        %add3A_428 = arith.addi %add3A_61, %add3A_427 : i32
        %broadcast_in_dim3A_429 = vector.broadcast %add3A_428 : i32 to vector<16xi32>
        %gather3A_430 = tpu.vector_load_idx %arg16[%broadcast_in_dim3A_429] : memref<208xf32, #tpu.memory_space<vmem>>[vector<16xi32>], vector<16xf32>,
        %add3A_431 = arith.constant 4 : i32
        %add3A_432 = arith.addi %add3A_61, %add3A_431 : i32
        %get3A_433 = arith.index_cast %add3A_432 : i32 to index
        %get3A_434 = arith.constant 0 : index
        %get3A_435 = tpu.vector_load %arg17[%get3A_433, %get3A_434] {strides = array<i32>} : memref<208x128xf32, #tpu.memory_space<vmem>>, vector<16xf32>,
        %mul3A_436 = arith.mulf %get3A_435, %gather3A_430 : vector<16xf32>
        %add3A_437 = arith.constant 4 : i32
        %add3A_438 = arith.addi %add3A_61, %add3A_437 : i32
        %swap3A_439 = arith.index_cast %add3A_438 : i32 to index
        %swap3A_440 = arith.constant 0 : index
        %swap3A_441 = tpu.vector_load %arg17[%swap3A_439, %swap3A_440] {strides = array<i32>} : memref<208x128xf32, #tpu.memory_space<vmem>>, vector<16xf32>,
        tpu.vector_store %arg17[%swap3A_439, %swap3A_440], %mul3A_436 {strides = array<i32>} : memref<208x128xf32, #tpu.memory_space<vmem>>, vector<16xf32>,
        %add3A_442 = arith.constant 4 : i32
        %add3A_443 = arith.addi %add3A_61, %add3A_442 : i32
        %get3A_444 = arith.index_cast %add3A_443 : i32 to index
        %get3A_445 = arith.constant 16 : index
        %get3A_446 = tpu.vector_load %arg17[%get3A_444, %get3A_445] {strides = array<i32>} : memref<208x128xf32, #tpu.memory_space<vmem>>, vector<16xf32>,
        %mul3A_447 = arith.mulf %get3A_446, %gather3A_430 : vector<16xf32>
        %add3A_448 = arith.constant 4 : i32
        %add3A_449 = arith.addi %add3A_61, %add3A_448 : i32
        %swap3A_450 = arith.index_cast %add3A_449 : i32 to index
        %swap3A_451 = arith.constant 16 : index
        %swap3A_452 = tpu.vector_load %arg17[%swap3A_450, %swap3A_451] {strides = array<i32>} : memref<208x128xf32, #tpu.memory_space<vmem>>, vector<16xf32>,
        tpu.vector_store %arg17[%swap3A_450, %swap3A_451], %mul3A_447 {strides = array<i32>} : memref<208x128xf32, #tpu.memory_space<vmem>>, vector<16xf32>,
        %add3A_453 = arith.constant 4 : i32
        %add3A_454 = arith.addi %add3A_61, %add3A_453 : i32
        %get3A_455 = arith.index_cast %add3A_454 : i32 to index
        %get3A_456 = arith.constant 32 : index
        %get3A_457 = tpu.vector_load %arg17[%get3A_455, %get3A_456] {strides = array<i32>} : memref<208x128xf32, #tpu.memory_space<vmem>>, vector<16xf32>,
        %mul3A_458 = arith.mulf %get3A_457, %gather3A_430 : vector<16xf32>
        %add3A_459 = arith.constant 4 : i32
        %add3A_460 = arith.addi %add3A_61, %add3A_459 : i32
        %swap3A_461 = arith.index_cast %add3A_460 : i32 to index
        %swap3A_462 = arith.constant 32 : index
        %swap3A_463 = tpu.vector_load %arg17[%swap3A_461, %swap3A_462] {strides = array<i32>} : memref<208x128xf32, #tpu.memory_space<vmem>>, vector<16xf32>,
        tpu.vector_store %arg17[%swap3A_461, %swap3A_462], %mul3A_458 {strides = array<i32>} : memref<208x128xf32, #tpu.memory_space<vmem>>, vector<16xf32>,
        %add3A_464 = arith.constant 4 : i32
        %add3A_465 = arith.addi %add3A_61, %add3A_464 : i32
        %get3A_466 = arith.index_cast %add3A_465 : i32 to index
        %get3A_467 = arith.constant 48 : index
        %get3A_468 = tpu.vector_load %arg17[%get3A_466, %get3A_467] {strides = array<i32>} : memref<208x128xf32, #tpu.memory_space<vmem>>, vector<16xf32>,
        %mul3A_469 = arith.mulf %get3A_468, %gather3A_430 : vector<16xf32>
        %add3A_470 = arith.constant 4 : i32
        %add3A_471 = arith.addi %add3A_61, %add3A_470 : i32
        %swap3A_472 = arith.index_cast %add3A_471 : i32 to index
        %swap3A_473 = arith.constant 48 : index
        %swap3A_474 = tpu.vector_load %arg17[%swap3A_472, %swap3A_473] {strides = array<i32>} : memref<208x128xf32, #tpu.memory_space<vmem>>, vector<16xf32>,
        tpu.vector_store %arg17[%swap3A_472, %swap3A_473], %mul3A_469 {strides = array<i32>} : memref<208x128xf32, #tpu.memory_space<vmem>>, vector<16xf32>,
        %add3A_475 = arith.constant 4 : i32
        %add3A_476 = arith.addi %add3A_61, %add3A_475 : i32
        %get3A_477 = arith.index_cast %add3A_476 : i32 to index
        %get3A_478 = arith.constant 64 : index
        %get3A_479 = tpu.vector_load %arg17[%get3A_477, %get3A_478] {strides = array<i32>} : memref<208x128xf32, #tpu.memory_space<vmem>>, vector<16xf32>,
        %mul3A_480 = arith.mulf %get3A_479, %gather3A_430 : vector<16xf32>
        %add3A_481 = arith.constant 4 : i32
        %add3A_482 = arith.addi %add3A_61, %add3A_481 : i32
        %swap3A_483 = arith.index_cast %add3A_482 : i32 to index
        %swap3A_484 = arith.constant 64 : index
        %swap3A_485 = tpu.vector_load %arg17[%swap3A_483, %swap3A_484] {strides = array<i32>} : memref<208x128xf32, #tpu.memory_space<vmem>>, vector<16xf32>,
        tpu.vector_store %arg17[%swap3A_483, %swap3A_484], %mul3A_480 {strides = array<i32>} : memref<208x128xf32, #tpu.memory_space<vmem>>, vector<16xf32>,
        %add3A_486 = arith.constant 4 : i32
        %add3A_487 = arith.addi %add3A_61, %add3A_486 : i32
        %get3A_488 = arith.index_cast %add3A_487 : i32 to index
        %get3A_489 = arith.constant 80 : index
        %get3A_490 = tpu.vector_load %arg17[%get3A_488, %get3A_489] {strides = array<i32>} : memref<208x128xf32, #tpu.memory_space<vmem>>, vector<16xf32>,
        %mul3A_491 = arith.mulf %get3A_490, %gather3A_430 : vector<16xf32>
        %add3A_492 = arith.constant 4 : i32
        %add3A_493 = arith.addi %add3A_61, %add3A_492 : i32
        %swap3A_494 = arith.index_cast %add3A_493 : i32 to index
        %swap3A_495 = arith.constant 80 : index
        %swap3A_496 = tpu.vector_load %arg17[%swap3A_494, %swap3A_495] {strides = array<i32>} : memref<208x128xf32, #tpu.memory_space<vmem>>, vector<16xf32>,
        tpu.vector_store %arg17[%swap3A_494, %swap3A_495], %mul3A_491 {strides = array<i32>} : memref<208x128xf32, #tpu.memory_space<vmem>>, vector<16xf32>,
        %add3A_497 = arith.constant 4 : i32
        %add3A_498 = arith.addi %add3A_61, %add3A_497 : i32
        %get3A_499 = arith.index_cast %add3A_498 : i32 to index
        %get3A_500 = arith.constant 96 : index
        %get3A_501 = tpu.vector_load %arg17[%get3A_499, %get3A_500] {strides = array<i32>} : memref<208x128xf32, #tpu.memory_space<vmem>>, vector<16xf32>,
        %mul3A_502 = arith.mulf %get3A_501, %gather3A_430 : vector<16xf32>
        %add3A_503 = arith.constant 4 : i32
        %add3A_504 = arith.addi %add3A_61, %add3A_503 : i32
        %swap3A_505 = arith.index_cast %add3A_504 : i32 to index
        %swap3A_506 = arith.constant 96 : index
        %swap3A_507 = tpu.vector_load %arg17[%swap3A_505, %swap3A_506] {strides = array<i32>} : memref<208x128xf32, #tpu.memory_space<vmem>>, vector<16xf32>,
        tpu.vector_store %arg17[%swap3A_505, %swap3A_506], %mul3A_502 {strides = array<i32>} : memref<208x128xf32, #tpu.memory_space<vmem>>, vector<16xf32>,
        %add3A_508 = arith.constant 4 : i32
        %add3A_509 = arith.addi %add3A_61, %add3A_508 : i32
        %get3A_510 = arith.index_cast %add3A_509 : i32 to index
        %get3A_511 = arith.constant 112 : index
        %get3A_512 = tpu.vector_load %arg17[%get3A_510, %get3A_511] {strides = array<i32>} : memref<208x128xf32, #tpu.memory_space<vmem>>, vector<16xf32>,
        %mul3A_513 = arith.mulf %get3A_512, %gather3A_430 : vector<16xf32>
        %add3A_514 = arith.constant 4 : i32
        %add3A_515 = arith.addi %add3A_61, %add3A_514 : i32
        %swap3A_516 = arith.index_cast %add3A_515 : i32 to index
        %swap3A_517 = arith.constant 112 : index
        %swap3A_518 = tpu.vector_load %arg17[%swap3A_516, %swap3A_517] {strides = array<i32>} : memref<208x128xf32, #tpu.memory_space<vmem>>, vector<16xf32>,
        tpu.vector_store %arg17[%swap3A_516, %swap3A_517], %mul3A_513 {strides = array<i32>} : memref<208x128xf32, #tpu.memory_space<vmem>>, vector<16xf32>,
        %add3A_519 = arith.constant 5 : i32
        %add3A_520 = arith.addi %add3A_61, %add3A_519 : i32
        %broadcast_in_dim3A_521 = vector.broadcast %add3A_520 : i32 to vector<16xi32>
        %gather3A_522 = tpu.vector_load_idx %arg16[%broadcast_in_dim3A_521] : memref<208xf32, #tpu.memory_space<vmem>>[vector<16xi32>], vector<16xf32>,
        %add3A_523 = arith.constant 5 : i32
        %add3A_524 = arith.addi %add3A_61, %add3A_523 : i32
        %get3A_525 = arith.index_cast %add3A_524 : i32 to index
        %get3A_526 = arith.constant 0 : index
        %get3A_527 = tpu.vector_load %arg17[%get3A_525, %get3A_526] {strides = array<i32>} : memref<208x128xf32, #tpu.memory_space<vmem>>, vector<16xf32>,
        %mul3A_528 = arith.mulf %get3A_527, %gather3A_522 : vector<16xf32>
        %add3A_529 = arith.constant 5 : i32
        %add3A_530 = arith.addi %add3A_61, %add3A_529 : i32
        %swap3A_531 = arith.index_cast %add3A_530 : i32 to index
        %swap3A_532 = arith.constant 0 : index
        %swap3A_533 = tpu.vector_load %arg17[%swap3A_531, %swap3A_532] {strides = array<i32>} : memref<208x128xf32, #tpu.memory_space<vmem>>, vector<16xf32>,
        tpu.vector_store %arg17[%swap3A_531, %swap3A_532], %mul3A_528 {strides = array<i32>} : memref<208x128xf32, #tpu.memory_space<vmem>>, vector<16xf32>,
        %add3A_534 = arith.constant 5 : i32
        %add3A_535 = arith.addi %add3A_61, %add3A_534 : i32
        %get3A_536 = arith.index_cast %add3A_535 : i32 to index
        %get3A_537 = arith.constant 16 : index
        %get3A_538 = tpu.vector_load %arg17[%get3A_536, %get3A_537] {strides = array<i32>} : memref<208x128xf32, #tpu.memory_space<vmem>>, vector<16xf32>,
        %mul3A_539 = arith.mulf %get3A_538, %gather3A_522 : vector<16xf32>
        %add3A_540 = arith.constant 5 : i32
        %add3A_541 = arith.addi %add3A_61, %add3A_540 : i32
        %swap3A_542 = arith.index_cast %add3A_541 : i32 to index
        %swap3A_543 = arith.constant 16 : index
        %swap3A_544 = tpu.vector_load %arg17[%swap3A_542, %swap3A_543] {strides = array<i32>} : memref<208x128xf32, #tpu.memory_space<vmem>>, vector<16xf32>,
        tpu.vector_store %arg17[%swap3A_542, %swap3A_543], %mul3A_539 {strides = array<i32>} : memref<208x128xf32, #tpu.memory_space<vmem>>, vector<16xf32>,
        %add3A_545 = arith.constant 5 : i32
        %add3A_546 = arith.addi %add3A_61, %add3A_545 : i32
        %get3A_547 = arith.index_cast %add3A_546 : i32 to index
        %get3A_548 = arith.constant 32 : index
        %get3A_549 = tpu.vector_load %arg17[%get3A_547, %get3A_548] {strides = array<i32>} : memref<208x128xf32, #tpu.memory_space<vmem>>, vector<16xf32>,
        %mul3A_550 = arith.mulf %get3A_549, %gather3A_522 : vector<16xf32>
        %add3A_551 = arith.constant 5 : i32
        %add3A_552 = arith.addi %add3A_61, %add3A_551 : i32
        %swap3A_553 = arith.index_cast %add3A_552 : i32 to index
        %swap3A_554 = arith.constant 32 : index
        %swap3A_555 = tpu.vector_load %arg17[%swap3A_553, %swap3A_554] {strides = array<i32>} : memref<208x128xf32, #tpu.memory_space<vmem>>, vector<16xf32>,
        tpu.vector_store %arg17[%swap3A_553, %swap3A_554], %mul3A_550 {strides = array<i32>} : memref<208x128xf32, #tpu.memory_space<vmem>>, vector<16xf32>,
        %add3A_556 = arith.constant 5 : i32
        %add3A_557 = arith.addi %add3A_61, %add3A_556 : i32
        %get3A_558 = arith.index_cast %add3A_557 : i32 to index
        %get3A_559 = arith.constant 48 : index
        %get3A_560 = tpu.vector_load %arg17[%get3A_558, %get3A_559] {strides = array<i32>} : memref<208x128xf32, #tpu.memory_space<vmem>>, vector<16xf32>,
        %mul3A_561 = arith.mulf %get3A_560, %gather3A_522 : vector<16xf32>
        %add3A_562 = arith.constant 5 : i32
        %add3A_563 = arith.addi %add3A_61, %add3A_562 : i32
        %swap3A_564 = arith.index_cast %add3A_563 : i32 to index
        %swap3A_565 = arith.constant 48 : index
        %swap3A_566 = tpu.vector_load %arg17[%swap3A_564, %swap3A_565] {strides = array<i32>} : memref<208x128xf32, #tpu.memory_space<vmem>>, vector<16xf32>,
        tpu.vector_store %arg17[%swap3A_564, %swap3A_565], %mul3A_561 {strides = array<i32>} : memref<208x128xf32, #tpu.memory_space<vmem>>, vector<16xf32>,
        %add3A_567 = arith.constant 5 : i32
        %add3A_568 = arith.addi %add3A_61, %add3A_567 : i32
        %get3A_569 = arith.index_cast %add3A_568 : i32 to index
        %get3A_570 = arith.constant 64 : index
        %get3A_571 = tpu.vector_load %arg17[%get3A_569, %get3A_570] {strides = array<i32>} : memref<208x128xf32, #tpu.memory_space<vmem>>, vector<16xf32>,
        %mul3A_572 = arith.mulf %get3A_571, %gather3A_522 : vector<16xf32>
        %add3A_573 = arith.constant 5 : i32
        %add3A_574 = arith.addi %add3A_61, %add3A_573 : i32
        %swap3A_575 = arith.index_cast %add3A_574 : i32 to index
        %swap3A_576 = arith.constant 64 : index
        %swap3A_577 = tpu.vector_load %arg17[%swap3A_575, %swap3A_576] {strides = array<i32>} : memref<208x128xf32, #tpu.memory_space<vmem>>, vector<16xf32>,
        tpu.vector_store %arg17[%swap3A_575, %swap3A_576], %mul3A_572 {strides = array<i32>} : memref<208x128xf32, #tpu.memory_space<vmem>>, vector<16xf32>,
        %add3A_578 = arith.constant 5 : i32
        %add3A_579 = arith.addi %add3A_61, %add3A_578 : i32
        %get3A_580 = arith.index_cast %add3A_579 : i32 to index
        %get3A_581 = arith.constant 80 : index
        %get3A_582 = tpu.vector_load %arg17[%get3A_580, %get3A_581] {strides = array<i32>} : memref<208x128xf32, #tpu.memory_space<vmem>>, vector<16xf32>,
        %mul3A_583 = arith.mulf %get3A_582, %gather3A_522 : vector<16xf32>
        %add3A_584 = arith.constant 5 : i32
        %add3A_585 = arith.addi %add3A_61, %add3A_584 : i32
        %swap3A_586 = arith.index_cast %add3A_585 : i32 to index
        %swap3A_587 = arith.constant 80 : index
        %swap3A_588 = tpu.vector_load %arg17[%swap3A_586, %swap3A_587] {strides = array<i32>} : memref<208x128xf32, #tpu.memory_space<vmem>>, vector<16xf32>,
        tpu.vector_store %arg17[%swap3A_586, %swap3A_587], %mul3A_583 {strides = array<i32>} : memref<208x128xf32, #tpu.memory_space<vmem>>, vector<16xf32>,
        %add3A_589 = arith.constant 5 : i32
        %add3A_590 = arith.addi %add3A_61, %add3A_589 : i32
        %get3A_591 = arith.index_cast %add3A_590 : i32 to index
        %get3A_592 = arith.constant 96 : index
        %get3A_593 = tpu.vector_load %arg17[%get3A_591, %get3A_592] {strides = array<i32>} : memref<208x128xf32, #tpu.memory_space<vmem>>, vector<16xf32>,
        %mul3A_594 = arith.mulf %get3A_593, %gather3A_522 : vector<16xf32>
        %add3A_595 = arith.constant 5 : i32
        %add3A_596 = arith.addi %add3A_61, %add3A_595 : i32
        %swap3A_597 = arith.index_cast %add3A_596 : i32 to index
        %swap3A_598 = arith.constant 96 : index
        %swap3A_599 = tpu.vector_load %arg17[%swap3A_597, %swap3A_598] {strides = array<i32>} : memref<208x128xf32, #tpu.memory_space<vmem>>, vector<16xf32>,
        tpu.vector_store %arg17[%swap3A_597, %swap3A_598], %mul3A_594 {strides = array<i32>} : memref<208x128xf32, #tpu.memory_space<vmem>>, vector<16xf32>,
        %add3A_600 = arith.constant 5 : i32
        %add3A_601 = arith.addi %add3A_61, %add3A_600 : i32
        %get3A_602 = arith.index_cast %add3A_601 : i32 to index
        %get3A_603 = arith.constant 112 : index
        %get3A_604 = tpu.vector_load %arg17[%get3A_602, %get3A_603] {strides = array<i32>} : memref<208x128xf32, #tpu.memory_space<vmem>>, vector<16xf32>,
        %mul3A_605 = arith.mulf %get3A_604, %gather3A_522 : vector<16xf32>
        %add3A_606 = arith.constant 5 : i32
        %add3A_607 = arith.addi %add3A_61, %add3A_606 : i32
        %swap3A_608 = arith.index_cast %add3A_607 : i32 to index
        %swap3A_609 = arith.constant 112 : index
        %swap3A_610 = tpu.vector_load %arg17[%swap3A_608, %swap3A_609] {strides = array<i32>} : memref<208x128xf32, #tpu.memory_space<vmem>>, vector<16xf32>,
        tpu.vector_store %arg17[%swap3A_608, %swap3A_609], %mul3A_605 {strides = array<i32>} : memref<208x128xf32, #tpu.memory_space<vmem>>, vector<16xf32>,
        %add3A_611 = arith.constant 6 : i32
        %add3A_612 = arith.addi %add3A_61, %add3A_611 : i32
        %broadcast_in_dim3A_613 = vector.broadcast %add3A_612 : i32 to vector<16xi32>
        %gather3A_614 = tpu.vector_load_idx %arg16[%broadcast_in_dim3A_613] : memref<208xf32, #tpu.memory_space<vmem>>[vector<16xi32>], vector<16xf32>,
        %add3A_615 = arith.constant 6 : i32
        %add3A_616 = arith.addi %add3A_61, %add3A_615 : i32
        %get3A_617 = arith.index_cast %add3A_616 : i32 to index
        %get3A_618 = arith.constant 0 : index
        %get3A_619 = tpu.vector_load %arg17[%get3A_617, %get3A_618] {strides = array<i32>} : memref<208x128xf32, #tpu.memory_space<vmem>>, vector<16xf32>,
        %mul3A_620 = arith.mulf %get3A_619, %gather3A_614 : vector<16xf32>
        %add3A_621 = arith.constant 6 : i32
        %add3A_622 = arith.addi %add3A_61, %add3A_621 : i32
        %swap3A_623 = arith.index_cast %add3A_622 : i32 to index
        %swap3A_624 = arith.constant 0 : index
        %swap3A_625 = tpu.vector_load %arg17[%swap3A_623, %swap3A_624] {strides = array<i32>} : memref<208x128xf32, #tpu.memory_space<vmem>>, vector<16xf32>,
        tpu.vector_store %arg17[%swap3A_623, %swap3A_624], %mul3A_620 {strides = array<i32>} : memref<208x128xf32, #tpu.memory_space<vmem>>, vector<16xf32>,
        %add3A_626 = arith.constant 6 : i32
        %add3A_627 = arith.addi %add3A_61, %add3A_626 : i32
        %get3A_628 = arith.index_cast %add3A_627 : i32 to index
        %get3A_629 = arith.constant 16 : index
        %get3A_630 = tpu.vector_load %arg17[%get3A_628, %get3A_629] {strides = array<i32>} : memref<208x128xf32, #tpu.memory_space<vmem>>, vector<16xf32>,
        %mul3A_631 = arith.mulf %get3A_630, %gather3A_614 : vector<16xf32>
        %add3A_632 = arith.constant 6 : i32
        %add3A_633 = arith.addi %add3A_61, %add3A_632 : i32
        %swap3A_634 = arith.index_cast %add3A_633 : i32 to index
        %swap3A_635 = arith.constant 16 : index
        %swap3A_636 = tpu.vector_load %arg17[%swap3A_634, %swap3A_635] {strides = array<i32>} : memref<208x128xf32, #tpu.memory_space<vmem>>, vector<16xf32>,
        tpu.vector_store %arg17[%swap3A_634, %swap3A_635], %mul3A_631 {strides = array<i32>} : memref<208x128xf32, #tpu.memory_space<vmem>>, vector<16xf32>,
        %add3A_637 = arith.constant 6 : i32
        %add3A_638 = arith.addi %add3A_61, %add3A_637 : i32
        %get3A_639 = arith.index_cast %add3A_638 : i32 to index
        %get3A_640 = arith.constant 32 : index
        %get3A_641 = tpu.vector_load %arg17[%get3A_639, %get3A_640] {strides = array<i32>} : memref<208x128xf32, #tpu.memory_space<vmem>>, vector<16xf32>,
        %mul3A_642 = arith.mulf %get3A_641, %gather3A_614 : vector<16xf32>
        %add3A_643 = arith.constant 6 : i32
        %add3A_644 = arith.addi %add3A_61, %add3A_643 : i32
        %swap3A_645 = arith.index_cast %add3A_644 : i32 to index
        %swap3A_646 = arith.constant 32 : index
        %swap3A_647 = tpu.vector_load %arg17[%swap3A_645, %swap3A_646] {strides = array<i32>} : memref<208x128xf32, #tpu.memory_space<vmem>>, vector<16xf32>,
        tpu.vector_store %arg17[%swap3A_645, %swap3A_646], %mul3A_642 {strides = array<i32>} : memref<208x128xf32, #tpu.memory_space<vmem>>, vector<16xf32>,
        %add3A_648 = arith.constant 6 : i32
        %add3A_649 = arith.addi %add3A_61, %add3A_648 : i32
        %get3A_650 = arith.index_cast %add3A_649 : i32 to index
        %get3A_651 = arith.constant 48 : index
        %get3A_652 = tpu.vector_load %arg17[%get3A_650, %get3A_651] {strides = array<i32>} : memref<208x128xf32, #tpu.memory_space<vmem>>, vector<16xf32>,
        %mul3A_653 = arith.mulf %get3A_652, %gather3A_614 : vector<16xf32>
        %add3A_654 = arith.constant 6 : i32
        %add3A_655 = arith.addi %add3A_61, %add3A_654 : i32
        %swap3A_656 = arith.index_cast %add3A_655 : i32 to index
        %swap3A_657 = arith.constant 48 : index
        %swap3A_658 = tpu.vector_load %arg17[%swap3A_656, %swap3A_657] {strides = array<i32>} : memref<208x128xf32, #tpu.memory_space<vmem>>, vector<16xf32>,
        tpu.vector_store %arg17[%swap3A_656, %swap3A_657], %mul3A_653 {strides = array<i32>} : memref<208x128xf32, #tpu.memory_space<vmem>>, vector<16xf32>,
        %add3A_659 = arith.constant 6 : i32
        %add3A_660 = arith.addi %add3A_61, %add3A_659 : i32
        %get3A_661 = arith.index_cast %add3A_660 : i32 to index
        %get3A_662 = arith.constant 64 : index
        %get3A_663 = tpu.vector_load %arg17[%get3A_661, %get3A_662] {strides = array<i32>} : memref<208x128xf32, #tpu.memory_space<vmem>>, vector<16xf32>,
        %mul3A_664 = arith.mulf %get3A_663, %gather3A_614 : vector<16xf32>
        %add3A_665 = arith.constant 6 : i32
        %add3A_666 = arith.addi %add3A_61, %add3A_665 : i32
        %swap3A_667 = arith.index_cast %add3A_666 : i32 to index
        %swap3A_668 = arith.constant 64 : index
        %swap3A_669 = tpu.vector_load %arg17[%swap3A_667, %swap3A_668] {strides = array<i32>} : memref<208x128xf32, #tpu.memory_space<vmem>>, vector<16xf32>,
        tpu.vector_store %arg17[%swap3A_667, %swap3A_668], %mul3A_664 {strides = array<i32>} : memref<208x128xf32, #tpu.memory_space<vmem>>, vector<16xf32>,
        %add3A_670 = arith.constant 6 : i32
        %add3A_671 = arith.addi %add3A_61, %add3A_670 : i32
        %get3A_672 = arith.index_cast %add3A_671 : i32 to index
        %get3A_673 = arith.constant 80 : index
        %get3A_674 = tpu.vector_load %arg17[%get3A_672, %get3A_673] {strides = array<i32>} : memref<208x128xf32, #tpu.memory_space<vmem>>, vector<16xf32>,
        %mul3A_675 = arith.mulf %get3A_674, %gather3A_614 : vector<16xf32>
        %add3A_676 = arith.constant 6 : i32
        %add3A_677 = arith.addi %add3A_61, %add3A_676 : i32
        %swap3A_678 = arith.index_cast %add3A_677 : i32 to index
        %swap3A_679 = arith.constant 80 : index
        %swap3A_680 = tpu.vector_load %arg17[%swap3A_678, %swap3A_679] {strides = array<i32>} : memref<208x128xf32, #tpu.memory_space<vmem>>, vector<16xf32>,
        tpu.vector_store %arg17[%swap3A_678, %swap3A_679], %mul3A_675 {strides = array<i32>} : memref<208x128xf32, #tpu.memory_space<vmem>>, vector<16xf32>,
        %add3A_681 = arith.constant 6 : i32
        %add3A_682 = arith.addi %add3A_61, %add3A_681 : i32
        %get3A_683 = arith.index_cast %add3A_682 : i32 to index
        %get3A_684 = arith.constant 96 : index
        %get3A_685 = tpu.vector_load %arg17[%get3A_683, %get3A_684] {strides = array<i32>} : memref<208x128xf32, #tpu.memory_space<vmem>>, vector<16xf32>,
        %mul3A_686 = arith.mulf %get3A_685, %gather3A_614 : vector<16xf32>
        %add3A_687 = arith.constant 6 : i32
        %add3A_688 = arith.addi %add3A_61, %add3A_687 : i32
        %swap3A_689 = arith.index_cast %add3A_688 : i32 to index
        %swap3A_690 = arith.constant 96 : index
        %swap3A_691 = tpu.vector_load %arg17[%swap3A_689, %swap3A_690] {strides = array<i32>} : memref<208x128xf32, #tpu.memory_space<vmem>>, vector<16xf32>,
        tpu.vector_store %arg17[%swap3A_689, %swap3A_690], %mul3A_686 {strides = array<i32>} : memref<208x128xf32, #tpu.memory_space<vmem>>, vector<16xf32>,
        %add3A_692 = arith.constant 6 : i32
        %add3A_693 = arith.addi %add3A_61, %add3A_692 : i32
        %get3A_694 = arith.index_cast %add3A_693 : i32 to index
        %get3A_695 = arith.constant 112 : index
        %get3A_696 = tpu.vector_load %arg17[%get3A_694, %get3A_695] {strides = array<i32>} : memref<208x128xf32, #tpu.memory_space<vmem>>, vector<16xf32>,
        %mul3A_697 = arith.mulf %get3A_696, %gather3A_614 : vector<16xf32>
        %add3A_698 = arith.constant 6 : i32
        %add3A_699 = arith.addi %add3A_61, %add3A_698 : i32
        %swap3A_700 = arith.index_cast %add3A_699 : i32 to index
        %swap3A_701 = arith.constant 112 : index
        %swap3A_702 = tpu.vector_load %arg17[%swap3A_700, %swap3A_701] {strides = array<i32>} : memref<208x128xf32, #tpu.memory_space<vmem>>, vector<16xf32>,
        tpu.vector_store %arg17[%swap3A_700, %swap3A_701], %mul3A_697 {strides = array<i32>} : memref<208x128xf32, #tpu.memory_space<vmem>>, vector<16xf32>,
        %add3A_703 = arith.constant 7 : i32
        %add3A_704 = arith.addi %add3A_61, %add3A_703 : i32
        %broadcast_in_dim3A_705 = vector.broadcast %add3A_704 : i32 to vector<16xi32>
        %gather3A_706 = tpu.vector_load_idx %arg16[%broadcast_in_dim3A_705] : memref<208xf32, #tpu.memory_space<vmem>>[vector<16xi32>], vector<16xf32>,
        %add3A_707 = arith.constant 7 : i32
        %add3A_708 = arith.addi %add3A_61, %add3A_707 : i32
        %get3A_709 = arith.index_cast %add3A_708 : i32 to index
        %get3A_710 = arith.constant 0 : index
        %get3A_711 = tpu.vector_load %arg17[%get3A_709, %get3A_710] {strides = array<i32>} : memref<208x128xf32, #tpu.memory_space<vmem>>, vector<16xf32>,
        %mul3A_712 = arith.mulf %get3A_711, %gather3A_706 : vector<16xf32>
        %add3A_713 = arith.constant 7 : i32
        %add3A_714 = arith.addi %add3A_61, %add3A_713 : i32
        %swap3A_715 = arith.index_cast %add3A_714 : i32 to index
        %swap3A_716 = arith.constant 0 : index
        %swap3A_717 = tpu.vector_load %arg17[%swap3A_715, %swap3A_716] {strides = array<i32>} : memref<208x128xf32, #tpu.memory_space<vmem>>, vector<16xf32>,
        tpu.vector_store %arg17[%swap3A_715, %swap3A_716], %mul3A_712 {strides = array<i32>} : memref<208x128xf32, #tpu.memory_space<vmem>>, vector<16xf32>,
        %add3A_718 = arith.constant 7 : i32
        %add3A_719 = arith.addi %add3A_61, %add3A_718 : i32
        %get3A_720 = arith.index_cast %add3A_719 : i32 to index
        %get3A_721 = arith.constant 16 : index
        %get3A_722 = tpu.vector_load %arg17[%get3A_720, %get3A_721] {strides = array<i32>} : memref<208x128xf32, #tpu.memory_space<vmem>>, vector<16xf32>,
        %mul3A_723 = arith.mulf %get3A_722, %gather3A_706 : vector<16xf32>
        %add3A_724 = arith.constant 7 : i32
        %add3A_725 = arith.addi %add3A_61, %add3A_724 : i32
        %swap3A_726 = arith.index_cast %add3A_725 : i32 to index
        %swap3A_727 = arith.constant 16 : index
        %swap3A_728 = tpu.vector_load %arg17[%swap3A_726, %swap3A_727] {strides = array<i32>} : memref<208x128xf32, #tpu.memory_space<vmem>>, vector<16xf32>,
        tpu.vector_store %arg17[%swap3A_726, %swap3A_727], %mul3A_723 {strides = array<i32>} : memref<208x128xf32, #tpu.memory_space<vmem>>, vector<16xf32>,
        %add3A_729 = arith.constant 7 : i32
        %add3A_730 = arith.addi %add3A_61, %add3A_729 : i32
        %get3A_731 = arith.index_cast %add3A_730 : i32 to index
        %get3A_732 = arith.constant 32 : index
        %get3A_733 = tpu.vector_load %arg17[%get3A_731, %get3A_732] {strides = array<i32>} : memref<208x128xf32, #tpu.memory_space<vmem>>, vector<16xf32>,
        %mul3A_734 = arith.mulf %get3A_733, %gather3A_706 : vector<16xf32>
        %add3A_735 = arith.constant 7 : i32
        %add3A_736 = arith.addi %add3A_61, %add3A_735 : i32
        %swap3A_737 = arith.index_cast %add3A_736 : i32 to index
        %swap3A_738 = arith.constant 32 : index
        %swap3A_739 = tpu.vector_load %arg17[%swap3A_737, %swap3A_738] {strides = array<i32>} : memref<208x128xf32, #tpu.memory_space<vmem>>, vector<16xf32>,
        tpu.vector_store %arg17[%swap3A_737, %swap3A_738], %mul3A_734 {strides = array<i32>} : memref<208x128xf32, #tpu.memory_space<vmem>>, vector<16xf32>,
        %add3A_740 = arith.constant 7 : i32
        %add3A_741 = arith.addi %add3A_61, %add3A_740 : i32
        %get3A_742 = arith.index_cast %add3A_741 : i32 to index
        %get3A_743 = arith.constant 48 : index
        %get3A_744 = tpu.vector_load %arg17[%get3A_742, %get3A_743] {strides = array<i32>} : memref<208x128xf32, #tpu.memory_space<vmem>>, vector<16xf32>,
        %mul3A_745 = arith.mulf %get3A_744, %gather3A_706 : vector<16xf32>
        %add3A_746 = arith.constant 7 : i32
        %add3A_747 = arith.addi %add3A_61, %add3A_746 : i32
        %swap3A_748 = arith.index_cast %add3A_747 : i32 to index
        %swap3A_749 = arith.constant 48 : index
        %swap3A_750 = tpu.vector_load %arg17[%swap3A_748, %swap3A_749] {strides = array<i32>} : memref<208x128xf32, #tpu.memory_space<vmem>>, vector<16xf32>,
        tpu.vector_store %arg17[%swap3A_748, %swap3A_749], %mul3A_745 {strides = array<i32>} : memref<208x128xf32, #tpu.memory_space<vmem>>, vector<16xf32>,
        %add3A_751 = arith.constant 7 : i32
        %add3A_752 = arith.addi %add3A_61, %add3A_751 : i32
        %get3A_753 = arith.index_cast %add3A_752 : i32 to index
        %get3A_754 = arith.constant 64 : index
        %get3A_755 = tpu.vector_load %arg17[%get3A_753, %get3A_754] {strides = array<i32>} : memref<208x128xf32, #tpu.memory_space<vmem>>, vector<16xf32>,
        %mul3A_756 = arith.mulf %get3A_755, %gather3A_706 : vector<16xf32>
        %add3A_757 = arith.constant 7 : i32
        %add3A_758 = arith.addi %add3A_61, %add3A_757 : i32
        %swap3A_759 = arith.index_cast %add3A_758 : i32 to index
        %swap3A_760 = arith.constant 64 : index
        %swap3A_761 = tpu.vector_load %arg17[%swap3A_759, %swap3A_760] {strides = array<i32>} : memref<208x128xf32, #tpu.memory_space<vmem>>, vector<16xf32>,
        tpu.vector_store %arg17[%swap3A_759, %swap3A_760], %mul3A_756 {strides = array<i32>} : memref<208x128xf32, #tpu.memory_space<vmem>>, vector<16xf32>,
        %add3A_762 = arith.constant 7 : i32
        %add3A_763 = arith.addi %add3A_61, %add3A_762 : i32
        %get3A_764 = arith.index_cast %add3A_763 : i32 to index
        %get3A_765 = arith.constant 80 : index
        %get3A_766 = tpu.vector_load %arg17[%get3A_764, %get3A_765] {strides = array<i32>} : memref<208x128xf32, #tpu.memory_space<vmem>>, vector<16xf32>,
        %mul3A_767 = arith.mulf %get3A_766, %gather3A_706 : vector<16xf32>
        %add3A_768 = arith.constant 7 : i32
        %add3A_769 = arith.addi %add3A_61, %add3A_768 : i32
        %swap3A_770 = arith.index_cast %add3A_769 : i32 to index
        %swap3A_771 = arith.constant 80 : index
        %swap3A_772 = tpu.vector_load %arg17[%swap3A_770, %swap3A_771] {strides = array<i32>} : memref<208x128xf32, #tpu.memory_space<vmem>>, vector<16xf32>,
        tpu.vector_store %arg17[%swap3A_770, %swap3A_771], %mul3A_767 {strides = array<i32>} : memref<208x128xf32, #tpu.memory_space<vmem>>, vector<16xf32>,
        %add3A_773 = arith.constant 7 : i32
        %add3A_774 = arith.addi %add3A_61, %add3A_773 : i32
        %get3A_775 = arith.index_cast %add3A_774 : i32 to index
        %get3A_776 = arith.constant 96 : index
        %get3A_777 = tpu.vector_load %arg17[%get3A_775, %get3A_776] {strides = array<i32>} : memref<208x128xf32, #tpu.memory_space<vmem>>, vector<16xf32>,
        %mul3A_778 = arith.mulf %get3A_777, %gather3A_706 : vector<16xf32>
        %add3A_779 = arith.constant 7 : i32
        %add3A_780 = arith.addi %add3A_61, %add3A_779 : i32
        %swap3A_781 = arith.index_cast %add3A_780 : i32 to index
        %swap3A_782 = arith.constant 96 : index
        %swap3A_783 = tpu.vector_load %arg17[%swap3A_781, %swap3A_782] {strides = array<i32>} : memref<208x128xf32, #tpu.memory_space<vmem>>, vector<16xf32>,
        tpu.vector_store %arg17[%swap3A_781, %swap3A_782], %mul3A_778 {strides = array<i32>} : memref<208x128xf32, #tpu.memory_space<vmem>>, vector<16xf32>,
        %add3A_784 = arith.constant 7 : i32
        %add3A_785 = arith.addi %add3A_61, %add3A_784 : i32
        %get3A_786 = arith.index_cast %add3A_785 : i32 to index
        %get3A_787 = arith.constant 112 : index
        %get3A_788 = tpu.vector_load %arg17[%get3A_786, %get3A_787] {strides = array<i32>} : memref<208x128xf32, #tpu.memory_space<vmem>>, vector<16xf32>,
        %mul3A_789 = arith.mulf %get3A_788, %gather3A_706 : vector<16xf32>
        %add3A_790 = arith.constant 7 : i32
        %add3A_791 = arith.addi %add3A_61, %add3A_790 : i32
        %swap3A_792 = arith.index_cast %add3A_791 : i32 to index
        %swap3A_793 = arith.constant 112 : index
        %swap3A_794 = tpu.vector_load %arg17[%swap3A_792, %swap3A_793] {strides = array<i32>} : memref<208x128xf32, #tpu.memory_space<vmem>>, vector<16xf32>,
        tpu.vector_store %arg17[%swap3A_792, %swap3A_793], %mul3A_789 {strides = array<i32>} : memref<208x128xf32, #tpu.memory_space<vmem>>, vector<16xf32>,
      }
      %scan3A_54 = arith.constant 26 : i32
      "tpu.region"() ({
        %run_scoped3A = tpu.sem_alloc : memref<!tpu.dma_semaphore, #tpu.memory_space<semaphore_mem>>
        %dma_start3A_57 = arith.constant 0 : i32
        %dma_start3A_58 = arith.constant 0 : i32
        %dma_start3A_59 = tpu.memref_slice %arg18[%dma_start3A_57, %dma_start3A_58] : memref<10240x128xf32, #tpu.memory_space<vmem_shared>> -> memref<10240x128xf32, #tpu.memory_space<vmem_shared>>
        tpu.enqueue_indirect_dma source(%arg17 : memref<208x128xf32, #tpu.memory_space<vmem>>) target(%dma_start3A_59 : memref<10240x128xf32, #tpu.memory_space<vmem_shared>>) offsets(%arg15 : memref<208xi32, #tpu.memory_space<vmem>>) semaphore(%run_scoped3A : memref<!tpu.dma_semaphore, #tpu.memory_space<semaphore_mem>>) {add = true}
        %dma_wait3A_60 = arith.constant 0 : i32
        %dma_wait3A_61 = arith.constant 0 : i32
        %dma_wait3A_62 = tpu.memref_slice %arg18[%dma_wait3A_60, %dma_wait3A_61] : memref<10240x128xf32, #tpu.memory_space<vmem_shared>> -> memref<10240x128xf32, #tpu.memory_space<vmem_shared>>
        tpu.wait_indirect_dma semaphore(%run_scoped3A : memref<!tpu.dma_semaphore, #tpu.memory_space<semaphore_mem>>) src(%arg17 : memref<208x128xf32, #tpu.memory_space<vmem>>) dst(%dma_wait3A_62 : memref<10240x128xf32, #tpu.memory_space<vmem_shared>>)
        tpu.yield
      }) : () -> ()
      %dma_wait3A_55 = arith.constant 0 : i32
      %dma_wait3A_56 = tpu.memref_slice %arg19[%dma_wait3A_55] : memref<10240xf32, #tpu.memory_space<vmem_shared>> -> memref<10240xf32, #tpu.memory_space<vmem_shared>>
      tpu.wait_indirect_dma semaphore(%arg21 : memref<!tpu.dma_semaphore, #tpu.memory_space<semaphore_mem>>) src(%arg16 : memref<208xf32, #tpu.memory_space<vmem>>) dst(%dma_wait3A_56 : memref<10240xf32, #tpu.memory_space<vmem_shared>>)
    }
    %barrier3A_21 = arith.constant 0 : index
    tpu.barrier barrier_id(%barrier3A_21)
    %eq3A = arith.constant 0 : i32
    %eq3A_22 = arith.cmpi eq, %arg1, %eq3A : i32
    %convert_element_type3A = arith.extui %eq3A_22 : i1 to i32
    %cond3A = arith.constant 0 : i32
    %cond3A_23 = arith.cmpi ne, %convert_element_type3A, %cond3A : i32
    scf.if %cond3A_23 {
      "tpu.region"() ({
        %run_scoped3A = tpu.sem_alloc : memref<!tpu.dma_semaphore, #tpu.memory_space<semaphore_mem>>
        %dma_start3A = arith.constant 0 : i32
        %dma_start3A_24 = arith.constant 0 : i32
        %dma_start3A_25 = tpu.memref_slice %arg9[%arg0, %dma_start3A, %dma_start3A_24] : memref<2x10000x128xf32, #tpu.memory_space<hbm>> -> memref<1x10000x128xf32, #tpu.memory_space<hbm>>
        %dma_start3A_26 = tpu.memref_squeeze %dma_start3A_25 : memref<1x10000x128xf32, #tpu.memory_space<hbm>> -> memref<10000x128xf32, #tpu.memory_space<hbm>>
        %dma_start3A_27 = arith.constant 0 : i32
        %dma_start3A_28 = arith.constant 0 : i32
        %dma_start3A_29 = tpu.memref_slice %arg18[%dma_start3A_27, %dma_start3A_28] : memref<10240x128xf32, #tpu.memory_space<vmem_shared>> -> memref<10000x128xf32, #tpu.memory_space<vmem_shared>>
        tpu.enqueue_dma source(%dma_start3A_29 : memref<10000x128xf32, #tpu.memory_space<vmem_shared>>) target(%dma_start3A_26 : memref<10000x128xf32, #tpu.memory_space<hbm>>) target_semaphore(%run_scoped3A : memref<!tpu.dma_semaphore, #tpu.memory_space<semaphore_mem>>)
        %dma_wait3A = arith.constant 0 : i32
        %dma_wait3A_30 = arith.constant 0 : i32
        %dma_wait3A_31 = tpu.memref_slice %arg9[%arg0, %dma_wait3A, %dma_wait3A_30] : memref<2x10000x128xf32, #tpu.memory_space<hbm>> -> memref<1x10000x128xf32, #tpu.memory_space<hbm>>
        %dma_wait3A_32 = tpu.memref_squeeze %dma_wait3A_31 : memref<1x10000x128xf32, #tpu.memory_space<hbm>> -> memref<10000x128xf32, #tpu.memory_space<hbm>>
        %dma_wait3A_33 = arith.constant 0 : i32
        %dma_wait3A_34 = arith.constant 0 : i32
        %dma_wait3A_35 = tpu.memref_slice %arg18[%dma_wait3A_33, %dma_wait3A_34] : memref<10240x128xf32, #tpu.memory_space<vmem_shared>> -> memref<10000x128xf32, #tpu.memory_space<vmem_shared>>
        tpu.wait_dma2 semaphore(%run_scoped3A : memref<!tpu.dma_semaphore, #tpu.memory_space<semaphore_mem>>) src(%dma_wait3A_35 : memref<10000x128xf32, #tpu.memory_space<vmem_shared>>) dst(%dma_wait3A_32 : memref<10000x128xf32, #tpu.memory_space<hbm>>)
        tpu.yield
      }) : () -> ()
      "tpu.region"() ({
        %run_scoped3A = tpu.sem_alloc : memref<!tpu.dma_semaphore, #tpu.memory_space<semaphore_mem>>
        %dma_start3A = arith.constant 0 : i32
        %dma_start3A_24 = tpu.memref_slice %arg10[%arg0, %dma_start3A] : memref<2x10240xf32, #tpu.memory_space<hbm>> -> memref<1x10240xf32, #tpu.memory_space<hbm>>
        %dma_start3A_25 = tpu.memref_squeeze %dma_start3A_24 : memref<1x10240xf32, #tpu.memory_space<hbm>> -> memref<10240xf32, #tpu.memory_space<hbm>>
        tpu.enqueue_dma source(%arg19 : memref<10240xf32, #tpu.memory_space<vmem_shared>>) target(%dma_start3A_25 : memref<10240xf32, #tpu.memory_space<hbm>>) target_semaphore(%run_scoped3A : memref<!tpu.dma_semaphore, #tpu.memory_space<semaphore_mem>>)
        %dma_wait3A = arith.constant 0 : i32
        %dma_wait3A_26 = tpu.memref_slice %arg10[%arg0, %dma_wait3A] : memref<2x10240xf32, #tpu.memory_space<hbm>> -> memref<1x10240xf32, #tpu.memory_space<hbm>>
        %dma_wait3A_27 = tpu.memref_squeeze %dma_wait3A_26 : memref<1x10240xf32, #tpu.memory_space<hbm>> -> memref<10240xf32, #tpu.memory_space<hbm>>
        tpu.wait_dma2 semaphore(%run_scoped3A : memref<!tpu.dma_semaphore, #tpu.memory_space<semaphore_mem>>) src(%arg19 : memref<10240xf32, #tpu.memory_space<vmem_shared>>) dst(%dma_wait3A_27 : memref<10240xf32, #tpu.memory_space<hbm>>)
        tpu.yield
      }) : () -> ()
    } else {
    }
    return
  }
}

module attributes {stable_mosaic.version = 14 : i64} {
  func.func @body(%arg0: memref<10000x128xf32, #tpu.memory_space<vmem>>, %arg1: memref<128x128xf32, #tpu.memory_space<vmem>>, %arg2: memref<128xf32, #tpu.memory_space<vmem>>, %arg3: memref<128xf32, #tpu.memory_space<vmem>>, %arg4: memref<10000x128xf32, #tpu.memory_space<vmem>>, %arg5: memref<10000xf32, #tpu.memory_space<vmem>>, %arg6: memref<10000xf32, #tpu.memory_space<vmem>>, %arg7: memref<16xf32, #tpu.memory_space<vmem>>) attributes {dimension_semantics = [], scalar_prefetch = 0 : i64, scratch_operands = 0 : i64, tpu.core_type = #tpu.core_type<tc>} {
    %get3A = arith.constant 0 : index
    %get3A_0 = arith.constant 0 : index
    %get3A_1 = vector.load %arg0[%get3A, %get3A_0] : memref<10000x128xf32, #tpu.memory_space<vmem>>, vector<10000x128xf32>
    %get3A_2 = arith.constant 0 : index
    %get3A_3 = arith.constant 0 : index
    %get3A_4 = vector.load %arg1[%get3A_2, %get3A_3] : memref<128x128xf32, #tpu.memory_space<vmem>>, vector<128x128xf32>
    %dot_general3A = arith.constant dense<0.000000e+00> : vector<10000x128xf32>
    %dot_general3A_5 = tpu.matmul %get3A_1, %get3A_4, %dot_general3A {dimension_numbers = #tpu.dot_dimension_numbers<[1], [1], [0], [0], [0, 0, 1, 0], [], []>, transpose_lhs_hint = false} : vector<10000x128xf32>, vector<128x128xf32>, vector<10000x128xf32> -> vector<10000x128xf32>
    %swap3A = arith.constant 0 : index
    %swap3A_6 = arith.constant 0 : index
    %swap3A_7 = vector.load %arg4[%swap3A, %swap3A_6] : memref<10000x128xf32, #tpu.memory_space<vmem>>, vector<10000x128xf32>
    tpu.vector_store %arg4[%swap3A, %swap3A_6], %dot_general3A_5 {strides = array<i32>} : memref<10000x128xf32, #tpu.memory_space<vmem>>, vector<10000x128xf32>,
    %get3A_8 = arith.constant 0 : index
    %get3A_9 = vector.load %arg2[%get3A_8] : memref<128xf32, #tpu.memory_space<vmem>>, vector<128xf32>
    %get3A_10 = arith.constant 0 : index
    %get3A_11 = vector.load %arg3[%get3A_10] : memref<128xf32, #tpu.memory_space<vmem>>, vector<128xf32>
    %broadcast_in_dim3A = vector.shape_cast %get3A_9 : vector<128xf32> to vector<1x128xf32>
    %mul3A = vector.broadcast %broadcast_in_dim3A : vector<1x128xf32> to vector<10000x128xf32>
    %mul3A_12 = arith.mulf %dot_general3A_5, %mul3A : vector<10000x128xf32>
    %reduce_sum3A = arith.constant dense<0.000000e+00> : vector<10000xf32>
    %reduce_sum3A_13 = vector.multi_reduction <add>, %mul3A_12, %reduce_sum3A [1] : vector<10000x128xf32> to vector<10000xf32>
    %broadcast_in_dim3A_14 = vector.shape_cast %get3A_11 : vector<128xf32> to vector<1x128xf32>
    %mul3A_15 = vector.broadcast %broadcast_in_dim3A_14 : vector<1x128xf32> to vector<10000x128xf32>
    %mul3A_16 = arith.mulf %dot_general3A_5, %mul3A_15 : vector<10000x128xf32>
    %reduce_sum3A_17 = arith.constant dense<0.000000e+00> : vector<10000xf32>
    %reduce_sum3A_18 = vector.multi_reduction <add>, %mul3A_16, %reduce_sum3A_17 [1] : vector<10000x128xf32> to vector<10000xf32>
    %swap3A_19 = arith.constant 0 : index
    %swap3A_20 = vector.load %arg5[%swap3A_19] : memref<10000xf32, #tpu.memory_space<vmem>>, vector<10000xf32>
    tpu.vector_store %arg5[%swap3A_19], %reduce_sum3A_13 {strides = array<i32>} : memref<10000xf32, #tpu.memory_space<vmem>>, vector<10000xf32>,
    %swap3A_21 = arith.constant 0 : index
    %swap3A_22 = vector.load %arg6[%swap3A_21] : memref<10000xf32, #tpu.memory_space<vmem>>, vector<10000xf32>
    tpu.vector_store %arg6[%swap3A_21], %reduce_sum3A_18 {strides = array<i32>} : memref<10000xf32, #tpu.memory_space<vmem>>, vector<10000xf32>,
    %reduce_max3A = vector.shape_cast %reduce_sum3A_13 : vector<10000xf32> to vector<1x10000xf32>
    %reduce_max3A_23 = arith.constant dense<0xFF800000> : vector<1xf32>
    %reduce_max3A_24 = vector.multi_reduction <maximumf>, %reduce_max3A, %reduce_max3A_23 [1] : vector<1x10000xf32> to vector<1xf32>
    %reduce_max3A_25 = vector.shape_cast %reduce_max3A_24 : vector<1xf32> to vector<1x1xf32>
    %reduce_max3A_26 = vector.extract %reduce_max3A_25[0, 0] : f32 from vector<1x1xf32>
    %reduce_max3A_27 = vector.shape_cast %reduce_sum3A_18 : vector<10000xf32> to vector<1x10000xf32>
    %reduce_max3A_28 = arith.constant dense<0xFF800000> : vector<1xf32>
    %reduce_max3A_29 = vector.multi_reduction <maximumf>, %reduce_max3A_27, %reduce_max3A_28 [1] : vector<1x10000xf32> to vector<1xf32>
    %reduce_max3A_30 = vector.shape_cast %reduce_max3A_29 : vector<1xf32> to vector<1x1xf32>
    %reduce_max3A_31 = vector.extract %reduce_max3A_30[0, 0] : f32 from vector<1x1xf32>
    %add3A = arith.addf %reduce_max3A_26, %reduce_max3A_31 : f32
    %ge3A = arith.constant 0.000000e+00 : f32
    %ge3A_32 = arith.cmpf oge, %add3A, %ge3A : f32
    %mul3A_33 = arith.constant 2.000000e-01 : f32
    %mul3A_34 = arith.mulf %add3A, %mul3A_33 : f32
    %select_n3A = arith.select %ge3A_32, %add3A, %mul3A_34 : f32
    %broadcast_in_dim3A_35 = vector.broadcast %select_n3A : f32 to vector<16xf32>
    %swap3A_36 = arith.constant 0 : index
    %swap3A_37 = vector.load %arg7[%swap3A_36] : memref<16xf32, #tpu.memory_space<vmem>>, vector<16xf32>
    tpu.vector_store %arg7[%swap3A_36], %broadcast_in_dim3A_35 {strides = array<i32>} : memref<16xf32, #tpu.memory_space<vmem>>, vector<16xf32>,
    return
  }
}

module attributes {stable_mosaic.version = 14 : i64} {
  func.func @body(%arg0: memref<2x10000x128xf32, #tpu.memory_space<vmem>>, %arg1: memref<2x10240xf32, #tpu.memory_space<vmem>>, %arg2: memref<128xf32, #tpu.memory_space<vmem>>, %arg3: memref<128x128xf32, #tpu.memory_space<vmem>>, %arg4: memref<128xf32, #tpu.memory_space<vmem>>, %arg5: memref<128xf32, #tpu.memory_space<vmem>>, %arg6: memref<10000x128xf32, #tpu.memory_space<vmem>>, %arg7: memref<10000xf32, #tpu.memory_space<vmem>>, %arg8: memref<10000xf32, #tpu.memory_space<vmem>>, %arg9: memref<16xf32, #tpu.memory_space<vmem>>) attributes {dimension_semantics = [], scalar_prefetch = 0 : i64, scratch_operands = 0 : i64, tpu.core_type = #tpu.core_type<tc>} {
    %get3A = arith.constant 0 : index
    %get3A_0 = vector.load %arg2[%get3A] : memref<128xf32, #tpu.memory_space<vmem>>, vector<128xf32>
    %get3A_1 = arith.constant 0 : index
    %get3A_2 = arith.constant 0 : index
    %get3A_3 = vector.load %arg1[%get3A_1, %get3A_2] : memref<2x10240xf32, #tpu.memory_space<vmem>>, vector<1x10000xf32>
    %get3A_4 = vector.shape_cast %get3A_3 : vector<1x10000xf32> to vector<10000xf32>
    %get3A_5 = arith.constant 1 : index
    %get3A_6 = arith.constant 0 : index
    %get3A_7 = vector.load %arg1[%get3A_5, %get3A_6] : memref<2x10240xf32, #tpu.memory_space<vmem>>, vector<1x10000xf32>
    %get3A_8 = vector.shape_cast %get3A_7 : vector<1x10000xf32> to vector<10000xf32>
    %add3A = arith.addf %get3A_4, %get3A_8 : vector<10000xf32>
    %add3A_9 = arith.constant 1.000000e-16 : f32
    %add3A_10 = vector.broadcast %add3A_9 : f32 to vector<10000xf32>
    %add3A_11 = arith.addf %add3A, %add3A_10 : vector<10000xf32>
    %get3A_12 = arith.constant 0 : index
    %get3A_13 = arith.constant 0 : index
    %get3A_14 = arith.constant 0 : index
    %get3A_15 = vector.load %arg0[%get3A_12, %get3A_13, %get3A_14] : memref<2x10000x128xf32, #tpu.memory_space<vmem>>, vector<1x10000x128xf32>
    %get3A_16 = vector.shape_cast %get3A_15 : vector<1x10000x128xf32> to vector<10000x128xf32>
    %get3A_17 = arith.constant 1 : index
    %get3A_18 = arith.constant 0 : index
    %get3A_19 = arith.constant 0 : index
    %get3A_20 = vector.load %arg0[%get3A_17, %get3A_18, %get3A_19] : memref<2x10000x128xf32, #tpu.memory_space<vmem>>, vector<1x10000x128xf32>
    %get3A_21 = vector.shape_cast %get3A_20 : vector<1x10000x128xf32> to vector<10000x128xf32>
    %add3A_22 = arith.addf %get3A_16, %get3A_21 : vector<10000x128xf32>
    %broadcast_in_dim3A = vector.shape_cast %add3A_11 : vector<10000xf32> to vector<10000x1xf32>
    %div3A = vector.broadcast %broadcast_in_dim3A : vector<10000x1xf32> to vector<10000x128xf32>
    %div3A_23 = arith.divf %add3A_22, %div3A : vector<10000x128xf32>
    %broadcast_in_dim3A_24 = vector.shape_cast %get3A_0 : vector<128xf32> to vector<1x128xf32>
    %add3A_25 = vector.broadcast %broadcast_in_dim3A_24 : vector<1x128xf32> to vector<10000x128xf32>
    %add3A_26 = arith.addf %div3A_23, %add3A_25 : vector<10000x128xf32>
    %max3A = arith.constant 0.000000e+00 : f32
    %max3A_27 = vector.broadcast %max3A : f32 to vector<10000x128xf32>
    %max3A_28 = arith.maximumf %add3A_26, %max3A_27 : vector<10000x128xf32>
    %get3A_29 = arith.constant 0 : index
    %get3A_30 = arith.constant 0 : index
    %get3A_31 = vector.load %arg3[%get3A_29, %get3A_30] : memref<128x128xf32, #tpu.memory_space<vmem>>, vector<128x128xf32>
    %dot_general3A = arith.constant dense<0.000000e+00> : vector<10000x128xf32>
    %dot_general3A_32 = tpu.matmul %max3A_28, %get3A_31, %dot_general3A {dimension_numbers = #tpu.dot_dimension_numbers<[1], [1], [0], [0], [0, 0, 1, 0], [], []>, transpose_lhs_hint = false} : vector<10000x128xf32>, vector<128x128xf32>, vector<10000x128xf32> -> vector<10000x128xf32>
    %swap3A = arith.constant 0 : index
    %swap3A_33 = arith.constant 0 : index
    %swap3A_34 = vector.load %arg6[%swap3A, %swap3A_33] : memref<10000x128xf32, #tpu.memory_space<vmem>>, vector<10000x128xf32>
    tpu.vector_store %arg6[%swap3A, %swap3A_33], %dot_general3A_32 {strides = array<i32>} : memref<10000x128xf32, #tpu.memory_space<vmem>>, vector<10000x128xf32>,
    %get3A_35 = arith.constant 0 : index
    %get3A_36 = vector.load %arg4[%get3A_35] : memref<128xf32, #tpu.memory_space<vmem>>, vector<128xf32>
    %get3A_37 = arith.constant 0 : index
    %get3A_38 = vector.load %arg5[%get3A_37] : memref<128xf32, #tpu.memory_space<vmem>>, vector<128xf32>
    %broadcast_in_dim3A_39 = vector.shape_cast %get3A_36 : vector<128xf32> to vector<1x128xf32>
    %mul3A = vector.broadcast %broadcast_in_dim3A_39 : vector<1x128xf32> to vector<10000x128xf32>
    %mul3A_40 = arith.mulf %dot_general3A_32, %mul3A : vector<10000x128xf32>
    %reduce_sum3A = arith.constant dense<0.000000e+00> : vector<10000xf32>
    %reduce_sum3A_41 = vector.multi_reduction <add>, %mul3A_40, %reduce_sum3A [1] : vector<10000x128xf32> to vector<10000xf32>
    %broadcast_in_dim3A_42 = vector.shape_cast %get3A_38 : vector<128xf32> to vector<1x128xf32>
    %mul3A_43 = vector.broadcast %broadcast_in_dim3A_42 : vector<1x128xf32> to vector<10000x128xf32>
    %mul3A_44 = arith.mulf %dot_general3A_32, %mul3A_43 : vector<10000x128xf32>
    %reduce_sum3A_45 = arith.constant dense<0.000000e+00> : vector<10000xf32>
    %reduce_sum3A_46 = vector.multi_reduction <add>, %mul3A_44, %reduce_sum3A_45 [1] : vector<10000x128xf32> to vector<10000xf32>
    %swap3A_47 = arith.constant 0 : index
    %swap3A_48 = vector.load %arg7[%swap3A_47] : memref<10000xf32, #tpu.memory_space<vmem>>, vector<10000xf32>
    tpu.vector_store %arg7[%swap3A_47], %reduce_sum3A_41 {strides = array<i32>} : memref<10000xf32, #tpu.memory_space<vmem>>, vector<10000xf32>,
    %swap3A_49 = arith.constant 0 : index
    %swap3A_50 = vector.load %arg8[%swap3A_49] : memref<10000xf32, #tpu.memory_space<vmem>>, vector<10000xf32>
    tpu.vector_store %arg8[%swap3A_49], %reduce_sum3A_46 {strides = array<i32>} : memref<10000xf32, #tpu.memory_space<vmem>>, vector<10000xf32>,
    %reduce_max3A = vector.shape_cast %reduce_sum3A_41 : vector<10000xf32> to vector<1x10000xf32>
    %reduce_max3A_51 = arith.constant dense<0xFF800000> : vector<1xf32>
    %reduce_max3A_52 = vector.multi_reduction <maximumf>, %reduce_max3A, %reduce_max3A_51 [1] : vector<1x10000xf32> to vector<1xf32>
    %reduce_max3A_53 = vector.shape_cast %reduce_max3A_52 : vector<1xf32> to vector<1x1xf32>
    %reduce_max3A_54 = vector.extract %reduce_max3A_53[0, 0] : f32 from vector<1x1xf32>
    %reduce_max3A_55 = vector.shape_cast %reduce_sum3A_46 : vector<10000xf32> to vector<1x10000xf32>
    %reduce_max3A_56 = arith.constant dense<0xFF800000> : vector<1xf32>
    %reduce_max3A_57 = vector.multi_reduction <maximumf>, %reduce_max3A_55, %reduce_max3A_56 [1] : vector<1x10000xf32> to vector<1xf32>
    %reduce_max3A_58 = vector.shape_cast %reduce_max3A_57 : vector<1xf32> to vector<1x1xf32>
    %reduce_max3A_59 = vector.extract %reduce_max3A_58[0, 0] : f32 from vector<1x1xf32>
    %add3A_60 = arith.addf %reduce_max3A_54, %reduce_max3A_59 : f32
    %ge3A = arith.constant 0.000000e+00 : f32
    %ge3A_61 = arith.cmpf oge, %add3A_60, %ge3A : f32
    %mul3A_62 = arith.constant 2.000000e-01 : f32
    %mul3A_63 = arith.mulf %add3A_60, %mul3A_62 : f32
    %select_n3A = arith.select %ge3A_61, %add3A_60, %mul3A_63 : f32
    %broadcast_in_dim3A_64 = vector.broadcast %select_n3A : f32 to vector<16xf32>
    %swap3A_65 = arith.constant 0 : index
    %swap3A_66 = vector.load %arg9[%swap3A_65] : memref<16xf32, #tpu.memory_space<vmem>>, vector<16xf32>
    tpu.vector_store %arg9[%swap3A_65], %broadcast_in_dim3A_64 {strides = array<i32>} : memref<16xf32, #tpu.memory_space<vmem>>, vector<16xf32>,
    return
  }
}

module attributes {stable_mosaic.version = 14 : i64} {
  func.func @body(%arg0: memref<2x10000x128xf32, #tpu.memory_space<vmem>>, %arg1: memref<2x10240xf32, #tpu.memory_space<vmem>>, %arg2: memref<128xf32, #tpu.memory_space<vmem>>, %arg3: memref<16x128xf32, #tpu.memory_space<vmem>>, %arg4: memref<16xf32, #tpu.memory_space<vmem>>, %arg5: memref<10000x16xf32, #tpu.memory_space<vmem>>) attributes {dimension_semantics = [], scalar_prefetch = 0 : i64, scratch_operands = 0 : i64, tpu.core_type = #tpu.core_type<tc>} {
    %get3A = arith.constant 0 : index
    %get3A_0 = vector.load %arg2[%get3A] : memref<128xf32, #tpu.memory_space<vmem>>, vector<128xf32>
    %get3A_1 = arith.constant 0 : index
    %get3A_2 = arith.constant 0 : index
    %get3A_3 = vector.load %arg1[%get3A_1, %get3A_2] : memref<2x10240xf32, #tpu.memory_space<vmem>>, vector<1x10000xf32>
    %get3A_4 = vector.shape_cast %get3A_3 : vector<1x10000xf32> to vector<10000xf32>
    %get3A_5 = arith.constant 1 : index
    %get3A_6 = arith.constant 0 : index
    %get3A_7 = vector.load %arg1[%get3A_5, %get3A_6] : memref<2x10240xf32, #tpu.memory_space<vmem>>, vector<1x10000xf32>
    %get3A_8 = vector.shape_cast %get3A_7 : vector<1x10000xf32> to vector<10000xf32>
    %add3A = arith.addf %get3A_4, %get3A_8 : vector<10000xf32>
    %add3A_9 = arith.constant 1.000000e-16 : f32
    %add3A_10 = vector.broadcast %add3A_9 : f32 to vector<10000xf32>
    %add3A_11 = arith.addf %add3A, %add3A_10 : vector<10000xf32>
    %get3A_12 = arith.constant 0 : index
    %get3A_13 = arith.constant 0 : index
    %get3A_14 = arith.constant 0 : index
    %get3A_15 = vector.load %arg0[%get3A_12, %get3A_13, %get3A_14] : memref<2x10000x128xf32, #tpu.memory_space<vmem>>, vector<1x10000x128xf32>
    %get3A_16 = vector.shape_cast %get3A_15 : vector<1x10000x128xf32> to vector<10000x128xf32>
    %get3A_17 = arith.constant 1 : index
    %get3A_18 = arith.constant 0 : index
    %get3A_19 = arith.constant 0 : index
    %get3A_20 = vector.load %arg0[%get3A_17, %get3A_18, %get3A_19] : memref<2x10000x128xf32, #tpu.memory_space<vmem>>, vector<1x10000x128xf32>
    %get3A_21 = vector.shape_cast %get3A_20 : vector<1x10000x128xf32> to vector<10000x128xf32>
    %add3A_22 = arith.addf %get3A_16, %get3A_21 : vector<10000x128xf32>
    %broadcast_in_dim3A = vector.shape_cast %add3A_11 : vector<10000xf32> to vector<10000x1xf32>
    %div3A = vector.broadcast %broadcast_in_dim3A : vector<10000x1xf32> to vector<10000x128xf32>
    %div3A_23 = arith.divf %add3A_22, %div3A : vector<10000x128xf32>
    %broadcast_in_dim3A_24 = vector.shape_cast %get3A_0 : vector<128xf32> to vector<1x128xf32>
    %add3A_25 = vector.broadcast %broadcast_in_dim3A_24 : vector<1x128xf32> to vector<10000x128xf32>
    %add3A_26 = arith.addf %div3A_23, %add3A_25 : vector<10000x128xf32>
    %max3A = arith.constant 0.000000e+00 : f32
    %max3A_27 = vector.broadcast %max3A : f32 to vector<10000x128xf32>
    %max3A_28 = arith.maximumf %add3A_26, %max3A_27 : vector<10000x128xf32>
    %get3A_29 = arith.constant 0 : index
    %get3A_30 = arith.constant 0 : index
    %get3A_31 = vector.load %arg3[%get3A_29, %get3A_30] : memref<16x128xf32, #tpu.memory_space<vmem>>, vector<16x128xf32>
    %dot_general3A = arith.constant dense<0.000000e+00> : vector<10000x16xf32>
    %dot_general3A_32 = tpu.matmul %max3A_28, %get3A_31, %dot_general3A {dimension_numbers = #tpu.dot_dimension_numbers<[1], [1], [0], [0], [0, 0, 1, 0], [], []>, transpose_lhs_hint = false} : vector<10000x128xf32>, vector<16x128xf32>, vector<10000x16xf32> -> vector<10000x16xf32>
    %get3A_33 = arith.constant 0 : index
    %get3A_34 = vector.load %arg4[%get3A_33] : memref<16xf32, #tpu.memory_space<vmem>>, vector<16xf32>
    %broadcast_in_dim3A_35 = vector.shape_cast %get3A_34 : vector<16xf32> to vector<1x16xf32>
    %add3A_36 = vector.broadcast %broadcast_in_dim3A_35 : vector<1x16xf32> to vector<10000x16xf32>
    %add3A_37 = arith.addf %dot_general3A_32, %add3A_36 : vector<10000x16xf32>
    %swap3A = arith.constant 0 : index
    %swap3A_38 = arith.constant 0 : index
    %swap3A_39 = vector.load %arg5[%swap3A, %swap3A_38] : memref<10000x16xf32, #tpu.memory_space<vmem>>, vector<10000x16xf32>
    tpu.vector_store %arg5[%swap3A, %swap3A_38], %add3A_37 {strides = array<i32>} : memref<10000x16xf32, #tpu.memory_space<vmem>>, vector<10000x16xf32>,
    return
  }
}

</mosaic_0001>

<sc_bundles>
// kernel: kernel.10.cloned.1.call-start
scs
__scs_entry_jumppad:
0x0: {  	(pc) =	sbr.rel $0x88, $3  }
0x1: {  	(tag) =	ssettag $0x0;
	lr =	simm.s32 $0x1  }
0x2: {  	[smem:$0x3F93] =	sst lr;
	_ =	strace $0xD0000000  }
0x3: {  	_ = 	snop  }
0x4: {  	_ = 	snop  }
0x5: {  	_ = 	snop  }
0x6: {  	_ = 	snop  }
0x7: {  	_ = 	snop  }
__scs_overlays_trampoline_lowered:
0x8: {  	[smem:$0x3FA2] =	sst s0  }
0x9: {  	[smem:$0x3FA3] =	sst s1  }
0xa: {  	[smem:$0x3FA4] =	sst s2  }
0xb: {  	[smem:$0x3FA5] =	sst s3  }
0xc: {  	[smem:$0x3FA6] =	sst s4  }
0xd: {  	[smem:$0x3FA7] =	sst s5  }
0xe: {  	[smem:$0x3FA8] =	sst s6  }
0xf: {  	[smem:$0x3FA9] =	sst s7  }
0x10: {  	[smem:$0x3FAA] =	sst s8  }
0x11: {  	[smem:$0x3FAB] =	sst s9;
	s0 =	simm.s32 @!p0 $0x0  }
0x12: {  	s1 =	sld [smem:$0x3F91];
	s0 =	simm.s32 @p0 $0x1  }
0x13: {  	[smem:$0x3FAC] =	sst s0;
	s0 =	simm.s32 @!p1 $0x0  }
0x14: {  	s2 =	sld [smem:$0x3F90];
	s0 =	simm.s32 @p1 $0x1  }
0x15: {  	[smem:$0x3FAD] =	sst s0;
	s0 =	simm.s32 @!p2 $0x0  }
0x16: {  	s3 =	sld [smem:$0x3FDB];
	s0 =	simm.s32 @p2 $0x1  }
0x17: {  	s4 =	simm.s32 $0x1BF5;
	[smem:$0x3FAF] =	sst s0  }
0x18: {  	s0 =	sld [smem:$0x3F92];
	_ =	swait.ge [sflag:s4], $0x0  }
0x19: {  	s7 =	sld [smem:$0x3F93]  }
0x1a: {  	s8 =	sadd.s32 $0xFFFFE003, lr  }
0x1b: {  	s9 =	sadd.s32 $0xFFFFFEF7, lr;
	s5 =	simm.s32 $0xFFFFFFFF;
	p2 =	slt.u32 s8, $0xFFFFF086  }
0x1c: {  	p1 =	slt.u32 s9, $0xF7A;
	s5 =	simm.s32 @!p2 $0x0  }
0x1d: {  	s5 =	simm.s32 @p1 $0x1;
	p0 =	seq.s32 s7, s2  }
0x1e: {  	s7 =	smul.u32 @!p0 $0xF7A, s2;
	p2 =	seq.s32 @!p0 s5, $0x0  }
0x1f: {  	s9 =	smul.u32 $0xF7A, s1;
	s8 =	simm.s32 @!p0 $0x1BF5;
	p2 =	por !p2, p0  }
0x20: {  	[sflag:s8] =	ssyncset.s32 @!p0 $0xFFFFF086;
	s6 =	sadd.s32 @!p0 s3, s7;
	s7 =	simm.s32 @!p0 $0x108  }
0x21: {  	s3 =	sadd.s32 s3, s9;
	s6 =	sadd.s32 @!p0 $0x88, s6;
	s7 =	simm.s32 @p2 $0x1082  }
0x22: {  	[simem:s7], [sflag:s8] =	dma.local @!p0 [hbm:s6], $0xF7A  }
0x23: {  	s9 =	sor.u32 $0xD0000000, s2;
	s6 =	simm.s32 $0x108;
	_ =	swait.ge @!p0 [sflag:s8], $0x0  }
0x24: {  	s3 =	sadd.s32 $0x88, s3;
	s6 =	simm.s32 @!p1 $0x1082;
	[sflag:s4] =	ssyncset.s32 $0xFFFFF086  }
0x25: {  	[simem:s6], [sflag:s4] =	dma.local [hbm:s3], $0xF7A  }
0x26: {  	[smem:$0x3F93] =	sst s1;
	(tag) =	ssettag s2;
	_ =	strace s9  }
0x27: {  	s1 =	sld [smem:$0x3FA3]  }
0x28: {  	s2 =	sld [smem:$0x3FA4]  }
0x29: {  	s4 =	sld [smem:$0x3FA6]  }
0x2a: {  	p0 =	seq.s32 s5, $0x0;
	s5 =	sld [smem:$0x3FA7]  }
0x2b: {  	s6 =	sld [smem:$0x3FA8]  }
0x2c: {  	s7 =	sld [smem:$0x3FA9]  }
0x2d: {  	s3 =	simm.s32 $0x108;
	s8 =	sld [smem:$0x3FAA]  }
0x2e: {  	s3 =	simm.s32 @!p0 $0x1082;
	s9 =	sld [smem:$0x3FAB]  }
0x2f: {  	lr =	sadd.s32 s0, s3;
	s0 =	sld [smem:$0x3FA2]  }
0x30: {  	s3 =	sld [smem:$0x3FA5]  }
0x31: {  	[smem:$0x3FAE] =	sst s10  }
0x32: {  	s10 =	sld [smem:$0x3FAC];
	_ =	sdelay $0x3  }
0x33: {  	p0 =	seq.s32 s10, $0x1;
	s10 =	sld [smem:$0x3FAE];
	_ =	sdelay $0x3  }
0x34: {  	[smem:$0x3FAE] =	sst s10  }
0x35: {  	s10 =	sld [smem:$0x3FAD];
	_ =	sdelay $0x3  }
0x36: {  	p1 =	seq.s32 s10, $0x1;
	s10 =	sld [smem:$0x3FAE];
	_ =	sdelay $0x3  }
0x37: {  	[smem:$0x3FAE] =	sst s10  }
0x38: {  	s10 =	sld [smem:$0x3FAF]  }
0x39: {  	_ = 	snop;
	(pc) =	sbr.ind lr, $3  }
0x3a: {  	_ = 	snop  }
0x3b: {  	_ = 	snop  }
0x3c: {  	p2 =	seq.s32 s10, $0x1;
	s10 =	sld [smem:$0x3FAE]  }
0x3d: {  	_ =	shalt  }
0x3e: {  	_ =	shalt  }
0x3f: {  	_ =	shalt  }
0x40: {  	_ =	shalt  }
0x41: {  	_ =	shalt  }
0x42: {  	_ =	shalt  }
0x43: {  	_ =	shalt  }
0x44: {  	_ =	shalt  }
0x45: {  	_ =	shalt  }
0x46: {  	_ =	shalt  }
0x47: {  	_ =	shalt  }
0x48: {  	_ =	shalt  }
0x49: {  	_ =	shalt  }
0x4a: {  	_ =	shalt  }
0x4b: {  	_ =	shalt  }
0x4c: {  	_ =	shalt  }
0x4d: {  	_ =	shalt  }
0x4e: {  	_ =	shalt  }
0x4f: {  	_ =	shalt  }
0x50: {  	_ =	shalt  }
0x51: {  	_ =	shalt  }
0x52: {  	_ =	shalt  }
0x53: {  	_ =	shalt  }
0x54: {  	_ =	shalt  }
0x55: {  	_ =	shalt  }
0x56: {  	_ =	shalt  }
0x57: {  	_ =	shalt  }
0x58: {  	_ =	shalt  }
0x59: {  	_ =	shalt  }
0x5a: {  	_ =	shalt  }
0x5b: {  	_ =	shalt  }
0x5c: {  	_ =	shalt  }
0x5d: {  	_ =	shalt  }
0x5e: {  	_ =	shalt  }
0x5f: {  	_ =	shalt  }
0x60: {  	_ =	shalt  }
0x61: {  	_ =	shalt  }
0x62: {  	_ =	shalt  }
0x63: {  	_ =	shalt  }
0x64: {  	_ =	shalt  }
0x65: {  	_ =	shalt  }
0x66: {  	_ =	shalt  }
0x67: {  	_ =	shalt  }
0x68: {  	_ =	shalt  }
0x69: {  	_ =	shalt  }
0x6a: {  	_ =	shalt  }
0x6b: {  	_ =	shalt  }
0x6c: {  	_ =	shalt  }
0x6d: {  	_ =	shalt  }
0x6e: {  	_ =	shalt  }
0x6f: {  	_ =	shalt  }
0x70: {  	_ =	shalt  }
0x71: {  	_ =	shalt  }
0x72: {  	_ =	shalt  }
0x73: {  	_ =	shalt  }
0x74: {  	_ =	shalt  }
0x75: {  	_ =	shalt  }
0x76: {  	_ =	shalt  }
0x77: {  	_ =	shalt  }
0x78: {  	_ =	shalt  }
0x79: {  	_ =	shalt  }
0x7a: {  	_ =	shalt  }
0x7b: {  	_ =	shalt  }
0x7c: {  	_ =	shalt  }
0x7d: {  	_ =	shalt  }
0x7e: {  	_ =	shalt  }
0x7f: {  	_ =	shalt  }
0x80: {  	_ =	shalt  }
0x81: {  	_ =	shalt  }
0x82: {  	_ =	shalt  }
0x83: {  	_ =	shalt  }
0x84: {  	_ =	shalt  }
0x85: {  	_ =	shalt  }
0x86: {  	_ =	shalt  }
0x87: {  	_ =	shalt  }
.Lfunc_end0:
.L_simem_size_0:
called_computation.1_lowered:
.L_overlay_start_0:
0x88: {  	s2 =	sld [smem:$0x3FD9]  }
0x89: {  	s3 =	sld [smem:$0x3FFE];
	_ =	sdelay $0x1  }
0x8a: {  	s1 =	srdreg.scid  }
0x8b: {  	s0 =	sand.u32 $0x1, s1  }
0x8c: {  	s14 =	sshll.u32 s0, $0xA;
	s2 =	sadd.s32 s3, s2  }
0x8d: {  	s2 =	sadd.s32 s2, s14  }
0x8e: {  	[smem:$0x3FBA] =	sst s2  }
0x8f: {  	_ = 	snop  }
0x90: {  	s2 =	sld [smem:$0x3FD0];
	_ =	sdelay $0x2  }
0x91: {  	s15 =	simm.s32 $0xA;
	s4 =	simm.s32 $0x10  }
0x92: {  	[smem:s4], [sflag:s15] =	dma.local [hbm:s2], $0x1  }
0x93: {  	_ =	swait.eq [sflag:s15], $0x1  }
0x94: {  	[sflag:s15] =	ssyncset.done $0x0  }
0x95: {  	s16 =	sld [smem:$0x10];
	[sflag:s15] =	ssyncadd.s32 $0xFFFFFFFF  }
0x96: {  	s17 =	sld [smem:$0x11];
	(tm) =	ssettm $0x1  }
0x97: {  	s18 =	sld [smem:$0x3FFB];
	_ =	sdelay $0x3  }
0x98: {  	_ =	strace s18  }
0x99: {  	s4 =	sld [smem:$0x3FFC];
	_ =	sdelay $0x3  }
0x9a: {  	_ =	strace s4  }
0x9b: {  	s4 =	sld [smem:$0x3FFD];
	_ =	sdelay $0x3  }
0x9c: {  	_ =	strace s4  }
0x9d: {  	_ =	strace $0x8FFFFFFF  }
0x9e: {  	s19 =	sld [smem:$0x3FDB];
	_ =	sdelay $0x1  }
0x9f: {  	s5 =	simm.s32 $_scs_section_size  }
0xa0: {  	s6 =	simm.s32 $_size__tile_overlayer_lowered;
	s7 =	simm.s32 $_tile_overlayer_lowered  }
0xa1: {  	s22 =	simm.s32 $0x1BFF;
	s21 =	sshll.u32 s7, $0x1;
	s4 =	sadd.s32 s5, s19  }
0xa2: {  	s8 =	simm.s32 $0x0;
	s20 =	sshll.u32 s6, $0x1;
	s6 =	sadd.s32 s21, s4  }
0xa3: {  	[timem:s8], [sflag:s22] =	dma.local [hbm:s6], s20  }
0xa4: {  	_ =	swait.ge [sflag:s22], s20  }
0xa5: {  	s5 =	ssub.s32 $0x0, s20;
	[sflag:s22] =	ssyncset.done $0x0  }
0xa6: {  	[sflag:s22] =	ssyncadd.s32 s5;
	_ =	sdelay $0x1  }
0xa7: {  	s23 =	simm.s32 $0x1B8B  }
0xa8: {  	_ =	swait.ge [sflag:s23], $0x1  }
0xa9: {  	[sflag:s23] =	ssyncset.done $0x0  }
0xaa: {  	s25 =	simm.s32 $0x1B8E;
	s24 =	sld [smem:$0x3FFE];
	[sflag:s23] =	ssyncadd.s32 $0xFFFFFFFF  }
0xab: {  	s26 =	simm.s32 $execute0_lowered;
	[smem:$0x3FD2] =	sst s25  }
0xac: {  	s6 =	sshll.u32 s26, $0x1;
	_ =	strace $0x80000049;
	[dreg:$0x1] =	wrdreg $0xFFFFFFFF  }
0xad: {  	s28 =	simm.s32 $_size_execute0_lowered;
	s4 =	sadd.s32 s4, s6;
	[dreg:$0x0] =	wrdreg $0x0  }
0xae: {  	s6 =	sshll.u32 s28, $0x1;
	[dreg:$0x2] =	wrdreg s4  }
0xaf: {  	[dreg:$0x3] =	wrdreg s6  }
0xb0: {  	[dreg:$0x4] =	wrdreg $0xC0  }
0xb1: {  	_ =	task [dreg:s8], $0x5FFFF  }
0xb2: {  	[dreg:$0x1] =	wrdreg $0xFFFFFFFF  }
0xb3: {  	[dreg:$0x0] =	wrdreg $0x60  }
0xb4: {  	[dreg:$0x2] =	wrdreg s24  }
0xb5: {  	[dreg:$0x3] =	wrdreg s17  }
0xb6: {  	[dreg:$0x4] =	wrdreg s16  }
0xb7: {  	[dreg:$0x5] =	wrdreg $0xBB800  }
0xb8: {  	[dreg:$0x6] =	wrdreg $0x1FB800  }
0xb9: {  	[dreg:$0x7] =	wrdreg $0x9  }
0xba: {  	_ =	task.clear_ibuf [dreg:s8], $0x8FFFF;
	_ =	strace $0x90000049  }
0xbb: {  	s29 =	simm.s32 $0x9;
	_ =	strace $0x8000004B  }
0xbc: {  	_ =	swait.ge [sflag:s29], $0x1  }
0xbd: {  	[sflag:s29] =	ssyncadd.s32 $0xFFFFFFFF  }
0xbe: {  	_ =	strace $0x9000004B  }
0xbf: {  	_ =	sfence  }
0xc0: {  	s30 =	sld [smem:$0x0];
	_ =	sdelay $0x2  }
0xc1: {  	s31 =	sshll.u32 s1, $0xD;
	s1 =	sshrl.u32 s1, $0x2  }
0xc2: {  	s3 =	sand.u32 $0x4000, s31;
	s1 =	sadd.s32 s1, s30  }
0xc3: {  	s0 =	sor.u32 s3, s0;
	s1 =	sshll.u32 s1, $0x11  }
0xc4: {  	s0 =	sor.u32 s1, s0  }
0xc5: {  	s0 =	sadd.s32 $0x8F2B, s0  }
0xc6: {  	[sflag:s0] =	ssyncadd.remote.s32 $0x1  }
0xc7: {  	_ =	sfence.sel $0xFFFF  }
0xc8: {  	[dreg:$0x0] =	wrdreg $0xFFFFFFFF;
	(pc) =	sbr.abs _section_cstart, $3  }
0xc9: {  	[dreg:$0x1] =	wrdreg $0xFFFFFFFF  }
0xca: {  	_ =	task.clear_ibuf [dreg:s8], $0x2FFFF;
	_ =	strace $0x9FFFFFFF  }
0xcb: {  	(tm) =	ssettm $0x7FFFFFFF  }
tec
execute0_lowered:
.L_overlay_start_1:
0x0: {  	(tag) =	ssettag $0x1  }
0x1: {  	s0 =	rddreg [dreg:$0x0]  }
0x2: {  	s1 =	rddreg [dreg:$0x2]  }
0x3: {  	s2 =	rddreg [dreg:$0x3]  }
0x4: {  	s3 =	rddreg [dreg:$0x4]  }
0x5: {  	s4 =	simm.s32 $0x0;
	s6 =	srdreg.scid;
	s18 =	stileid.u32  }
0x6: {  	s16 =	simm.s32 $0x3;
	s17 =	simm.s32 $0x2780;
	s28 =	simm.s32 $0x1  }
0x7: {  	s29 =	simm.s32 $0x2;
	s30 =	simm.s32 $0x0;
	[smem:$0x7FF] =	sst s4  }
0x8: {  	s5 =	sadd.s32 $0x4600, s0;
	s7 =	sadd.s32 $0x3F200, s0;
	s6 =	sand.u32 $0x1, s6  }
0x9: {  	s21 =	sadd.s32 $0x3F800, s0;
	s8 =	sadd.s32 $0x18000, s0;
	s12 =	smul.u32 $0x50000, s18  }
0xa: {  	s9 =	sadd.s32 $0x3FA00, s0;
	s14 =	smul.u32 $0xA00, s18;
	s10 =	sadd.s32 $0x42200, s0  }
0xb: {  	s31 =	sshll.u32 s18, $0x6;
	_ =	strace $0x8000004A;
	[dreg:$0x6] =	wrdreg s7  }
0xc: {  	p0 =	sne.s32 s18, $0x0;
	[dreg:$0x7] =	wrdreg s21;
	s22 =	smul.u32 $0x27100, s6  }
0xd: {  	s11 =	ssub.s32 $0x2, s6;
	[dreg:$0x8] =	wrdreg s9;
	s6 =	sshll.u32 s6, $0x4  }
0xe: {  	s19 =	sor.u32 $0x1C03, s31;
	s13 =	sshrl.u32 s11, $0x1;
	s24 =	sshrl.u32 s12, $0x2  }
0xf: {  	s25 =	sshrl.u32 s14, $0x2;
	s0 =	sadd.s32 s22, s0;
	s23 =	ssub.s32 s11, s13  }
0x10: {  	s20 =	sadd.s32 s24, s2;
	s21 =	sadd.s32 s25, s3;
	s11 =	sor.u32 s6, s18  }
0x11: {  	s13 =	sadd.s32 s1, s6;
	s22 =	simm.s32 $0x4F80;
	s24 =	simm.s32 $0x5380  }
0x12: {  	s25 =	simm.s32 $0x5180;
	s12 =	sadd.s32 $0x42400, s0;
	s26 =	ssub.s32 $0x623, s11  }
0x13: {  	s15 =	smax.u32 s23, $0x1;
	s20 =	sshrl.u32 s20, $0x3;
	s21 =	sshrl.u32 s21, $0x3  }
0x14: {  	s23 =	simm.s32 $0xD0;
	s14 =	sshrl.u32 s26, $0x5;
	s26 =	simm.s32 $0x5280  }
.LBB2_1:
0x15: {  	s0 =	rddreg [dreg:$0x1]  }
0x16: {  	[tilespmem:s4], [sflag:$0x3] =	stream.linear.gather [hbm4b:s0+s4], $0x2780, $0x38;
	[tilespmem:$0x1FE00] =	vst v63  }
0x17: {  	_ =	swait.ge [sflag:s16], $0x2780  }
0x18: {  	[sflag:s16] =	ssyncset.done $0x0  }
0x19: {  	s7 =	rddreg [dreg:$0x6];
	[sflag:s16] =	ssyncadd.s32 $0xFFFFD880  }
0x1a: {  	[tilespmem:s17], [sflag:$0x3] =	stream.linear.gather [hbm4b:s7+s4], $0x2780, $0x38;
	[tilespmem:$0x1FE00] =	vst v63  }
0x1b: {  	_ =	swait.ge [sflag:s16], $0x2780  }
0x1c: {  	[sflag:s16] =	ssyncset.done $0x0  }
0x1d: {  	s1 =	simm.s32 $0x4F00;
	s9 =	rddreg [dreg:$0x7];
	[sflag:s16] =	ssyncadd.s32 $0xFFFFD880  }
0x1e: {  	[tilespmem:s1], [sflag:$0x3] =	stream.linear.gather [hbm4b:s9+s4], $0x80, $0x38;
	[tilespmem:$0x1FE00] =	vst v63  }
0x1f: {  	_ =	swait.ge [sflag:s16], $0x80  }
0x20: {  	[sflag:s16] =	ssyncset.done $0x0  }
0x21: {  	s18 =	rddreg [dreg:$0x8];
	[sflag:s16] =	ssyncadd.s32 $0xFFFFFF80  }
0x22: {  	[spmem:s20], [sflag:s19] =	dma.local [hbm:s18], $0x2800  }
0x23: {  	_ =	swait.ge [sflag:s16], $0x2800  }
0x24: {  	[sflag:s16] =	ssyncset.done $0x0  }
0x25: {  	[sflag:s16] =	ssyncadd.s32 $0xFFFFD800  }
0x26: {  	[spmem:s21], [sflag:s19] =	dma.local [hbm:s10], $0x50  }
0x27: {  	_ =	swait.ge [sflag:s16], $0x50  }
0x28: {  	[sflag:s16] =	ssyncset.done $0x0  }
0x29: {  	[sflag:s16] =	ssyncadd.s32 $0xFFFFFFB0  }
0x2a: {  	[bflag:$0x0] =	sbarrier.arrive $0xFFFF  }
0x2b: {  	s31 =	simm.s32 $0x0;
	v0 =	vld [tilespmem:$0x4F00]  }
.LBB2_2:
0x2c: {  	s0 =	sshll.u32 s31, $0x5  }
0x2d: {  	s0 =	sor.u32 s11, s0  }
0x2e: {  	s0 =	smul.u32 $0x1A0, s0;
	_ =	sdelay $0x1  }
0x2f: {  	s0 =	sshrl.u32 s0, $0x3  }
0x30: {  	s1 =	simm.s32 $0x0;
	s0 =	sadd.s32 s5, s0  }
0x31: {  	[tilespmem:s22], [sflag:$0x3] =	stream.linear.gather [hbm4b:s0+s1], $0x1A0, $0x38;
	[tilespmem:$0x1FE00] =	vst v63  }
0x32: {  	_ =	swait.ge [sflag:s16], $0x1A0  }
0x33: {  	[sflag:s16] =	ssyncset.done $0x0  }
0x34: {  	[sflag:s16] =	ssyncadd.s32 $0xFFFFFE60  }
0x35: {  	v1 =	vld [tilespmem:$0x5050]  }
0x36: {  	v2 =	vld [tilespmem:$0x5060]  }
0x37: {  	v3 =	vld [tilespmem:$0x5070]  }
0x38: {  	v4 =	vld [tilespmem:$0x5080]  }
0x39: {  	v5 =	vld [tilespmem:$0x5090]  }
0x3a: {  	[tilespmem:$0x5180] =	vst v1;
	v1 =	vld [tilespmem:$0x50A0]  }
0x3b: {  	[tilespmem:$0x5190] =	vst v2;
	v2 =	vld [tilespmem:$0x50B0]  }
0x3c: {  	[tilespmem:$0x51A0] =	vst v3;
	v3 =	vld [tilespmem:$0x50C0]  }
0x3d: {  	v62 =	vld [tilespmem:$0x50D0];
	[tilespmem:$0x51B0] =	vst v4  }
0x3e: {  	v63 =	vld [tilespmem:$0x50E0];
	[tilespmem:$0x51C0] =	vst v5  }
0x3f: {  	[tilespmem:$0x51D0] =	vst v1;
	v1 =	vld [tilespmem:$0x50F0]  }
0x40: {  	[tilespmem:$0x51E0] =	vst v2;
	v2 =	vld [tilespmem:$0x5100]  }
0x41: {  	[tilespmem:$0x51F0] =	vst v3;
	v3 =	vld [tilespmem:$0x5110]  }
0x42: {  	[tilespmem:$0x5200] =	vst v62  }
0x43: {  	[tilespmem:$0x5210] =	vst v63  }
0x44: {  	[tilespmem:$0x5220] =	vst v1  }
0x45: {  	[tilespmem:$0x5230] =	vst v2  }
0x46: {  	s0 =	simm.s32 $0x0;
	[tilespmem:$0x5240] =	vst v3  }
0x47: {  	[tilespmem:s24], [sflag:$0x1] =	stream.indirect.gather [hbm4b:s8+s23], $0x80, s22, s23, $0xb8;
	[tilespmem:$0x1FE00] =	vst v63  }
0x48: {  	v1 =	vld [tilespmem:s0+$0x5180]  }
0x49: {  	v2 =	vld [tilespmem:s0+$0x4F80];
	_ =	sdelay $0x6  }
0x4a: {  	v1 =	vld.idx.msk [tilespmem:v1+s17+$0x0], $0xffff  }
0x4b: {  	v2 =	vld.idx.msk [tilespmem:v2+s4+$0x0], $0xffff;
	_ =	sdelay $0x4  }
0x4c: {  	v1 =	vadd.f32 v1, v2;
	_ =	sdelay $0x1  }
0x4d: {  	v2 =	vmul.f32 $2.000000030e-01, v1  }
0x4e: {  	vm0 =	vge.f32 v1, $0.0e+00  }
0x4f: {  	v1 =	vsel vm0, v1, v2  }
0x50: {  	v1 =	vsub.f32 v1, v0;
	_ =	sdelay $0x1  }
0x51: {  	v1 =	vmul.f32 $1.442695020e+00, v1;
	_ =	sdelay $0x1  }
0x52: {  	(erf) = vpow2.f32 v1;
	_ =	sdelay $0x1  }
0x53: {  	s6 =	simm.s32 $0x10  }
0x54: {  	s1 =	simm.s32 $0x80;
	v1 =	vld [tilespmem:s6+$0x5180]  }
.LBB2_3:
0x55: {  	p1 =	sne.s32 s1, $0x300;
	v2 =	vld [tilespmem:s6+$0x4F80];
	_ =	sdelay $0x4  }
0x56: {  	v3 =	vpop (erf)  }
0x57: {  	[tilespmem:s0+$0x5280] =	vst v3;
	s0 =	smov.u32 s6  }
0x58: {  	v1 =	vld.idx.msk [tilespmem:v1+s17+$0x0], $0xffff  }
0x59: {  	v2 =	vld.idx.msk [tilespmem:v2+s4+$0x0], $0xffff;
	_ =	sdelay $0x5  }
0x5a: {  	v1 =	vadd.f32 v1, v2;
	_ =	sdelay $0x1  }
0x5b: {  	v2 =	vmul.f32 $2.000000030e-01, v1  }
0x5c: {  	vm0 =	vge.f32 v1, $0.0e+00  }
0x5d: {  	v1 =	vsel vm0, v1, v2  }
0x5e: {  	v1 =	vsub.f32 v1, v0;
	_ =	sdelay $0x1  }
0x5f: {  	v1 =	vmul.f32 $1.442695020e+00, v1  }
.Ltmp0:
0x60: {  	(pc) =	sbr.rel @p1 .LBB2_3-.Ltmp0, $3  }
0x61: {  	(erf) = vpow2.f32 v1;
	_ =	sdelay $0x1  }
0x62: {  	s6 =	sshra.s32 s1, $0x2  }
0x63: {  	s1 =	sadd.s32 $0x40, s1;
	v1 =	vld [tilespmem:s6+$0x5180]  }
0x64: {  	_ = 	snop  }
0x65: {  	v2 =	vld [tilespmem:s6+$0x4F80];
	_ =	sdelay $0x4  }
0x66: {  	v3 =	vpop (erf)  }
0x67: {  	[tilespmem:s0+$0x5280] =	vst v3  }
0x68: {  	v1 =	vld.idx.msk [tilespmem:v1+s17+$0x0], $0xffff  }
0x69: {  	v2 =	vld.idx.msk [tilespmem:v2+s4+$0x0], $0xffff;
	_ =	sdelay $0x4  }
0x6a: {  	v1 =	vadd.f32 v1, v2;
	_ =	sdelay $0x1  }
0x6b: {  	v2 =	vmul.f32 $2.000000030e-01, v1  }
0x6c: {  	vm0 =	vge.f32 v1, $0.0e+00  }
0x6d: {  	v1 =	vsel vm0, v1, v2  }
0x6e: {  	v1 =	vsub.f32 v1, v0;
	_ =	sdelay $0x1  }
0x6f: {  	v1 =	vmul.f32 $1.442695020e+00, v1;
	_ =	sdelay $0x1  }
0x70: {  	(erf) = vpow2.f32 v1;
	_ =	sdelay $0x7  }
0x71: {  	s1 =	simm.s32 $0x0  }
0x72: {  	v2 =	vmov s1;
	v1 =	vpop (erf)  }
0x73: {  	[tilespmem:s6+$0x5280] =	vst v1;
	v1 =	vand.u32 $0xFFFFFFF8, v2  }
0x74: {  	v1 =	vbroadcast v1, $0x0  }
0x75: {  	[spmem:s3] =	stream.indirect.scatter.add.f32 [tilespmem:s26], [sflag:$0x2], $0x1, s25, s23, $0xb8;
	[tilespmem:$0x1FE00] =	vst v63  }
0x76: {  	_ =	swait.ge [sflag:s28], $0x6800  }
0x77: {  	[sflag:s28] =	ssyncset.done $0x0  }
0x78: {  	s0 =	simm.s32 $0x5580;
	[sflag:s28] =	ssyncadd.s32 $0xFFFF9800  }
0x79: {  	v3 =	vld [tilespmem:s0+$0xFFFFFE70]  }
0x7a: {  	v1 =	vld.idx.msk [tilespmem:v1+s26+$0x0], $0xffff  }
0x7b: {  	v4 =	vld [tilespmem:s0+$0xFFFFFE00]  }
0x7c: {  	v5 =	vld [tilespmem:s0+$0xFFFFFE20]  }
0x7d: {  	v6 =	vld [tilespmem:s0+$0xFFFFFE30]  }
0x7e: {  	v2 =	vld [tilespmem:s0+$0xFFFFFE50]  }
0x7f: {  	v8 =	vld [tilespmem:s0+$0xFFFFFE10];
	v3 =	vmul.f32 v3, v1  }
0x80: {  	s1 =	simm.s32 $0x1;
	v7 =	vld [tilespmem:s0+$0xFFFFFE60];
	v4 =	vmul.f32 v4, v1  }
0x81: {  	v9 =	vld [tilespmem:s0+$0xFFFFFE40];
	v5 =	vmul.f32 v5, v1;
	[tilespmem:s0+$0xFFFFFE70] =	vst v3;
	v3 =	vmov s1  }
0x82: {  	v6 =	vmul.f32 v6, v1;
	[tilespmem:s0+$0xFFFFFE00] =	vst v4;
	v3 =	vand.u32 $0xFFFFFFF9, v3  }
0x83: {  	v2 =	vmul.f32 v2, v1;
	[tilespmem:s0+$0xFFFFFE20] =	vst v5;
	v3 =	vbroadcast v3, $0x0  }
0x84: {  	v4 =	vmul.f32 v8, v1;
	[tilespmem:s0+$0xFFFFFE30] =	vst v6  }
0x85: {  	v5 =	vmul.f32 v7, v1;
	[tilespmem:s0+$0xFFFFFE50] =	vst v2  }
0x86: {  	v1 =	vmul.f32 v9, v1;
	[tilespmem:s0+$0xFFFFFE10] =	vst v4  }
0x87: {  	[tilespmem:s0+$0xFFFFFE60] =	vst v5  }
0x88: {  	[tilespmem:s0+$0xFFFFFE40] =	vst v1  }
0x89: {  	v1 =	vld.idx.msk [tilespmem:v3+s26+$0x0], $0xffff  }
0x8a: {  	v3 =	vld [tilespmem:s0+$0xFFFFFE90]  }
0x8b: {  	v4 =	vld [tilespmem:s0+$0xFFFFFEC0]  }
0x8c: {  	v5 =	vld [tilespmem:s0+$0xFFFFFE80]  }
0x8d: {  	v6 =	vld [tilespmem:s0+$0xFFFFFED0]  }
0x8e: {  	v2 =	vld [tilespmem:s0+$0xFFFFFEF0]  }
0x8f: {  	v7 =	vld [tilespmem:s0+$0xFFFFFEE0];
	v3 =	vmul.f32 v3, v1  }
0x90: {  	s7 =	simm.s32 $0x2;
	v8 =	vld [tilespmem:s0+$0xFFFFFEB0];
	v4 =	vmul.f32 v4, v1  }
0x91: {  	v9 =	vld [tilespmem:s0+$0xFFFFFEA0];
	v5 =	vmul.f32 v5, v1;
	[tilespmem:s0+$0xFFFFFE90] =	vst v3;
	v3 =	vmov s7  }
0x92: {  	v6 =	vmul.f32 v6, v1;
	[tilespmem:s0+$0xFFFFFEC0] =	vst v4;
	v3 =	vand.u32 $0xFFFFFFFA, v3  }
0x93: {  	v2 =	vmul.f32 v2, v1;
	[tilespmem:s0+$0xFFFFFE80] =	vst v5;
	v3 =	vbroadcast v3, $0x0  }
0x94: {  	v4 =	vmul.f32 v7, v1;
	[tilespmem:s0+$0xFFFFFED0] =	vst v6  }
0x95: {  	v5 =	vmul.f32 v8, v1;
	[tilespmem:s0+$0xFFFFFEF0] =	vst v2  }
0x96: {  	v1 =	vmul.f32 v9, v1;
	[tilespmem:s0+$0xFFFFFEE0] =	vst v4  }
0x97: {  	[tilespmem:s0+$0xFFFFFEB0] =	vst v5  }
0x98: {  	v2 =	vld [tilespmem:s0+$0xFFFFFF00];
	[tilespmem:s0+$0xFFFFFEA0] =	vst v1  }
0x99: {  	v1 =	vld.idx.msk [tilespmem:v3+s26+$0x0], $0xffff  }
0x9a: {  	v3 =	vld [tilespmem:s0+$0xFFFFFF60]  }
0x9b: {  	v4 =	vld [tilespmem:s0+$0xFFFFFF10]  }
0x9c: {  	v5 =	vld [tilespmem:s0+$0xFFFFFF50]  }
0x9d: {  	v6 =	vld [tilespmem:s0+$0xFFFFFF70]  }
0x9e: {  	v7 =	vld [tilespmem:s0+$0xFFFFFF20];
	v2 =	vmul.f32 v2, v1  }
0x9f: {  	s9 =	simm.s32 $0x3;
	v8 =	vld [tilespmem:s0+$0xFFFFFF30];
	v3 =	vmul.f32 v3, v1  }
0xa0: {  	v9 =	vld [tilespmem:s0+$0xFFFFFF40];
	v4 =	vmul.f32 v4, v1;
	[tilespmem:s0+$0xFFFFFF00] =	vst v2;
	v2 =	vmov s9  }
0xa1: {  	v5 =	vmul.f32 v5, v1;
	[tilespmem:s0+$0xFFFFFF60] =	vst v3;
	v2 =	vand.u32 $0xFFFFFFFB, v2  }
0xa2: {  	v3 =	vmul.f32 v6, v1;
	[tilespmem:s0+$0xFFFFFF10] =	vst v4;
	v2 =	vbroadcast v2, $0x0  }
0xa3: {  	v4 =	vmul.f32 v7, v1;
	[tilespmem:s0+$0xFFFFFF50] =	vst v5  }
0xa4: {  	v5 =	vmul.f32 v8, v1;
	[tilespmem:s0+$0xFFFFFF70] =	vst v3  }
0xa5: {  	v1 =	vmul.f32 v9, v1;
	[tilespmem:s0+$0xFFFFFF20] =	vst v4  }
0xa6: {  	[tilespmem:s0+$0xFFFFFF30] =	vst v5  }
0xa7: {  	[tilespmem:s0+$0xFFFFFF40] =	vst v1  }
0xa8: {  	v1 =	vld.idx.msk [tilespmem:v2+s26+$0x0], $0xffff  }
0xa9: {  	v2 =	vld [tilespmem:s0+$0xFFFFFFB0]  }
0xaa: {  	v4 =	vld [tilespmem:s0+$0xFFFFFFE0]  }
0xab: {  	v5 =	vld [tilespmem:s0+$0xFFFFFF80]  }
0xac: {  	v6 =	vld [tilespmem:s0+$0xFFFFFFD0]  }
0xad: {  	v3 =	vld [tilespmem:s0+$0xFFFFFFF0]  }
0xae: {  	v8 =	vld [tilespmem:s0+$0xFFFFFFA0];
	v2 =	vmul.f32 v2, v1  }
0xaf: {  	s18 =	simm.s32 $0x4;
	v7 =	vld [tilespmem:s0+$0xFFFFFF90];
	v4 =	vmul.f32 v4, v1  }
0xb0: {  	v9 =	vld [tilespmem:s0+$0xFFFFFFC0];
	v5 =	vmul.f32 v5, v1;
	[tilespmem:s0+$0xFFFFFFB0] =	vst v2;
	v2 =	vmov s18  }
0xb1: {  	v6 =	vmul.f32 v6, v1;
	[tilespmem:s0+$0xFFFFFFE0] =	vst v4;
	v2 =	vand.u32 $0xFFFFFFFC, v2  }
0xb2: {  	v3 =	vmul.f32 v3, v1;
	[tilespmem:s0+$0xFFFFFF80] =	vst v5;
	v2 =	vbroadcast v2, $0x0  }
0xb3: {  	v10 =	vld [tilespmem:s0+$0x40];
	v4 =	vmul.f32 v8, v1;
	[tilespmem:s0+$0xFFFFFFD0] =	vst v6  }
0xb4: {  	v5 =	vmul.f32 v7, v1;
	[tilespmem:s0+$0xFFFFFFF0] =	vst v3;
	v8 =	vld [tilespmem:s0+$0x0]  }
0xb5: {  	v3 =	vmul.f32 v9, v1;
	v1 =	vld [tilespmem:s0+$0x70];
	[tilespmem:s0+$0xFFFFFFA0] =	vst v4  }
0xb6: {  	v7 =	vld [tilespmem:s0+$0x20];
	[tilespmem:s0+$0xFFFFFF90] =	vst v5  }
0xb7: {  	v6 =	vld [tilespmem:s0+$0x30];
	[tilespmem:s0+$0xFFFFFFC0] =	vst v3  }
0xb8: {  	v2 =	vld.idx.msk [tilespmem:v2+s26+$0x0], $0xffff  }
0xb9: {  	v3 =	vld [tilespmem:s0+$0x50]  }
0xba: {  	v4 =	vld [tilespmem:s0+$0x10]  }
0xbb: {  	v5 =	vld [tilespmem:s0+$0x60];
	_ =	sdelay $0x1  }
0xbc: {  	s6 =	simm.s32 $0xF;
	s1 =	simm.s32 $0x5580;
	s18 =	simm.s32 $0x7;
	v9 =	vmul.f32 v8, v2;
	v8 =	vmul.f32 v10, v2  }
.LBB2_5:
0xbd: {  	p1 =	sne.s32 s6, $0xCF;
	v7 =	vmul.f32 v7, v2;
	v6 =	vmul.f32 v6, v2;
	s7 =	sadd.s32 $0xFFFFFFFE, s18;
	s0 =	sadd.s32 $0x400, s0  }
0xbe: {  	v3 =	vmul.f32 v3, v2;
	[tilespmem:s1+$0x0] =	vst v9;
	v4 =	vmul.f32 v4, v2;
	v9 =	vmov s7;
	s7 =	smov.u32 s6;
	s6 =	sadd.s32 $0x8, s6  }
0xbf: {  	v1 =	vmul.f32 v1, v2;
	[tilespmem:s1+$0x40] =	vst v8;
	v5 =	vmul.f32 v5, v2;
	v2 =	vand.u32 $0xFFFFFFFD, v9  }
0xc0: {  	[tilespmem:s1+$0x20] =	vst v7;
	v2 =	vbroadcast v2, $0x0  }
0xc1: {  	[tilespmem:s1+$0x50] =	vst v3  }
0xc2: {  	[tilespmem:s1+$0x70] =	vst v1;
	v1 =	vld [tilespmem:s1+$0xA0]  }
0xc3: {  	[tilespmem:s1+$0x30] =	vst v6;
	v3 =	vld [tilespmem:s1+$0x80]  }
0xc4: {  	[tilespmem:s1+$0x60] =	vst v5;
	v5 =	vld [tilespmem:s1+$0xD0]  }
0xc5: {  	[tilespmem:s1+$0x10] =	vst v4;
	v4 =	vld [tilespmem:s1+$0xF0]  }
0xc6: {  	v2 =	vld.idx.msk [tilespmem:v2+s26+$0x0], $0xffff  }
0xc7: {  	v6 =	vld [tilespmem:s1+$0xC0]  }
0xc8: {  	v7 =	vld [tilespmem:s1+$0xB0]  }
0xc9: {  	v8 =	vld [tilespmem:s1+$0x90]  }
0xca: {  	v9 =	vld [tilespmem:s1+$0xE0];
	_ =	sdelay $0x1  }
0xcb: {  	v3 =	vmul.f32 v3, v2;
	v6 =	vmul.f32 v6, v2  }
0xcc: {  	s9 =	sadd.s32 $0xFFFFFFFF, s18;
	v1 =	vmul.f32 v1, v2;
	v7 =	vmul.f32 v7, v2  }
0xcd: {  	v5 =	vmul.f32 v5, v2;
	[tilespmem:s1+$0x80] =	vst v3;
	v3 =	vmul.f32 v8, v2;
	v8 =	vmov s9  }
0xce: {  	[tilespmem:s1+$0xA0] =	vst v1;
	v1 =	vmul.f32 v9, v2;
	v2 =	vmul.f32 v4, v2;
	v4 =	vand.u32 $0xFFFFFFFE, v8  }
0xcf: {  	[tilespmem:s1+$0xD0] =	vst v5;
	v4 =	vbroadcast v4, $0x0  }
0xd0: {  	[tilespmem:s1+$0xC0] =	vst v6  }
0xd1: {  	[tilespmem:s1+$0xF0] =	vst v2;
	v2 =	vld [tilespmem:s1+$0x120]  }
0xd2: {  	[tilespmem:s1+$0xB0] =	vst v7;
	v5 =	vld [tilespmem:s1+$0x100]  }
0xd3: {  	[tilespmem:s1+$0x90] =	vst v3;
	v3 =	vld [tilespmem:s1+$0x140]  }
0xd4: {  	[tilespmem:s1+$0xE0] =	vst v1;
	v1 =	vld [tilespmem:s1+$0x130]  }
0xd5: {  	v4 =	vld.idx.msk [tilespmem:v4+s26+$0x0], $0xffff  }
0xd6: {  	v6 =	vld [tilespmem:s1+$0x110]  }
0xd7: {  	v7 =	vld [tilespmem:s1+$0x160]  }
0xd8: {  	v8 =	vld [tilespmem:s1+$0x150]  }
0xd9: {  	v9 =	vld [tilespmem:s1+$0x170];
	_ =	sdelay $0x1  }
0xda: {  	v5 =	vmul.f32 v5, v4;
	v6 =	vmul.f32 v6, v4  }
0xdb: {  	v2 =	vmul.f32 v2, v4;
	v1 =	vmul.f32 v1, v4  }
0xdc: {  	v3 =	vmul.f32 v3, v4;
	[tilespmem:s1+$0x100] =	vst v5;
	v5 =	vmul.f32 v8, v4  }
0xdd: {  	[tilespmem:s1+$0x120] =	vst v2;
	v2 =	vmul.f32 v7, v4;
	v4 =	vmul.f32 v9, v4  }
0xde: {  	[tilespmem:s1+$0x130] =	vst v1  }
0xdf: {  	v1 =	vmov s18;
	s18 =	smov.u32 s7;
	[tilespmem:s1+$0x140] =	vst v3  }
0xe0: {  	[tilespmem:s1+$0x160] =	vst v2;
	v2 =	vld [tilespmem:s1+$0x180]  }
0xe1: {  	[tilespmem:s1+$0x110] =	vst v6;
	v3 =	vld [tilespmem:s1+$0x1A0]  }
0xe2: {  	[tilespmem:s1+$0x150] =	vst v5;
	v5 =	vld [tilespmem:s1+$0x1F0]  }
0xe3: {  	[tilespmem:s1+$0x170] =	vst v4;
	v4 =	vld [tilespmem:s1+$0x1D0]  }
0xe4: {  	v1 =	vld.idx.msk [tilespmem:v1+s26+$0x0], $0xffff  }
0xe5: {  	v6 =	vld [tilespmem:s1+$0x190]  }
0xe6: {  	v7 =	vld [tilespmem:s1+$0x1B0]  }
0xe7: {  	v8 =	vld [tilespmem:s1+$0x1C0]  }
0xe8: {  	v9 =	vld [tilespmem:s1+$0x1E0];
	_ =	sdelay $0x1  }
0xe9: {  	v2 =	vmul.f32 v2, v1;
	v6 =	vmul.f32 v6, v1  }
0xea: {  	s7 =	sadd.s32 $0xFFFFFFF9, s18;
	v3 =	vmul.f32 v3, v1;
	v7 =	vmul.f32 v7, v1  }
0xeb: {  	v10 =	vmov s7;
	v4 =	vmul.f32 v4, v1;
	[tilespmem:s1+$0x180] =	vst v2;
	v2 =	vmul.f32 v8, v1  }
0xec: {  	v8 =	vand.u32 $0xFFFFFFF8, v10;
	[tilespmem:s1+$0x190] =	vst v6;
	v6 =	vmul.f32 v9, v1;
	v1 =	vmul.f32 v5, v1  }
0xed: {  	v5 =	vbroadcast v8, $0x0;
	[tilespmem:s1+$0x1A0] =	vst v3  }
0xee: {  	[tilespmem:s1+$0x1F0] =	vst v1  }
0xef: {  	v1 =	vld [tilespmem:s0+$0xFFFFFE50];
	[tilespmem:s1+$0x1D0] =	vst v4  }
0xf0: {  	v3 =	vld [tilespmem:s0+$0xFFFFFE30];
	[tilespmem:s1+$0x1B0] =	vst v7  }
0xf1: {  	v4 =	vld [tilespmem:s0+$0xFFFFFE60];
	[tilespmem:s1+$0x1E0] =	vst v6  }
0xf2: {  	v6 =	vld [tilespmem:s0+$0xFFFFFE70];
	[tilespmem:s1+$0x1C0] =	vst v2;
	s1 =	smov.u32 s0  }
0xf3: {  	v2 =	vld.idx.msk [tilespmem:v5+s26+$0x0], $0xffff  }
0xf4: {  	v5 =	vld [tilespmem:s0+$0xFFFFFE00]  }
0xf5: {  	v7 =	vld [tilespmem:s0+$0xFFFFFE20]  }
0xf6: {  	v8 =	vld [tilespmem:s0+$0xFFFFFE10]  }
0xf7: {  	v9 =	vld [tilespmem:s0+$0xFFFFFE40];
	_ =	sdelay $0x1  }
0xf8: {  	v6 =	vmul.f32 v6, v2;
	v5 =	vmul.f32 v5, v2  }
0xf9: {  	s7 =	sadd.s32 $0xFFFFFFFA, s18;
	v4 =	vmul.f32 v4, v2;
	v7 =	vmul.f32 v7, v2  }
0xfa: {  	v3 =	vmul.f32 v3, v2;
	v8 =	vmul.f32 v8, v2;
	[tilespmem:s0+$0xFFFFFE70] =	vst v6;
	v6 =	vmov s7  }
0xfb: {  	v1 =	vmul.f32 v1, v2;
	[tilespmem:s0+$0xFFFFFE00] =	vst v5;
	v5 =	vmul.f32 v9, v2;
	v2 =	vand.u32 $0xFFFFFFF9, v6  }
0xfc: {  	[tilespmem:s0+$0xFFFFFE20] =	vst v7;
	v2 =	vbroadcast v2, $0x0  }
0xfd: {  	[tilespmem:s0+$0xFFFFFE30] =	vst v3  }
0xfe: {  	[tilespmem:s0+$0xFFFFFE50] =	vst v1;
	v1 =	vld [tilespmem:s0+$0xFFFFFEF0]  }
0xff: {  	[tilespmem:s0+$0xFFFFFE10] =	vst v8;
	v3 =	vld [tilespmem:s0+$0xFFFFFED0]  }
0x100: {  	[tilespmem:s0+$0xFFFFFE60] =	vst v4;
	v4 =	vld [tilespmem:s0+$0xFFFFFEB0]  }
0x101: {  	[tilespmem:s0+$0xFFFFFE40] =	vst v5;
	v5 =	vld [tilespmem:s0+$0xFFFFFEC0]  }
0x102: {  	v2 =	vld.idx.msk [tilespmem:v2+s26+$0x0], $0xffff  }
0x103: {  	v6 =	vld [tilespmem:s0+$0xFFFFFE90]  }
0x104: {  	v7 =	vld [tilespmem:s0+$0xFFFFFE80]  }
0x105: {  	v8 =	vld [tilespmem:s0+$0xFFFFFEA0]  }
0x106: {  	v9 =	vld [tilespmem:s0+$0xFFFFFEE0];
	_ =	sdelay $0x1  }
0x107: {  	v5 =	vmul.f32 v5, v2;
	v6 =	vmul.f32 v6, v2  }
0x108: {  	s7 =	sadd.s32 $0xFFFFFFFB, s18;
	v4 =	vmul.f32 v4, v2;
	v7 =	vmul.f32 v7, v2  }
0x109: {  	v3 =	vmul.f32 v3, v2;
	[tilespmem:s0+$0xFFFFFE90] =	vst v6;
	v6 =	vmul.f32 v8, v2;
	v8 =	vmov s7  }
0x10a: {  	v1 =	vmul.f32 v1, v2;
	[tilespmem:s0+$0xFFFFFEC0] =	vst v5;
	v5 =	vmul.f32 v9, v2;
	v2 =	vand.u32 $0xFFFFFFFA, v8  }
0x10b: {  	[tilespmem:s0+$0xFFFFFE80] =	vst v7;
	v2 =	vbroadcast v2, $0x0  }
0x10c: {  	[tilespmem:s0+$0xFFFFFED0] =	vst v3  }
0x10d: {  	[tilespmem:s0+$0xFFFFFEE0] =	vst v5;
	v3 =	vld [tilespmem:s0+$0xFFFFFF70]  }
0x10e: {  	[tilespmem:s0+$0xFFFFFEB0] =	vst v4;
	v4 =	vld [tilespmem:s0+$0xFFFFFF50]  }
0x10f: {  	[tilespmem:s0+$0xFFFFFEF0] =	vst v1;
	v1 =	vld [tilespmem:s0+$0xFFFFFF20]  }
0x110: {  	[tilespmem:s0+$0xFFFFFEA0] =	vst v6;
	v5 =	vld [tilespmem:s0+$0xFFFFFF60]  }
0x111: {  	v2 =	vld.idx.msk [tilespmem:v2+s26+$0x0], $0xffff  }
0x112: {  	v6 =	vld [tilespmem:s0+$0xFFFFFF00]  }
0x113: {  	v7 =	vld [tilespmem:s0+$0xFFFFFF10]  }
0x114: {  	v8 =	vld [tilespmem:s0+$0xFFFFFF40]  }
0x115: {  	v9 =	vld [tilespmem:s0+$0xFFFFFF30];
	_ =	sdelay $0x1  }
0x116: {  	v5 =	vmul.f32 v5, v2;
	v6 =	vmul.f32 v6, v2  }
0x117: {  	s7 =	sadd.s32 $0xFFFFFFFC, s18;
	v1 =	vmul.f32 v1, v2;
	v7 =	vmul.f32 v7, v2  }
0x118: {  	v4 =	vmul.f32 v4, v2;
	[tilespmem:s0+$0xFFFFFF00] =	vst v6;
	v6 =	vmul.f32 v8, v2;
	v8 =	vmov s7  }
0x119: {  	v9 =	vmul.f32 v9, v2;
	[tilespmem:s0+$0xFFFFFF60] =	vst v5;
	v2 =	vmul.f32 v3, v2;
	v3 =	vand.u32 $0xFFFFFFFB, v8  }
0x11a: {  	[tilespmem:s0+$0xFFFFFF10] =	vst v7;
	v3 =	vbroadcast v3, $0x0  }
0x11b: {  	[tilespmem:s0+$0xFFFFFF50] =	vst v4  }
0x11c: {  	[tilespmem:s0+$0xFFFFFF70] =	vst v2;
	v2 =	vld [tilespmem:s0+$0xFFFFFFF0]  }
0x11d: {  	[tilespmem:s0+$0xFFFFFF20] =	vst v1;
	v1 =	vld [tilespmem:s0+$0xFFFFFFD0]  }
0x11e: {  	[tilespmem:s0+$0xFFFFFF30] =	vst v9;
	v4 =	vld [tilespmem:s0+$0xFFFFFF90]  }
0x11f: {  	[tilespmem:s0+$0xFFFFFF40] =	vst v6;
	v5 =	vld [tilespmem:s0+$0xFFFFFFE0]  }
0x120: {  	v3 =	vld.idx.msk [tilespmem:v3+s26+$0x0], $0xffff  }
0x121: {  	v6 =	vld [tilespmem:s0+$0xFFFFFFB0]  }
0x122: {  	v7 =	vld [tilespmem:s0+$0xFFFFFF80]  }
0x123: {  	v8 =	vld [tilespmem:s0+$0xFFFFFFC0]  }
0x124: {  	v9 =	vld [tilespmem:s0+$0xFFFFFFA0];
	_ =	sdelay $0x1  }
0x125: {  	v5 =	vmul.f32 v5, v3;
	v6 =	vmul.f32 v6, v3  }
0x126: {  	s7 =	sadd.s32 $0xFFFFFFFD, s18;
	v4 =	vmul.f32 v4, v3;
	v7 =	vmul.f32 v7, v3  }
0x127: {  	v1 =	vmul.f32 v1, v3;
	[tilespmem:s0+$0xFFFFFFB0] =	vst v6;
	v6 =	vmul.f32 v8, v3;
	v8 =	vmov s7  }
0x128: {  	v2 =	vmul.f32 v2, v3;
	v9 =	vmul.f32 v9, v3;
	[tilespmem:s0+$0xFFFFFFE0] =	vst v5;
	v3 =	vand.u32 $0xFFFFFFFC, v8  }
0x129: {  	[tilespmem:s0+$0xFFFFFF80] =	vst v7;
	v5 =	vbroadcast v3, $0x0  }
0x12a: {  	[tilespmem:s0+$0xFFFFFFD0] =	vst v1  }
0x12b: {  	[tilespmem:s0+$0xFFFFFFF0] =	vst v2;
	v8 =	vld [tilespmem:s0+$0x0]  }
0x12c: {  	[tilespmem:s0+$0xFFFFFFA0] =	vst v9;
	v1 =	vld [tilespmem:s0+$0x70]  }
0x12d: {  	[tilespmem:s0+$0xFFFFFF90] =	vst v4;
	v3 =	vld [tilespmem:s0+$0x50]  }
0x12e: {  	[tilespmem:s0+$0xFFFFFFC0] =	vst v6;
	v7 =	vld [tilespmem:s0+$0x20]  }
0x12f: {  	v2 =	vld.idx.msk [tilespmem:v5+s26+$0x0], $0xffff  }
0x130: {  	v10 =	vld [tilespmem:s0+$0x40]  }
.Ltmp1:
0x131: {  	v6 =	vld [tilespmem:s0+$0x30];
	(pc) =	sbr.rel @p1 .LBB2_5-.Ltmp1, $3  }
0x132: {  	v4 =	vld [tilespmem:s0+$0x10]  }
0x133: {  	v5 =	vld [tilespmem:s0+$0x60];
	_ =	sdelay $0x1  }
0x134: {  	v9 =	vmul.f32 v8, v2;
	v8 =	vmul.f32 v10, v2  }
0x135: {  	s0 =	sadd.s32 $0xFFFFFFFE, s18  }
0x136: {  	v7 =	vmul.f32 v7, v2;
	[tilespmem:s1+$0x0] =	vst v9;
	v37 =	vmov s0  }
0x137: {  	v3 =	vmul.f32 v3, v2;
	[tilespmem:s1+$0x40] =	vst v8;
	v38 =	vand.u32 $0xFFFFFFFD, v37  }
0x138: {  	v1 =	vmul.f32 v1, v2;
	[tilespmem:s1+$0x20] =	vst v7;
	v39 =	vbroadcast v38, $0x0  }
0x139: {  	v6 =	vmul.f32 v6, v2;
	[tilespmem:s1+$0x50] =	vst v3  }
0x13a: {  	v3 =	vmul.f32 v5, v2;
	[tilespmem:s1+$0x70] =	vst v1  }
0x13b: {  	v1 =	vmul.f32 v4, v2;
	[tilespmem:s1+$0x30] =	vst v6  }
0x13c: {  	[tilespmem:s1+$0x60] =	vst v3  }
0x13d: {  	v2 =	vld [tilespmem:s1+$0x80];
	[tilespmem:s1+$0x10] =	vst v1  }
0x13e: {  	v1 =	vld.idx.msk [tilespmem:v39+s26+$0x0], $0xffff  }
0x13f: {  	v3 =	vld [tilespmem:s1+$0xA0]  }
0x140: {  	v40 =	vld [tilespmem:s1+$0xD0]  }
0x141: {  	v41 =	vld [tilespmem:s1+$0xC0]  }
0x142: {  	v42 =	vld [tilespmem:s1+$0xF0]  }
0x143: {  	v44 =	vld [tilespmem:s1+$0x90];
	v2 =	vmul.f32 v2, v1  }
0x144: {  	v43 =	vld [tilespmem:s1+$0xB0];
	s9 =	sadd.s32 $0xFFFFFFFF, s18;
	v3 =	vmul.f32 v3, v1  }
0x145: {  	v45 =	vld [tilespmem:s1+$0xE0];
	v46 =	vmov s9;
	[tilespmem:s1+$0x80] =	vst v2;
	v2 =	vmul.f32 v40, v1  }
0x146: {  	v5 =	vmul.f32 v41, v1;
	[tilespmem:s1+$0xA0] =	vst v3;
	v3 =	vand.u32 $0xFFFFFFFE, v46  }
0x147: {  	v47 =	vmul.f32 v42, v1;
	[tilespmem:s1+$0xD0] =	vst v2;
	v2 =	vbroadcast v3, $0x0  }
0x148: {  	v48 =	vmul.f32 v44, v1;
	[tilespmem:s1+$0xC0] =	vst v5  }
0x149: {  	[tilespmem:s1+$0xF0] =	vst v47;
	v3 =	vmul.f32 v43, v1  }
0x14a: {  	[tilespmem:s1+$0x90] =	vst v48;
	v1 =	vmul.f32 v45, v1  }
0x14b: {  	[tilespmem:s1+$0xB0] =	vst v3  }
0x14c: {  	v3 =	vld [tilespmem:s1+$0x100];
	[tilespmem:s1+$0xE0] =	vst v1  }
0x14d: {  	v1 =	vld.idx.msk [tilespmem:v2+s26+$0x0], $0xffff  }
0x14e: {  	v2 =	vld [tilespmem:s1+$0x120]  }
0x14f: {  	v49 =	vld [tilespmem:s1+$0x130]  }
0x150: {  	v50 =	vld [tilespmem:s1+$0x140]  }
0x151: {  	v52 =	vld [tilespmem:s1+$0x110]  }
0x152: {  	v53 =	vld [tilespmem:s1+$0x150];
	v3 =	vmul.f32 v3, v1  }
0x153: {  	v51 =	vld [tilespmem:s1+$0x160];
	v2 =	vmul.f32 v2, v1  }
0x154: {  	v54 =	vld [tilespmem:s1+$0x170];
	v4 =	vmul.f32 v49, v1;
	[tilespmem:s1+$0x100] =	vst v3  }
0x155: {  	v3 =	vmul.f32 v50, v1;
	[tilespmem:s1+$0x120] =	vst v2  }
0x156: {  	v55 =	vmul.f32 v52, v1;
	[tilespmem:s1+$0x130] =	vst v4  }
0x157: {  	v56 =	vmul.f32 v53, v1;
	[tilespmem:s1+$0x140] =	vst v3;
	v3 =	vmov s18  }
0x158: {  	v2 =	vmul.f32 v51, v1;
	[tilespmem:s1+$0x110] =	vst v55  }
0x159: {  	v1 =	vmul.f32 v54, v1;
	[tilespmem:s1+$0x150] =	vst v56  }
0x15a: {  	[tilespmem:s1+$0x160] =	vst v2  }
0x15b: {  	v2 =	vld [tilespmem:s1+$0x180];
	[tilespmem:s1+$0x170] =	vst v1  }
0x15c: {  	v1 =	vld.idx.msk [tilespmem:v3+s26+$0x0], $0xffff  }
0x15d: {  	v3 =	vld [tilespmem:s1+$0x190]  }
0x15e: {  	v57 =	vld [tilespmem:s1+$0x1A0]  }
0x15f: {  	v60 =	vld [tilespmem:s1+$0x1B0]  }
0x160: {  	v58 =	vld [tilespmem:s1+$0x1F0]  }
0x161: {  	v59 =	vld [tilespmem:s1+$0x1D0];
	v2 =	vmul.f32 v2, v1  }
0x162: {  	v61 =	vld [tilespmem:s1+$0x1E0];
	v3 =	vmul.f32 v3, v1  }
0x163: {  	v62 =	vld [tilespmem:s1+$0x1C0];
	v4 =	vmul.f32 v57, v1;
	[tilespmem:s1+$0x180] =	vst v2  }
0x164: {  	v63 =	vmul.f32 v60, v1;
	[tilespmem:s1+$0x190] =	vst v3  }
0x165: {  	v2 =	vmul.f32 v58, v1;
	[tilespmem:s1+$0x1A0] =	vst v4  }
0x166: {  	v3 =	vmul.f32 v59, v1;
	[tilespmem:s1+$0x1B0] =	vst v63  }
0x167: {  	[tilespmem:s1+$0x1F0] =	vst v2;
	v2 =	vmul.f32 v61, v1  }
0x168: {  	[tilespmem:s1+$0x1D0] =	vst v3;
	v1 =	vmul.f32 v62, v1  }
0x169: {  	[tilespmem:s1+$0x1E0] =	vst v2  }
0x16a: {  	s31 =	sadd.s32 $0x1, s31;
	[tilespmem:s1+$0x1C0] =	vst v1  }
0x16b: {  	[spmem:s2] =	stream.indirect.scatter.add.f32 [tilespmem:s24], [sflag:$0x3], $0x80, s25, s23, $0xb8;
	[tilespmem:$0x1FE00] =	vst v63  }
0x16c: {  	p1 =	sne.s32 s31, s14;
	_ =	swait.ge [sflag:s16], $0x6800  }
.Ltmp2:
0x16d: {  	[sflag:s16] =	ssyncset.done $0x0;
	(pc) =	sbr.rel @p1 .LBB2_2-.Ltmp2, $4  }
0x16e: {  	[sflag:s16] =	ssyncadd.s32 $0xFFFF9800  }
0x16f: {  	_ =	swait.ge [sflag:s29], $0xD0  }
0x170: {  	[sflag:s29] =	ssyncset.done $0x0  }
0x171: {  	[sflag:s29] =	ssyncadd.s32 $0xFFFFFF30  }
0x172: {  	[bflag:$0x0] =	sbarrier.arrive $0xFFFF;
	s0 =	sshrl.u32 @!p0 s2, $0x3  }
0x173: {  	[hbm:s12], [sflag:s19] =	dma.local @!p0 [spmem:s0], $0x27100  }
0x174: {  	s1 =	sshrl.u32 @!p0 s3, $0x3;
	s0 =	simm.s32 @!p0 $0x3  }
0x175: {  	s6 =	simm.s32 @!p0 $0x1;
	s30 =	sadd.s32 $0x1, s30;
	_ =	swait.ge @!p0 [sflag:s0], $0x27100  }
0x176: {  	s7 =	simm.s32 @!p0 $0x20;
	p1 =	sne.s32 s30, s15;
	[sflag:s0] =	ssyncset.done @!p0 $0x0  }
.Ltmp3:
0x177: {  	s9 =	simm.s32 @!p0 $0x10;
	[sflag:s0] =	ssyncadd.s32 @!p0 $0xFFFD8F00;
	(pc) =	sbr.rel @p1 .LBB2_1-.Ltmp3, $4  }
0x178: {  	[hbm:s13@s7], [sflag:s19] =	dma.strided @!p0 [spmem:s1@s9], $0x500, s6, $0x10   }
0x179: {  	_ =	swait.ge @!p0 [sflag:s0], $0x500  }
0x17a: {  	[sflag:s0] =	ssyncset.done @!p0 $0x0  }
0x17b: {  	[sflag:s0] =	ssyncadd.s32 @!p0 $0xFFFFFB00  }
0x17c: {  	_ =	sfence.sel $0x180000  }
0x17d: {  	[bflag:$0x0] =	sbarrier.arrive $0xFFFF  }
0x17e: {  	_ =	strace $0x9000004A  }
0x17f: {  	[bflag:$0x2] =	sbarrier.arrive $0xFFFF  }
0x180: {  	s0 =	rddreg [dreg:$0x5]  }
0x181: {  	s0 =	sadd.s32 @!p0 $0x100000, s0  }
0x182: {  	[sflag:s0] =	ssyncadd.tile.s32 @!p0 $0x1;
	_ =	shalt  }
.Lfunc_end2:
_tile_overlayer_lowered:
.L_overlay_start_2:
0x183: {  	(tag) =	ssettag $0x2  }
0x184: {  	s0 =	rddreg [dreg:$0x0];
	s2 =	stileid.u32  }
0x185: {  	s1 =	rddreg [dreg:$0x1];
	p0 =	sne.s32 s2, $0x0  }
0x186: {  	s3 =	rddreg [dreg:$0x2];
	[bflag:$0x3] =	sbarrier.arrive $0xFFFF;
	s2 =	simm.s32 @!p0 $0x1C03  }
0x187: {  	[timem:s3], [sflag:s2] =	dma.local @!p0 [hbm:s0], s1  }
0x188: {  	s0 =	simm.s32 @!p0 $0x3  }
0x189: {  	_ =	swait.ge @!p0 [sflag:s0], s1  }
0x18a: {  	s1 =	ssub.s32 @!p0 $0x0, s1;
	[sflag:s0] =	ssyncset.done @!p0 $0x0  }
0x18b: {  	[sflag:s0] =	ssyncadd.s32 @!p0 s1  }
0x18c: {  	[bflag:$0x3] =	sbarrier.arrive $0xFFFF  }
0x18d: {  	_ =	shalt  }

// kernel: kernel.7.cloned.1.call-start
scs
__scs_entry_jumppad:
0x0: {  	(pc) =	sbr.rel $0x88, $3  }
0x1: {  	(tag) =	ssettag $0x0;
	lr =	simm.s32 $0x1  }
0x2: {  	[smem:$0x3F93] =	sst lr;
	_ =	strace $0xD0000000  }
0x3: {  	_ = 	snop  }
0x4: {  	_ = 	snop  }
0x5: {  	_ = 	snop  }
0x6: {  	_ = 	snop  }
0x7: {  	_ = 	snop  }
__scs_overlays_trampoline_lowered:
0x8: {  	[smem:$0x3FA2] =	sst s0  }
0x9: {  	[smem:$0x3FA3] =	sst s1  }
0xa: {  	[smem:$0x3FA4] =	sst s2  }
0xb: {  	[smem:$0x3FA5] =	sst s3  }
0xc: {  	[smem:$0x3FA6] =	sst s4  }
0xd: {  	[smem:$0x3FA7] =	sst s5  }
0xe: {  	[smem:$0x3FA8] =	sst s6  }
0xf: {  	[smem:$0x3FA9] =	sst s7  }
0x10: {  	[smem:$0x3FAA] =	sst s8  }
0x11: {  	[smem:$0x3FAB] =	sst s9;
	s0 =	simm.s32 @!p0 $0x0  }
0x12: {  	s1 =	sld [smem:$0x3F91];
	s0 =	simm.s32 @p0 $0x1  }
0x13: {  	[smem:$0x3FAC] =	sst s0;
	s0 =	simm.s32 @!p1 $0x0  }
0x14: {  	s2 =	sld [smem:$0x3F90];
	s0 =	simm.s32 @p1 $0x1  }
0x15: {  	[smem:$0x3FAD] =	sst s0;
	s0 =	simm.s32 @!p2 $0x0  }
0x16: {  	s3 =	sld [smem:$0x3FDB];
	s0 =	simm.s32 @p2 $0x1  }
0x17: {  	s4 =	simm.s32 $0x1BF5;
	[smem:$0x3FAF] =	sst s0  }
0x18: {  	s0 =	sld [smem:$0x3F92];
	_ =	swait.ge [sflag:s4], $0x0  }
0x19: {  	s7 =	sld [smem:$0x3F93]  }
0x1a: {  	s8 =	sadd.s32 $0xFFFFE003, lr  }
0x1b: {  	s9 =	sadd.s32 $0xFFFFFEF7, lr;
	s5 =	simm.s32 $0xFFFFFFFF;
	p2 =	slt.u32 s8, $0xFFFFF086  }
0x1c: {  	p1 =	slt.u32 s9, $0xF7A;
	s5 =	simm.s32 @!p2 $0x0  }
0x1d: {  	s5 =	simm.s32 @p1 $0x1;
	p0 =	seq.s32 s7, s2  }
0x1e: {  	s7 =	smul.u32 @!p0 $0xF7A, s2;
	p2 =	seq.s32 @!p0 s5, $0x0  }
0x1f: {  	s9 =	smul.u32 $0xF7A, s1;
	s8 =	simm.s32 @!p0 $0x1BF5;
	p2 =	por !p2, p0  }
0x20: {  	[sflag:s8] =	ssyncset.s32 @!p0 $0xFFFFF086;
	s6 =	sadd.s32 @!p0 s3, s7;
	s7 =	simm.s32 @!p0 $0x108  }
0x21: {  	s3 =	sadd.s32 s3, s9;
	s6 =	sadd.s32 @!p0 $0x88, s6;
	s7 =	simm.s32 @p2 $0x1082  }
0x22: {  	[simem:s7], [sflag:s8] =	dma.local @!p0 [hbm:s6], $0xF7A  }
0x23: {  	s9 =	sor.u32 $0xD0000000, s2;
	s6 =	simm.s32 $0x108;
	_ =	swait.ge @!p0 [sflag:s8], $0x0  }
0x24: {  	s3 =	sadd.s32 $0x88, s3;
	s6 =	simm.s32 @!p1 $0x1082;
	[sflag:s4] =	ssyncset.s32 $0xFFFFF086  }
0x25: {  	[simem:s6], [sflag:s4] =	dma.local [hbm:s3], $0xF7A  }
0x26: {  	[smem:$0x3F93] =	sst s1;
	(tag) =	ssettag s2;
	_ =	strace s9  }
0x27: {  	s1 =	sld [smem:$0x3FA3]  }
0x28: {  	s2 =	sld [smem:$0x3FA4]  }
0x29: {  	s4 =	sld [smem:$0x3FA6]  }
0x2a: {  	p0 =	seq.s32 s5, $0x0;
	s5 =	sld [smem:$0x3FA7]  }
0x2b: {  	s6 =	sld [smem:$0x3FA8]  }
0x2c: {  	s7 =	sld [smem:$0x3FA9]  }
0x2d: {  	s3 =	simm.s32 $0x108;
	s8 =	sld [smem:$0x3FAA]  }
0x2e: {  	s3 =	simm.s32 @!p0 $0x1082;
	s9 =	sld [smem:$0x3FAB]  }
0x2f: {  	lr =	sadd.s32 s0, s3;
	s0 =	sld [smem:$0x3FA2]  }
0x30: {  	s3 =	sld [smem:$0x3FA5]  }
0x31: {  	[smem:$0x3FAE] =	sst s10  }
0x32: {  	s10 =	sld [smem:$0x3FAC];
	_ =	sdelay $0x3  }
0x33: {  	p0 =	seq.s32 s10, $0x1;
	s10 =	sld [smem:$0x3FAE];
	_ =	sdelay $0x3  }
0x34: {  	[smem:$0x3FAE] =	sst s10  }
0x35: {  	s10 =	sld [smem:$0x3FAD];
	_ =	sdelay $0x3  }
0x36: {  	p1 =	seq.s32 s10, $0x1;
	s10 =	sld [smem:$0x3FAE];
	_ =	sdelay $0x3  }
0x37: {  	[smem:$0x3FAE] =	sst s10  }
0x38: {  	s10 =	sld [smem:$0x3FAF]  }
0x39: {  	_ = 	snop;
	(pc) =	sbr.ind lr, $3  }
0x3a: {  	_ = 	snop  }
0x3b: {  	_ = 	snop  }
0x3c: {  	p2 =	seq.s32 s10, $0x1;
	s10 =	sld [smem:$0x3FAE]  }
0x3d: {  	_ =	shalt  }
0x3e: {  	_ =	shalt  }
0x3f: {  	_ =	shalt  }
0x40: {  	_ =	shalt  }
0x41: {  	_ =	shalt  }
0x42: {  	_ =	shalt  }
0x43: {  	_ =	shalt  }
0x44: {  	_ =	shalt  }
0x45: {  	_ =	shalt  }
0x46: {  	_ =	shalt  }
0x47: {  	_ =	shalt  }
0x48: {  	_ =	shalt  }
0x49: {  	_ =	shalt  }
0x4a: {  	_ =	shalt  }
0x4b: {  	_ =	shalt  }
0x4c: {  	_ =	shalt  }
0x4d: {  	_ =	shalt  }
0x4e: {  	_ =	shalt  }
0x4f: {  	_ =	shalt  }
0x50: {  	_ =	shalt  }
0x51: {  	_ =	shalt  }
0x52: {  	_ =	shalt  }
0x53: {  	_ =	shalt  }
0x54: {  	_ =	shalt  }
0x55: {  	_ =	shalt  }
0x56: {  	_ =	shalt  }
0x57: {  	_ =	shalt  }
0x58: {  	_ =	shalt  }
0x59: {  	_ =	shalt  }
0x5a: {  	_ =	shalt  }
0x5b: {  	_ =	shalt  }
0x5c: {  	_ =	shalt  }
0x5d: {  	_ =	shalt  }
0x5e: {  	_ =	shalt  }
0x5f: {  	_ =	shalt  }
0x60: {  	_ =	shalt  }
0x61: {  	_ =	shalt  }
0x62: {  	_ =	shalt  }
0x63: {  	_ =	shalt  }
0x64: {  	_ =	shalt  }
0x65: {  	_ =	shalt  }
0x66: {  	_ =	shalt  }
0x67: {  	_ =	shalt  }
0x68: {  	_ =	shalt  }
0x69: {  	_ =	shalt  }
0x6a: {  	_ =	shalt  }
0x6b: {  	_ =	shalt  }
0x6c: {  	_ =	shalt  }
0x6d: {  	_ =	shalt  }
0x6e: {  	_ =	shalt  }
0x6f: {  	_ =	shalt  }
0x70: {  	_ =	shalt  }
0x71: {  	_ =	shalt  }
0x72: {  	_ =	shalt  }
0x73: {  	_ =	shalt  }
0x74: {  	_ =	shalt  }
0x75: {  	_ =	shalt  }
0x76: {  	_ =	shalt  }
0x77: {  	_ =	shalt  }
0x78: {  	_ =	shalt  }
0x79: {  	_ =	shalt  }
0x7a: {  	_ =	shalt  }
0x7b: {  	_ =	shalt  }
0x7c: {  	_ =	shalt  }
0x7d: {  	_ =	shalt  }
0x7e: {  	_ =	shalt  }
0x7f: {  	_ =	shalt  }
0x80: {  	_ =	shalt  }
0x81: {  	_ =	shalt  }
0x82: {  	_ =	shalt  }
0x83: {  	_ =	shalt  }
0x84: {  	_ =	shalt  }
0x85: {  	_ =	shalt  }
0x86: {  	_ =	shalt  }
0x87: {  	_ =	shalt  }
.Lfunc_end0:
.L_simem_size_0:
called_computation_lowered:
.L_overlay_start_0:
0x88: {  	s2 =	sld [smem:$0x3FD9]  }
0x89: {  	s3 =	sld [smem:$0x3FFE];
	_ =	sdelay $0x1  }
0x8a: {  	s1 =	srdreg.scid  }
0x8b: {  	s0 =	sand.u32 $0x1, s1  }
0x8c: {  	s14 =	sshll.u32 s0, $0xA;
	s2 =	sadd.s32 s3, s2  }
0x8d: {  	s2 =	sadd.s32 s2, s14  }
0x8e: {  	[smem:$0x3FBA] =	sst s2  }
0x8f: {  	_ = 	snop  }
0x90: {  	s2 =	sld [smem:$0x3FD0];
	_ =	sdelay $0x2  }
0x91: {  	s15 =	simm.s32 $0xA;
	s4 =	simm.s32 $0x10  }
0x92: {  	[smem:s4], [sflag:s15] =	dma.local [hbm:s2], $0x1  }
0x93: {  	_ =	swait.eq [sflag:s15], $0x1  }
0x94: {  	[sflag:s15] =	ssyncset.done $0x0  }
0x95: {  	s16 =	sld [smem:$0x10];
	[sflag:s15] =	ssyncadd.s32 $0xFFFFFFFF  }
0x96: {  	s17 =	sld [smem:$0x11];
	(tm) =	ssettm $0x1  }
0x97: {  	s18 =	sld [smem:$0x3FFB];
	_ =	sdelay $0x3  }
0x98: {  	_ =	strace s18  }
0x99: {  	s4 =	sld [smem:$0x3FFC];
	_ =	sdelay $0x3  }
0x9a: {  	_ =	strace s4  }
0x9b: {  	s4 =	sld [smem:$0x3FFD];
	_ =	sdelay $0x3  }
0x9c: {  	_ =	strace s4  }
0x9d: {  	_ =	strace $0x8FFFFFFF  }
0x9e: {  	s19 =	sld [smem:$0x3FDB];
	_ =	sdelay $0x1  }
0x9f: {  	s5 =	simm.s32 $_scs_section_size  }
0xa0: {  	s6 =	simm.s32 $_size__tile_overlayer_lowered;
	s7 =	simm.s32 $_tile_overlayer_lowered  }
0xa1: {  	s22 =	simm.s32 $0x1BFF;
	s21 =	sshll.u32 s7, $0x1;
	s4 =	sadd.s32 s5, s19  }
0xa2: {  	s8 =	simm.s32 $0x0;
	s20 =	sshll.u32 s6, $0x1;
	s6 =	sadd.s32 s21, s4  }
0xa3: {  	[timem:s8], [sflag:s22] =	dma.local [hbm:s6], s20  }
0xa4: {  	_ =	swait.ge [sflag:s22], s20  }
0xa5: {  	s5 =	ssub.s32 $0x0, s20;
	[sflag:s22] =	ssyncset.done $0x0  }
0xa6: {  	[sflag:s22] =	ssyncadd.s32 s5;
	_ =	sdelay $0x1  }
0xa7: {  	s23 =	simm.s32 $0x1B8B  }
0xa8: {  	_ =	swait.ge [sflag:s23], $0x1  }
0xa9: {  	[sflag:s23] =	ssyncset.done $0x0  }
0xaa: {  	s25 =	simm.s32 $0x1B8E;
	s24 =	sld [smem:$0x3FFE];
	[sflag:s23] =	ssyncadd.s32 $0xFFFFFFFF  }
0xab: {  	s26 =	simm.s32 $execute0_lowered;
	[smem:$0x3FD2] =	sst s25  }
0xac: {  	s6 =	sshll.u32 s26, $0x1;
	_ =	strace $0x80000046;
	[dreg:$0x1] =	wrdreg $0xFFFFFFFF  }
0xad: {  	s28 =	simm.s32 $_size_execute0_lowered;
	s4 =	sadd.s32 s4, s6;
	[dreg:$0x0] =	wrdreg $0x0  }
0xae: {  	s6 =	sshll.u32 s28, $0x1;
	[dreg:$0x2] =	wrdreg s4  }
0xaf: {  	[dreg:$0x3] =	wrdreg s6  }
0xb0: {  	[dreg:$0x4] =	wrdreg $0xC0  }
0xb1: {  	_ =	task [dreg:s8], $0x5FFFF  }
0xb2: {  	[dreg:$0x1] =	wrdreg $0xFFFFFFFF  }
0xb3: {  	[dreg:$0x0] =	wrdreg $0x60  }
0xb4: {  	[dreg:$0x2] =	wrdreg s24  }
0xb5: {  	[dreg:$0x3] =	wrdreg s17  }
0xb6: {  	[dreg:$0x4] =	wrdreg s16  }
0xb7: {  	[dreg:$0x5] =	wrdreg $0xBB800  }
0xb8: {  	[dreg:$0x6] =	wrdreg $0x1FB800  }
0xb9: {  	[dreg:$0x7] =	wrdreg $0x9  }
0xba: {  	_ =	task.clear_ibuf [dreg:s8], $0x8FFFF;
	_ =	strace $0x90000046  }
0xbb: {  	s29 =	simm.s32 $0x9;
	_ =	strace $0x80000048  }
0xbc: {  	_ =	swait.ge [sflag:s29], $0x1  }
0xbd: {  	[sflag:s29] =	ssyncadd.s32 $0xFFFFFFFF  }
0xbe: {  	_ =	strace $0x90000048  }
0xbf: {  	_ =	sfence  }
0xc0: {  	s30 =	sld [smem:$0x0];
	_ =	sdelay $0x2  }
0xc1: {  	s31 =	sshll.u32 s1, $0xD;
	s1 =	sshrl.u32 s1, $0x2  }
0xc2: {  	s3 =	sand.u32 $0x4000, s31;
	s1 =	sadd.s32 s1, s30  }
0xc3: {  	s0 =	sor.u32 s3, s0;
	s1 =	sshll.u32 s1, $0x11  }
0xc4: {  	s0 =	sor.u32 s1, s0  }
0xc5: {  	s0 =	sadd.s32 $0x8F2B, s0  }
0xc6: {  	[sflag:s0] =	ssyncadd.remote.s32 $0x1  }
0xc7: {  	_ =	sfence.sel $0xFFFF  }
0xc8: {  	[dreg:$0x0] =	wrdreg $0xFFFFFFFF;
	(pc) =	sbr.abs _section_cstart, $3  }
0xc9: {  	[dreg:$0x1] =	wrdreg $0xFFFFFFFF  }
0xca: {  	_ =	task.clear_ibuf [dreg:s8], $0x2FFFF;
	_ =	strace $0x9FFFFFFF  }
0xcb: {  	(tm) =	ssettm $0x7FFFFFFF  }
tec
execute0_lowered:
.L_overlay_start_1:
0x0: {  	(tag) =	ssettag $0x1  }
0x1: {  	s0 =	rddreg [dreg:$0x0]  }
0x2: {  	s1 =	rddreg [dreg:$0x2]  }
0x3: {  	s2 =	rddreg [dreg:$0x3]  }
0x4: {  	s3 =	rddreg [dreg:$0x4]  }
0x5: {  	s4 =	simm.s32 $0x0;
	s6 =	srdreg.scid;
	s18 =	stileid.u32  }
0x6: {  	s16 =	simm.s32 $0x3;
	s17 =	simm.s32 $0x2780;
	s28 =	simm.s32 $0x1  }
0x7: {  	s29 =	simm.s32 $0x2;
	s30 =	simm.s32 $0x0;
	[smem:$0x7FF] =	sst s4  }
0x8: {  	s5 =	sadd.s32 $0x4600, s0;
	s7 =	sadd.s32 $0x3F200, s0;
	s6 =	sand.u32 $0x1, s6  }
0x9: {  	s21 =	sadd.s32 $0x3F800, s0;
	s8 =	sadd.s32 $0x18000, s0;
	s12 =	smul.u32 $0x50000, s18  }
0xa: {  	s9 =	sadd.s32 $0x3FA00, s0;
	s14 =	smul.u32 $0xA00, s18;
	s10 =	sadd.s32 $0x42200, s0  }
0xb: {  	s31 =	sshll.u32 s18, $0x6;
	_ =	strace $0x80000047;
	[dreg:$0x6] =	wrdreg s7  }
0xc: {  	p0 =	sne.s32 s18, $0x0;
	[dreg:$0x7] =	wrdreg s21;
	s22 =	smul.u32 $0x27100, s6  }
0xd: {  	s11 =	ssub.s32 $0x2, s6;
	[dreg:$0x8] =	wrdreg s9;
	s6 =	sshll.u32 s6, $0x4  }
0xe: {  	s19 =	sor.u32 $0x1C03, s31;
	s13 =	sshrl.u32 s11, $0x1;
	s24 =	sshrl.u32 s12, $0x2  }
0xf: {  	s25 =	sshrl.u32 s14, $0x2;
	s0 =	sadd.s32 s22, s0;
	s23 =	ssub.s32 s11, s13  }
0x10: {  	s20 =	sadd.s32 s24, s2;
	s21 =	sadd.s32 s25, s3;
	s11 =	sor.u32 s6, s18  }
0x11: {  	s13 =	sadd.s32 s1, s6;
	s22 =	simm.s32 $0x4F80;
	s24 =	simm.s32 $0x5380  }
0x12: {  	s25 =	simm.s32 $0x5180;
	s12 =	sadd.s32 $0x42400, s0;
	s26 =	ssub.s32 $0x623, s11  }
0x13: {  	s15 =	smax.u32 s23, $0x1;
	s20 =	sshrl.u32 s20, $0x3;
	s21 =	sshrl.u32 s21, $0x3  }
0x14: {  	s23 =	simm.s32 $0xD0;
	s14 =	sshrl.u32 s26, $0x5;
	s26 =	simm.s32 $0x5280  }
.LBB2_1:
0x15: {  	s0 =	rddreg [dreg:$0x1]  }
0x16: {  	[tilespmem:s4], [sflag:$0x3] =	stream.linear.gather [hbm4b:s0+s4], $0x2780, $0x38;
	[tilespmem:$0x1FE00] =	vst v63  }
0x17: {  	_ =	swait.ge [sflag:s16], $0x2780  }
0x18: {  	[sflag:s16] =	ssyncset.done $0x0  }
0x19: {  	s7 =	rddreg [dreg:$0x6];
	[sflag:s16] =	ssyncadd.s32 $0xFFFFD880  }
0x1a: {  	[tilespmem:s17], [sflag:$0x3] =	stream.linear.gather [hbm4b:s7+s4], $0x2780, $0x38;
	[tilespmem:$0x1FE00] =	vst v63  }
0x1b: {  	_ =	swait.ge [sflag:s16], $0x2780  }
0x1c: {  	[sflag:s16] =	ssyncset.done $0x0  }
0x1d: {  	s1 =	simm.s32 $0x4F00;
	s9 =	rddreg [dreg:$0x7];
	[sflag:s16] =	ssyncadd.s32 $0xFFFFD880  }
0x1e: {  	[tilespmem:s1], [sflag:$0x3] =	stream.linear.gather [hbm4b:s9+s4], $0x80, $0x38;
	[tilespmem:$0x1FE00] =	vst v63  }
0x1f: {  	_ =	swait.ge [sflag:s16], $0x80  }
0x20: {  	[sflag:s16] =	ssyncset.done $0x0  }
0x21: {  	s18 =	rddreg [dreg:$0x8];
	[sflag:s16] =	ssyncadd.s32 $0xFFFFFF80  }
0x22: {  	[spmem:s20], [sflag:s19] =	dma.local [hbm:s18], $0x2800  }
0x23: {  	_ =	swait.ge [sflag:s16], $0x2800  }
0x24: {  	[sflag:s16] =	ssyncset.done $0x0  }
0x25: {  	[sflag:s16] =	ssyncadd.s32 $0xFFFFD800  }
0x26: {  	[spmem:s21], [sflag:s19] =	dma.local [hbm:s10], $0x50  }
0x27: {  	_ =	swait.ge [sflag:s16], $0x50  }
0x28: {  	[sflag:s16] =	ssyncset.done $0x0  }
0x29: {  	[sflag:s16] =	ssyncadd.s32 $0xFFFFFFB0  }
0x2a: {  	[bflag:$0x0] =	sbarrier.arrive $0xFFFF  }
0x2b: {  	s31 =	simm.s32 $0x0;
	v0 =	vld [tilespmem:$0x4F00]  }
.LBB2_2:
0x2c: {  	s0 =	sshll.u32 s31, $0x5  }
0x2d: {  	s0 =	sor.u32 s11, s0  }
0x2e: {  	s0 =	smul.u32 $0x1A0, s0;
	_ =	sdelay $0x1  }
0x2f: {  	s0 =	sshrl.u32 s0, $0x3  }
0x30: {  	s1 =	simm.s32 $0x0;
	s0 =	sadd.s32 s5, s0  }
0x31: {  	[tilespmem:s22], [sflag:$0x3] =	stream.linear.gather [hbm4b:s0+s1], $0x1A0, $0x38;
	[tilespmem:$0x1FE00] =	vst v63  }
0x32: {  	_ =	swait.ge [sflag:s16], $0x1A0  }
0x33: {  	[sflag:s16] =	ssyncset.done $0x0  }
0x34: {  	[sflag:s16] =	ssyncadd.s32 $0xFFFFFE60  }
0x35: {  	v1 =	vld [tilespmem:$0x5050]  }
0x36: {  	v2 =	vld [tilespmem:$0x5060]  }
0x37: {  	v3 =	vld [tilespmem:$0x5070]  }
0x38: {  	v4 =	vld [tilespmem:$0x5080]  }
0x39: {  	v5 =	vld [tilespmem:$0x5090]  }
0x3a: {  	[tilespmem:$0x5180] =	vst v1;
	v1 =	vld [tilespmem:$0x50A0]  }
0x3b: {  	[tilespmem:$0x5190] =	vst v2;
	v2 =	vld [tilespmem:$0x50B0]  }
0x3c: {  	[tilespmem:$0x51A0] =	vst v3;
	v3 =	vld [tilespmem:$0x50C0]  }
0x3d: {  	v62 =	vld [tilespmem:$0x50D0];
	[tilespmem:$0x51B0] =	vst v4  }
0x3e: {  	v63 =	vld [tilespmem:$0x50E0];
	[tilespmem:$0x51C0] =	vst v5  }
0x3f: {  	[tilespmem:$0x51D0] =	vst v1;
	v1 =	vld [tilespmem:$0x50F0]  }
0x40: {  	[tilespmem:$0x51E0] =	vst v2;
	v2 =	vld [tilespmem:$0x5100]  }
0x41: {  	[tilespmem:$0x51F0] =	vst v3;
	v3 =	vld [tilespmem:$0x5110]  }
0x42: {  	[tilespmem:$0x5200] =	vst v62  }
0x43: {  	[tilespmem:$0x5210] =	vst v63  }
0x44: {  	[tilespmem:$0x5220] =	vst v1  }
0x45: {  	[tilespmem:$0x5230] =	vst v2  }
0x46: {  	s0 =	simm.s32 $0x0;
	[tilespmem:$0x5240] =	vst v3  }
0x47: {  	[tilespmem:s24], [sflag:$0x1] =	stream.indirect.gather [hbm4b:s8+s23], $0x80, s22, s23, $0xb8;
	[tilespmem:$0x1FE00] =	vst v63  }
0x48: {  	v1 =	vld [tilespmem:s0+$0x5180]  }
0x49: {  	v2 =	vld [tilespmem:s0+$0x4F80];
	_ =	sdelay $0x6  }
0x4a: {  	v1 =	vld.idx.msk [tilespmem:v1+s17+$0x0], $0xffff  }
0x4b: {  	v2 =	vld.idx.msk [tilespmem:v2+s4+$0x0], $0xffff;
	_ =	sdelay $0x4  }
0x4c: {  	v1 =	vadd.f32 v1, v2;
	_ =	sdelay $0x1  }
0x4d: {  	v2 =	vmul.f32 $2.000000030e-01, v1  }
0x4e: {  	vm0 =	vge.f32 v1, $0.0e+00  }
0x4f: {  	v1 =	vsel vm0, v1, v2  }
0x50: {  	v1 =	vsub.f32 v1, v0;
	_ =	sdelay $0x1  }
0x51: {  	v1 =	vmul.f32 $1.442695020e+00, v1;
	_ =	sdelay $0x1  }
0x52: {  	(erf) = vpow2.f32 v1;
	_ =	sdelay $0x1  }
0x53: {  	s6 =	simm.s32 $0x10  }
0x54: {  	s1 =	simm.s32 $0x80;
	v1 =	vld [tilespmem:s6+$0x5180]  }
.LBB2_3:
0x55: {  	p1 =	sne.s32 s1, $0x300;
	v2 =	vld [tilespmem:s6+$0x4F80];
	_ =	sdelay $0x4  }
0x56: {  	v3 =	vpop (erf)  }
0x57: {  	[tilespmem:s0+$0x5280] =	vst v3;
	s0 =	smov.u32 s6  }
0x58: {  	v1 =	vld.idx.msk [tilespmem:v1+s17+$0x0], $0xffff  }
0x59: {  	v2 =	vld.idx.msk [tilespmem:v2+s4+$0x0], $0xffff;
	_ =	sdelay $0x5  }
0x5a: {  	v1 =	vadd.f32 v1, v2;
	_ =	sdelay $0x1  }
0x5b: {  	v2 =	vmul.f32 $2.000000030e-01, v1  }
0x5c: {  	vm0 =	vge.f32 v1, $0.0e+00  }
0x5d: {  	v1 =	vsel vm0, v1, v2  }
0x5e: {  	v1 =	vsub.f32 v1, v0;
	_ =	sdelay $0x1  }
0x5f: {  	v1 =	vmul.f32 $1.442695020e+00, v1  }
.Ltmp0:
0x60: {  	(pc) =	sbr.rel @p1 .LBB2_3-.Ltmp0, $3  }
0x61: {  	(erf) = vpow2.f32 v1;
	_ =	sdelay $0x1  }
0x62: {  	s6 =	sshra.s32 s1, $0x2  }
0x63: {  	s1 =	sadd.s32 $0x40, s1;
	v1 =	vld [tilespmem:s6+$0x5180]  }
0x64: {  	_ = 	snop  }
0x65: {  	v2 =	vld [tilespmem:s6+$0x4F80];
	_ =	sdelay $0x4  }
0x66: {  	v3 =	vpop (erf)  }
0x67: {  	[tilespmem:s0+$0x5280] =	vst v3  }
0x68: {  	v1 =	vld.idx.msk [tilespmem:v1+s17+$0x0], $0xffff  }
0x69: {  	v2 =	vld.idx.msk [tilespmem:v2+s4+$0x0], $0xffff;
	_ =	sdelay $0x4  }
0x6a: {  	v1 =	vadd.f32 v1, v2;
	_ =	sdelay $0x1  }
0x6b: {  	v2 =	vmul.f32 $2.000000030e-01, v1  }
0x6c: {  	vm0 =	vge.f32 v1, $0.0e+00  }
0x6d: {  	v1 =	vsel vm0, v1, v2  }
0x6e: {  	v1 =	vsub.f32 v1, v0;
	_ =	sdelay $0x1  }
0x6f: {  	v1 =	vmul.f32 $1.442695020e+00, v1;
	_ =	sdelay $0x1  }
0x70: {  	(erf) = vpow2.f32 v1;
	_ =	sdelay $0x7  }
0x71: {  	s1 =	simm.s32 $0x0  }
0x72: {  	v2 =	vmov s1;
	v1 =	vpop (erf)  }
0x73: {  	[tilespmem:s6+$0x5280] =	vst v1;
	v1 =	vand.u32 $0xFFFFFFF8, v2  }
0x74: {  	v1 =	vbroadcast v1, $0x0  }
0x75: {  	[spmem:s3] =	stream.indirect.scatter.add.f32 [tilespmem:s26], [sflag:$0x2], $0x1, s25, s23, $0xb8;
	[tilespmem:$0x1FE00] =	vst v63  }
0x76: {  	_ =	swait.ge [sflag:s28], $0x6800  }
0x77: {  	[sflag:s28] =	ssyncset.done $0x0  }
0x78: {  	s0 =	simm.s32 $0x5580;
	[sflag:s28] =	ssyncadd.s32 $0xFFFF9800  }
0x79: {  	v3 =	vld [tilespmem:s0+$0xFFFFFE70]  }
0x7a: {  	v1 =	vld.idx.msk [tilespmem:v1+s26+$0x0], $0xffff  }
0x7b: {  	v4 =	vld [tilespmem:s0+$0xFFFFFE00]  }
0x7c: {  	v5 =	vld [tilespmem:s0+$0xFFFFFE20]  }
0x7d: {  	v6 =	vld [tilespmem:s0+$0xFFFFFE30]  }
0x7e: {  	v2 =	vld [tilespmem:s0+$0xFFFFFE50]  }
0x7f: {  	v8 =	vld [tilespmem:s0+$0xFFFFFE10];
	v3 =	vmul.f32 v3, v1  }
0x80: {  	s1 =	simm.s32 $0x1;
	v7 =	vld [tilespmem:s0+$0xFFFFFE60];
	v4 =	vmul.f32 v4, v1  }
0x81: {  	v9 =	vld [tilespmem:s0+$0xFFFFFE40];
	v5 =	vmul.f32 v5, v1;
	[tilespmem:s0+$0xFFFFFE70] =	vst v3;
	v3 =	vmov s1  }
0x82: {  	v6 =	vmul.f32 v6, v1;
	[tilespmem:s0+$0xFFFFFE00] =	vst v4;
	v3 =	vand.u32 $0xFFFFFFF9, v3  }
0x83: {  	v2 =	vmul.f32 v2, v1;
	[tilespmem:s0+$0xFFFFFE20] =	vst v5;
	v3 =	vbroadcast v3, $0x0  }
0x84: {  	v4 =	vmul.f32 v8, v1;
	[tilespmem:s0+$0xFFFFFE30] =	vst v6  }
0x85: {  	v5 =	vmul.f32 v7, v1;
	[tilespmem:s0+$0xFFFFFE50] =	vst v2  }
0x86: {  	v1 =	vmul.f32 v9, v1;
	[tilespmem:s0+$0xFFFFFE10] =	vst v4  }
0x87: {  	[tilespmem:s0+$0xFFFFFE60] =	vst v5  }
0x88: {  	[tilespmem:s0+$0xFFFFFE40] =	vst v1  }
0x89: {  	v1 =	vld.idx.msk [tilespmem:v3+s26+$0x0], $0xffff  }
0x8a: {  	v3 =	vld [tilespmem:s0+$0xFFFFFE90]  }
0x8b: {  	v4 =	vld [tilespmem:s0+$0xFFFFFEC0]  }
0x8c: {  	v5 =	vld [tilespmem:s0+$0xFFFFFE80]  }
0x8d: {  	v6 =	vld [tilespmem:s0+$0xFFFFFED0]  }
0x8e: {  	v2 =	vld [tilespmem:s0+$0xFFFFFEF0]  }
0x8f: {  	v7 =	vld [tilespmem:s0+$0xFFFFFEE0];
	v3 =	vmul.f32 v3, v1  }
0x90: {  	s7 =	simm.s32 $0x2;
	v8 =	vld [tilespmem:s0+$0xFFFFFEB0];
	v4 =	vmul.f32 v4, v1  }
0x91: {  	v9 =	vld [tilespmem:s0+$0xFFFFFEA0];
	v5 =	vmul.f32 v5, v1;
	[tilespmem:s0+$0xFFFFFE90] =	vst v3;
	v3 =	vmov s7  }
0x92: {  	v6 =	vmul.f32 v6, v1;
	[tilespmem:s0+$0xFFFFFEC0] =	vst v4;
	v3 =	vand.u32 $0xFFFFFFFA, v3  }
0x93: {  	v2 =	vmul.f32 v2, v1;
	[tilespmem:s0+$0xFFFFFE80] =	vst v5;
	v3 =	vbroadcast v3, $0x0  }
0x94: {  	v4 =	vmul.f32 v7, v1;
	[tilespmem:s0+$0xFFFFFED0] =	vst v6  }
0x95: {  	v5 =	vmul.f32 v8, v1;
	[tilespmem:s0+$0xFFFFFEF0] =	vst v2  }
0x96: {  	v1 =	vmul.f32 v9, v1;
	[tilespmem:s0+$0xFFFFFEE0] =	vst v4  }
0x97: {  	[tilespmem:s0+$0xFFFFFEB0] =	vst v5  }
0x98: {  	v2 =	vld [tilespmem:s0+$0xFFFFFF00];
	[tilespmem:s0+$0xFFFFFEA0] =	vst v1  }
0x99: {  	v1 =	vld.idx.msk [tilespmem:v3+s26+$0x0], $0xffff  }
0x9a: {  	v3 =	vld [tilespmem:s0+$0xFFFFFF60]  }
0x9b: {  	v4 =	vld [tilespmem:s0+$0xFFFFFF10]  }
0x9c: {  	v5 =	vld [tilespmem:s0+$0xFFFFFF50]  }
0x9d: {  	v6 =	vld [tilespmem:s0+$0xFFFFFF70]  }
0x9e: {  	v7 =	vld [tilespmem:s0+$0xFFFFFF20];
	v2 =	vmul.f32 v2, v1  }
0x9f: {  	s9 =	simm.s32 $0x3;
	v8 =	vld [tilespmem:s0+$0xFFFFFF30];
	v3 =	vmul.f32 v3, v1  }
0xa0: {  	v9 =	vld [tilespmem:s0+$0xFFFFFF40];
	v4 =	vmul.f32 v4, v1;
	[tilespmem:s0+$0xFFFFFF00] =	vst v2;
	v2 =	vmov s9  }
0xa1: {  	v5 =	vmul.f32 v5, v1;
	[tilespmem:s0+$0xFFFFFF60] =	vst v3;
	v2 =	vand.u32 $0xFFFFFFFB, v2  }
0xa2: {  	v3 =	vmul.f32 v6, v1;
	[tilespmem:s0+$0xFFFFFF10] =	vst v4;
	v2 =	vbroadcast v2, $0x0  }
0xa3: {  	v4 =	vmul.f32 v7, v1;
	[tilespmem:s0+$0xFFFFFF50] =	vst v5  }
0xa4: {  	v5 =	vmul.f32 v8, v1;
	[tilespmem:s0+$0xFFFFFF70] =	vst v3  }
0xa5: {  	v1 =	vmul.f32 v9, v1;
	[tilespmem:s0+$0xFFFFFF20] =	vst v4  }
0xa6: {  	[tilespmem:s0+$0xFFFFFF30] =	vst v5  }
0xa7: {  	[tilespmem:s0+$0xFFFFFF40] =	vst v1  }
0xa8: {  	v1 =	vld.idx.msk [tilespmem:v2+s26+$0x0], $0xffff  }
0xa9: {  	v2 =	vld [tilespmem:s0+$0xFFFFFFB0]  }
0xaa: {  	v4 =	vld [tilespmem:s0+$0xFFFFFFE0]  }
0xab: {  	v5 =	vld [tilespmem:s0+$0xFFFFFF80]  }
0xac: {  	v6 =	vld [tilespmem:s0+$0xFFFFFFD0]  }
0xad: {  	v3 =	vld [tilespmem:s0+$0xFFFFFFF0]  }
0xae: {  	v8 =	vld [tilespmem:s0+$0xFFFFFFA0];
	v2 =	vmul.f32 v2, v1  }
0xaf: {  	s18 =	simm.s32 $0x4;
	v7 =	vld [tilespmem:s0+$0xFFFFFF90];
	v4 =	vmul.f32 v4, v1  }
0xb0: {  	v9 =	vld [tilespmem:s0+$0xFFFFFFC0];
	v5 =	vmul.f32 v5, v1;
	[tilespmem:s0+$0xFFFFFFB0] =	vst v2;
	v2 =	vmov s18  }
0xb1: {  	v6 =	vmul.f32 v6, v1;
	[tilespmem:s0+$0xFFFFFFE0] =	vst v4;
	v2 =	vand.u32 $0xFFFFFFFC, v2  }
0xb2: {  	v3 =	vmul.f32 v3, v1;
	[tilespmem:s0+$0xFFFFFF80] =	vst v5;
	v2 =	vbroadcast v2, $0x0  }
0xb3: {  	v10 =	vld [tilespmem:s0+$0x40];
	v4 =	vmul.f32 v8, v1;
	[tilespmem:s0+$0xFFFFFFD0] =	vst v6  }
0xb4: {  	v5 =	vmul.f32 v7, v1;
	[tilespmem:s0+$0xFFFFFFF0] =	vst v3;
	v8 =	vld [tilespmem:s0+$0x0]  }
0xb5: {  	v3 =	vmul.f32 v9, v1;
	v1 =	vld [tilespmem:s0+$0x70];
	[tilespmem:s0+$0xFFFFFFA0] =	vst v4  }
0xb6: {  	v7 =	vld [tilespmem:s0+$0x20];
	[tilespmem:s0+$0xFFFFFF90] =	vst v5  }
0xb7: {  	v6 =	vld [tilespmem:s0+$0x30];
	[tilespmem:s0+$0xFFFFFFC0] =	vst v3  }
0xb8: {  	v2 =	vld.idx.msk [tilespmem:v2+s26+$0x0], $0xffff  }
0xb9: {  	v3 =	vld [tilespmem:s0+$0x50]  }
0xba: {  	v4 =	vld [tilespmem:s0+$0x10]  }
0xbb: {  	v5 =	vld [tilespmem:s0+$0x60];
	_ =	sdelay $0x1  }
0xbc: {  	s6 =	simm.s32 $0xF;
	s1 =	simm.s32 $0x5580;
	s18 =	simm.s32 $0x7;
	v9 =	vmul.f32 v8, v2;
	v8 =	vmul.f32 v10, v2  }
.LBB2_5:
0xbd: {  	p1 =	sne.s32 s6, $0xCF;
	v7 =	vmul.f32 v7, v2;
	v6 =	vmul.f32 v6, v2;
	s7 =	sadd.s32 $0xFFFFFFFE, s18;
	s0 =	sadd.s32 $0x400, s0  }
0xbe: {  	v3 =	vmul.f32 v3, v2;
	[tilespmem:s1+$0x0] =	vst v9;
	v4 =	vmul.f32 v4, v2;
	v9 =	vmov s7;
	s7 =	smov.u32 s6;
	s6 =	sadd.s32 $0x8, s6  }
0xbf: {  	v1 =	vmul.f32 v1, v2;
	[tilespmem:s1+$0x40] =	vst v8;
	v5 =	vmul.f32 v5, v2;
	v2 =	vand.u32 $0xFFFFFFFD, v9  }
0xc0: {  	[tilespmem:s1+$0x20] =	vst v7;
	v2 =	vbroadcast v2, $0x0  }
0xc1: {  	[tilespmem:s1+$0x50] =	vst v3  }
0xc2: {  	[tilespmem:s1+$0x70] =	vst v1;
	v1 =	vld [tilespmem:s1+$0xA0]  }
0xc3: {  	[tilespmem:s1+$0x30] =	vst v6;
	v3 =	vld [tilespmem:s1+$0x80]  }
0xc4: {  	[tilespmem:s1+$0x60] =	vst v5;
	v5 =	vld [tilespmem:s1+$0xD0]  }
0xc5: {  	[tilespmem:s1+$0x10] =	vst v4;
	v4 =	vld [tilespmem:s1+$0xF0]  }
0xc6: {  	v2 =	vld.idx.msk [tilespmem:v2+s26+$0x0], $0xffff  }
0xc7: {  	v6 =	vld [tilespmem:s1+$0xC0]  }
0xc8: {  	v7 =	vld [tilespmem:s1+$0xB0]  }
0xc9: {  	v8 =	vld [tilespmem:s1+$0x90]  }
0xca: {  	v9 =	vld [tilespmem:s1+$0xE0];
	_ =	sdelay $0x1  }
0xcb: {  	v3 =	vmul.f32 v3, v2;
	v6 =	vmul.f32 v6, v2  }
0xcc: {  	s9 =	sadd.s32 $0xFFFFFFFF, s18;
	v1 =	vmul.f32 v1, v2;
	v7 =	vmul.f32 v7, v2  }
0xcd: {  	v5 =	vmul.f32 v5, v2;
	[tilespmem:s1+$0x80] =	vst v3;
	v3 =	vmul.f32 v8, v2;
	v8 =	vmov s9  }
0xce: {  	[tilespmem:s1+$0xA0] =	vst v1;
	v1 =	vmul.f32 v9, v2;
	v2 =	vmul.f32 v4, v2;
	v4 =	vand.u32 $0xFFFFFFFE, v8  }
0xcf: {  	[tilespmem:s1+$0xD0] =	vst v5;
	v4 =	vbroadcast v4, $0x0  }
0xd0: {  	[tilespmem:s1+$0xC0] =	vst v6  }
0xd1: {  	[tilespmem:s1+$0xF0] =	vst v2;
	v2 =	vld [tilespmem:s1+$0x120]  }
0xd2: {  	[tilespmem:s1+$0xB0] =	vst v7;
	v5 =	vld [tilespmem:s1+$0x100]  }
0xd3: {  	[tilespmem:s1+$0x90] =	vst v3;
	v3 =	vld [tilespmem:s1+$0x140]  }
0xd4: {  	[tilespmem:s1+$0xE0] =	vst v1;
	v1 =	vld [tilespmem:s1+$0x130]  }
0xd5: {  	v4 =	vld.idx.msk [tilespmem:v4+s26+$0x0], $0xffff  }
0xd6: {  	v6 =	vld [tilespmem:s1+$0x110]  }
0xd7: {  	v7 =	vld [tilespmem:s1+$0x160]  }
0xd8: {  	v8 =	vld [tilespmem:s1+$0x150]  }
0xd9: {  	v9 =	vld [tilespmem:s1+$0x170];
	_ =	sdelay $0x1  }
0xda: {  	v5 =	vmul.f32 v5, v4;
	v6 =	vmul.f32 v6, v4  }
0xdb: {  	v2 =	vmul.f32 v2, v4;
	v1 =	vmul.f32 v1, v4  }
0xdc: {  	v3 =	vmul.f32 v3, v4;
	[tilespmem:s1+$0x100] =	vst v5;
	v5 =	vmul.f32 v8, v4  }
0xdd: {  	[tilespmem:s1+$0x120] =	vst v2;
	v2 =	vmul.f32 v7, v4;
	v4 =	vmul.f32 v9, v4  }
0xde: {  	[tilespmem:s1+$0x130] =	vst v1  }
0xdf: {  	v1 =	vmov s18;
	s18 =	smov.u32 s7;
	[tilespmem:s1+$0x140] =	vst v3  }
0xe0: {  	[tilespmem:s1+$0x160] =	vst v2;
	v2 =	vld [tilespmem:s1+$0x180]  }
0xe1: {  	[tilespmem:s1+$0x110] =	vst v6;
	v3 =	vld [tilespmem:s1+$0x1A0]  }
0xe2: {  	[tilespmem:s1+$0x150] =	vst v5;
	v5 =	vld [tilespmem:s1+$0x1F0]  }
0xe3: {  	[tilespmem:s1+$0x170] =	vst v4;
	v4 =	vld [tilespmem:s1+$0x1D0]  }
0xe4: {  	v1 =	vld.idx.msk [tilespmem:v1+s26+$0x0], $0xffff  }
0xe5: {  	v6 =	vld [tilespmem:s1+$0x190]  }
0xe6: {  	v7 =	vld [tilespmem:s1+$0x1B0]  }
0xe7: {  	v8 =	vld [tilespmem:s1+$0x1C0]  }
0xe8: {  	v9 =	vld [tilespmem:s1+$0x1E0];
	_ =	sdelay $0x1  }
0xe9: {  	v2 =	vmul.f32 v2, v1;
	v6 =	vmul.f32 v6, v1  }
0xea: {  	s7 =	sadd.s32 $0xFFFFFFF9, s18;
	v3 =	vmul.f32 v3, v1;
	v7 =	vmul.f32 v7, v1  }
0xeb: {  	v10 =	vmov s7;
	v4 =	vmul.f32 v4, v1;
	[tilespmem:s1+$0x180] =	vst v2;
	v2 =	vmul.f32 v8, v1  }
0xec: {  	v8 =	vand.u32 $0xFFFFFFF8, v10;
	[tilespmem:s1+$0x190] =	vst v6;
	v6 =	vmul.f32 v9, v1;
	v1 =	vmul.f32 v5, v1  }
0xed: {  	v5 =	vbroadcast v8, $0x0;
	[tilespmem:s1+$0x1A0] =	vst v3  }
0xee: {  	[tilespmem:s1+$0x1F0] =	vst v1  }
0xef: {  	v1 =	vld [tilespmem:s0+$0xFFFFFE50];
	[tilespmem:s1+$0x1D0] =	vst v4  }
0xf0: {  	v3 =	vld [tilespmem:s0+$0xFFFFFE30];
	[tilespmem:s1+$0x1B0] =	vst v7  }
0xf1: {  	v4 =	vld [tilespmem:s0+$0xFFFFFE60];
	[tilespmem:s1+$0x1E0] =	vst v6  }
0xf2: {  	v6 =	vld [tilespmem:s0+$0xFFFFFE70];
	[tilespmem:s1+$0x1C0] =	vst v2;
	s1 =	smov.u32 s0  }
0xf3: {  	v2 =	vld.idx.msk [tilespmem:v5+s26+$0x0], $0xffff  }
0xf4: {  	v5 =	vld [tilespmem:s0+$0xFFFFFE00]  }
0xf5: {  	v7 =	vld [tilespmem:s0+$0xFFFFFE20]  }
0xf6: {  	v8 =	vld [tilespmem:s0+$0xFFFFFE10]  }
0xf7: {  	v9 =	vld [tilespmem:s0+$0xFFFFFE40];
	_ =	sdelay $0x1  }
0xf8: {  	v6 =	vmul.f32 v6, v2;
	v5 =	vmul.f32 v5, v2  }
0xf9: {  	s7 =	sadd.s32 $0xFFFFFFFA, s18;
	v4 =	vmul.f32 v4, v2;
	v7 =	vmul.f32 v7, v2  }
0xfa: {  	v3 =	vmul.f32 v3, v2;
	v8 =	vmul.f32 v8, v2;
	[tilespmem:s0+$0xFFFFFE70] =	vst v6;
	v6 =	vmov s7  }
0xfb: {  	v1 =	vmul.f32 v1, v2;
	[tilespmem:s0+$0xFFFFFE00] =	vst v5;
	v5 =	vmul.f32 v9, v2;
	v2 =	vand.u32 $0xFFFFFFF9, v6  }
0xfc: {  	[tilespmem:s0+$0xFFFFFE20] =	vst v7;
	v2 =	vbroadcast v2, $0x0  }
0xfd: {  	[tilespmem:s0+$0xFFFFFE30] =	vst v3  }
0xfe: {  	[tilespmem:s0+$0xFFFFFE50] =	vst v1;
	v1 =	vld [tilespmem:s0+$0xFFFFFEF0]  }
0xff: {  	[tilespmem:s0+$0xFFFFFE10] =	vst v8;
	v3 =	vld [tilespmem:s0+$0xFFFFFED0]  }
0x100: {  	[tilespmem:s0+$0xFFFFFE60] =	vst v4;
	v4 =	vld [tilespmem:s0+$0xFFFFFEB0]  }
0x101: {  	[tilespmem:s0+$0xFFFFFE40] =	vst v5;
	v5 =	vld [tilespmem:s0+$0xFFFFFEC0]  }
0x102: {  	v2 =	vld.idx.msk [tilespmem:v2+s26+$0x0], $0xffff  }
0x103: {  	v6 =	vld [tilespmem:s0+$0xFFFFFE90]  }
0x104: {  	v7 =	vld [tilespmem:s0+$0xFFFFFE80]  }
0x105: {  	v8 =	vld [tilespmem:s0+$0xFFFFFEA0]  }
0x106: {  	v9 =	vld [tilespmem:s0+$0xFFFFFEE0];
	_ =	sdelay $0x1  }
0x107: {  	v5 =	vmul.f32 v5, v2;
	v6 =	vmul.f32 v6, v2  }
0x108: {  	s7 =	sadd.s32 $0xFFFFFFFB, s18;
	v4 =	vmul.f32 v4, v2;
	v7 =	vmul.f32 v7, v2  }
0x109: {  	v3 =	vmul.f32 v3, v2;
	[tilespmem:s0+$0xFFFFFE90] =	vst v6;
	v6 =	vmul.f32 v8, v2;
	v8 =	vmov s7  }
0x10a: {  	v1 =	vmul.f32 v1, v2;
	[tilespmem:s0+$0xFFFFFEC0] =	vst v5;
	v5 =	vmul.f32 v9, v2;
	v2 =	vand.u32 $0xFFFFFFFA, v8  }
0x10b: {  	[tilespmem:s0+$0xFFFFFE80] =	vst v7;
	v2 =	vbroadcast v2, $0x0  }
0x10c: {  	[tilespmem:s0+$0xFFFFFED0] =	vst v3  }
0x10d: {  	[tilespmem:s0+$0xFFFFFEE0] =	vst v5;
	v3 =	vld [tilespmem:s0+$0xFFFFFF70]  }
0x10e: {  	[tilespmem:s0+$0xFFFFFEB0] =	vst v4;
	v4 =	vld [tilespmem:s0+$0xFFFFFF50]  }
0x10f: {  	[tilespmem:s0+$0xFFFFFEF0] =	vst v1;
	v1 =	vld [tilespmem:s0+$0xFFFFFF20]  }
0x110: {  	[tilespmem:s0+$0xFFFFFEA0] =	vst v6;
	v5 =	vld [tilespmem:s0+$0xFFFFFF60]  }
0x111: {  	v2 =	vld.idx.msk [tilespmem:v2+s26+$0x0], $0xffff  }
0x112: {  	v6 =	vld [tilespmem:s0+$0xFFFFFF00]  }
0x113: {  	v7 =	vld [tilespmem:s0+$0xFFFFFF10]  }
0x114: {  	v8 =	vld [tilespmem:s0+$0xFFFFFF40]  }
0x115: {  	v9 =	vld [tilespmem:s0+$0xFFFFFF30];
	_ =	sdelay $0x1  }
0x116: {  	v5 =	vmul.f32 v5, v2;
	v6 =	vmul.f32 v6, v2  }
0x117: {  	s7 =	sadd.s32 $0xFFFFFFFC, s18;
	v1 =	vmul.f32 v1, v2;
	v7 =	vmul.f32 v7, v2  }
0x118: {  	v4 =	vmul.f32 v4, v2;
	[tilespmem:s0+$0xFFFFFF00] =	vst v6;
	v6 =	vmul.f32 v8, v2;
	v8 =	vmov s7  }
0x119: {  	v9 =	vmul.f32 v9, v2;
	[tilespmem:s0+$0xFFFFFF60] =	vst v5;
	v2 =	vmul.f32 v3, v2;
	v3 =	vand.u32 $0xFFFFFFFB, v8  }
0x11a: {  	[tilespmem:s0+$0xFFFFFF10] =	vst v7;
	v3 =	vbroadcast v3, $0x0  }
0x11b: {  	[tilespmem:s0+$0xFFFFFF50] =	vst v4  }
0x11c: {  	[tilespmem:s0+$0xFFFFFF70] =	vst v2;
	v2 =	vld [tilespmem:s0+$0xFFFFFFF0]  }
0x11d: {  	[tilespmem:s0+$0xFFFFFF20] =	vst v1;
	v1 =	vld [tilespmem:s0+$0xFFFFFFD0]  }
0x11e: {  	[tilespmem:s0+$0xFFFFFF30] =	vst v9;
	v4 =	vld [tilespmem:s0+$0xFFFFFF90]  }
0x11f: {  	[tilespmem:s0+$0xFFFFFF40] =	vst v6;
	v5 =	vld [tilespmem:s0+$0xFFFFFFE0]  }
0x120: {  	v3 =	vld.idx.msk [tilespmem:v3+s26+$0x0], $0xffff  }
0x121: {  	v6 =	vld [tilespmem:s0+$0xFFFFFFB0]  }
0x122: {  	v7 =	vld [tilespmem:s0+$0xFFFFFF80]  }
0x123: {  	v8 =	vld [tilespmem:s0+$0xFFFFFFC0]  }
0x124: {  	v9 =	vld [tilespmem:s0+$0xFFFFFFA0];
	_ =	sdelay $0x1  }
0x125: {  	v5 =	vmul.f32 v5, v3;
	v6 =	vmul.f32 v6, v3  }
0x126: {  	s7 =	sadd.s32 $0xFFFFFFFD, s18;
	v4 =	vmul.f32 v4, v3;
	v7 =	vmul.f32 v7, v3  }
0x127: {  	v1 =	vmul.f32 v1, v3;
	[tilespmem:s0+$0xFFFFFFB0] =	vst v6;
	v6 =	vmul.f32 v8, v3;
	v8 =	vmov s7  }
0x128: {  	v2 =	vmul.f32 v2, v3;
	v9 =	vmul.f32 v9, v3;
	[tilespmem:s0+$0xFFFFFFE0] =	vst v5;
	v3 =	vand.u32 $0xFFFFFFFC, v8  }
0x129: {  	[tilespmem:s0+$0xFFFFFF80] =	vst v7;
	v5 =	vbroadcast v3, $0x0  }
0x12a: {  	[tilespmem:s0+$0xFFFFFFD0] =	vst v1  }
0x12b: {  	[tilespmem:s0+$0xFFFFFFF0] =	vst v2;
	v8 =	vld [tilespmem:s0+$0x0]  }
0x12c: {  	[tilespmem:s0+$0xFFFFFFA0] =	vst v9;
	v1 =	vld [tilespmem:s0+$0x70]  }
0x12d: {  	[tilespmem:s0+$0xFFFFFF90] =	vst v4;
	v3 =	vld [tilespmem:s0+$0x50]  }
0x12e: {  	[tilespmem:s0+$0xFFFFFFC0] =	vst v6;
	v7 =	vld [tilespmem:s0+$0x20]  }
0x12f: {  	v2 =	vld.idx.msk [tilespmem:v5+s26+$0x0], $0xffff  }
0x130: {  	v10 =	vld [tilespmem:s0+$0x40]  }
.Ltmp1:
0x131: {  	v6 =	vld [tilespmem:s0+$0x30];
	(pc) =	sbr.rel @p1 .LBB2_5-.Ltmp1, $3  }
0x132: {  	v4 =	vld [tilespmem:s0+$0x10]  }
0x133: {  	v5 =	vld [tilespmem:s0+$0x60];
	_ =	sdelay $0x1  }
0x134: {  	v9 =	vmul.f32 v8, v2;
	v8 =	vmul.f32 v10, v2  }
0x135: {  	s0 =	sadd.s32 $0xFFFFFFFE, s18  }
0x136: {  	v7 =	vmul.f32 v7, v2;
	[tilespmem:s1+$0x0] =	vst v9;
	v37 =	vmov s0  }
0x137: {  	v3 =	vmul.f32 v3, v2;
	[tilespmem:s1+$0x40] =	vst v8;
	v38 =	vand.u32 $0xFFFFFFFD, v37  }
0x138: {  	v1 =	vmul.f32 v1, v2;
	[tilespmem:s1+$0x20] =	vst v7;
	v39 =	vbroadcast v38, $0x0  }
0x139: {  	v6 =	vmul.f32 v6, v2;
	[tilespmem:s1+$0x50] =	vst v3  }
0x13a: {  	v3 =	vmul.f32 v5, v2;
	[tilespmem:s1+$0x70] =	vst v1  }
0x13b: {  	v1 =	vmul.f32 v4, v2;
	[tilespmem:s1+$0x30] =	vst v6  }
0x13c: {  	[tilespmem:s1+$0x60] =	vst v3  }
0x13d: {  	v2 =	vld [tilespmem:s1+$0x80];
	[tilespmem:s1+$0x10] =	vst v1  }
0x13e: {  	v1 =	vld.idx.msk [tilespmem:v39+s26+$0x0], $0xffff  }
0x13f: {  	v3 =	vld [tilespmem:s1+$0xA0]  }
0x140: {  	v40 =	vld [tilespmem:s1+$0xD0]  }
0x141: {  	v41 =	vld [tilespmem:s1+$0xC0]  }
0x142: {  	v42 =	vld [tilespmem:s1+$0xF0]  }
0x143: {  	v44 =	vld [tilespmem:s1+$0x90];
	v2 =	vmul.f32 v2, v1  }
0x144: {  	v43 =	vld [tilespmem:s1+$0xB0];
	s9 =	sadd.s32 $0xFFFFFFFF, s18;
	v3 =	vmul.f32 v3, v1  }
0x145: {  	v45 =	vld [tilespmem:s1+$0xE0];
	v46 =	vmov s9;
	[tilespmem:s1+$0x80] =	vst v2;
	v2 =	vmul.f32 v40, v1  }
0x146: {  	v5 =	vmul.f32 v41, v1;
	[tilespmem:s1+$0xA0] =	vst v3;
	v3 =	vand.u32 $0xFFFFFFFE, v46  }
0x147: {  	v47 =	vmul.f32 v42, v1;
	[tilespmem:s1+$0xD0] =	vst v2;
	v2 =	vbroadcast v3, $0x0  }
0x148: {  	v48 =	vmul.f32 v44, v1;
	[tilespmem:s1+$0xC0] =	vst v5  }
0x149: {  	[tilespmem:s1+$0xF0] =	vst v47;
	v3 =	vmul.f32 v43, v1  }
0x14a: {  	[tilespmem:s1+$0x90] =	vst v48;
	v1 =	vmul.f32 v45, v1  }
0x14b: {  	[tilespmem:s1+$0xB0] =	vst v3  }
0x14c: {  	v3 =	vld [tilespmem:s1+$0x100];
	[tilespmem:s1+$0xE0] =	vst v1  }
0x14d: {  	v1 =	vld.idx.msk [tilespmem:v2+s26+$0x0], $0xffff  }
0x14e: {  	v2 =	vld [tilespmem:s1+$0x120]  }
0x14f: {  	v49 =	vld [tilespmem:s1+$0x130]  }
0x150: {  	v50 =	vld [tilespmem:s1+$0x140]  }
0x151: {  	v52 =	vld [tilespmem:s1+$0x110]  }
0x152: {  	v53 =	vld [tilespmem:s1+$0x150];
	v3 =	vmul.f32 v3, v1  }
0x153: {  	v51 =	vld [tilespmem:s1+$0x160];
	v2 =	vmul.f32 v2, v1  }
0x154: {  	v54 =	vld [tilespmem:s1+$0x170];
	v4 =	vmul.f32 v49, v1;
	[tilespmem:s1+$0x100] =	vst v3  }
0x155: {  	v3 =	vmul.f32 v50, v1;
	[tilespmem:s1+$0x120] =	vst v2  }
0x156: {  	v55 =	vmul.f32 v52, v1;
	[tilespmem:s1+$0x130] =	vst v4  }
0x157: {  	v56 =	vmul.f32 v53, v1;
	[tilespmem:s1+$0x140] =	vst v3;
	v3 =	vmov s18  }
0x158: {  	v2 =	vmul.f32 v51, v1;
	[tilespmem:s1+$0x110] =	vst v55  }
0x159: {  	v1 =	vmul.f32 v54, v1;
	[tilespmem:s1+$0x150] =	vst v56  }
0x15a: {  	[tilespmem:s1+$0x160] =	vst v2  }
0x15b: {  	v2 =	vld [tilespmem:s1+$0x180];
	[tilespmem:s1+$0x170] =	vst v1  }
0x15c: {  	v1 =	vld.idx.msk [tilespmem:v3+s26+$0x0], $0xffff  }
0x15d: {  	v3 =	vld [tilespmem:s1+$0x190]  }
0x15e: {  	v57 =	vld [tilespmem:s1+$0x1A0]  }
0x15f: {  	v60 =	vld [tilespmem:s1+$0x1B0]  }
0x160: {  	v58 =	vld [tilespmem:s1+$0x1F0]  }
0x161: {  	v59 =	vld [tilespmem:s1+$0x1D0];
	v2 =	vmul.f32 v2, v1  }
0x162: {  	v61 =	vld [tilespmem:s1+$0x1E0];
	v3 =	vmul.f32 v3, v1  }
0x163: {  	v62 =	vld [tilespmem:s1+$0x1C0];
	v4 =	vmul.f32 v57, v1;
	[tilespmem:s1+$0x180] =	vst v2  }
0x164: {  	v63 =	vmul.f32 v60, v1;
	[tilespmem:s1+$0x190] =	vst v3  }
0x165: {  	v2 =	vmul.f32 v58, v1;
	[tilespmem:s1+$0x1A0] =	vst v4  }
0x166: {  	v3 =	vmul.f32 v59, v1;
	[tilespmem:s1+$0x1B0] =	vst v63  }
0x167: {  	[tilespmem:s1+$0x1F0] =	vst v2;
	v2 =	vmul.f32 v61, v1  }
0x168: {  	[tilespmem:s1+$0x1D0] =	vst v3;
	v1 =	vmul.f32 v62, v1  }
0x169: {  	[tilespmem:s1+$0x1E0] =	vst v2  }
0x16a: {  	s31 =	sadd.s32 $0x1, s31;
	[tilespmem:s1+$0x1C0] =	vst v1  }
0x16b: {  	[spmem:s2] =	stream.indirect.scatter.add.f32 [tilespmem:s24], [sflag:$0x3], $0x80, s25, s23, $0xb8;
	[tilespmem:$0x1FE00] =	vst v63  }
0x16c: {  	p1 =	sne.s32 s31, s14;
	_ =	swait.ge [sflag:s16], $0x6800  }
.Ltmp2:
0x16d: {  	[sflag:s16] =	ssyncset.done $0x0;
	(pc) =	sbr.rel @p1 .LBB2_2-.Ltmp2, $4  }
0x16e: {  	[sflag:s16] =	ssyncadd.s32 $0xFFFF9800  }
0x16f: {  	_ =	swait.ge [sflag:s29], $0xD0  }
0x170: {  	[sflag:s29] =	ssyncset.done $0x0  }
0x171: {  	[sflag:s29] =	ssyncadd.s32 $0xFFFFFF30  }
0x172: {  	[bflag:$0x0] =	sbarrier.arrive $0xFFFF;
	s0 =	sshrl.u32 @!p0 s2, $0x3  }
0x173: {  	[hbm:s12], [sflag:s19] =	dma.local @!p0 [spmem:s0], $0x27100  }
0x174: {  	s1 =	sshrl.u32 @!p0 s3, $0x3;
	s0 =	simm.s32 @!p0 $0x3  }
0x175: {  	s6 =	simm.s32 @!p0 $0x1;
	s30 =	sadd.s32 $0x1, s30;
	_ =	swait.ge @!p0 [sflag:s0], $0x27100  }
0x176: {  	s7 =	simm.s32 @!p0 $0x20;
	p1 =	sne.s32 s30, s15;
	[sflag:s0] =	ssyncset.done @!p0 $0x0  }
.Ltmp3:
0x177: {  	s9 =	simm.s32 @!p0 $0x10;
	[sflag:s0] =	ssyncadd.s32 @!p0 $0xFFFD8F00;
	(pc) =	sbr.rel @p1 .LBB2_1-.Ltmp3, $4  }
0x178: {  	[hbm:s13@s7], [sflag:s19] =	dma.strided @!p0 [spmem:s1@s9], $0x500, s6, $0x10   }
0x179: {  	_ =	swait.ge @!p0 [sflag:s0], $0x500  }
0x17a: {  	[sflag:s0] =	ssyncset.done @!p0 $0x0  }
0x17b: {  	[sflag:s0] =	ssyncadd.s32 @!p0 $0xFFFFFB00  }
0x17c: {  	_ =	sfence.sel $0x180000  }
0x17d: {  	[bflag:$0x0] =	sbarrier.arrive $0xFFFF  }
0x17e: {  	_ =	strace $0x90000047  }
0x17f: {  	[bflag:$0x2] =	sbarrier.arrive $0xFFFF  }
0x180: {  	s0 =	rddreg [dreg:$0x5]  }
0x181: {  	s0 =	sadd.s32 @!p0 $0x100000, s0  }
0x182: {  	[sflag:s0] =	ssyncadd.tile.s32 @!p0 $0x1;
	_ =	shalt  }
.Lfunc_end2:
_tile_overlayer_lowered:
.L_overlay_start_2:
0x183: {  	(tag) =	ssettag $0x2  }
0x184: {  	s0 =	rddreg [dreg:$0x0];
	s2 =	stileid.u32  }
0x185: {  	s1 =	rddreg [dreg:$0x1];
	p0 =	sne.s32 s2, $0x0  }
0x186: {  	s3 =	rddreg [dreg:$0x2];
	[bflag:$0x3] =	sbarrier.arrive $0xFFFF;
	s2 =	simm.s32 @!p0 $0x1C03  }
0x187: {  	[timem:s3], [sflag:s2] =	dma.local @!p0 [hbm:s0], s1  }
0x188: {  	s0 =	simm.s32 @!p0 $0x3  }
0x189: {  	_ =	swait.ge @!p0 [sflag:s0], s1  }
0x18a: {  	s1 =	ssub.s32 @!p0 $0x0, s1;
	[sflag:s0] =	ssyncset.done @!p0 $0x0  }
0x18b: {  	[sflag:s0] =	ssyncadd.s32 @!p0 s1  }
0x18c: {  	[bflag:$0x3] =	sbarrier.arrive $0xFFFF  }
0x18d: {  	_ =	shalt  }

</sc_bundles>
